<compile_context>
chip_gen: v7x
topology: tpu7x:2x2x1
jax: 0.10.2.dev20260603
libtpu: 0.0.44.dev20260713+nightly
codegen_flags: <defaults>
</compile_context>

<pallas_src>
import functools

import jax
import jax.numpy as jnp
from jax import lax
from jax.experimental import pallas as pl
from jax.experimental.pallas import tpu as pltpu
from jax.experimental.pallas import tpu_sc as plsc

BATCH = 4
SEQ_LEN = 8192
HIDDEN = 768
TOTAL = BATCH * SEQ_LEN
NROWS_TBL = SEQ_LEN + 1
NCORES = 2
NSUB = 16
COLS_PER_CORE = HIDDEN // NCORES
NPASS = 3
COLS_PER_PASS = COLS_PER_CORE // NPASS
ROWS_PER_TILE = TOTAL // NSUB
CHUNK = 128
NBUF = 3
NCHUNKS = ROWS_PER_TILE // CHUNK
LOAD_ROWS = 512
SPM_ROWS = NSUB * LOAD_ROWS + 8


def _make_sc_gather():
    mesh = plsc.VectorSubcoreMesh(core_axis_name="c", subcore_axis_name="s")

    @functools.partial(
        pl.kernel,
        mesh=mesh,
        out_type=jax.ShapeDtypeStruct((TOTAL, HIDDEN), jnp.float32),
        scratch_types=[
            pltpu.VMEM((ROWS_PER_TILE,), jnp.int32),
            pltpu.VMEM((NBUF, CHUNK, COLS_PER_PASS), jnp.float32),
            pltpu.VMEM_SHARED((SPM_ROWS, COLS_PER_PASS), jnp.float32),
            pltpu.SemaphoreType.DMA,
            pltpu.SemaphoreType.DMA,
            pltpu.SemaphoreType.DMA,
        ],
    )
    def sc_gather(table_hbm, tail_hbm, idx_hbm, out_hbm,
                  idx_v, rows_v, spm, gsem, ssem, lsem):
        c = lax.axis_index("c")
        s = lax.axis_index("s")
        rbase = s * ROWS_PER_TILE

        def start_load(p):
            coff = c * COLS_PER_CORE + p * COLS_PER_PASS
            cp = pltpu.async_copy(
                table_hbm.at[pl.ds(s * LOAD_ROWS, LOAD_ROWS),
                             pl.ds(coff, COLS_PER_PASS)],
                spm.at[pl.ds(s * LOAD_ROWS, LOAD_ROWS)],
                lsem,
            )

            @pl.when(s == 0)
            def _():
                pltpu.sync_copy(
                    tail_hbm.at[pl.ds(0, 8), pl.ds(coff, COLS_PER_PASS)],
                    spm.at[pl.ds(NSUB * LOAD_ROWS, 8)],
                )

            return cp

        def start_gather(j, slot):
            return pltpu.async_copy(
                spm.at[idx_v.at[pl.ds(j * CHUNK, CHUNK)]],
                rows_v.at[slot],
                gsem,
            )

        def start_store(j, slot, coff):
            return pltpu.async_copy(
                rows_v.at[slot],
                out_hbm.at[pl.ds(rbase + j * CHUNK, CHUNK),
                           pl.ds(coff, COLS_PER_PASS)],
                ssem,
            )

        load = start_load(0)
        pltpu.sync_copy(idx_hbm.at[pl.ds(rbase, ROWS_PER_TILE)], idx_v)

        LOOKAHEAD = 2
        store_on_slot = [None] * NBUF

        for p in range(NPASS):
            coff = c * COLS_PER_CORE + p * COLS_PER_PASS

            load.wait()
            plsc.subcore_barrier()

            gathers = [None] * NCHUNKS

            def prep(j, p=p):
                slot = (p * NCHUNKS + j) % NBUF
                if store_on_slot[slot] is not None:
                    store_on_slot[slot].wait()
                    store_on_slot[slot] = None
                gathers[j] = start_gather(j, slot)

            for b in range(LOOKAHEAD):
                prep(b)
            for j in range(NCHUNKS):
                slot = (p * NCHUNKS + j) % NBUF
                gathers[j].wait()
                store_on_slot[slot] = start_store(j, slot, coff)
                if j + LOOKAHEAD < NCHUNKS:
                    prep(j + LOOKAHEAD)
            plsc.subcore_barrier()
            if p + 1 < NPASS:
                load = start_load(p + 1)

        for slot in range(NBUF):
            if store_on_slot[slot] is not None:
                store_on_slot[slot].wait()

    return sc_gather


_sc_gather = _make_sc_gather()


@jax.jit
def kernel(x, table):
    tail8 = jnp.broadcast_to(table[NROWS_TBL - 1], (8, HIDDEN))
    out = _sc_gather(table, tail8, x.reshape(TOTAL))
    return out.reshape(BATCH, SEQ_LEN, HIDDEN)

# --- scband reference (transcript-rebuilt; emitter-appended) ---
"""Pipeline reference for scband-bert-position-embedding-64055142252880 (READ-ONLY COPY).

The authoritative reference and input builder live on the scoring server;
editing this copy changes nothing except your own understanding.
"""

import jax, jax.numpy as jnp
import numpy as np

MAX_SEQ_LEN = 8192
HIDDEN_SIZE = 768
PADDING_IDX = 0
BATCH = 4
SEQ_LEN = 8192


def _sinusoid_table(n_position, d_hid, padding_idx=0):
    position = np.arange(n_position, dtype=np.float64)[:, None]
    hid = np.arange(d_hid, dtype=np.float64)[None, :]
    angle = position / np.power(10000.0, 2.0 * (np.floor(hid / 2.0)) / d_hid)
    table = np.zeros((n_position, d_hid), dtype=np.float32)
    table[:, 0::2] = np.sin(angle[:, 0::2]).astype(np.float32)
    table[:, 1::2] = np.cos(angle[:, 1::2]).astype(np.float32)
    if padding_idx is not None:
        table[padding_idx] = 0.0
    return jnp.asarray(table)


def setup_inputs(seed: int = 0) -> dict:
    key = jax.random.key(seed)
    x = jax.random.randint(key, (BATCH, SEQ_LEN), 0, MAX_SEQ_LEN + 1, dtype=jnp.int32)
    table = _sinusoid_table(MAX_SEQ_LEN + 1, HIDDEN_SIZE, padding_idx=PADDING_IDX)
    return {"x": x, "table": table}


def reference(x, table):
    # nn.Embedding lookup (frozen sinusoid table): gather rows by index
    return jnp.take(table, x, axis=0)

if __name__ == "__main__":
    import jax
    _d = setup_inputs()
    print(jax.jit(kernel)(*tuple(_d.values())))

</pallas_src>

<mosaic_0001>
#map = affine_map<(d0, d1) -> (0, 0)>
#map1 = affine_map<(d0, d1) -> (0)>
module attributes {stable_mosaic.version = 14 : i64} {
  func.func @sc_gather(%arg0: i32, %arg1: i32, %arg2: memref<8193x768xf32, #tpu.memory_space<hbm>>, %arg3: memref<8x768xf32, #tpu.memory_space<hbm>>, %arg4: memref<32768xi32, #tpu.memory_space<hbm>>, %arg5: memref<32768x768xf32, #tpu.memory_space<hbm>>, %arg6: memref<2048xi32, #tpu.memory_space<vmem>>, %arg7: memref<3x128x128xf32, #tpu.memory_space<vmem>>, %arg8: memref<8200x128xf32, #tpu.memory_space<vmem_shared>>, %arg9: memref<!tpu.dma_semaphore, #tpu.memory_space<semaphore_mem>>, %arg10: memref<!tpu.dma_semaphore, #tpu.memory_space<semaphore_mem>>, %arg11: memref<!tpu.dma_semaphore, #tpu.memory_space<semaphore_mem>>) attributes {dimension_semantics = [#tpu.dimension_semantics<core_parallel>, #tpu.dimension_semantics<subcore_parallel>], iteration_bounds = array<i64: 2, 16>, scalar_prefetch = 0 : i64, scratch_operands = 6 : i64, tpu.core_type = #tpu.core_type<sc_vector_subcore>, window_params = [{transform_indices = #map}, {transform_indices = #map}, {transform_indices = #map1}, {transform_indices = #map}]} {
    %mul3A = arith.constant 2048 : i32
    %mul3A_0 = arith.muli %arg1, %mul3A : i32
    %mul3A_1 = arith.constant 384 : i32
    %mul3A_2 = arith.muli %arg0, %mul3A_1 : i32
    %add3A = arith.constant 0 : i32
    %add3A_3 = arith.addi %mul3A_2, %add3A : i32
    %mul3A_4 = arith.constant 512 : i32
    %mul3A_5 = arith.muli %arg1, %mul3A_4 : i32
    %mul3A_6 = arith.constant 512 : i32
    %mul3A_7 = arith.muli %arg1, %mul3A_6 : i32
    %dma_start3A = arith.constant 0 : i32
    %dma_start3A_8 = tpu.memref_slice %arg8[%mul3A_7, %dma_start3A] : memref<8200x128xf32, #tpu.memory_space<vmem_shared>> -> memref<512x128xf32, #tpu.memory_space<vmem_shared>>
    %dma_start3A_9 = tpu.memref_slice %arg2[%mul3A_5, %add3A_3] : memref<8193x768xf32, #tpu.memory_space<hbm>> -> memref<512x128xf32, #tpu.memory_space<hbm>>
    tpu.enqueue_dma source(%dma_start3A_9 : memref<512x128xf32, #tpu.memory_space<hbm>>) target(%dma_start3A_8 : memref<512x128xf32, #tpu.memory_space<vmem_shared>>) target_semaphore(%arg11 : memref<!tpu.dma_semaphore, #tpu.memory_space<semaphore_mem>>)
    %eq3A = arith.constant 0 : i32
    %eq3A_10 = arith.cmpi eq, %arg1, %eq3A : i32
    %convert_element_type3A = arith.extui %eq3A_10 : i1 to i32
    %cond3A = arith.constant 0 : i32
    %cond3A_11 = arith.cmpi ne, %convert_element_type3A, %cond3A : i32
    scf.if %cond3A_11 {
      "tpu.region"() ({
        %run_scoped3A = tpu.sem_alloc : memref<!tpu.dma_semaphore, #tpu.memory_space<semaphore_mem>>
        %dma_start3A_2181 = arith.constant 8192 : i32
        %dma_start3A_2182 = arith.constant 0 : i32
        %dma_start3A_2183 = tpu.memref_slice %arg8[%dma_start3A_2181, %dma_start3A_2182] : memref<8200x128xf32, #tpu.memory_space<vmem_shared>> -> memref<8x128xf32, #tpu.memory_space<vmem_shared>>
        %dma_start3A_2184 = arith.constant 0 : i32
        %dma_start3A_2185 = tpu.memref_slice %arg3[%dma_start3A_2184, %add3A_3] : memref<8x768xf32, #tpu.memory_space<hbm>> -> memref<8x128xf32, #tpu.memory_space<hbm>>
        tpu.enqueue_dma source(%dma_start3A_2185 : memref<8x128xf32, #tpu.memory_space<hbm>>) target(%dma_start3A_2183 : memref<8x128xf32, #tpu.memory_space<vmem_shared>>) target_semaphore(%run_scoped3A : memref<!tpu.dma_semaphore, #tpu.memory_space<semaphore_mem>>)
        %dma_wait3A_2186 = arith.constant 8192 : i32
        %dma_wait3A_2187 = arith.constant 0 : i32
        %dma_wait3A_2188 = tpu.memref_slice %arg8[%dma_wait3A_2186, %dma_wait3A_2187] : memref<8200x128xf32, #tpu.memory_space<vmem_shared>> -> memref<8x128xf32, #tpu.memory_space<vmem_shared>>
        %dma_wait3A_2189 = arith.constant 0 : i32
        %dma_wait3A_2190 = tpu.memref_slice %arg3[%dma_wait3A_2189, %add3A_3] : memref<8x768xf32, #tpu.memory_space<hbm>> -> memref<8x128xf32, #tpu.memory_space<hbm>>
        tpu.wait_dma2 semaphore(%run_scoped3A : memref<!tpu.dma_semaphore, #tpu.memory_space<semaphore_mem>>) src(%dma_wait3A_2190 : memref<8x128xf32, #tpu.memory_space<hbm>>) dst(%dma_wait3A_2188 : memref<8x128xf32, #tpu.memory_space<vmem_shared>>)
        tpu.yield
      }) : () -> ()
    } else {
    }
    "tpu.region"() ({
      %run_scoped3A = tpu.sem_alloc : memref<!tpu.dma_semaphore, #tpu.memory_space<semaphore_mem>>
      %dma_start3A_2181 = tpu.memref_slice %arg4[%mul3A_0] : memref<32768xi32, #tpu.memory_space<hbm>> -> memref<2048xi32, #tpu.memory_space<hbm>>
      %dma_start3A_2182 = tpu.memref_slice %arg4[%mul3A_0] : memref<32768xi32, #tpu.memory_space<hbm>> -> memref<2048xi32, #tpu.memory_space<hbm>>
      tpu.enqueue_dma source(%dma_start3A_2182 : memref<2048xi32, #tpu.memory_space<hbm>>) target(%arg6 : memref<2048xi32, #tpu.memory_space<vmem>>) target_semaphore(%run_scoped3A : memref<!tpu.dma_semaphore, #tpu.memory_space<semaphore_mem>>)
      %dma_wait3A_2183 = tpu.memref_slice %arg4[%mul3A_0] : memref<32768xi32, #tpu.memory_space<hbm>> -> memref<2048xi32, #tpu.memory_space<hbm>>
      %dma_wait3A_2184 = tpu.memref_slice %arg4[%mul3A_0] : memref<32768xi32, #tpu.memory_space<hbm>> -> memref<2048xi32, #tpu.memory_space<hbm>>
      tpu.wait_dma2 semaphore(%run_scoped3A : memref<!tpu.dma_semaphore, #tpu.memory_space<semaphore_mem>>) src(%dma_wait3A_2184 : memref<2048xi32, #tpu.memory_space<hbm>>) dst(%arg6 : memref<2048xi32, #tpu.memory_space<vmem>>)
      tpu.yield
    }) : () -> ()
    %mul3A_12 = arith.constant 384 : i32
    %mul3A_13 = arith.muli %arg0, %mul3A_12 : i32
    %add3A_14 = arith.constant 0 : i32
    %add3A_15 = arith.addi %mul3A_13, %add3A_14 : i32
    %dma_wait3A = arith.constant 0 : i32
    %dma_wait3A_16 = tpu.memref_slice %arg8[%mul3A_7, %dma_wait3A] : memref<8200x128xf32, #tpu.memory_space<vmem_shared>> -> memref<512x128xf32, #tpu.memory_space<vmem_shared>>
    %dma_wait3A_17 = tpu.memref_slice %arg2[%mul3A_5, %add3A_3] : memref<8193x768xf32, #tpu.memory_space<hbm>> -> memref<512x128xf32, #tpu.memory_space<hbm>>
    tpu.wait_dma2 semaphore(%arg11 : memref<!tpu.dma_semaphore, #tpu.memory_space<semaphore_mem>>) src(%dma_wait3A_17 : memref<512x128xf32, #tpu.memory_space<hbm>>) dst(%dma_wait3A_16 : memref<512x128xf32, #tpu.memory_space<vmem_shared>>)
    %barrier3A = arith.constant 0 : index
    tpu.barrier barrier_id(%barrier3A)
    %dma_start3A_18 = arith.constant 0 : i32
    %dma_start3A_19 = arith.constant 0 : i32
    %dma_start3A_20 = arith.constant 0 : i32
    %dma_start3A_21 = tpu.memref_slice %arg7[%dma_start3A_18, %dma_start3A_19, %dma_start3A_20] : memref<3x128x128xf32, #tpu.memory_space<vmem>> -> memref<1x128x128xf32, #tpu.memory_space<vmem>>
    %dma_start3A_22 = tpu.memref_squeeze %dma_start3A_21 : memref<1x128x128xf32, #tpu.memory_space<vmem>> -> memref<128x128xf32, #tpu.memory_space<vmem>>
    %dma_start3A_23 = arith.constant 0 : i32
    %dma_start3A_24 = tpu.memref_slice %arg6[%dma_start3A_23] : memref<2048xi32, #tpu.memory_space<vmem>> -> memref<128xi32, #tpu.memory_space<vmem>>
    %dma_start3A_25 = arith.constant 0 : i32
    %dma_start3A_26 = arith.constant 0 : i32
    %dma_start3A_27 = tpu.memref_slice %arg8[%dma_start3A_25, %dma_start3A_26] : memref<8200x128xf32, #tpu.memory_space<vmem_shared>> -> memref<8200x128xf32, #tpu.memory_space<vmem_shared>>
    tpu.enqueue_indirect_dma source(%dma_start3A_27 : memref<8200x128xf32, #tpu.memory_space<vmem_shared>>) target(%dma_start3A_22 : memref<128x128xf32, #tpu.memory_space<vmem>>) offsets(%dma_start3A_24 : memref<128xi32, #tpu.memory_space<vmem>>) semaphore(%arg9 : memref<!tpu.dma_semaphore, #tpu.memory_space<semaphore_mem>>)
    %dma_start3A_28 = arith.constant 1 : i32
    %dma_start3A_29 = arith.constant 0 : i32
    %dma_start3A_30 = arith.constant 0 : i32
    %dma_start3A_31 = tpu.memref_slice %arg7[%dma_start3A_28, %dma_start3A_29, %dma_start3A_30] : memref<3x128x128xf32, #tpu.memory_space<vmem>> -> memref<1x128x128xf32, #tpu.memory_space<vmem>>
    %dma_start3A_32 = tpu.memref_squeeze %dma_start3A_31 : memref<1x128x128xf32, #tpu.memory_space<vmem>> -> memref<128x128xf32, #tpu.memory_space<vmem>>
    %dma_start3A_33 = arith.constant 128 : i32
    %dma_start3A_34 = tpu.memref_slice %arg6[%dma_start3A_33] : memref<2048xi32, #tpu.memory_space<vmem>> -> memref<128xi32, #tpu.memory_space<vmem>>
    %dma_start3A_35 = arith.constant 0 : i32
    %dma_start3A_36 = arith.constant 0 : i32
    %dma_start3A_37 = tpu.memref_slice %arg8[%dma_start3A_35, %dma_start3A_36] : memref<8200x128xf32, #tpu.memory_space<vmem_shared>> -> memref<8200x128xf32, #tpu.memory_space<vmem_shared>>
    tpu.enqueue_indirect_dma source(%dma_start3A_37 : memref<8200x128xf32, #tpu.memory_space<vmem_shared>>) target(%dma_start3A_32 : memref<128x128xf32, #tpu.memory_space<vmem>>) offsets(%dma_start3A_34 : memref<128xi32, #tpu.memory_space<vmem>>) semaphore(%arg9 : memref<!tpu.dma_semaphore, #tpu.memory_space<semaphore_mem>>)
    %dma_wait3A_38 = arith.constant 0 : i32
    %dma_wait3A_39 = arith.constant 0 : i32
    %dma_wait3A_40 = arith.constant 0 : i32
    %dma_wait3A_41 = tpu.memref_slice %arg7[%dma_wait3A_38, %dma_wait3A_39, %dma_wait3A_40] : memref<3x128x128xf32, #tpu.memory_space<vmem>> -> memref<1x128x128xf32, #tpu.memory_space<vmem>>
    %dma_wait3A_42 = tpu.memref_squeeze %dma_wait3A_41 : memref<1x128x128xf32, #tpu.memory_space<vmem>> -> memref<128x128xf32, #tpu.memory_space<vmem>>
    %dma_wait3A_43 = arith.constant 0 : i32
    %dma_wait3A_44 = tpu.memref_slice %arg6[%dma_wait3A_43] : memref<2048xi32, #tpu.memory_space<vmem>> -> memref<128xi32, #tpu.memory_space<vmem>>
    %dma_wait3A_45 = arith.constant 0 : i32
    %dma_wait3A_46 = arith.constant 0 : i32
    %dma_wait3A_47 = tpu.memref_slice %arg8[%dma_wait3A_45, %dma_wait3A_46] : memref<8200x128xf32, #tpu.memory_space<vmem_shared>> -> memref<8200x128xf32, #tpu.memory_space<vmem_shared>>
    tpu.wait_indirect_dma semaphore(%arg9 : memref<!tpu.dma_semaphore, #tpu.memory_space<semaphore_mem>>) src(%dma_wait3A_47 : memref<8200x128xf32, #tpu.memory_space<vmem_shared>>) dst(%dma_wait3A_42 : memref<128x128xf32, #tpu.memory_space<vmem>>)
    %add3A_48 = arith.constant 0 : i32
    %add3A_49 = arith.addi %mul3A_0, %add3A_48 : i32
    %dma_start3A_50 = arith.constant 0 : i32
    %dma_start3A_51 = arith.constant 0 : i32
    %dma_start3A_52 = arith.constant 0 : i32
    %dma_start3A_53 = tpu.memref_slice %arg7[%dma_start3A_50, %dma_start3A_51, %dma_start3A_52] : memref<3x128x128xf32, #tpu.memory_space<vmem>> -> memref<1x128x128xf32, #tpu.memory_space<vmem>>
    %dma_start3A_54 = tpu.memref_squeeze %dma_start3A_53 : memref<1x128x128xf32, #tpu.memory_space<vmem>> -> memref<128x128xf32, #tpu.memory_space<vmem>>
    %dma_start3A_55 = tpu.memref_slice %arg5[%add3A_49, %add3A_15] : memref<32768x768xf32, #tpu.memory_space<hbm>> -> memref<128x128xf32, #tpu.memory_space<hbm>>
    %dma_start3A_56 = tpu.memref_slice %arg5[%add3A_49, %add3A_15] : memref<32768x768xf32, #tpu.memory_space<hbm>> -> memref<128x128xf32, #tpu.memory_space<hbm>>
    %dma_start3A_57 = arith.constant 0 : i32
    %dma_start3A_58 = arith.constant 0 : i32
    %dma_start3A_59 = tpu.memref_slice %arg7[%dma_start3A_50, %dma_start3A_57, %dma_start3A_58] : memref<3x128x128xf32, #tpu.memory_space<vmem>> -> memref<1x128x128xf32, #tpu.memory_space<vmem>>
    %dma_start3A_60 = tpu.memref_squeeze %dma_start3A_59 : memref<1x128x128xf32, #tpu.memory_space<vmem>> -> memref<128x128xf32, #tpu.memory_space<vmem>>
    tpu.enqueue_dma source(%dma_start3A_60 : memref<128x128xf32, #tpu.memory_space<vmem>>) target(%dma_start3A_56 : memref<128x128xf32, #tpu.memory_space<hbm>>) target_semaphore(%arg10 : memref<!tpu.dma_semaphore, #tpu.memory_space<semaphore_mem>>)
    %dma_start3A_61 = arith.constant 2 : i32
    %dma_start3A_62 = arith.constant 0 : i32
    %dma_start3A_63 = arith.constant 0 : i32
    %dma_start3A_64 = tpu.memref_slice %arg7[%dma_start3A_61, %dma_start3A_62, %dma_start3A_63] : memref<3x128x128xf32, #tpu.memory_space<vmem>> -> memref<1x128x128xf32, #tpu.memory_space<vmem>>
    %dma_start3A_65 = tpu.memref_squeeze %dma_start3A_64 : memref<1x128x128xf32, #tpu.memory_space<vmem>> -> memref<128x128xf32, #tpu.memory_space<vmem>>
    %dma_start3A_66 = arith.constant 256 : i32
    %dma_start3A_67 = tpu.memref_slice %arg6[%dma_start3A_66] : memref<2048xi32, #tpu.memory_space<vmem>> -> memref<128xi32, #tpu.memory_space<vmem>>
    %dma_start3A_68 = arith.constant 0 : i32
    %dma_start3A_69 = arith.constant 0 : i32
    %dma_start3A_70 = tpu.memref_slice %arg8[%dma_start3A_68, %dma_start3A_69] : memref<8200x128xf32, #tpu.memory_space<vmem_shared>> -> memref<8200x128xf32, #tpu.memory_space<vmem_shared>>
    tpu.enqueue_indirect_dma source(%dma_start3A_70 : memref<8200x128xf32, #tpu.memory_space<vmem_shared>>) target(%dma_start3A_65 : memref<128x128xf32, #tpu.memory_space<vmem>>) offsets(%dma_start3A_67 : memref<128xi32, #tpu.memory_space<vmem>>) semaphore(%arg9 : memref<!tpu.dma_semaphore, #tpu.memory_space<semaphore_mem>>)
    %dma_wait3A_71 = arith.constant 1 : i32
    %dma_wait3A_72 = arith.constant 0 : i32
    %dma_wait3A_73 = arith.constant 0 : i32
    %dma_wait3A_74 = tpu.memref_slice %arg7[%dma_wait3A_71, %dma_wait3A_72, %dma_wait3A_73] : memref<3x128x128xf32, #tpu.memory_space<vmem>> -> memref<1x128x128xf32, #tpu.memory_space<vmem>>
    %dma_wait3A_75 = tpu.memref_squeeze %dma_wait3A_74 : memref<1x128x128xf32, #tpu.memory_space<vmem>> -> memref<128x128xf32, #tpu.memory_space<vmem>>
    %dma_wait3A_76 = arith.constant 128 : i32
    %dma_wait3A_77 = tpu.memref_slice %arg6[%dma_wait3A_76] : memref<2048xi32, #tpu.memory_space<vmem>> -> memref<128xi32, #tpu.memory_space<vmem>>
    %dma_wait3A_78 = arith.constant 0 : i32
    %dma_wait3A_79 = arith.constant 0 : i32
    %dma_wait3A_80 = tpu.memref_slice %arg8[%dma_wait3A_78, %dma_wait3A_79] : memref<8200x128xf32, #tpu.memory_space<vmem_shared>> -> memref<8200x128xf32, #tpu.memory_space<vmem_shared>>
    tpu.wait_indirect_dma semaphore(%arg9 : memref<!tpu.dma_semaphore, #tpu.memory_space<semaphore_mem>>) src(%dma_wait3A_80 : memref<8200x128xf32, #tpu.memory_space<vmem_shared>>) dst(%dma_wait3A_75 : memref<128x128xf32, #tpu.memory_space<vmem>>)
    %add3A_81 = arith.constant 128 : i32
    %add3A_82 = arith.addi %mul3A_0, %add3A_81 : i32
    %dma_start3A_83 = arith.constant 1 : i32
    %dma_start3A_84 = arith.constant 0 : i32
    %dma_start3A_85 = arith.constant 0 : i32
    %dma_start3A_86 = tpu.memref_slice %arg7[%dma_start3A_83, %dma_start3A_84, %dma_start3A_85] : memref<3x128x128xf32, #tpu.memory_space<vmem>> -> memref<1x128x128xf32, #tpu.memory_space<vmem>>
    %dma_start3A_87 = tpu.memref_squeeze %dma_start3A_86 : memref<1x128x128xf32, #tpu.memory_space<vmem>> -> memref<128x128xf32, #tpu.memory_space<vmem>>
    %dma_start3A_88 = tpu.memref_slice %arg5[%add3A_82, %add3A_15] : memref<32768x768xf32, #tpu.memory_space<hbm>> -> memref<128x128xf32, #tpu.memory_space<hbm>>
    %dma_start3A_89 = tpu.memref_slice %arg5[%add3A_82, %add3A_15] : memref<32768x768xf32, #tpu.memory_space<hbm>> -> memref<128x128xf32, #tpu.memory_space<hbm>>
    %dma_start3A_90 = arith.constant 0 : i32
    %dma_start3A_91 = arith.constant 0 : i32
    %dma_start3A_92 = tpu.memref_slice %arg7[%dma_start3A_83, %dma_start3A_90, %dma_start3A_91] : memref<3x128x128xf32, #tpu.memory_space<vmem>> -> memref<1x128x128xf32, #tpu.memory_space<vmem>>
    %dma_start3A_93 = tpu.memref_squeeze %dma_start3A_92 : memref<1x128x128xf32, #tpu.memory_space<vmem>> -> memref<128x128xf32, #tpu.memory_space<vmem>>
    tpu.enqueue_dma source(%dma_start3A_93 : memref<128x128xf32, #tpu.memory_space<vmem>>) target(%dma_start3A_89 : memref<128x128xf32, #tpu.memory_space<hbm>>) target_semaphore(%arg10 : memref<!tpu.dma_semaphore, #tpu.memory_space<semaphore_mem>>)
    %dma_wait3A_94 = arith.constant 0 : i32
    %dma_wait3A_95 = arith.constant 0 : i32
    %dma_wait3A_96 = arith.constant 0 : i32
    %dma_wait3A_97 = tpu.memref_slice %arg7[%dma_wait3A_94, %dma_wait3A_95, %dma_wait3A_96] : memref<3x128x128xf32, #tpu.memory_space<vmem>> -> memref<1x128x128xf32, #tpu.memory_space<vmem>>
    %dma_wait3A_98 = tpu.memref_squeeze %dma_wait3A_97 : memref<1x128x128xf32, #tpu.memory_space<vmem>> -> memref<128x128xf32, #tpu.memory_space<vmem>>
    %dma_wait3A_99 = tpu.memref_slice %arg5[%add3A_49, %add3A_15] : memref<32768x768xf32, #tpu.memory_space<hbm>> -> memref<128x128xf32, #tpu.memory_space<hbm>>
    %dma_wait3A_100 = tpu.memref_slice %arg5[%add3A_49, %add3A_15] : memref<32768x768xf32, #tpu.memory_space<hbm>> -> memref<128x128xf32, #tpu.memory_space<hbm>>
    %dma_wait3A_101 = arith.constant 0 : i32
    %dma_wait3A_102 = arith.constant 0 : i32
    %dma_wait3A_103 = tpu.memref_slice %arg7[%dma_wait3A_94, %dma_wait3A_101, %dma_wait3A_102] : memref<3x128x128xf32, #tpu.memory_space<vmem>> -> memref<1x128x128xf32, #tpu.memory_space<vmem>>
    %dma_wait3A_104 = tpu.memref_squeeze %dma_wait3A_103 : memref<1x128x128xf32, #tpu.memory_space<vmem>> -> memref<128x128xf32, #tpu.memory_space<vmem>>
    tpu.wait_dma2 semaphore(%arg10 : memref<!tpu.dma_semaphore, #tpu.memory_space<semaphore_mem>>) src(%dma_wait3A_104 : memref<128x128xf32, #tpu.memory_space<vmem>>) dst(%dma_wait3A_100 : memref<128x128xf32, #tpu.memory_space<hbm>>)
    %dma_start3A_105 = arith.constant 0 : i32
    %dma_start3A_106 = arith.constant 0 : i32
    %dma_start3A_107 = arith.constant 0 : i32
    %dma_start3A_108 = tpu.memref_slice %arg7[%dma_start3A_105, %dma_start3A_106, %dma_start3A_107] : memref<3x128x128xf32, #tpu.memory_space<vmem>> -> memref<1x128x128xf32, #tpu.memory_space<vmem>>
    %dma_start3A_109 = tpu.memref_squeeze %dma_start3A_108 : memref<1x128x128xf32, #tpu.memory_space<vmem>> -> memref<128x128xf32, #tpu.memory_space<vmem>>
    %dma_start3A_110 = arith.constant 384 : i32
    %dma_start3A_111 = tpu.memref_slice %arg6[%dma_start3A_110] : memref<2048xi32, #tpu.memory_space<vmem>> -> memref<128xi32, #tpu.memory_space<vmem>>
    %dma_start3A_112 = arith.constant 0 : i32
    %dma_start3A_113 = arith.constant 0 : i32
    %dma_start3A_114 = tpu.memref_slice %arg8[%dma_start3A_112, %dma_start3A_113] : memref<8200x128xf32, #tpu.memory_space<vmem_shared>> -> memref<8200x128xf32, #tpu.memory_space<vmem_shared>>
    tpu.enqueue_indirect_dma source(%dma_start3A_114 : memref<8200x128xf32, #tpu.memory_space<vmem_shared>>) target(%dma_start3A_109 : memref<128x128xf32, #tpu.memory_space<vmem>>) offsets(%dma_start3A_111 : memref<128xi32, #tpu.memory_space<vmem>>) semaphore(%arg9 : memref<!tpu.dma_semaphore, #tpu.memory_space<semaphore_mem>>)
    %dma_wait3A_115 = arith.constant 2 : i32
    %dma_wait3A_116 = arith.constant 0 : i32
    %dma_wait3A_117 = arith.constant 0 : i32
    %dma_wait3A_118 = tpu.memref_slice %arg7[%dma_wait3A_115, %dma_wait3A_116, %dma_wait3A_117] : memref<3x128x128xf32, #tpu.memory_space<vmem>> -> memref<1x128x128xf32, #tpu.memory_space<vmem>>
    %dma_wait3A_119 = tpu.memref_squeeze %dma_wait3A_118 : memref<1x128x128xf32, #tpu.memory_space<vmem>> -> memref<128x128xf32, #tpu.memory_space<vmem>>
    %dma_wait3A_120 = arith.constant 256 : i32
    %dma_wait3A_121 = tpu.memref_slice %arg6[%dma_wait3A_120] : memref<2048xi32, #tpu.memory_space<vmem>> -> memref<128xi32, #tpu.memory_space<vmem>>
    %dma_wait3A_122 = arith.constant 0 : i32
    %dma_wait3A_123 = arith.constant 0 : i32
    %dma_wait3A_124 = tpu.memref_slice %arg8[%dma_wait3A_122, %dma_wait3A_123] : memref<8200x128xf32, #tpu.memory_space<vmem_shared>> -> memref<8200x128xf32, #tpu.memory_space<vmem_shared>>
    tpu.wait_indirect_dma semaphore(%arg9 : memref<!tpu.dma_semaphore, #tpu.memory_space<semaphore_mem>>) src(%dma_wait3A_124 : memref<8200x128xf32, #tpu.memory_space<vmem_shared>>) dst(%dma_wait3A_119 : memref<128x128xf32, #tpu.memory_space<vmem>>)
    %add3A_125 = arith.constant 256 : i32
    %add3A_126 = arith.addi %mul3A_0, %add3A_125 : i32
    %dma_start3A_127 = arith.constant 2 : i32
    %dma_start3A_128 = arith.constant 0 : i32
    %dma_start3A_129 = arith.constant 0 : i32
    %dma_start3A_130 = tpu.memref_slice %arg7[%dma_start3A_127, %dma_start3A_128, %dma_start3A_129] : memref<3x128x128xf32, #tpu.memory_space<vmem>> -> memref<1x128x128xf32, #tpu.memory_space<vmem>>
    %dma_start3A_131 = tpu.memref_squeeze %dma_start3A_130 : memref<1x128x128xf32, #tpu.memory_space<vmem>> -> memref<128x128xf32, #tpu.memory_space<vmem>>
    %dma_start3A_132 = tpu.memref_slice %arg5[%add3A_126, %add3A_15] : memref<32768x768xf32, #tpu.memory_space<hbm>> -> memref<128x128xf32, #tpu.memory_space<hbm>>
    %dma_start3A_133 = tpu.memref_slice %arg5[%add3A_126, %add3A_15] : memref<32768x768xf32, #tpu.memory_space<hbm>> -> memref<128x128xf32, #tpu.memory_space<hbm>>
    %dma_start3A_134 = arith.constant 0 : i32
    %dma_start3A_135 = arith.constant 0 : i32
    %dma_start3A_136 = tpu.memref_slice %arg7[%dma_start3A_127, %dma_start3A_134, %dma_start3A_135] : memref<3x128x128xf32, #tpu.memory_space<vmem>> -> memref<1x128x128xf32, #tpu.memory_space<vmem>>
    %dma_start3A_137 = tpu.memref_squeeze %dma_start3A_136 : memref<1x128x128xf32, #tpu.memory_space<vmem>> -> memref<128x128xf32, #tpu.memory_space<vmem>>
    tpu.enqueue_dma source(%dma_start3A_137 : memref<128x128xf32, #tpu.memory_space<vmem>>) target(%dma_start3A_133 : memref<128x128xf32, #tpu.memory_space<hbm>>) target_semaphore(%arg10 : memref<!tpu.dma_semaphore, #tpu.memory_space<semaphore_mem>>)
    %dma_wait3A_138 = arith.constant 1 : i32
    %dma_wait3A_139 = arith.constant 0 : i32
    %dma_wait3A_140 = arith.constant 0 : i32
    %dma_wait3A_141 = tpu.memref_slice %arg7[%dma_wait3A_138, %dma_wait3A_139, %dma_wait3A_140] : memref<3x128x128xf32, #tpu.memory_space<vmem>> -> memref<1x128x128xf32, #tpu.memory_space<vmem>>
    %dma_wait3A_142 = tpu.memref_squeeze %dma_wait3A_141 : memref<1x128x128xf32, #tpu.memory_space<vmem>> -> memref<128x128xf32, #tpu.memory_space<vmem>>
    %dma_wait3A_143 = tpu.memref_slice %arg5[%add3A_82, %add3A_15] : memref<32768x768xf32, #tpu.memory_space<hbm>> -> memref<128x128xf32, #tpu.memory_space<hbm>>
    %dma_wait3A_144 = tpu.memref_slice %arg5[%add3A_82, %add3A_15] : memref<32768x768xf32, #tpu.memory_space<hbm>> -> memref<128x128xf32, #tpu.memory_space<hbm>>
    %dma_wait3A_145 = arith.constant 0 : i32
    %dma_wait3A_146 = arith.constant 0 : i32
    %dma_wait3A_147 = tpu.memref_slice %arg7[%dma_wait3A_138, %dma_wait3A_145, %dma_wait3A_146] : memref<3x128x128xf32, #tpu.memory_space<vmem>> -> memref<1x128x128xf32, #tpu.memory_space<vmem>>
    %dma_wait3A_148 = tpu.memref_squeeze %dma_wait3A_147 : memref<1x128x128xf32, #tpu.memory_space<vmem>> -> memref<128x128xf32, #tpu.memory_space<vmem>>
    tpu.wait_dma2 semaphore(%arg10 : memref<!tpu.dma_semaphore, #tpu.memory_space<semaphore_mem>>) src(%dma_wait3A_148 : memref<128x128xf32, #tpu.memory_space<vmem>>) dst(%dma_wait3A_144 : memref<128x128xf32, #tpu.memory_space<hbm>>)
    %dma_start3A_149 = arith.constant 1 : i32
    %dma_start3A_150 = arith.constant 0 : i32
    %dma_start3A_151 = arith.constant 0 : i32
    %dma_start3A_152 = tpu.memref_slice %arg7[%dma_start3A_149, %dma_start3A_150, %dma_start3A_151] : memref<3x128x128xf32, #tpu.memory_space<vmem>> -> memref<1x128x128xf32, #tpu.memory_space<vmem>>
    %dma_start3A_153 = tpu.memref_squeeze %dma_start3A_152 : memref<1x128x128xf32, #tpu.memory_space<vmem>> -> memref<128x128xf32, #tpu.memory_space<vmem>>
    %dma_start3A_154 = arith.constant 512 : i32
    %dma_start3A_155 = tpu.memref_slice %arg6[%dma_start3A_154] : memref<2048xi32, #tpu.memory_space<vmem>> -> memref<128xi32, #tpu.memory_space<vmem>>
    %dma_start3A_156 = arith.constant 0 : i32
    %dma_start3A_157 = arith.constant 0 : i32
    %dma_start3A_158 = tpu.memref_slice %arg8[%dma_start3A_156, %dma_start3A_157] : memref<8200x128xf32, #tpu.memory_space<vmem_shared>> -> memref<8200x128xf32, #tpu.memory_space<vmem_shared>>
    tpu.enqueue_indirect_dma source(%dma_start3A_158 : memref<8200x128xf32, #tpu.memory_space<vmem_shared>>) target(%dma_start3A_153 : memref<128x128xf32, #tpu.memory_space<vmem>>) offsets(%dma_start3A_155 : memref<128xi32, #tpu.memory_space<vmem>>) semaphore(%arg9 : memref<!tpu.dma_semaphore, #tpu.memory_space<semaphore_mem>>)
    %dma_wait3A_159 = arith.constant 0 : i32
    %dma_wait3A_160 = arith.constant 0 : i32
    %dma_wait3A_161 = arith.constant 0 : i32
    %dma_wait3A_162 = tpu.memref_slice %arg7[%dma_wait3A_159, %dma_wait3A_160, %dma_wait3A_161] : memref<3x128x128xf32, #tpu.memory_space<vmem>> -> memref<1x128x128xf32, #tpu.memory_space<vmem>>
    %dma_wait3A_163 = tpu.memref_squeeze %dma_wait3A_162 : memref<1x128x128xf32, #tpu.memory_space<vmem>> -> memref<128x128xf32, #tpu.memory_space<vmem>>
    %dma_wait3A_164 = arith.constant 384 : i32
    %dma_wait3A_165 = tpu.memref_slice %arg6[%dma_wait3A_164] : memref<2048xi32, #tpu.memory_space<vmem>> -> memref<128xi32, #tpu.memory_space<vmem>>
    %dma_wait3A_166 = arith.constant 0 : i32
    %dma_wait3A_167 = arith.constant 0 : i32
    %dma_wait3A_168 = tpu.memref_slice %arg8[%dma_wait3A_166, %dma_wait3A_167] : memref<8200x128xf32, #tpu.memory_space<vmem_shared>> -> memref<8200x128xf32, #tpu.memory_space<vmem_shared>>
    tpu.wait_indirect_dma semaphore(%arg9 : memref<!tpu.dma_semaphore, #tpu.memory_space<semaphore_mem>>) src(%dma_wait3A_168 : memref<8200x128xf32, #tpu.memory_space<vmem_shared>>) dst(%dma_wait3A_163 : memref<128x128xf32, #tpu.memory_space<vmem>>)
    %add3A_169 = arith.constant 384 : i32
    %add3A_170 = arith.addi %mul3A_0, %add3A_169 : i32
    %dma_start3A_171 = arith.constant 0 : i32
    %dma_start3A_172 = arith.constant 0 : i32
    %dma_start3A_173 = arith.constant 0 : i32
    %dma_start3A_174 = tpu.memref_slice %arg7[%dma_start3A_171, %dma_start3A_172, %dma_start3A_173] : memref<3x128x128xf32, #tpu.memory_space<vmem>> -> memref<1x128x128xf32, #tpu.memory_space<vmem>>
    %dma_start3A_175 = tpu.memref_squeeze %dma_start3A_174 : memref<1x128x128xf32, #tpu.memory_space<vmem>> -> memref<128x128xf32, #tpu.memory_space<vmem>>
    %dma_start3A_176 = tpu.memref_slice %arg5[%add3A_170, %add3A_15] : memref<32768x768xf32, #tpu.memory_space<hbm>> -> memref<128x128xf32, #tpu.memory_space<hbm>>
    %dma_start3A_177 = tpu.memref_slice %arg5[%add3A_170, %add3A_15] : memref<32768x768xf32, #tpu.memory_space<hbm>> -> memref<128x128xf32, #tpu.memory_space<hbm>>
    %dma_start3A_178 = arith.constant 0 : i32
    %dma_start3A_179 = arith.constant 0 : i32
    %dma_start3A_180 = tpu.memref_slice %arg7[%dma_start3A_171, %dma_start3A_178, %dma_start3A_179] : memref<3x128x128xf32, #tpu.memory_space<vmem>> -> memref<1x128x128xf32, #tpu.memory_space<vmem>>
    %dma_start3A_181 = tpu.memref_squeeze %dma_start3A_180 : memref<1x128x128xf32, #tpu.memory_space<vmem>> -> memref<128x128xf32, #tpu.memory_space<vmem>>
    tpu.enqueue_dma source(%dma_start3A_181 : memref<128x128xf32, #tpu.memory_space<vmem>>) target(%dma_start3A_177 : memref<128x128xf32, #tpu.memory_space<hbm>>) target_semaphore(%arg10 : memref<!tpu.dma_semaphore, #tpu.memory_space<semaphore_mem>>)
    %dma_wait3A_182 = arith.constant 2 : i32
    %dma_wait3A_183 = arith.constant 0 : i32
    %dma_wait3A_184 = arith.constant 0 : i32
    %dma_wait3A_185 = tpu.memref_slice %arg7[%dma_wait3A_182, %dma_wait3A_183, %dma_wait3A_184] : memref<3x128x128xf32, #tpu.memory_space<vmem>> -> memref<1x128x128xf32, #tpu.memory_space<vmem>>
    %dma_wait3A_186 = tpu.memref_squeeze %dma_wait3A_185 : memref<1x128x128xf32, #tpu.memory_space<vmem>> -> memref<128x128xf32, #tpu.memory_space<vmem>>
    %dma_wait3A_187 = tpu.memref_slice %arg5[%add3A_126, %add3A_15] : memref<32768x768xf32, #tpu.memory_space<hbm>> -> memref<128x128xf32, #tpu.memory_space<hbm>>
    %dma_wait3A_188 = tpu.memref_slice %arg5[%add3A_126, %add3A_15] : memref<32768x768xf32, #tpu.memory_space<hbm>> -> memref<128x128xf32, #tpu.memory_space<hbm>>
    %dma_wait3A_189 = arith.constant 0 : i32
    %dma_wait3A_190 = arith.constant 0 : i32
    %dma_wait3A_191 = tpu.memref_slice %arg7[%dma_wait3A_182, %dma_wait3A_189, %dma_wait3A_190] : memref<3x128x128xf32, #tpu.memory_space<vmem>> -> memref<1x128x128xf32, #tpu.memory_space<vmem>>
    %dma_wait3A_192 = tpu.memref_squeeze %dma_wait3A_191 : memref<1x128x128xf32, #tpu.memory_space<vmem>> -> memref<128x128xf32, #tpu.memory_space<vmem>>
    tpu.wait_dma2 semaphore(%arg10 : memref<!tpu.dma_semaphore, #tpu.memory_space<semaphore_mem>>) src(%dma_wait3A_192 : memref<128x128xf32, #tpu.memory_space<vmem>>) dst(%dma_wait3A_188 : memref<128x128xf32, #tpu.memory_space<hbm>>)
    %dma_start3A_193 = arith.constant 2 : i32
    %dma_start3A_194 = arith.constant 0 : i32
    %dma_start3A_195 = arith.constant 0 : i32
    %dma_start3A_196 = tpu.memref_slice %arg7[%dma_start3A_193, %dma_start3A_194, %dma_start3A_195] : memref<3x128x128xf32, #tpu.memory_space<vmem>> -> memref<1x128x128xf32, #tpu.memory_space<vmem>>
    %dma_start3A_197 = tpu.memref_squeeze %dma_start3A_196 : memref<1x128x128xf32, #tpu.memory_space<vmem>> -> memref<128x128xf32, #tpu.memory_space<vmem>>
    %dma_start3A_198 = arith.constant 640 : i32
    %dma_start3A_199 = tpu.memref_slice %arg6[%dma_start3A_198] : memref<2048xi32, #tpu.memory_space<vmem>> -> memref<128xi32, #tpu.memory_space<vmem>>
    %dma_start3A_200 = arith.constant 0 : i32
    %dma_start3A_201 = arith.constant 0 : i32
    %dma_start3A_202 = tpu.memref_slice %arg8[%dma_start3A_200, %dma_start3A_201] : memref<8200x128xf32, #tpu.memory_space<vmem_shared>> -> memref<8200x128xf32, #tpu.memory_space<vmem_shared>>
    tpu.enqueue_indirect_dma source(%dma_start3A_202 : memref<8200x128xf32, #tpu.memory_space<vmem_shared>>) target(%dma_start3A_197 : memref<128x128xf32, #tpu.memory_space<vmem>>) offsets(%dma_start3A_199 : memref<128xi32, #tpu.memory_space<vmem>>) semaphore(%arg9 : memref<!tpu.dma_semaphore, #tpu.memory_space<semaphore_mem>>)
    %dma_wait3A_203 = arith.constant 1 : i32
    %dma_wait3A_204 = arith.constant 0 : i32
    %dma_wait3A_205 = arith.constant 0 : i32
    %dma_wait3A_206 = tpu.memref_slice %arg7[%dma_wait3A_203, %dma_wait3A_204, %dma_wait3A_205] : memref<3x128x128xf32, #tpu.memory_space<vmem>> -> memref<1x128x128xf32, #tpu.memory_space<vmem>>
    %dma_wait3A_207 = tpu.memref_squeeze %dma_wait3A_206 : memref<1x128x128xf32, #tpu.memory_space<vmem>> -> memref<128x128xf32, #tpu.memory_space<vmem>>
    %dma_wait3A_208 = arith.constant 512 : i32
    %dma_wait3A_209 = tpu.memref_slice %arg6[%dma_wait3A_208] : memref<2048xi32, #tpu.memory_space<vmem>> -> memref<128xi32, #tpu.memory_space<vmem>>
    %dma_wait3A_210 = arith.constant 0 : i32
    %dma_wait3A_211 = arith.constant 0 : i32
    %dma_wait3A_212 = tpu.memref_slice %arg8[%dma_wait3A_210, %dma_wait3A_211] : memref<8200x128xf32, #tpu.memory_space<vmem_shared>> -> memref<8200x128xf32, #tpu.memory_space<vmem_shared>>
    tpu.wait_indirect_dma semaphore(%arg9 : memref<!tpu.dma_semaphore, #tpu.memory_space<semaphore_mem>>) src(%dma_wait3A_212 : memref<8200x128xf32, #tpu.memory_space<vmem_shared>>) dst(%dma_wait3A_207 : memref<128x128xf32, #tpu.memory_space<vmem>>)
    %add3A_213 = arith.constant 512 : i32
    %add3A_214 = arith.addi %mul3A_0, %add3A_213 : i32
    %dma_start3A_215 = arith.constant 1 : i32
    %dma_start3A_216 = arith.constant 0 : i32
    %dma_start3A_217 = arith.constant 0 : i32
    %dma_start3A_218 = tpu.memref_slice %arg7[%dma_start3A_215, %dma_start3A_216, %dma_start3A_217] : memref<3x128x128xf32, #tpu.memory_space<vmem>> -> memref<1x128x128xf32, #tpu.memory_space<vmem>>
    %dma_start3A_219 = tpu.memref_squeeze %dma_start3A_218 : memref<1x128x128xf32, #tpu.memory_space<vmem>> -> memref<128x128xf32, #tpu.memory_space<vmem>>
    %dma_start3A_220 = tpu.memref_slice %arg5[%add3A_214, %add3A_15] : memref<32768x768xf32, #tpu.memory_space<hbm>> -> memref<128x128xf32, #tpu.memory_space<hbm>>
    %dma_start3A_221 = tpu.memref_slice %arg5[%add3A_214, %add3A_15] : memref<32768x768xf32, #tpu.memory_space<hbm>> -> memref<128x128xf32, #tpu.memory_space<hbm>>
    %dma_start3A_222 = arith.constant 0 : i32
    %dma_start3A_223 = arith.constant 0 : i32
    %dma_start3A_224 = tpu.memref_slice %arg7[%dma_start3A_215, %dma_start3A_222, %dma_start3A_223] : memref<3x128x128xf32, #tpu.memory_space<vmem>> -> memref<1x128x128xf32, #tpu.memory_space<vmem>>
    %dma_start3A_225 = tpu.memref_squeeze %dma_start3A_224 : memref<1x128x128xf32, #tpu.memory_space<vmem>> -> memref<128x128xf32, #tpu.memory_space<vmem>>
    tpu.enqueue_dma source(%dma_start3A_225 : memref<128x128xf32, #tpu.memory_space<vmem>>) target(%dma_start3A_221 : memref<128x128xf32, #tpu.memory_space<hbm>>) target_semaphore(%arg10 : memref<!tpu.dma_semaphore, #tpu.memory_space<semaphore_mem>>)
    %dma_wait3A_226 = arith.constant 0 : i32
    %dma_wait3A_227 = arith.constant 0 : i32
    %dma_wait3A_228 = arith.constant 0 : i32
    %dma_wait3A_229 = tpu.memref_slice %arg7[%dma_wait3A_226, %dma_wait3A_227, %dma_wait3A_228] : memref<3x128x128xf32, #tpu.memory_space<vmem>> -> memref<1x128x128xf32, #tpu.memory_space<vmem>>
    %dma_wait3A_230 = tpu.memref_squeeze %dma_wait3A_229 : memref<1x128x128xf32, #tpu.memory_space<vmem>> -> memref<128x128xf32, #tpu.memory_space<vmem>>
    %dma_wait3A_231 = tpu.memref_slice %arg5[%add3A_170, %add3A_15] : memref<32768x768xf32, #tpu.memory_space<hbm>> -> memref<128x128xf32, #tpu.memory_space<hbm>>
    %dma_wait3A_232 = tpu.memref_slice %arg5[%add3A_170, %add3A_15] : memref<32768x768xf32, #tpu.memory_space<hbm>> -> memref<128x128xf32, #tpu.memory_space<hbm>>
    %dma_wait3A_233 = arith.constant 0 : i32
    %dma_wait3A_234 = arith.constant 0 : i32
    %dma_wait3A_235 = tpu.memref_slice %arg7[%dma_wait3A_226, %dma_wait3A_233, %dma_wait3A_234] : memref<3x128x128xf32, #tpu.memory_space<vmem>> -> memref<1x128x128xf32, #tpu.memory_space<vmem>>
    %dma_wait3A_236 = tpu.memref_squeeze %dma_wait3A_235 : memref<1x128x128xf32, #tpu.memory_space<vmem>> -> memref<128x128xf32, #tpu.memory_space<vmem>>
    tpu.wait_dma2 semaphore(%arg10 : memref<!tpu.dma_semaphore, #tpu.memory_space<semaphore_mem>>) src(%dma_wait3A_236 : memref<128x128xf32, #tpu.memory_space<vmem>>) dst(%dma_wait3A_232 : memref<128x128xf32, #tpu.memory_space<hbm>>)
    %dma_start3A_237 = arith.constant 0 : i32
    %dma_start3A_238 = arith.constant 0 : i32
    %dma_start3A_239 = arith.constant 0 : i32
    %dma_start3A_240 = tpu.memref_slice %arg7[%dma_start3A_237, %dma_start3A_238, %dma_start3A_239] : memref<3x128x128xf32, #tpu.memory_space<vmem>> -> memref<1x128x128xf32, #tpu.memory_space<vmem>>
    %dma_start3A_241 = tpu.memref_squeeze %dma_start3A_240 : memref<1x128x128xf32, #tpu.memory_space<vmem>> -> memref<128x128xf32, #tpu.memory_space<vmem>>
    %dma_start3A_242 = arith.constant 768 : i32
    %dma_start3A_243 = tpu.memref_slice %arg6[%dma_start3A_242] : memref<2048xi32, #tpu.memory_space<vmem>> -> memref<128xi32, #tpu.memory_space<vmem>>
    %dma_start3A_244 = arith.constant 0 : i32
    %dma_start3A_245 = arith.constant 0 : i32
    %dma_start3A_246 = tpu.memref_slice %arg8[%dma_start3A_244, %dma_start3A_245] : memref<8200x128xf32, #tpu.memory_space<vmem_shared>> -> memref<8200x128xf32, #tpu.memory_space<vmem_shared>>
    tpu.enqueue_indirect_dma source(%dma_start3A_246 : memref<8200x128xf32, #tpu.memory_space<vmem_shared>>) target(%dma_start3A_241 : memref<128x128xf32, #tpu.memory_space<vmem>>) offsets(%dma_start3A_243 : memref<128xi32, #tpu.memory_space<vmem>>) semaphore(%arg9 : memref<!tpu.dma_semaphore, #tpu.memory_space<semaphore_mem>>)
    %dma_wait3A_247 = arith.constant 2 : i32
    %dma_wait3A_248 = arith.constant 0 : i32
    %dma_wait3A_249 = arith.constant 0 : i32
    %dma_wait3A_250 = tpu.memref_slice %arg7[%dma_wait3A_247, %dma_wait3A_248, %dma_wait3A_249] : memref<3x128x128xf32, #tpu.memory_space<vmem>> -> memref<1x128x128xf32, #tpu.memory_space<vmem>>
    %dma_wait3A_251 = tpu.memref_squeeze %dma_wait3A_250 : memref<1x128x128xf32, #tpu.memory_space<vmem>> -> memref<128x128xf32, #tpu.memory_space<vmem>>
    %dma_wait3A_252 = arith.constant 640 : i32
    %dma_wait3A_253 = tpu.memref_slice %arg6[%dma_wait3A_252] : memref<2048xi32, #tpu.memory_space<vmem>> -> memref<128xi32, #tpu.memory_space<vmem>>
    %dma_wait3A_254 = arith.constant 0 : i32
    %dma_wait3A_255 = arith.constant 0 : i32
    %dma_wait3A_256 = tpu.memref_slice %arg8[%dma_wait3A_254, %dma_wait3A_255] : memref<8200x128xf32, #tpu.memory_space<vmem_shared>> -> memref<8200x128xf32, #tpu.memory_space<vmem_shared>>
    tpu.wait_indirect_dma semaphore(%arg9 : memref<!tpu.dma_semaphore, #tpu.memory_space<semaphore_mem>>) src(%dma_wait3A_256 : memref<8200x128xf32, #tpu.memory_space<vmem_shared>>) dst(%dma_wait3A_251 : memref<128x128xf32, #tpu.memory_space<vmem>>)
    %add3A_257 = arith.constant 640 : i32
    %add3A_258 = arith.addi %mul3A_0, %add3A_257 : i32
    %dma_start3A_259 = arith.constant 2 : i32
    %dma_start3A_260 = arith.constant 0 : i32
    %dma_start3A_261 = arith.constant 0 : i32
    %dma_start3A_262 = tpu.memref_slice %arg7[%dma_start3A_259, %dma_start3A_260, %dma_start3A_261] : memref<3x128x128xf32, #tpu.memory_space<vmem>> -> memref<1x128x128xf32, #tpu.memory_space<vmem>>
    %dma_start3A_263 = tpu.memref_squeeze %dma_start3A_262 : memref<1x128x128xf32, #tpu.memory_space<vmem>> -> memref<128x128xf32, #tpu.memory_space<vmem>>
    %dma_start3A_264 = tpu.memref_slice %arg5[%add3A_258, %add3A_15] : memref<32768x768xf32, #tpu.memory_space<hbm>> -> memref<128x128xf32, #tpu.memory_space<hbm>>
    %dma_start3A_265 = tpu.memref_slice %arg5[%add3A_258, %add3A_15] : memref<32768x768xf32, #tpu.memory_space<hbm>> -> memref<128x128xf32, #tpu.memory_space<hbm>>
    %dma_start3A_266 = arith.constant 0 : i32
    %dma_start3A_267 = arith.constant 0 : i32
    %dma_start3A_268 = tpu.memref_slice %arg7[%dma_start3A_259, %dma_start3A_266, %dma_start3A_267] : memref<3x128x128xf32, #tpu.memory_space<vmem>> -> memref<1x128x128xf32, #tpu.memory_space<vmem>>
    %dma_start3A_269 = tpu.memref_squeeze %dma_start3A_268 : memref<1x128x128xf32, #tpu.memory_space<vmem>> -> memref<128x128xf32, #tpu.memory_space<vmem>>
    tpu.enqueue_dma source(%dma_start3A_269 : memref<128x128xf32, #tpu.memory_space<vmem>>) target(%dma_start3A_265 : memref<128x128xf32, #tpu.memory_space<hbm>>) target_semaphore(%arg10 : memref<!tpu.dma_semaphore, #tpu.memory_space<semaphore_mem>>)
    %dma_wait3A_270 = arith.constant 1 : i32
    %dma_wait3A_271 = arith.constant 0 : i32
    %dma_wait3A_272 = arith.constant 0 : i32
    %dma_wait3A_273 = tpu.memref_slice %arg7[%dma_wait3A_270, %dma_wait3A_271, %dma_wait3A_272] : memref<3x128x128xf32, #tpu.memory_space<vmem>> -> memref<1x128x128xf32, #tpu.memory_space<vmem>>
    %dma_wait3A_274 = tpu.memref_squeeze %dma_wait3A_273 : memref<1x128x128xf32, #tpu.memory_space<vmem>> -> memref<128x128xf32, #tpu.memory_space<vmem>>
    %dma_wait3A_275 = tpu.memref_slice %arg5[%add3A_214, %add3A_15] : memref<32768x768xf32, #tpu.memory_space<hbm>> -> memref<128x128xf32, #tpu.memory_space<hbm>>
    %dma_wait3A_276 = tpu.memref_slice %arg5[%add3A_214, %add3A_15] : memref<32768x768xf32, #tpu.memory_space<hbm>> -> memref<128x128xf32, #tpu.memory_space<hbm>>
    %dma_wait3A_277 = arith.constant 0 : i32
    %dma_wait3A_278 = arith.constant 0 : i32
    %dma_wait3A_279 = tpu.memref_slice %arg7[%dma_wait3A_270, %dma_wait3A_277, %dma_wait3A_278] : memref<3x128x128xf32, #tpu.memory_space<vmem>> -> memref<1x128x128xf32, #tpu.memory_space<vmem>>
    %dma_wait3A_280 = tpu.memref_squeeze %dma_wait3A_279 : memref<1x128x128xf32, #tpu.memory_space<vmem>> -> memref<128x128xf32, #tpu.memory_space<vmem>>
    tpu.wait_dma2 semaphore(%arg10 : memref<!tpu.dma_semaphore, #tpu.memory_space<semaphore_mem>>) src(%dma_wait3A_280 : memref<128x128xf32, #tpu.memory_space<vmem>>) dst(%dma_wait3A_276 : memref<128x128xf32, #tpu.memory_space<hbm>>)
    %dma_start3A_281 = arith.constant 1 : i32
    %dma_start3A_282 = arith.constant 0 : i32
    %dma_start3A_283 = arith.constant 0 : i32
    %dma_start3A_284 = tpu.memref_slice %arg7[%dma_start3A_281, %dma_start3A_282, %dma_start3A_283] : memref<3x128x128xf32, #tpu.memory_space<vmem>> -> memref<1x128x128xf32, #tpu.memory_space<vmem>>
    %dma_start3A_285 = tpu.memref_squeeze %dma_start3A_284 : memref<1x128x128xf32, #tpu.memory_space<vmem>> -> memref<128x128xf32, #tpu.memory_space<vmem>>
    %dma_start3A_286 = arith.constant 896 : i32
    %dma_start3A_287 = tpu.memref_slice %arg6[%dma_start3A_286] : memref<2048xi32, #tpu.memory_space<vmem>> -> memref<128xi32, #tpu.memory_space<vmem>>
    %dma_start3A_288 = arith.constant 0 : i32
    %dma_start3A_289 = arith.constant 0 : i32
    %dma_start3A_290 = tpu.memref_slice %arg8[%dma_start3A_288, %dma_start3A_289] : memref<8200x128xf32, #tpu.memory_space<vmem_shared>> -> memref<8200x128xf32, #tpu.memory_space<vmem_shared>>
    tpu.enqueue_indirect_dma source(%dma_start3A_290 : memref<8200x128xf32, #tpu.memory_space<vmem_shared>>) target(%dma_start3A_285 : memref<128x128xf32, #tpu.memory_space<vmem>>) offsets(%dma_start3A_287 : memref<128xi32, #tpu.memory_space<vmem>>) semaphore(%arg9 : memref<!tpu.dma_semaphore, #tpu.memory_space<semaphore_mem>>)
    %dma_wait3A_291 = arith.constant 0 : i32
    %dma_wait3A_292 = arith.constant 0 : i32
    %dma_wait3A_293 = arith.constant 0 : i32
    %dma_wait3A_294 = tpu.memref_slice %arg7[%dma_wait3A_291, %dma_wait3A_292, %dma_wait3A_293] : memref<3x128x128xf32, #tpu.memory_space<vmem>> -> memref<1x128x128xf32, #tpu.memory_space<vmem>>
    %dma_wait3A_295 = tpu.memref_squeeze %dma_wait3A_294 : memref<1x128x128xf32, #tpu.memory_space<vmem>> -> memref<128x128xf32, #tpu.memory_space<vmem>>
    %dma_wait3A_296 = arith.constant 768 : i32
    %dma_wait3A_297 = tpu.memref_slice %arg6[%dma_wait3A_296] : memref<2048xi32, #tpu.memory_space<vmem>> -> memref<128xi32, #tpu.memory_space<vmem>>
    %dma_wait3A_298 = arith.constant 0 : i32
    %dma_wait3A_299 = arith.constant 0 : i32
    %dma_wait3A_300 = tpu.memref_slice %arg8[%dma_wait3A_298, %dma_wait3A_299] : memref<8200x128xf32, #tpu.memory_space<vmem_shared>> -> memref<8200x128xf32, #tpu.memory_space<vmem_shared>>
    tpu.wait_indirect_dma semaphore(%arg9 : memref<!tpu.dma_semaphore, #tpu.memory_space<semaphore_mem>>) src(%dma_wait3A_300 : memref<8200x128xf32, #tpu.memory_space<vmem_shared>>) dst(%dma_wait3A_295 : memref<128x128xf32, #tpu.memory_space<vmem>>)
    %add3A_301 = arith.constant 768 : i32
    %add3A_302 = arith.addi %mul3A_0, %add3A_301 : i32
    %dma_start3A_303 = arith.constant 0 : i32
    %dma_start3A_304 = arith.constant 0 : i32
    %dma_start3A_305 = arith.constant 0 : i32
    %dma_start3A_306 = tpu.memref_slice %arg7[%dma_start3A_303, %dma_start3A_304, %dma_start3A_305] : memref<3x128x128xf32, #tpu.memory_space<vmem>> -> memref<1x128x128xf32, #tpu.memory_space<vmem>>
    %dma_start3A_307 = tpu.memref_squeeze %dma_start3A_306 : memref<1x128x128xf32, #tpu.memory_space<vmem>> -> memref<128x128xf32, #tpu.memory_space<vmem>>
    %dma_start3A_308 = tpu.memref_slice %arg5[%add3A_302, %add3A_15] : memref<32768x768xf32, #tpu.memory_space<hbm>> -> memref<128x128xf32, #tpu.memory_space<hbm>>
    %dma_start3A_309 = tpu.memref_slice %arg5[%add3A_302, %add3A_15] : memref<32768x768xf32, #tpu.memory_space<hbm>> -> memref<128x128xf32, #tpu.memory_space<hbm>>
    %dma_start3A_310 = arith.constant 0 : i32
    %dma_start3A_311 = arith.constant 0 : i32
    %dma_start3A_312 = tpu.memref_slice %arg7[%dma_start3A_303, %dma_start3A_310, %dma_start3A_311] : memref<3x128x128xf32, #tpu.memory_space<vmem>> -> memref<1x128x128xf32, #tpu.memory_space<vmem>>
    %dma_start3A_313 = tpu.memref_squeeze %dma_start3A_312 : memref<1x128x128xf32, #tpu.memory_space<vmem>> -> memref<128x128xf32, #tpu.memory_space<vmem>>
    tpu.enqueue_dma source(%dma_start3A_313 : memref<128x128xf32, #tpu.memory_space<vmem>>) target(%dma_start3A_309 : memref<128x128xf32, #tpu.memory_space<hbm>>) target_semaphore(%arg10 : memref<!tpu.dma_semaphore, #tpu.memory_space<semaphore_mem>>)
    %dma_wait3A_314 = arith.constant 2 : i32
    %dma_wait3A_315 = arith.constant 0 : i32
    %dma_wait3A_316 = arith.constant 0 : i32
    %dma_wait3A_317 = tpu.memref_slice %arg7[%dma_wait3A_314, %dma_wait3A_315, %dma_wait3A_316] : memref<3x128x128xf32, #tpu.memory_space<vmem>> -> memref<1x128x128xf32, #tpu.memory_space<vmem>>
    %dma_wait3A_318 = tpu.memref_squeeze %dma_wait3A_317 : memref<1x128x128xf32, #tpu.memory_space<vmem>> -> memref<128x128xf32, #tpu.memory_space<vmem>>
    %dma_wait3A_319 = tpu.memref_slice %arg5[%add3A_258, %add3A_15] : memref<32768x768xf32, #tpu.memory_space<hbm>> -> memref<128x128xf32, #tpu.memory_space<hbm>>
    %dma_wait3A_320 = tpu.memref_slice %arg5[%add3A_258, %add3A_15] : memref<32768x768xf32, #tpu.memory_space<hbm>> -> memref<128x128xf32, #tpu.memory_space<hbm>>
    %dma_wait3A_321 = arith.constant 0 : i32
    %dma_wait3A_322 = arith.constant 0 : i32
    %dma_wait3A_323 = tpu.memref_slice %arg7[%dma_wait3A_314, %dma_wait3A_321, %dma_wait3A_322] : memref<3x128x128xf32, #tpu.memory_space<vmem>> -> memref<1x128x128xf32, #tpu.memory_space<vmem>>
    %dma_wait3A_324 = tpu.memref_squeeze %dma_wait3A_323 : memref<1x128x128xf32, #tpu.memory_space<vmem>> -> memref<128x128xf32, #tpu.memory_space<vmem>>
    tpu.wait_dma2 semaphore(%arg10 : memref<!tpu.dma_semaphore, #tpu.memory_space<semaphore_mem>>) src(%dma_wait3A_324 : memref<128x128xf32, #tpu.memory_space<vmem>>) dst(%dma_wait3A_320 : memref<128x128xf32, #tpu.memory_space<hbm>>)
    %dma_start3A_325 = arith.constant 2 : i32
    %dma_start3A_326 = arith.constant 0 : i32
    %dma_start3A_327 = arith.constant 0 : i32
    %dma_start3A_328 = tpu.memref_slice %arg7[%dma_start3A_325, %dma_start3A_326, %dma_start3A_327] : memref<3x128x128xf32, #tpu.memory_space<vmem>> -> memref<1x128x128xf32, #tpu.memory_space<vmem>>
    %dma_start3A_329 = tpu.memref_squeeze %dma_start3A_328 : memref<1x128x128xf32, #tpu.memory_space<vmem>> -> memref<128x128xf32, #tpu.memory_space<vmem>>
    %dma_start3A_330 = arith.constant 1024 : i32
    %dma_start3A_331 = tpu.memref_slice %arg6[%dma_start3A_330] : memref<2048xi32, #tpu.memory_space<vmem>> -> memref<128xi32, #tpu.memory_space<vmem>>
    %dma_start3A_332 = arith.constant 0 : i32
    %dma_start3A_333 = arith.constant 0 : i32
    %dma_start3A_334 = tpu.memref_slice %arg8[%dma_start3A_332, %dma_start3A_333] : memref<8200x128xf32, #tpu.memory_space<vmem_shared>> -> memref<8200x128xf32, #tpu.memory_space<vmem_shared>>
    tpu.enqueue_indirect_dma source(%dma_start3A_334 : memref<8200x128xf32, #tpu.memory_space<vmem_shared>>) target(%dma_start3A_329 : memref<128x128xf32, #tpu.memory_space<vmem>>) offsets(%dma_start3A_331 : memref<128xi32, #tpu.memory_space<vmem>>) semaphore(%arg9 : memref<!tpu.dma_semaphore, #tpu.memory_space<semaphore_mem>>)
    %dma_wait3A_335 = arith.constant 1 : i32
    %dma_wait3A_336 = arith.constant 0 : i32
    %dma_wait3A_337 = arith.constant 0 : i32
    %dma_wait3A_338 = tpu.memref_slice %arg7[%dma_wait3A_335, %dma_wait3A_336, %dma_wait3A_337] : memref<3x128x128xf32, #tpu.memory_space<vmem>> -> memref<1x128x128xf32, #tpu.memory_space<vmem>>
    %dma_wait3A_339 = tpu.memref_squeeze %dma_wait3A_338 : memref<1x128x128xf32, #tpu.memory_space<vmem>> -> memref<128x128xf32, #tpu.memory_space<vmem>>
    %dma_wait3A_340 = arith.constant 896 : i32
    %dma_wait3A_341 = tpu.memref_slice %arg6[%dma_wait3A_340] : memref<2048xi32, #tpu.memory_space<vmem>> -> memref<128xi32, #tpu.memory_space<vmem>>
    %dma_wait3A_342 = arith.constant 0 : i32
    %dma_wait3A_343 = arith.constant 0 : i32
    %dma_wait3A_344 = tpu.memref_slice %arg8[%dma_wait3A_342, %dma_wait3A_343] : memref<8200x128xf32, #tpu.memory_space<vmem_shared>> -> memref<8200x128xf32, #tpu.memory_space<vmem_shared>>
    tpu.wait_indirect_dma semaphore(%arg9 : memref<!tpu.dma_semaphore, #tpu.memory_space<semaphore_mem>>) src(%dma_wait3A_344 : memref<8200x128xf32, #tpu.memory_space<vmem_shared>>) dst(%dma_wait3A_339 : memref<128x128xf32, #tpu.memory_space<vmem>>)
    %add3A_345 = arith.constant 896 : i32
    %add3A_346 = arith.addi %mul3A_0, %add3A_345 : i32
    %dma_start3A_347 = arith.constant 1 : i32
    %dma_start3A_348 = arith.constant 0 : i32
    %dma_start3A_349 = arith.constant 0 : i32
    %dma_start3A_350 = tpu.memref_slice %arg7[%dma_start3A_347, %dma_start3A_348, %dma_start3A_349] : memref<3x128x128xf32, #tpu.memory_space<vmem>> -> memref<1x128x128xf32, #tpu.memory_space<vmem>>
    %dma_start3A_351 = tpu.memref_squeeze %dma_start3A_350 : memref<1x128x128xf32, #tpu.memory_space<vmem>> -> memref<128x128xf32, #tpu.memory_space<vmem>>
    %dma_start3A_352 = tpu.memref_slice %arg5[%add3A_346, %add3A_15] : memref<32768x768xf32, #tpu.memory_space<hbm>> -> memref<128x128xf32, #tpu.memory_space<hbm>>
    %dma_start3A_353 = tpu.memref_slice %arg5[%add3A_346, %add3A_15] : memref<32768x768xf32, #tpu.memory_space<hbm>> -> memref<128x128xf32, #tpu.memory_space<hbm>>
    %dma_start3A_354 = arith.constant 0 : i32
    %dma_start3A_355 = arith.constant 0 : i32
    %dma_start3A_356 = tpu.memref_slice %arg7[%dma_start3A_347, %dma_start3A_354, %dma_start3A_355] : memref<3x128x128xf32, #tpu.memory_space<vmem>> -> memref<1x128x128xf32, #tpu.memory_space<vmem>>
    %dma_start3A_357 = tpu.memref_squeeze %dma_start3A_356 : memref<1x128x128xf32, #tpu.memory_space<vmem>> -> memref<128x128xf32, #tpu.memory_space<vmem>>
    tpu.enqueue_dma source(%dma_start3A_357 : memref<128x128xf32, #tpu.memory_space<vmem>>) target(%dma_start3A_353 : memref<128x128xf32, #tpu.memory_space<hbm>>) target_semaphore(%arg10 : memref<!tpu.dma_semaphore, #tpu.memory_space<semaphore_mem>>)
    %dma_wait3A_358 = arith.constant 0 : i32
    %dma_wait3A_359 = arith.constant 0 : i32
    %dma_wait3A_360 = arith.constant 0 : i32
    %dma_wait3A_361 = tpu.memref_slice %arg7[%dma_wait3A_358, %dma_wait3A_359, %dma_wait3A_360] : memref<3x128x128xf32, #tpu.memory_space<vmem>> -> memref<1x128x128xf32, #tpu.memory_space<vmem>>
    %dma_wait3A_362 = tpu.memref_squeeze %dma_wait3A_361 : memref<1x128x128xf32, #tpu.memory_space<vmem>> -> memref<128x128xf32, #tpu.memory_space<vmem>>
    %dma_wait3A_363 = tpu.memref_slice %arg5[%add3A_302, %add3A_15] : memref<32768x768xf32, #tpu.memory_space<hbm>> -> memref<128x128xf32, #tpu.memory_space<hbm>>
    %dma_wait3A_364 = tpu.memref_slice %arg5[%add3A_302, %add3A_15] : memref<32768x768xf32, #tpu.memory_space<hbm>> -> memref<128x128xf32, #tpu.memory_space<hbm>>
    %dma_wait3A_365 = arith.constant 0 : i32
    %dma_wait3A_366 = arith.constant 0 : i32
    %dma_wait3A_367 = tpu.memref_slice %arg7[%dma_wait3A_358, %dma_wait3A_365, %dma_wait3A_366] : memref<3x128x128xf32, #tpu.memory_space<vmem>> -> memref<1x128x128xf32, #tpu.memory_space<vmem>>
    %dma_wait3A_368 = tpu.memref_squeeze %dma_wait3A_367 : memref<1x128x128xf32, #tpu.memory_space<vmem>> -> memref<128x128xf32, #tpu.memory_space<vmem>>
    tpu.wait_dma2 semaphore(%arg10 : memref<!tpu.dma_semaphore, #tpu.memory_space<semaphore_mem>>) src(%dma_wait3A_368 : memref<128x128xf32, #tpu.memory_space<vmem>>) dst(%dma_wait3A_364 : memref<128x128xf32, #tpu.memory_space<hbm>>)
    %dma_start3A_369 = arith.constant 0 : i32
    %dma_start3A_370 = arith.constant 0 : i32
    %dma_start3A_371 = arith.constant 0 : i32
    %dma_start3A_372 = tpu.memref_slice %arg7[%dma_start3A_369, %dma_start3A_370, %dma_start3A_371] : memref<3x128x128xf32, #tpu.memory_space<vmem>> -> memref<1x128x128xf32, #tpu.memory_space<vmem>>
    %dma_start3A_373 = tpu.memref_squeeze %dma_start3A_372 : memref<1x128x128xf32, #tpu.memory_space<vmem>> -> memref<128x128xf32, #tpu.memory_space<vmem>>
    %dma_start3A_374 = arith.constant 1152 : i32
    %dma_start3A_375 = tpu.memref_slice %arg6[%dma_start3A_374] : memref<2048xi32, #tpu.memory_space<vmem>> -> memref<128xi32, #tpu.memory_space<vmem>>
    %dma_start3A_376 = arith.constant 0 : i32
    %dma_start3A_377 = arith.constant 0 : i32
    %dma_start3A_378 = tpu.memref_slice %arg8[%dma_start3A_376, %dma_start3A_377] : memref<8200x128xf32, #tpu.memory_space<vmem_shared>> -> memref<8200x128xf32, #tpu.memory_space<vmem_shared>>
    tpu.enqueue_indirect_dma source(%dma_start3A_378 : memref<8200x128xf32, #tpu.memory_space<vmem_shared>>) target(%dma_start3A_373 : memref<128x128xf32, #tpu.memory_space<vmem>>) offsets(%dma_start3A_375 : memref<128xi32, #tpu.memory_space<vmem>>) semaphore(%arg9 : memref<!tpu.dma_semaphore, #tpu.memory_space<semaphore_mem>>)
    %dma_wait3A_379 = arith.constant 2 : i32
    %dma_wait3A_380 = arith.constant 0 : i32
    %dma_wait3A_381 = arith.constant 0 : i32
    %dma_wait3A_382 = tpu.memref_slice %arg7[%dma_wait3A_379, %dma_wait3A_380, %dma_wait3A_381] : memref<3x128x128xf32, #tpu.memory_space<vmem>> -> memref<1x128x128xf32, #tpu.memory_space<vmem>>
    %dma_wait3A_383 = tpu.memref_squeeze %dma_wait3A_382 : memref<1x128x128xf32, #tpu.memory_space<vmem>> -> memref<128x128xf32, #tpu.memory_space<vmem>>
    %dma_wait3A_384 = arith.constant 1024 : i32
    %dma_wait3A_385 = tpu.memref_slice %arg6[%dma_wait3A_384] : memref<2048xi32, #tpu.memory_space<vmem>> -> memref<128xi32, #tpu.memory_space<vmem>>
    %dma_wait3A_386 = arith.constant 0 : i32
    %dma_wait3A_387 = arith.constant 0 : i32
    %dma_wait3A_388 = tpu.memref_slice %arg8[%dma_wait3A_386, %dma_wait3A_387] : memref<8200x128xf32, #tpu.memory_space<vmem_shared>> -> memref<8200x128xf32, #tpu.memory_space<vmem_shared>>
    tpu.wait_indirect_dma semaphore(%arg9 : memref<!tpu.dma_semaphore, #tpu.memory_space<semaphore_mem>>) src(%dma_wait3A_388 : memref<8200x128xf32, #tpu.memory_space<vmem_shared>>) dst(%dma_wait3A_383 : memref<128x128xf32, #tpu.memory_space<vmem>>)
    %add3A_389 = arith.constant 1024 : i32
    %add3A_390 = arith.addi %mul3A_0, %add3A_389 : i32
    %dma_start3A_391 = arith.constant 2 : i32
    %dma_start3A_392 = arith.constant 0 : i32
    %dma_start3A_393 = arith.constant 0 : i32
    %dma_start3A_394 = tpu.memref_slice %arg7[%dma_start3A_391, %dma_start3A_392, %dma_start3A_393] : memref<3x128x128xf32, #tpu.memory_space<vmem>> -> memref<1x128x128xf32, #tpu.memory_space<vmem>>
    %dma_start3A_395 = tpu.memref_squeeze %dma_start3A_394 : memref<1x128x128xf32, #tpu.memory_space<vmem>> -> memref<128x128xf32, #tpu.memory_space<vmem>>
    %dma_start3A_396 = tpu.memref_slice %arg5[%add3A_390, %add3A_15] : memref<32768x768xf32, #tpu.memory_space<hbm>> -> memref<128x128xf32, #tpu.memory_space<hbm>>
    %dma_start3A_397 = tpu.memref_slice %arg5[%add3A_390, %add3A_15] : memref<32768x768xf32, #tpu.memory_space<hbm>> -> memref<128x128xf32, #tpu.memory_space<hbm>>
    %dma_start3A_398 = arith.constant 0 : i32
    %dma_start3A_399 = arith.constant 0 : i32
    %dma_start3A_400 = tpu.memref_slice %arg7[%dma_start3A_391, %dma_start3A_398, %dma_start3A_399] : memref<3x128x128xf32, #tpu.memory_space<vmem>> -> memref<1x128x128xf32, #tpu.memory_space<vmem>>
    %dma_start3A_401 = tpu.memref_squeeze %dma_start3A_400 : memref<1x128x128xf32, #tpu.memory_space<vmem>> -> memref<128x128xf32, #tpu.memory_space<vmem>>
    tpu.enqueue_dma source(%dma_start3A_401 : memref<128x128xf32, #tpu.memory_space<vmem>>) target(%dma_start3A_397 : memref<128x128xf32, #tpu.memory_space<hbm>>) target_semaphore(%arg10 : memref<!tpu.dma_semaphore, #tpu.memory_space<semaphore_mem>>)
    %dma_wait3A_402 = arith.constant 1 : i32
    %dma_wait3A_403 = arith.constant 0 : i32
    %dma_wait3A_404 = arith.constant 0 : i32
    %dma_wait3A_405 = tpu.memref_slice %arg7[%dma_wait3A_402, %dma_wait3A_403, %dma_wait3A_404] : memref<3x128x128xf32, #tpu.memory_space<vmem>> -> memref<1x128x128xf32, #tpu.memory_space<vmem>>
    %dma_wait3A_406 = tpu.memref_squeeze %dma_wait3A_405 : memref<1x128x128xf32, #tpu.memory_space<vmem>> -> memref<128x128xf32, #tpu.memory_space<vmem>>
    %dma_wait3A_407 = tpu.memref_slice %arg5[%add3A_346, %add3A_15] : memref<32768x768xf32, #tpu.memory_space<hbm>> -> memref<128x128xf32, #tpu.memory_space<hbm>>
    %dma_wait3A_408 = tpu.memref_slice %arg5[%add3A_346, %add3A_15] : memref<32768x768xf32, #tpu.memory_space<hbm>> -> memref<128x128xf32, #tpu.memory_space<hbm>>
    %dma_wait3A_409 = arith.constant 0 : i32
    %dma_wait3A_410 = arith.constant 0 : i32
    %dma_wait3A_411 = tpu.memref_slice %arg7[%dma_wait3A_402, %dma_wait3A_409, %dma_wait3A_410] : memref<3x128x128xf32, #tpu.memory_space<vmem>> -> memref<1x128x128xf32, #tpu.memory_space<vmem>>
    %dma_wait3A_412 = tpu.memref_squeeze %dma_wait3A_411 : memref<1x128x128xf32, #tpu.memory_space<vmem>> -> memref<128x128xf32, #tpu.memory_space<vmem>>
    tpu.wait_dma2 semaphore(%arg10 : memref<!tpu.dma_semaphore, #tpu.memory_space<semaphore_mem>>) src(%dma_wait3A_412 : memref<128x128xf32, #tpu.memory_space<vmem>>) dst(%dma_wait3A_408 : memref<128x128xf32, #tpu.memory_space<hbm>>)
    %dma_start3A_413 = arith.constant 1 : i32
    %dma_start3A_414 = arith.constant 0 : i32
    %dma_start3A_415 = arith.constant 0 : i32
    %dma_start3A_416 = tpu.memref_slice %arg7[%dma_start3A_413, %dma_start3A_414, %dma_start3A_415] : memref<3x128x128xf32, #tpu.memory_space<vmem>> -> memref<1x128x128xf32, #tpu.memory_space<vmem>>
    %dma_start3A_417 = tpu.memref_squeeze %dma_start3A_416 : memref<1x128x128xf32, #tpu.memory_space<vmem>> -> memref<128x128xf32, #tpu.memory_space<vmem>>
    %dma_start3A_418 = arith.constant 1280 : i32
    %dma_start3A_419 = tpu.memref_slice %arg6[%dma_start3A_418] : memref<2048xi32, #tpu.memory_space<vmem>> -> memref<128xi32, #tpu.memory_space<vmem>>
    %dma_start3A_420 = arith.constant 0 : i32
    %dma_start3A_421 = arith.constant 0 : i32
    %dma_start3A_422 = tpu.memref_slice %arg8[%dma_start3A_420, %dma_start3A_421] : memref<8200x128xf32, #tpu.memory_space<vmem_shared>> -> memref<8200x128xf32, #tpu.memory_space<vmem_shared>>
    tpu.enqueue_indirect_dma source(%dma_start3A_422 : memref<8200x128xf32, #tpu.memory_space<vmem_shared>>) target(%dma_start3A_417 : memref<128x128xf32, #tpu.memory_space<vmem>>) offsets(%dma_start3A_419 : memref<128xi32, #tpu.memory_space<vmem>>) semaphore(%arg9 : memref<!tpu.dma_semaphore, #tpu.memory_space<semaphore_mem>>)
    %dma_wait3A_423 = arith.constant 0 : i32
    %dma_wait3A_424 = arith.constant 0 : i32
    %dma_wait3A_425 = arith.constant 0 : i32
    %dma_wait3A_426 = tpu.memref_slice %arg7[%dma_wait3A_423, %dma_wait3A_424, %dma_wait3A_425] : memref<3x128x128xf32, #tpu.memory_space<vmem>> -> memref<1x128x128xf32, #tpu.memory_space<vmem>>
    %dma_wait3A_427 = tpu.memref_squeeze %dma_wait3A_426 : memref<1x128x128xf32, #tpu.memory_space<vmem>> -> memref<128x128xf32, #tpu.memory_space<vmem>>
    %dma_wait3A_428 = arith.constant 1152 : i32
    %dma_wait3A_429 = tpu.memref_slice %arg6[%dma_wait3A_428] : memref<2048xi32, #tpu.memory_space<vmem>> -> memref<128xi32, #tpu.memory_space<vmem>>
    %dma_wait3A_430 = arith.constant 0 : i32
    %dma_wait3A_431 = arith.constant 0 : i32
    %dma_wait3A_432 = tpu.memref_slice %arg8[%dma_wait3A_430, %dma_wait3A_431] : memref<8200x128xf32, #tpu.memory_space<vmem_shared>> -> memref<8200x128xf32, #tpu.memory_space<vmem_shared>>
    tpu.wait_indirect_dma semaphore(%arg9 : memref<!tpu.dma_semaphore, #tpu.memory_space<semaphore_mem>>) src(%dma_wait3A_432 : memref<8200x128xf32, #tpu.memory_space<vmem_shared>>) dst(%dma_wait3A_427 : memref<128x128xf32, #tpu.memory_space<vmem>>)
    %add3A_433 = arith.constant 1152 : i32
    %add3A_434 = arith.addi %mul3A_0, %add3A_433 : i32
    %dma_start3A_435 = arith.constant 0 : i32
    %dma_start3A_436 = arith.constant 0 : i32
    %dma_start3A_437 = arith.constant 0 : i32
    %dma_start3A_438 = tpu.memref_slice %arg7[%dma_start3A_435, %dma_start3A_436, %dma_start3A_437] : memref<3x128x128xf32, #tpu.memory_space<vmem>> -> memref<1x128x128xf32, #tpu.memory_space<vmem>>
    %dma_start3A_439 = tpu.memref_squeeze %dma_start3A_438 : memref<1x128x128xf32, #tpu.memory_space<vmem>> -> memref<128x128xf32, #tpu.memory_space<vmem>>
    %dma_start3A_440 = tpu.memref_slice %arg5[%add3A_434, %add3A_15] : memref<32768x768xf32, #tpu.memory_space<hbm>> -> memref<128x128xf32, #tpu.memory_space<hbm>>
    %dma_start3A_441 = tpu.memref_slice %arg5[%add3A_434, %add3A_15] : memref<32768x768xf32, #tpu.memory_space<hbm>> -> memref<128x128xf32, #tpu.memory_space<hbm>>
    %dma_start3A_442 = arith.constant 0 : i32
    %dma_start3A_443 = arith.constant 0 : i32
    %dma_start3A_444 = tpu.memref_slice %arg7[%dma_start3A_435, %dma_start3A_442, %dma_start3A_443] : memref<3x128x128xf32, #tpu.memory_space<vmem>> -> memref<1x128x128xf32, #tpu.memory_space<vmem>>
    %dma_start3A_445 = tpu.memref_squeeze %dma_start3A_444 : memref<1x128x128xf32, #tpu.memory_space<vmem>> -> memref<128x128xf32, #tpu.memory_space<vmem>>
    tpu.enqueue_dma source(%dma_start3A_445 : memref<128x128xf32, #tpu.memory_space<vmem>>) target(%dma_start3A_441 : memref<128x128xf32, #tpu.memory_space<hbm>>) target_semaphore(%arg10 : memref<!tpu.dma_semaphore, #tpu.memory_space<semaphore_mem>>)
    %dma_wait3A_446 = arith.constant 2 : i32
    %dma_wait3A_447 = arith.constant 0 : i32
    %dma_wait3A_448 = arith.constant 0 : i32
    %dma_wait3A_449 = tpu.memref_slice %arg7[%dma_wait3A_446, %dma_wait3A_447, %dma_wait3A_448] : memref<3x128x128xf32, #tpu.memory_space<vmem>> -> memref<1x128x128xf32, #tpu.memory_space<vmem>>
    %dma_wait3A_450 = tpu.memref_squeeze %dma_wait3A_449 : memref<1x128x128xf32, #tpu.memory_space<vmem>> -> memref<128x128xf32, #tpu.memory_space<vmem>>
    %dma_wait3A_451 = tpu.memref_slice %arg5[%add3A_390, %add3A_15] : memref<32768x768xf32, #tpu.memory_space<hbm>> -> memref<128x128xf32, #tpu.memory_space<hbm>>
    %dma_wait3A_452 = tpu.memref_slice %arg5[%add3A_390, %add3A_15] : memref<32768x768xf32, #tpu.memory_space<hbm>> -> memref<128x128xf32, #tpu.memory_space<hbm>>
    %dma_wait3A_453 = arith.constant 0 : i32
    %dma_wait3A_454 = arith.constant 0 : i32
    %dma_wait3A_455 = tpu.memref_slice %arg7[%dma_wait3A_446, %dma_wait3A_453, %dma_wait3A_454] : memref<3x128x128xf32, #tpu.memory_space<vmem>> -> memref<1x128x128xf32, #tpu.memory_space<vmem>>
    %dma_wait3A_456 = tpu.memref_squeeze %dma_wait3A_455 : memref<1x128x128xf32, #tpu.memory_space<vmem>> -> memref<128x128xf32, #tpu.memory_space<vmem>>
    tpu.wait_dma2 semaphore(%arg10 : memref<!tpu.dma_semaphore, #tpu.memory_space<semaphore_mem>>) src(%dma_wait3A_456 : memref<128x128xf32, #tpu.memory_space<vmem>>) dst(%dma_wait3A_452 : memref<128x128xf32, #tpu.memory_space<hbm>>)
    %dma_start3A_457 = arith.constant 2 : i32
    %dma_start3A_458 = arith.constant 0 : i32
    %dma_start3A_459 = arith.constant 0 : i32
    %dma_start3A_460 = tpu.memref_slice %arg7[%dma_start3A_457, %dma_start3A_458, %dma_start3A_459] : memref<3x128x128xf32, #tpu.memory_space<vmem>> -> memref<1x128x128xf32, #tpu.memory_space<vmem>>
    %dma_start3A_461 = tpu.memref_squeeze %dma_start3A_460 : memref<1x128x128xf32, #tpu.memory_space<vmem>> -> memref<128x128xf32, #tpu.memory_space<vmem>>
    %dma_start3A_462 = arith.constant 1408 : i32
    %dma_start3A_463 = tpu.memref_slice %arg6[%dma_start3A_462] : memref<2048xi32, #tpu.memory_space<vmem>> -> memref<128xi32, #tpu.memory_space<vmem>>
    %dma_start3A_464 = arith.constant 0 : i32
    %dma_start3A_465 = arith.constant 0 : i32
    %dma_start3A_466 = tpu.memref_slice %arg8[%dma_start3A_464, %dma_start3A_465] : memref<8200x128xf32, #tpu.memory_space<vmem_shared>> -> memref<8200x128xf32, #tpu.memory_space<vmem_shared>>
    tpu.enqueue_indirect_dma source(%dma_start3A_466 : memref<8200x128xf32, #tpu.memory_space<vmem_shared>>) target(%dma_start3A_461 : memref<128x128xf32, #tpu.memory_space<vmem>>) offsets(%dma_start3A_463 : memref<128xi32, #tpu.memory_space<vmem>>) semaphore(%arg9 : memref<!tpu.dma_semaphore, #tpu.memory_space<semaphore_mem>>)
    %dma_wait3A_467 = arith.constant 1 : i32
    %dma_wait3A_468 = arith.constant 0 : i32
    %dma_wait3A_469 = arith.constant 0 : i32
    %dma_wait3A_470 = tpu.memref_slice %arg7[%dma_wait3A_467, %dma_wait3A_468, %dma_wait3A_469] : memref<3x128x128xf32, #tpu.memory_space<vmem>> -> memref<1x128x128xf32, #tpu.memory_space<vmem>>
    %dma_wait3A_471 = tpu.memref_squeeze %dma_wait3A_470 : memref<1x128x128xf32, #tpu.memory_space<vmem>> -> memref<128x128xf32, #tpu.memory_space<vmem>>
    %dma_wait3A_472 = arith.constant 1280 : i32
    %dma_wait3A_473 = tpu.memref_slice %arg6[%dma_wait3A_472] : memref<2048xi32, #tpu.memory_space<vmem>> -> memref<128xi32, #tpu.memory_space<vmem>>
    %dma_wait3A_474 = arith.constant 0 : i32
    %dma_wait3A_475 = arith.constant 0 : i32
    %dma_wait3A_476 = tpu.memref_slice %arg8[%dma_wait3A_474, %dma_wait3A_475] : memref<8200x128xf32, #tpu.memory_space<vmem_shared>> -> memref<8200x128xf32, #tpu.memory_space<vmem_shared>>
    tpu.wait_indirect_dma semaphore(%arg9 : memref<!tpu.dma_semaphore, #tpu.memory_space<semaphore_mem>>) src(%dma_wait3A_476 : memref<8200x128xf32, #tpu.memory_space<vmem_shared>>) dst(%dma_wait3A_471 : memref<128x128xf32, #tpu.memory_space<vmem>>)
    %add3A_477 = arith.constant 1280 : i32
    %add3A_478 = arith.addi %mul3A_0, %add3A_477 : i32
    %dma_start3A_479 = arith.constant 1 : i32
    %dma_start3A_480 = arith.constant 0 : i32
    %dma_start3A_481 = arith.constant 0 : i32
    %dma_start3A_482 = tpu.memref_slice %arg7[%dma_start3A_479, %dma_start3A_480, %dma_start3A_481] : memref<3x128x128xf32, #tpu.memory_space<vmem>> -> memref<1x128x128xf32, #tpu.memory_space<vmem>>
    %dma_start3A_483 = tpu.memref_squeeze %dma_start3A_482 : memref<1x128x128xf32, #tpu.memory_space<vmem>> -> memref<128x128xf32, #tpu.memory_space<vmem>>
    %dma_start3A_484 = tpu.memref_slice %arg5[%add3A_478, %add3A_15] : memref<32768x768xf32, #tpu.memory_space<hbm>> -> memref<128x128xf32, #tpu.memory_space<hbm>>
    %dma_start3A_485 = tpu.memref_slice %arg5[%add3A_478, %add3A_15] : memref<32768x768xf32, #tpu.memory_space<hbm>> -> memref<128x128xf32, #tpu.memory_space<hbm>>
    %dma_start3A_486 = arith.constant 0 : i32
    %dma_start3A_487 = arith.constant 0 : i32
    %dma_start3A_488 = tpu.memref_slice %arg7[%dma_start3A_479, %dma_start3A_486, %dma_start3A_487] : memref<3x128x128xf32, #tpu.memory_space<vmem>> -> memref<1x128x128xf32, #tpu.memory_space<vmem>>
    %dma_start3A_489 = tpu.memref_squeeze %dma_start3A_488 : memref<1x128x128xf32, #tpu.memory_space<vmem>> -> memref<128x128xf32, #tpu.memory_space<vmem>>
    tpu.enqueue_dma source(%dma_start3A_489 : memref<128x128xf32, #tpu.memory_space<vmem>>) target(%dma_start3A_485 : memref<128x128xf32, #tpu.memory_space<hbm>>) target_semaphore(%arg10 : memref<!tpu.dma_semaphore, #tpu.memory_space<semaphore_mem>>)
    %dma_wait3A_490 = arith.constant 0 : i32
    %dma_wait3A_491 = arith.constant 0 : i32
    %dma_wait3A_492 = arith.constant 0 : i32
    %dma_wait3A_493 = tpu.memref_slice %arg7[%dma_wait3A_490, %dma_wait3A_491, %dma_wait3A_492] : memref<3x128x128xf32, #tpu.memory_space<vmem>> -> memref<1x128x128xf32, #tpu.memory_space<vmem>>
    %dma_wait3A_494 = tpu.memref_squeeze %dma_wait3A_493 : memref<1x128x128xf32, #tpu.memory_space<vmem>> -> memref<128x128xf32, #tpu.memory_space<vmem>>
    %dma_wait3A_495 = tpu.memref_slice %arg5[%add3A_434, %add3A_15] : memref<32768x768xf32, #tpu.memory_space<hbm>> -> memref<128x128xf32, #tpu.memory_space<hbm>>
    %dma_wait3A_496 = tpu.memref_slice %arg5[%add3A_434, %add3A_15] : memref<32768x768xf32, #tpu.memory_space<hbm>> -> memref<128x128xf32, #tpu.memory_space<hbm>>
    %dma_wait3A_497 = arith.constant 0 : i32
    %dma_wait3A_498 = arith.constant 0 : i32
    %dma_wait3A_499 = tpu.memref_slice %arg7[%dma_wait3A_490, %dma_wait3A_497, %dma_wait3A_498] : memref<3x128x128xf32, #tpu.memory_space<vmem>> -> memref<1x128x128xf32, #tpu.memory_space<vmem>>
    %dma_wait3A_500 = tpu.memref_squeeze %dma_wait3A_499 : memref<1x128x128xf32, #tpu.memory_space<vmem>> -> memref<128x128xf32, #tpu.memory_space<vmem>>
    tpu.wait_dma2 semaphore(%arg10 : memref<!tpu.dma_semaphore, #tpu.memory_space<semaphore_mem>>) src(%dma_wait3A_500 : memref<128x128xf32, #tpu.memory_space<vmem>>) dst(%dma_wait3A_496 : memref<128x128xf32, #tpu.memory_space<hbm>>)
    %dma_start3A_501 = arith.constant 0 : i32
    %dma_start3A_502 = arith.constant 0 : i32
    %dma_start3A_503 = arith.constant 0 : i32
    %dma_start3A_504 = tpu.memref_slice %arg7[%dma_start3A_501, %dma_start3A_502, %dma_start3A_503] : memref<3x128x128xf32, #tpu.memory_space<vmem>> -> memref<1x128x128xf32, #tpu.memory_space<vmem>>
    %dma_start3A_505 = tpu.memref_squeeze %dma_start3A_504 : memref<1x128x128xf32, #tpu.memory_space<vmem>> -> memref<128x128xf32, #tpu.memory_space<vmem>>
    %dma_start3A_506 = arith.constant 1536 : i32
    %dma_start3A_507 = tpu.memref_slice %arg6[%dma_start3A_506] : memref<2048xi32, #tpu.memory_space<vmem>> -> memref<128xi32, #tpu.memory_space<vmem>>
    %dma_start3A_508 = arith.constant 0 : i32
    %dma_start3A_509 = arith.constant 0 : i32
    %dma_start3A_510 = tpu.memref_slice %arg8[%dma_start3A_508, %dma_start3A_509] : memref<8200x128xf32, #tpu.memory_space<vmem_shared>> -> memref<8200x128xf32, #tpu.memory_space<vmem_shared>>
    tpu.enqueue_indirect_dma source(%dma_start3A_510 : memref<8200x128xf32, #tpu.memory_space<vmem_shared>>) target(%dma_start3A_505 : memref<128x128xf32, #tpu.memory_space<vmem>>) offsets(%dma_start3A_507 : memref<128xi32, #tpu.memory_space<vmem>>) semaphore(%arg9 : memref<!tpu.dma_semaphore, #tpu.memory_space<semaphore_mem>>)
    %dma_wait3A_511 = arith.constant 2 : i32
    %dma_wait3A_512 = arith.constant 0 : i32
    %dma_wait3A_513 = arith.constant 0 : i32
    %dma_wait3A_514 = tpu.memref_slice %arg7[%dma_wait3A_511, %dma_wait3A_512, %dma_wait3A_513] : memref<3x128x128xf32, #tpu.memory_space<vmem>> -> memref<1x128x128xf32, #tpu.memory_space<vmem>>
    %dma_wait3A_515 = tpu.memref_squeeze %dma_wait3A_514 : memref<1x128x128xf32, #tpu.memory_space<vmem>> -> memref<128x128xf32, #tpu.memory_space<vmem>>
    %dma_wait3A_516 = arith.constant 1408 : i32
    %dma_wait3A_517 = tpu.memref_slice %arg6[%dma_wait3A_516] : memref<2048xi32, #tpu.memory_space<vmem>> -> memref<128xi32, #tpu.memory_space<vmem>>
    %dma_wait3A_518 = arith.constant 0 : i32
    %dma_wait3A_519 = arith.constant 0 : i32
    %dma_wait3A_520 = tpu.memref_slice %arg8[%dma_wait3A_518, %dma_wait3A_519] : memref<8200x128xf32, #tpu.memory_space<vmem_shared>> -> memref<8200x128xf32, #tpu.memory_space<vmem_shared>>
    tpu.wait_indirect_dma semaphore(%arg9 : memref<!tpu.dma_semaphore, #tpu.memory_space<semaphore_mem>>) src(%dma_wait3A_520 : memref<8200x128xf32, #tpu.memory_space<vmem_shared>>) dst(%dma_wait3A_515 : memref<128x128xf32, #tpu.memory_space<vmem>>)
    %add3A_521 = arith.constant 1408 : i32
    %add3A_522 = arith.addi %mul3A_0, %add3A_521 : i32
    %dma_start3A_523 = arith.constant 2 : i32
    %dma_start3A_524 = arith.constant 0 : i32
    %dma_start3A_525 = arith.constant 0 : i32
    %dma_start3A_526 = tpu.memref_slice %arg7[%dma_start3A_523, %dma_start3A_524, %dma_start3A_525] : memref<3x128x128xf32, #tpu.memory_space<vmem>> -> memref<1x128x128xf32, #tpu.memory_space<vmem>>
    %dma_start3A_527 = tpu.memref_squeeze %dma_start3A_526 : memref<1x128x128xf32, #tpu.memory_space<vmem>> -> memref<128x128xf32, #tpu.memory_space<vmem>>
    %dma_start3A_528 = tpu.memref_slice %arg5[%add3A_522, %add3A_15] : memref<32768x768xf32, #tpu.memory_space<hbm>> -> memref<128x128xf32, #tpu.memory_space<hbm>>
    %dma_start3A_529 = tpu.memref_slice %arg5[%add3A_522, %add3A_15] : memref<32768x768xf32, #tpu.memory_space<hbm>> -> memref<128x128xf32, #tpu.memory_space<hbm>>
    %dma_start3A_530 = arith.constant 0 : i32
    %dma_start3A_531 = arith.constant 0 : i32
    %dma_start3A_532 = tpu.memref_slice %arg7[%dma_start3A_523, %dma_start3A_530, %dma_start3A_531] : memref<3x128x128xf32, #tpu.memory_space<vmem>> -> memref<1x128x128xf32, #tpu.memory_space<vmem>>
    %dma_start3A_533 = tpu.memref_squeeze %dma_start3A_532 : memref<1x128x128xf32, #tpu.memory_space<vmem>> -> memref<128x128xf32, #tpu.memory_space<vmem>>
    tpu.enqueue_dma source(%dma_start3A_533 : memref<128x128xf32, #tpu.memory_space<vmem>>) target(%dma_start3A_529 : memref<128x128xf32, #tpu.memory_space<hbm>>) target_semaphore(%arg10 : memref<!tpu.dma_semaphore, #tpu.memory_space<semaphore_mem>>)
    %dma_wait3A_534 = arith.constant 1 : i32
    %dma_wait3A_535 = arith.constant 0 : i32
    %dma_wait3A_536 = arith.constant 0 : i32
    %dma_wait3A_537 = tpu.memref_slice %arg7[%dma_wait3A_534, %dma_wait3A_535, %dma_wait3A_536] : memref<3x128x128xf32, #tpu.memory_space<vmem>> -> memref<1x128x128xf32, #tpu.memory_space<vmem>>
    %dma_wait3A_538 = tpu.memref_squeeze %dma_wait3A_537 : memref<1x128x128xf32, #tpu.memory_space<vmem>> -> memref<128x128xf32, #tpu.memory_space<vmem>>
    %dma_wait3A_539 = tpu.memref_slice %arg5[%add3A_478, %add3A_15] : memref<32768x768xf32, #tpu.memory_space<hbm>> -> memref<128x128xf32, #tpu.memory_space<hbm>>
    %dma_wait3A_540 = tpu.memref_slice %arg5[%add3A_478, %add3A_15] : memref<32768x768xf32, #tpu.memory_space<hbm>> -> memref<128x128xf32, #tpu.memory_space<hbm>>
    %dma_wait3A_541 = arith.constant 0 : i32
    %dma_wait3A_542 = arith.constant 0 : i32
    %dma_wait3A_543 = tpu.memref_slice %arg7[%dma_wait3A_534, %dma_wait3A_541, %dma_wait3A_542] : memref<3x128x128xf32, #tpu.memory_space<vmem>> -> memref<1x128x128xf32, #tpu.memory_space<vmem>>
    %dma_wait3A_544 = tpu.memref_squeeze %dma_wait3A_543 : memref<1x128x128xf32, #tpu.memory_space<vmem>> -> memref<128x128xf32, #tpu.memory_space<vmem>>
    tpu.wait_dma2 semaphore(%arg10 : memref<!tpu.dma_semaphore, #tpu.memory_space<semaphore_mem>>) src(%dma_wait3A_544 : memref<128x128xf32, #tpu.memory_space<vmem>>) dst(%dma_wait3A_540 : memref<128x128xf32, #tpu.memory_space<hbm>>)
    %dma_start3A_545 = arith.constant 1 : i32
    %dma_start3A_546 = arith.constant 0 : i32
    %dma_start3A_547 = arith.constant 0 : i32
    %dma_start3A_548 = tpu.memref_slice %arg7[%dma_start3A_545, %dma_start3A_546, %dma_start3A_547] : memref<3x128x128xf32, #tpu.memory_space<vmem>> -> memref<1x128x128xf32, #tpu.memory_space<vmem>>
    %dma_start3A_549 = tpu.memref_squeeze %dma_start3A_548 : memref<1x128x128xf32, #tpu.memory_space<vmem>> -> memref<128x128xf32, #tpu.memory_space<vmem>>
    %dma_start3A_550 = arith.constant 1664 : i32
    %dma_start3A_551 = tpu.memref_slice %arg6[%dma_start3A_550] : memref<2048xi32, #tpu.memory_space<vmem>> -> memref<128xi32, #tpu.memory_space<vmem>>
    %dma_start3A_552 = arith.constant 0 : i32
    %dma_start3A_553 = arith.constant 0 : i32
    %dma_start3A_554 = tpu.memref_slice %arg8[%dma_start3A_552, %dma_start3A_553] : memref<8200x128xf32, #tpu.memory_space<vmem_shared>> -> memref<8200x128xf32, #tpu.memory_space<vmem_shared>>
    tpu.enqueue_indirect_dma source(%dma_start3A_554 : memref<8200x128xf32, #tpu.memory_space<vmem_shared>>) target(%dma_start3A_549 : memref<128x128xf32, #tpu.memory_space<vmem>>) offsets(%dma_start3A_551 : memref<128xi32, #tpu.memory_space<vmem>>) semaphore(%arg9 : memref<!tpu.dma_semaphore, #tpu.memory_space<semaphore_mem>>)
    %dma_wait3A_555 = arith.constant 0 : i32
    %dma_wait3A_556 = arith.constant 0 : i32
    %dma_wait3A_557 = arith.constant 0 : i32
    %dma_wait3A_558 = tpu.memref_slice %arg7[%dma_wait3A_555, %dma_wait3A_556, %dma_wait3A_557] : memref<3x128x128xf32, #tpu.memory_space<vmem>> -> memref<1x128x128xf32, #tpu.memory_space<vmem>>
    %dma_wait3A_559 = tpu.memref_squeeze %dma_wait3A_558 : memref<1x128x128xf32, #tpu.memory_space<vmem>> -> memref<128x128xf32, #tpu.memory_space<vmem>>
    %dma_wait3A_560 = arith.constant 1536 : i32
    %dma_wait3A_561 = tpu.memref_slice %arg6[%dma_wait3A_560] : memref<2048xi32, #tpu.memory_space<vmem>> -> memref<128xi32, #tpu.memory_space<vmem>>
    %dma_wait3A_562 = arith.constant 0 : i32
    %dma_wait3A_563 = arith.constant 0 : i32
    %dma_wait3A_564 = tpu.memref_slice %arg8[%dma_wait3A_562, %dma_wait3A_563] : memref<8200x128xf32, #tpu.memory_space<vmem_shared>> -> memref<8200x128xf32, #tpu.memory_space<vmem_shared>>
    tpu.wait_indirect_dma semaphore(%arg9 : memref<!tpu.dma_semaphore, #tpu.memory_space<semaphore_mem>>) src(%dma_wait3A_564 : memref<8200x128xf32, #tpu.memory_space<vmem_shared>>) dst(%dma_wait3A_559 : memref<128x128xf32, #tpu.memory_space<vmem>>)
    %add3A_565 = arith.constant 1536 : i32
    %add3A_566 = arith.addi %mul3A_0, %add3A_565 : i32
    %dma_start3A_567 = arith.constant 0 : i32
    %dma_start3A_568 = arith.constant 0 : i32
    %dma_start3A_569 = arith.constant 0 : i32
    %dma_start3A_570 = tpu.memref_slice %arg7[%dma_start3A_567, %dma_start3A_568, %dma_start3A_569] : memref<3x128x128xf32, #tpu.memory_space<vmem>> -> memref<1x128x128xf32, #tpu.memory_space<vmem>>
    %dma_start3A_571 = tpu.memref_squeeze %dma_start3A_570 : memref<1x128x128xf32, #tpu.memory_space<vmem>> -> memref<128x128xf32, #tpu.memory_space<vmem>>
    %dma_start3A_572 = tpu.memref_slice %arg5[%add3A_566, %add3A_15] : memref<32768x768xf32, #tpu.memory_space<hbm>> -> memref<128x128xf32, #tpu.memory_space<hbm>>
    %dma_start3A_573 = tpu.memref_slice %arg5[%add3A_566, %add3A_15] : memref<32768x768xf32, #tpu.memory_space<hbm>> -> memref<128x128xf32, #tpu.memory_space<hbm>>
    %dma_start3A_574 = arith.constant 0 : i32
    %dma_start3A_575 = arith.constant 0 : i32
    %dma_start3A_576 = tpu.memref_slice %arg7[%dma_start3A_567, %dma_start3A_574, %dma_start3A_575] : memref<3x128x128xf32, #tpu.memory_space<vmem>> -> memref<1x128x128xf32, #tpu.memory_space<vmem>>
    %dma_start3A_577 = tpu.memref_squeeze %dma_start3A_576 : memref<1x128x128xf32, #tpu.memory_space<vmem>> -> memref<128x128xf32, #tpu.memory_space<vmem>>
    tpu.enqueue_dma source(%dma_start3A_577 : memref<128x128xf32, #tpu.memory_space<vmem>>) target(%dma_start3A_573 : memref<128x128xf32, #tpu.memory_space<hbm>>) target_semaphore(%arg10 : memref<!tpu.dma_semaphore, #tpu.memory_space<semaphore_mem>>)
    %dma_wait3A_578 = arith.constant 2 : i32
    %dma_wait3A_579 = arith.constant 0 : i32
    %dma_wait3A_580 = arith.constant 0 : i32
    %dma_wait3A_581 = tpu.memref_slice %arg7[%dma_wait3A_578, %dma_wait3A_579, %dma_wait3A_580] : memref<3x128x128xf32, #tpu.memory_space<vmem>> -> memref<1x128x128xf32, #tpu.memory_space<vmem>>
    %dma_wait3A_582 = tpu.memref_squeeze %dma_wait3A_581 : memref<1x128x128xf32, #tpu.memory_space<vmem>> -> memref<128x128xf32, #tpu.memory_space<vmem>>
    %dma_wait3A_583 = tpu.memref_slice %arg5[%add3A_522, %add3A_15] : memref<32768x768xf32, #tpu.memory_space<hbm>> -> memref<128x128xf32, #tpu.memory_space<hbm>>
    %dma_wait3A_584 = tpu.memref_slice %arg5[%add3A_522, %add3A_15] : memref<32768x768xf32, #tpu.memory_space<hbm>> -> memref<128x128xf32, #tpu.memory_space<hbm>>
    %dma_wait3A_585 = arith.constant 0 : i32
    %dma_wait3A_586 = arith.constant 0 : i32
    %dma_wait3A_587 = tpu.memref_slice %arg7[%dma_wait3A_578, %dma_wait3A_585, %dma_wait3A_586] : memref<3x128x128xf32, #tpu.memory_space<vmem>> -> memref<1x128x128xf32, #tpu.memory_space<vmem>>
    %dma_wait3A_588 = tpu.memref_squeeze %dma_wait3A_587 : memref<1x128x128xf32, #tpu.memory_space<vmem>> -> memref<128x128xf32, #tpu.memory_space<vmem>>
    tpu.wait_dma2 semaphore(%arg10 : memref<!tpu.dma_semaphore, #tpu.memory_space<semaphore_mem>>) src(%dma_wait3A_588 : memref<128x128xf32, #tpu.memory_space<vmem>>) dst(%dma_wait3A_584 : memref<128x128xf32, #tpu.memory_space<hbm>>)
    %dma_start3A_589 = arith.constant 2 : i32
    %dma_start3A_590 = arith.constant 0 : i32
    %dma_start3A_591 = arith.constant 0 : i32
    %dma_start3A_592 = tpu.memref_slice %arg7[%dma_start3A_589, %dma_start3A_590, %dma_start3A_591] : memref<3x128x128xf32, #tpu.memory_space<vmem>> -> memref<1x128x128xf32, #tpu.memory_space<vmem>>
    %dma_start3A_593 = tpu.memref_squeeze %dma_start3A_592 : memref<1x128x128xf32, #tpu.memory_space<vmem>> -> memref<128x128xf32, #tpu.memory_space<vmem>>
    %dma_start3A_594 = arith.constant 1792 : i32
    %dma_start3A_595 = tpu.memref_slice %arg6[%dma_start3A_594] : memref<2048xi32, #tpu.memory_space<vmem>> -> memref<128xi32, #tpu.memory_space<vmem>>
    %dma_start3A_596 = arith.constant 0 : i32
    %dma_start3A_597 = arith.constant 0 : i32
    %dma_start3A_598 = tpu.memref_slice %arg8[%dma_start3A_596, %dma_start3A_597] : memref<8200x128xf32, #tpu.memory_space<vmem_shared>> -> memref<8200x128xf32, #tpu.memory_space<vmem_shared>>
    tpu.enqueue_indirect_dma source(%dma_start3A_598 : memref<8200x128xf32, #tpu.memory_space<vmem_shared>>) target(%dma_start3A_593 : memref<128x128xf32, #tpu.memory_space<vmem>>) offsets(%dma_start3A_595 : memref<128xi32, #tpu.memory_space<vmem>>) semaphore(%arg9 : memref<!tpu.dma_semaphore, #tpu.memory_space<semaphore_mem>>)
    %dma_wait3A_599 = arith.constant 1 : i32
    %dma_wait3A_600 = arith.constant 0 : i32
    %dma_wait3A_601 = arith.constant 0 : i32
    %dma_wait3A_602 = tpu.memref_slice %arg7[%dma_wait3A_599, %dma_wait3A_600, %dma_wait3A_601] : memref<3x128x128xf32, #tpu.memory_space<vmem>> -> memref<1x128x128xf32, #tpu.memory_space<vmem>>
    %dma_wait3A_603 = tpu.memref_squeeze %dma_wait3A_602 : memref<1x128x128xf32, #tpu.memory_space<vmem>> -> memref<128x128xf32, #tpu.memory_space<vmem>>
    %dma_wait3A_604 = arith.constant 1664 : i32
    %dma_wait3A_605 = tpu.memref_slice %arg6[%dma_wait3A_604] : memref<2048xi32, #tpu.memory_space<vmem>> -> memref<128xi32, #tpu.memory_space<vmem>>
    %dma_wait3A_606 = arith.constant 0 : i32
    %dma_wait3A_607 = arith.constant 0 : i32
    %dma_wait3A_608 = tpu.memref_slice %arg8[%dma_wait3A_606, %dma_wait3A_607] : memref<8200x128xf32, #tpu.memory_space<vmem_shared>> -> memref<8200x128xf32, #tpu.memory_space<vmem_shared>>
    tpu.wait_indirect_dma semaphore(%arg9 : memref<!tpu.dma_semaphore, #tpu.memory_space<semaphore_mem>>) src(%dma_wait3A_608 : memref<8200x128xf32, #tpu.memory_space<vmem_shared>>) dst(%dma_wait3A_603 : memref<128x128xf32, #tpu.memory_space<vmem>>)
    %add3A_609 = arith.constant 1664 : i32
    %add3A_610 = arith.addi %mul3A_0, %add3A_609 : i32
    %dma_start3A_611 = arith.constant 1 : i32
    %dma_start3A_612 = arith.constant 0 : i32
    %dma_start3A_613 = arith.constant 0 : i32
    %dma_start3A_614 = tpu.memref_slice %arg7[%dma_start3A_611, %dma_start3A_612, %dma_start3A_613] : memref<3x128x128xf32, #tpu.memory_space<vmem>> -> memref<1x128x128xf32, #tpu.memory_space<vmem>>
    %dma_start3A_615 = tpu.memref_squeeze %dma_start3A_614 : memref<1x128x128xf32, #tpu.memory_space<vmem>> -> memref<128x128xf32, #tpu.memory_space<vmem>>
    %dma_start3A_616 = tpu.memref_slice %arg5[%add3A_610, %add3A_15] : memref<32768x768xf32, #tpu.memory_space<hbm>> -> memref<128x128xf32, #tpu.memory_space<hbm>>
    %dma_start3A_617 = tpu.memref_slice %arg5[%add3A_610, %add3A_15] : memref<32768x768xf32, #tpu.memory_space<hbm>> -> memref<128x128xf32, #tpu.memory_space<hbm>>
    %dma_start3A_618 = arith.constant 0 : i32
    %dma_start3A_619 = arith.constant 0 : i32
    %dma_start3A_620 = tpu.memref_slice %arg7[%dma_start3A_611, %dma_start3A_618, %dma_start3A_619] : memref<3x128x128xf32, #tpu.memory_space<vmem>> -> memref<1x128x128xf32, #tpu.memory_space<vmem>>
    %dma_start3A_621 = tpu.memref_squeeze %dma_start3A_620 : memref<1x128x128xf32, #tpu.memory_space<vmem>> -> memref<128x128xf32, #tpu.memory_space<vmem>>
    tpu.enqueue_dma source(%dma_start3A_621 : memref<128x128xf32, #tpu.memory_space<vmem>>) target(%dma_start3A_617 : memref<128x128xf32, #tpu.memory_space<hbm>>) target_semaphore(%arg10 : memref<!tpu.dma_semaphore, #tpu.memory_space<semaphore_mem>>)
    %dma_wait3A_622 = arith.constant 0 : i32
    %dma_wait3A_623 = arith.constant 0 : i32
    %dma_wait3A_624 = arith.constant 0 : i32
    %dma_wait3A_625 = tpu.memref_slice %arg7[%dma_wait3A_622, %dma_wait3A_623, %dma_wait3A_624] : memref<3x128x128xf32, #tpu.memory_space<vmem>> -> memref<1x128x128xf32, #tpu.memory_space<vmem>>
    %dma_wait3A_626 = tpu.memref_squeeze %dma_wait3A_625 : memref<1x128x128xf32, #tpu.memory_space<vmem>> -> memref<128x128xf32, #tpu.memory_space<vmem>>
    %dma_wait3A_627 = tpu.memref_slice %arg5[%add3A_566, %add3A_15] : memref<32768x768xf32, #tpu.memory_space<hbm>> -> memref<128x128xf32, #tpu.memory_space<hbm>>
    %dma_wait3A_628 = tpu.memref_slice %arg5[%add3A_566, %add3A_15] : memref<32768x768xf32, #tpu.memory_space<hbm>> -> memref<128x128xf32, #tpu.memory_space<hbm>>
    %dma_wait3A_629 = arith.constant 0 : i32
    %dma_wait3A_630 = arith.constant 0 : i32
    %dma_wait3A_631 = tpu.memref_slice %arg7[%dma_wait3A_622, %dma_wait3A_629, %dma_wait3A_630] : memref<3x128x128xf32, #tpu.memory_space<vmem>> -> memref<1x128x128xf32, #tpu.memory_space<vmem>>
    %dma_wait3A_632 = tpu.memref_squeeze %dma_wait3A_631 : memref<1x128x128xf32, #tpu.memory_space<vmem>> -> memref<128x128xf32, #tpu.memory_space<vmem>>
    tpu.wait_dma2 semaphore(%arg10 : memref<!tpu.dma_semaphore, #tpu.memory_space<semaphore_mem>>) src(%dma_wait3A_632 : memref<128x128xf32, #tpu.memory_space<vmem>>) dst(%dma_wait3A_628 : memref<128x128xf32, #tpu.memory_space<hbm>>)
    %dma_start3A_633 = arith.constant 0 : i32
    %dma_start3A_634 = arith.constant 0 : i32
    %dma_start3A_635 = arith.constant 0 : i32
    %dma_start3A_636 = tpu.memref_slice %arg7[%dma_start3A_633, %dma_start3A_634, %dma_start3A_635] : memref<3x128x128xf32, #tpu.memory_space<vmem>> -> memref<1x128x128xf32, #tpu.memory_space<vmem>>
    %dma_start3A_637 = tpu.memref_squeeze %dma_start3A_636 : memref<1x128x128xf32, #tpu.memory_space<vmem>> -> memref<128x128xf32, #tpu.memory_space<vmem>>
    %dma_start3A_638 = arith.constant 1920 : i32
    %dma_start3A_639 = tpu.memref_slice %arg6[%dma_start3A_638] : memref<2048xi32, #tpu.memory_space<vmem>> -> memref<128xi32, #tpu.memory_space<vmem>>
    %dma_start3A_640 = arith.constant 0 : i32
    %dma_start3A_641 = arith.constant 0 : i32
    %dma_start3A_642 = tpu.memref_slice %arg8[%dma_start3A_640, %dma_start3A_641] : memref<8200x128xf32, #tpu.memory_space<vmem_shared>> -> memref<8200x128xf32, #tpu.memory_space<vmem_shared>>
    tpu.enqueue_indirect_dma source(%dma_start3A_642 : memref<8200x128xf32, #tpu.memory_space<vmem_shared>>) target(%dma_start3A_637 : memref<128x128xf32, #tpu.memory_space<vmem>>) offsets(%dma_start3A_639 : memref<128xi32, #tpu.memory_space<vmem>>) semaphore(%arg9 : memref<!tpu.dma_semaphore, #tpu.memory_space<semaphore_mem>>)
    %dma_wait3A_643 = arith.constant 2 : i32
    %dma_wait3A_644 = arith.constant 0 : i32
    %dma_wait3A_645 = arith.constant 0 : i32
    %dma_wait3A_646 = tpu.memref_slice %arg7[%dma_wait3A_643, %dma_wait3A_644, %dma_wait3A_645] : memref<3x128x128xf32, #tpu.memory_space<vmem>> -> memref<1x128x128xf32, #tpu.memory_space<vmem>>
    %dma_wait3A_647 = tpu.memref_squeeze %dma_wait3A_646 : memref<1x128x128xf32, #tpu.memory_space<vmem>> -> memref<128x128xf32, #tpu.memory_space<vmem>>
    %dma_wait3A_648 = arith.constant 1792 : i32
    %dma_wait3A_649 = tpu.memref_slice %arg6[%dma_wait3A_648] : memref<2048xi32, #tpu.memory_space<vmem>> -> memref<128xi32, #tpu.memory_space<vmem>>
    %dma_wait3A_650 = arith.constant 0 : i32
    %dma_wait3A_651 = arith.constant 0 : i32
    %dma_wait3A_652 = tpu.memref_slice %arg8[%dma_wait3A_650, %dma_wait3A_651] : memref<8200x128xf32, #tpu.memory_space<vmem_shared>> -> memref<8200x128xf32, #tpu.memory_space<vmem_shared>>
    tpu.wait_indirect_dma semaphore(%arg9 : memref<!tpu.dma_semaphore, #tpu.memory_space<semaphore_mem>>) src(%dma_wait3A_652 : memref<8200x128xf32, #tpu.memory_space<vmem_shared>>) dst(%dma_wait3A_647 : memref<128x128xf32, #tpu.memory_space<vmem>>)
    %add3A_653 = arith.constant 1792 : i32
    %add3A_654 = arith.addi %mul3A_0, %add3A_653 : i32
    %dma_start3A_655 = arith.constant 2 : i32
    %dma_start3A_656 = arith.constant 0 : i32
    %dma_start3A_657 = arith.constant 0 : i32
    %dma_start3A_658 = tpu.memref_slice %arg7[%dma_start3A_655, %dma_start3A_656, %dma_start3A_657] : memref<3x128x128xf32, #tpu.memory_space<vmem>> -> memref<1x128x128xf32, #tpu.memory_space<vmem>>
    %dma_start3A_659 = tpu.memref_squeeze %dma_start3A_658 : memref<1x128x128xf32, #tpu.memory_space<vmem>> -> memref<128x128xf32, #tpu.memory_space<vmem>>
    %dma_start3A_660 = tpu.memref_slice %arg5[%add3A_654, %add3A_15] : memref<32768x768xf32, #tpu.memory_space<hbm>> -> memref<128x128xf32, #tpu.memory_space<hbm>>
    %dma_start3A_661 = tpu.memref_slice %arg5[%add3A_654, %add3A_15] : memref<32768x768xf32, #tpu.memory_space<hbm>> -> memref<128x128xf32, #tpu.memory_space<hbm>>
    %dma_start3A_662 = arith.constant 0 : i32
    %dma_start3A_663 = arith.constant 0 : i32
    %dma_start3A_664 = tpu.memref_slice %arg7[%dma_start3A_655, %dma_start3A_662, %dma_start3A_663] : memref<3x128x128xf32, #tpu.memory_space<vmem>> -> memref<1x128x128xf32, #tpu.memory_space<vmem>>
    %dma_start3A_665 = tpu.memref_squeeze %dma_start3A_664 : memref<1x128x128xf32, #tpu.memory_space<vmem>> -> memref<128x128xf32, #tpu.memory_space<vmem>>
    tpu.enqueue_dma source(%dma_start3A_665 : memref<128x128xf32, #tpu.memory_space<vmem>>) target(%dma_start3A_661 : memref<128x128xf32, #tpu.memory_space<hbm>>) target_semaphore(%arg10 : memref<!tpu.dma_semaphore, #tpu.memory_space<semaphore_mem>>)
    %dma_wait3A_666 = arith.constant 0 : i32
    %dma_wait3A_667 = arith.constant 0 : i32
    %dma_wait3A_668 = arith.constant 0 : i32
    %dma_wait3A_669 = tpu.memref_slice %arg7[%dma_wait3A_666, %dma_wait3A_667, %dma_wait3A_668] : memref<3x128x128xf32, #tpu.memory_space<vmem>> -> memref<1x128x128xf32, #tpu.memory_space<vmem>>
    %dma_wait3A_670 = tpu.memref_squeeze %dma_wait3A_669 : memref<1x128x128xf32, #tpu.memory_space<vmem>> -> memref<128x128xf32, #tpu.memory_space<vmem>>
    %dma_wait3A_671 = arith.constant 1920 : i32
    %dma_wait3A_672 = tpu.memref_slice %arg6[%dma_wait3A_671] : memref<2048xi32, #tpu.memory_space<vmem>> -> memref<128xi32, #tpu.memory_space<vmem>>
    %dma_wait3A_673 = arith.constant 0 : i32
    %dma_wait3A_674 = arith.constant 0 : i32
    %dma_wait3A_675 = tpu.memref_slice %arg8[%dma_wait3A_673, %dma_wait3A_674] : memref<8200x128xf32, #tpu.memory_space<vmem_shared>> -> memref<8200x128xf32, #tpu.memory_space<vmem_shared>>
    tpu.wait_indirect_dma semaphore(%arg9 : memref<!tpu.dma_semaphore, #tpu.memory_space<semaphore_mem>>) src(%dma_wait3A_675 : memref<8200x128xf32, #tpu.memory_space<vmem_shared>>) dst(%dma_wait3A_670 : memref<128x128xf32, #tpu.memory_space<vmem>>)
    %add3A_676 = arith.constant 1920 : i32
    %add3A_677 = arith.addi %mul3A_0, %add3A_676 : i32
    %dma_start3A_678 = arith.constant 0 : i32
    %dma_start3A_679 = arith.constant 0 : i32
    %dma_start3A_680 = arith.constant 0 : i32
    %dma_start3A_681 = tpu.memref_slice %arg7[%dma_start3A_678, %dma_start3A_679, %dma_start3A_680] : memref<3x128x128xf32, #tpu.memory_space<vmem>> -> memref<1x128x128xf32, #tpu.memory_space<vmem>>
    %dma_start3A_682 = tpu.memref_squeeze %dma_start3A_681 : memref<1x128x128xf32, #tpu.memory_space<vmem>> -> memref<128x128xf32, #tpu.memory_space<vmem>>
    %dma_start3A_683 = tpu.memref_slice %arg5[%add3A_677, %add3A_15] : memref<32768x768xf32, #tpu.memory_space<hbm>> -> memref<128x128xf32, #tpu.memory_space<hbm>>
    %dma_start3A_684 = tpu.memref_slice %arg5[%add3A_677, %add3A_15] : memref<32768x768xf32, #tpu.memory_space<hbm>> -> memref<128x128xf32, #tpu.memory_space<hbm>>
    %dma_start3A_685 = arith.constant 0 : i32
    %dma_start3A_686 = arith.constant 0 : i32
    %dma_start3A_687 = tpu.memref_slice %arg7[%dma_start3A_678, %dma_start3A_685, %dma_start3A_686] : memref<3x128x128xf32, #tpu.memory_space<vmem>> -> memref<1x128x128xf32, #tpu.memory_space<vmem>>
    %dma_start3A_688 = tpu.memref_squeeze %dma_start3A_687 : memref<1x128x128xf32, #tpu.memory_space<vmem>> -> memref<128x128xf32, #tpu.memory_space<vmem>>
    tpu.enqueue_dma source(%dma_start3A_688 : memref<128x128xf32, #tpu.memory_space<vmem>>) target(%dma_start3A_684 : memref<128x128xf32, #tpu.memory_space<hbm>>) target_semaphore(%arg10 : memref<!tpu.dma_semaphore, #tpu.memory_space<semaphore_mem>>)
    %barrier3A_689 = arith.constant 0 : index
    tpu.barrier barrier_id(%barrier3A_689)
    %mul3A_690 = arith.constant 384 : i32
    %mul3A_691 = arith.muli %arg0, %mul3A_690 : i32
    %add3A_692 = arith.constant 128 : i32
    %add3A_693 = arith.addi %mul3A_691, %add3A_692 : i32
    %mul3A_694 = arith.constant 512 : i32
    %mul3A_695 = arith.muli %arg1, %mul3A_694 : i32
    %mul3A_696 = arith.constant 512 : i32
    %mul3A_697 = arith.muli %arg1, %mul3A_696 : i32
    %dma_start3A_698 = arith.constant 0 : i32
    %dma_start3A_699 = tpu.memref_slice %arg8[%mul3A_697, %dma_start3A_698] : memref<8200x128xf32, #tpu.memory_space<vmem_shared>> -> memref<512x128xf32, #tpu.memory_space<vmem_shared>>
    %dma_start3A_700 = tpu.memref_slice %arg2[%mul3A_695, %add3A_693] : memref<8193x768xf32, #tpu.memory_space<hbm>> -> memref<512x128xf32, #tpu.memory_space<hbm>>
    tpu.enqueue_dma source(%dma_start3A_700 : memref<512x128xf32, #tpu.memory_space<hbm>>) target(%dma_start3A_699 : memref<512x128xf32, #tpu.memory_space<vmem_shared>>) target_semaphore(%arg11 : memref<!tpu.dma_semaphore, #tpu.memory_space<semaphore_mem>>)
    %eq3A_701 = arith.constant 0 : i32
    %eq3A_702 = arith.cmpi eq, %arg1, %eq3A_701 : i32
    %convert_element_type3A_703 = arith.extui %eq3A_702 : i1 to i32
    %cond3A_704 = arith.constant 0 : i32
    %cond3A_705 = arith.cmpi ne, %convert_element_type3A_703, %cond3A_704 : i32
    scf.if %cond3A_705 {
      "tpu.region"() ({
        %run_scoped3A = tpu.sem_alloc : memref<!tpu.dma_semaphore, #tpu.memory_space<semaphore_mem>>
        %dma_start3A_2181 = arith.constant 8192 : i32
        %dma_start3A_2182 = arith.constant 0 : i32
        %dma_start3A_2183 = tpu.memref_slice %arg8[%dma_start3A_2181, %dma_start3A_2182] : memref<8200x128xf32, #tpu.memory_space<vmem_shared>> -> memref<8x128xf32, #tpu.memory_space<vmem_shared>>
        %dma_start3A_2184 = arith.constant 0 : i32
        %dma_start3A_2185 = tpu.memref_slice %arg3[%dma_start3A_2184, %add3A_693] : memref<8x768xf32, #tpu.memory_space<hbm>> -> memref<8x128xf32, #tpu.memory_space<hbm>>
        tpu.enqueue_dma source(%dma_start3A_2185 : memref<8x128xf32, #tpu.memory_space<hbm>>) target(%dma_start3A_2183 : memref<8x128xf32, #tpu.memory_space<vmem_shared>>) target_semaphore(%run_scoped3A : memref<!tpu.dma_semaphore, #tpu.memory_space<semaphore_mem>>)
        %dma_wait3A_2186 = arith.constant 8192 : i32
        %dma_wait3A_2187 = arith.constant 0 : i32
        %dma_wait3A_2188 = tpu.memref_slice %arg8[%dma_wait3A_2186, %dma_wait3A_2187] : memref<8200x128xf32, #tpu.memory_space<vmem_shared>> -> memref<8x128xf32, #tpu.memory_space<vmem_shared>>
        %dma_wait3A_2189 = arith.constant 0 : i32
        %dma_wait3A_2190 = tpu.memref_slice %arg3[%dma_wait3A_2189, %add3A_693] : memref<8x768xf32, #tpu.memory_space<hbm>> -> memref<8x128xf32, #tpu.memory_space<hbm>>
        tpu.wait_dma2 semaphore(%run_scoped3A : memref<!tpu.dma_semaphore, #tpu.memory_space<semaphore_mem>>) src(%dma_wait3A_2190 : memref<8x128xf32, #tpu.memory_space<hbm>>) dst(%dma_wait3A_2188 : memref<8x128xf32, #tpu.memory_space<vmem_shared>>)
        tpu.yield
      }) : () -> ()
    } else {
    }
    %mul3A_706 = arith.constant 384 : i32
    %mul3A_707 = arith.muli %arg0, %mul3A_706 : i32
    %add3A_708 = arith.constant 128 : i32
    %add3A_709 = arith.addi %mul3A_707, %add3A_708 : i32
    %dma_wait3A_710 = arith.constant 0 : i32
    %dma_wait3A_711 = tpu.memref_slice %arg8[%mul3A_697, %dma_wait3A_710] : memref<8200x128xf32, #tpu.memory_space<vmem_shared>> -> memref<512x128xf32, #tpu.memory_space<vmem_shared>>
    %dma_wait3A_712 = tpu.memref_slice %arg2[%mul3A_695, %add3A_693] : memref<8193x768xf32, #tpu.memory_space<hbm>> -> memref<512x128xf32, #tpu.memory_space<hbm>>
    tpu.wait_dma2 semaphore(%arg11 : memref<!tpu.dma_semaphore, #tpu.memory_space<semaphore_mem>>) src(%dma_wait3A_712 : memref<512x128xf32, #tpu.memory_space<hbm>>) dst(%dma_wait3A_711 : memref<512x128xf32, #tpu.memory_space<vmem_shared>>)
    %barrier3A_713 = arith.constant 0 : index
    tpu.barrier barrier_id(%barrier3A_713)
    %dma_wait3A_714 = arith.constant 1 : i32
    %dma_wait3A_715 = arith.constant 0 : i32
    %dma_wait3A_716 = arith.constant 0 : i32
    %dma_wait3A_717 = tpu.memref_slice %arg7[%dma_wait3A_714, %dma_wait3A_715, %dma_wait3A_716] : memref<3x128x128xf32, #tpu.memory_space<vmem>> -> memref<1x128x128xf32, #tpu.memory_space<vmem>>
    %dma_wait3A_718 = tpu.memref_squeeze %dma_wait3A_717 : memref<1x128x128xf32, #tpu.memory_space<vmem>> -> memref<128x128xf32, #tpu.memory_space<vmem>>
    %dma_wait3A_719 = tpu.memref_slice %arg5[%add3A_610, %add3A_15] : memref<32768x768xf32, #tpu.memory_space<hbm>> -> memref<128x128xf32, #tpu.memory_space<hbm>>
    %dma_wait3A_720 = tpu.memref_slice %arg5[%add3A_610, %add3A_15] : memref<32768x768xf32, #tpu.memory_space<hbm>> -> memref<128x128xf32, #tpu.memory_space<hbm>>
    %dma_wait3A_721 = arith.constant 0 : i32
    %dma_wait3A_722 = arith.constant 0 : i32
    %dma_wait3A_723 = tpu.memref_slice %arg7[%dma_wait3A_714, %dma_wait3A_721, %dma_wait3A_722] : memref<3x128x128xf32, #tpu.memory_space<vmem>> -> memref<1x128x128xf32, #tpu.memory_space<vmem>>
    %dma_wait3A_724 = tpu.memref_squeeze %dma_wait3A_723 : memref<1x128x128xf32, #tpu.memory_space<vmem>> -> memref<128x128xf32, #tpu.memory_space<vmem>>
    tpu.wait_dma2 semaphore(%arg10 : memref<!tpu.dma_semaphore, #tpu.memory_space<semaphore_mem>>) src(%dma_wait3A_724 : memref<128x128xf32, #tpu.memory_space<vmem>>) dst(%dma_wait3A_720 : memref<128x128xf32, #tpu.memory_space<hbm>>)
    %dma_start3A_725 = arith.constant 1 : i32
    %dma_start3A_726 = arith.constant 0 : i32
    %dma_start3A_727 = arith.constant 0 : i32
    %dma_start3A_728 = tpu.memref_slice %arg7[%dma_start3A_725, %dma_start3A_726, %dma_start3A_727] : memref<3x128x128xf32, #tpu.memory_space<vmem>> -> memref<1x128x128xf32, #tpu.memory_space<vmem>>
    %dma_start3A_729 = tpu.memref_squeeze %dma_start3A_728 : memref<1x128x128xf32, #tpu.memory_space<vmem>> -> memref<128x128xf32, #tpu.memory_space<vmem>>
    %dma_start3A_730 = arith.constant 0 : i32
    %dma_start3A_731 = tpu.memref_slice %arg6[%dma_start3A_730] : memref<2048xi32, #tpu.memory_space<vmem>> -> memref<128xi32, #tpu.memory_space<vmem>>
    %dma_start3A_732 = arith.constant 0 : i32
    %dma_start3A_733 = arith.constant 0 : i32
    %dma_start3A_734 = tpu.memref_slice %arg8[%dma_start3A_732, %dma_start3A_733] : memref<8200x128xf32, #tpu.memory_space<vmem_shared>> -> memref<8200x128xf32, #tpu.memory_space<vmem_shared>>
    tpu.enqueue_indirect_dma source(%dma_start3A_734 : memref<8200x128xf32, #tpu.memory_space<vmem_shared>>) target(%dma_start3A_729 : memref<128x128xf32, #tpu.memory_space<vmem>>) offsets(%dma_start3A_731 : memref<128xi32, #tpu.memory_space<vmem>>) semaphore(%arg9 : memref<!tpu.dma_semaphore, #tpu.memory_space<semaphore_mem>>)
    %dma_wait3A_735 = arith.constant 2 : i32
    %dma_wait3A_736 = arith.constant 0 : i32
    %dma_wait3A_737 = arith.constant 0 : i32
    %dma_wait3A_738 = tpu.memref_slice %arg7[%dma_wait3A_735, %dma_wait3A_736, %dma_wait3A_737] : memref<3x128x128xf32, #tpu.memory_space<vmem>> -> memref<1x128x128xf32, #tpu.memory_space<vmem>>
    %dma_wait3A_739 = tpu.memref_squeeze %dma_wait3A_738 : memref<1x128x128xf32, #tpu.memory_space<vmem>> -> memref<128x128xf32, #tpu.memory_space<vmem>>
    %dma_wait3A_740 = tpu.memref_slice %arg5[%add3A_654, %add3A_15] : memref<32768x768xf32, #tpu.memory_space<hbm>> -> memref<128x128xf32, #tpu.memory_space<hbm>>
    %dma_wait3A_741 = tpu.memref_slice %arg5[%add3A_654, %add3A_15] : memref<32768x768xf32, #tpu.memory_space<hbm>> -> memref<128x128xf32, #tpu.memory_space<hbm>>
    %dma_wait3A_742 = arith.constant 0 : i32
    %dma_wait3A_743 = arith.constant 0 : i32
    %dma_wait3A_744 = tpu.memref_slice %arg7[%dma_wait3A_735, %dma_wait3A_742, %dma_wait3A_743] : memref<3x128x128xf32, #tpu.memory_space<vmem>> -> memref<1x128x128xf32, #tpu.memory_space<vmem>>
    %dma_wait3A_745 = tpu.memref_squeeze %dma_wait3A_744 : memref<1x128x128xf32, #tpu.memory_space<vmem>> -> memref<128x128xf32, #tpu.memory_space<vmem>>
    tpu.wait_dma2 semaphore(%arg10 : memref<!tpu.dma_semaphore, #tpu.memory_space<semaphore_mem>>) src(%dma_wait3A_745 : memref<128x128xf32, #tpu.memory_space<vmem>>) dst(%dma_wait3A_741 : memref<128x128xf32, #tpu.memory_space<hbm>>)
    %dma_start3A_746 = arith.constant 2 : i32
    %dma_start3A_747 = arith.constant 0 : i32
    %dma_start3A_748 = arith.constant 0 : i32
    %dma_start3A_749 = tpu.memref_slice %arg7[%dma_start3A_746, %dma_start3A_747, %dma_start3A_748] : memref<3x128x128xf32, #tpu.memory_space<vmem>> -> memref<1x128x128xf32, #tpu.memory_space<vmem>>
    %dma_start3A_750 = tpu.memref_squeeze %dma_start3A_749 : memref<1x128x128xf32, #tpu.memory_space<vmem>> -> memref<128x128xf32, #tpu.memory_space<vmem>>
    %dma_start3A_751 = arith.constant 128 : i32
    %dma_start3A_752 = tpu.memref_slice %arg6[%dma_start3A_751] : memref<2048xi32, #tpu.memory_space<vmem>> -> memref<128xi32, #tpu.memory_space<vmem>>
    %dma_start3A_753 = arith.constant 0 : i32
    %dma_start3A_754 = arith.constant 0 : i32
    %dma_start3A_755 = tpu.memref_slice %arg8[%dma_start3A_753, %dma_start3A_754] : memref<8200x128xf32, #tpu.memory_space<vmem_shared>> -> memref<8200x128xf32, #tpu.memory_space<vmem_shared>>
    tpu.enqueue_indirect_dma source(%dma_start3A_755 : memref<8200x128xf32, #tpu.memory_space<vmem_shared>>) target(%dma_start3A_750 : memref<128x128xf32, #tpu.memory_space<vmem>>) offsets(%dma_start3A_752 : memref<128xi32, #tpu.memory_space<vmem>>) semaphore(%arg9 : memref<!tpu.dma_semaphore, #tpu.memory_space<semaphore_mem>>)
    %dma_wait3A_756 = arith.constant 1 : i32
    %dma_wait3A_757 = arith.constant 0 : i32
    %dma_wait3A_758 = arith.constant 0 : i32
    %dma_wait3A_759 = tpu.memref_slice %arg7[%dma_wait3A_756, %dma_wait3A_757, %dma_wait3A_758] : memref<3x128x128xf32, #tpu.memory_space<vmem>> -> memref<1x128x128xf32, #tpu.memory_space<vmem>>
    %dma_wait3A_760 = tpu.memref_squeeze %dma_wait3A_759 : memref<1x128x128xf32, #tpu.memory_space<vmem>> -> memref<128x128xf32, #tpu.memory_space<vmem>>
    %dma_wait3A_761 = arith.constant 0 : i32
    %dma_wait3A_762 = tpu.memref_slice %arg6[%dma_wait3A_761] : memref<2048xi32, #tpu.memory_space<vmem>> -> memref<128xi32, #tpu.memory_space<vmem>>
    %dma_wait3A_763 = arith.constant 0 : i32
    %dma_wait3A_764 = arith.constant 0 : i32
    %dma_wait3A_765 = tpu.memref_slice %arg8[%dma_wait3A_763, %dma_wait3A_764] : memref<8200x128xf32, #tpu.memory_space<vmem_shared>> -> memref<8200x128xf32, #tpu.memory_space<vmem_shared>>
    tpu.wait_indirect_dma semaphore(%arg9 : memref<!tpu.dma_semaphore, #tpu.memory_space<semaphore_mem>>) src(%dma_wait3A_765 : memref<8200x128xf32, #tpu.memory_space<vmem_shared>>) dst(%dma_wait3A_760 : memref<128x128xf32, #tpu.memory_space<vmem>>)
    %add3A_766 = arith.constant 0 : i32
    %add3A_767 = arith.addi %mul3A_0, %add3A_766 : i32
    %dma_start3A_768 = arith.constant 1 : i32
    %dma_start3A_769 = arith.constant 0 : i32
    %dma_start3A_770 = arith.constant 0 : i32
    %dma_start3A_771 = tpu.memref_slice %arg7[%dma_start3A_768, %dma_start3A_769, %dma_start3A_770] : memref<3x128x128xf32, #tpu.memory_space<vmem>> -> memref<1x128x128xf32, #tpu.memory_space<vmem>>
    %dma_start3A_772 = tpu.memref_squeeze %dma_start3A_771 : memref<1x128x128xf32, #tpu.memory_space<vmem>> -> memref<128x128xf32, #tpu.memory_space<vmem>>
    %dma_start3A_773 = tpu.memref_slice %arg5[%add3A_767, %add3A_709] : memref<32768x768xf32, #tpu.memory_space<hbm>> -> memref<128x128xf32, #tpu.memory_space<hbm>>
    %dma_start3A_774 = tpu.memref_slice %arg5[%add3A_767, %add3A_709] : memref<32768x768xf32, #tpu.memory_space<hbm>> -> memref<128x128xf32, #tpu.memory_space<hbm>>
    %dma_start3A_775 = arith.constant 0 : i32
    %dma_start3A_776 = arith.constant 0 : i32
    %dma_start3A_777 = tpu.memref_slice %arg7[%dma_start3A_768, %dma_start3A_775, %dma_start3A_776] : memref<3x128x128xf32, #tpu.memory_space<vmem>> -> memref<1x128x128xf32, #tpu.memory_space<vmem>>
    %dma_start3A_778 = tpu.memref_squeeze %dma_start3A_777 : memref<1x128x128xf32, #tpu.memory_space<vmem>> -> memref<128x128xf32, #tpu.memory_space<vmem>>
    tpu.enqueue_dma source(%dma_start3A_778 : memref<128x128xf32, #tpu.memory_space<vmem>>) target(%dma_start3A_774 : memref<128x128xf32, #tpu.memory_space<hbm>>) target_semaphore(%arg10 : memref<!tpu.dma_semaphore, #tpu.memory_space<semaphore_mem>>)
    %dma_wait3A_779 = arith.constant 0 : i32
    %dma_wait3A_780 = arith.constant 0 : i32
    %dma_wait3A_781 = arith.constant 0 : i32
    %dma_wait3A_782 = tpu.memref_slice %arg7[%dma_wait3A_779, %dma_wait3A_780, %dma_wait3A_781] : memref<3x128x128xf32, #tpu.memory_space<vmem>> -> memref<1x128x128xf32, #tpu.memory_space<vmem>>
    %dma_wait3A_783 = tpu.memref_squeeze %dma_wait3A_782 : memref<1x128x128xf32, #tpu.memory_space<vmem>> -> memref<128x128xf32, #tpu.memory_space<vmem>>
    %dma_wait3A_784 = tpu.memref_slice %arg5[%add3A_677, %add3A_15] : memref<32768x768xf32, #tpu.memory_space<hbm>> -> memref<128x128xf32, #tpu.memory_space<hbm>>
    %dma_wait3A_785 = tpu.memref_slice %arg5[%add3A_677, %add3A_15] : memref<32768x768xf32, #tpu.memory_space<hbm>> -> memref<128x128xf32, #tpu.memory_space<hbm>>
    %dma_wait3A_786 = arith.constant 0 : i32
    %dma_wait3A_787 = arith.constant 0 : i32
    %dma_wait3A_788 = tpu.memref_slice %arg7[%dma_wait3A_779, %dma_wait3A_786, %dma_wait3A_787] : memref<3x128x128xf32, #tpu.memory_space<vmem>> -> memref<1x128x128xf32, #tpu.memory_space<vmem>>
    %dma_wait3A_789 = tpu.memref_squeeze %dma_wait3A_788 : memref<1x128x128xf32, #tpu.memory_space<vmem>> -> memref<128x128xf32, #tpu.memory_space<vmem>>
    tpu.wait_dma2 semaphore(%arg10 : memref<!tpu.dma_semaphore, #tpu.memory_space<semaphore_mem>>) src(%dma_wait3A_789 : memref<128x128xf32, #tpu.memory_space<vmem>>) dst(%dma_wait3A_785 : memref<128x128xf32, #tpu.memory_space<hbm>>)
    %dma_start3A_790 = arith.constant 0 : i32
    %dma_start3A_791 = arith.constant 0 : i32
    %dma_start3A_792 = arith.constant 0 : i32
    %dma_start3A_793 = tpu.memref_slice %arg7[%dma_start3A_790, %dma_start3A_791, %dma_start3A_792] : memref<3x128x128xf32, #tpu.memory_space<vmem>> -> memref<1x128x128xf32, #tpu.memory_space<vmem>>
    %dma_start3A_794 = tpu.memref_squeeze %dma_start3A_793 : memref<1x128x128xf32, #tpu.memory_space<vmem>> -> memref<128x128xf32, #tpu.memory_space<vmem>>
    %dma_start3A_795 = arith.constant 256 : i32
    %dma_start3A_796 = tpu.memref_slice %arg6[%dma_start3A_795] : memref<2048xi32, #tpu.memory_space<vmem>> -> memref<128xi32, #tpu.memory_space<vmem>>
    %dma_start3A_797 = arith.constant 0 : i32
    %dma_start3A_798 = arith.constant 0 : i32
    %dma_start3A_799 = tpu.memref_slice %arg8[%dma_start3A_797, %dma_start3A_798] : memref<8200x128xf32, #tpu.memory_space<vmem_shared>> -> memref<8200x128xf32, #tpu.memory_space<vmem_shared>>
    tpu.enqueue_indirect_dma source(%dma_start3A_799 : memref<8200x128xf32, #tpu.memory_space<vmem_shared>>) target(%dma_start3A_794 : memref<128x128xf32, #tpu.memory_space<vmem>>) offsets(%dma_start3A_796 : memref<128xi32, #tpu.memory_space<vmem>>) semaphore(%arg9 : memref<!tpu.dma_semaphore, #tpu.memory_space<semaphore_mem>>)
    %dma_wait3A_800 = arith.constant 2 : i32
    %dma_wait3A_801 = arith.constant 0 : i32
    %dma_wait3A_802 = arith.constant 0 : i32
    %dma_wait3A_803 = tpu.memref_slice %arg7[%dma_wait3A_800, %dma_wait3A_801, %dma_wait3A_802] : memref<3x128x128xf32, #tpu.memory_space<vmem>> -> memref<1x128x128xf32, #tpu.memory_space<vmem>>
    %dma_wait3A_804 = tpu.memref_squeeze %dma_wait3A_803 : memref<1x128x128xf32, #tpu.memory_space<vmem>> -> memref<128x128xf32, #tpu.memory_space<vmem>>
    %dma_wait3A_805 = arith.constant 128 : i32
    %dma_wait3A_806 = tpu.memref_slice %arg6[%dma_wait3A_805] : memref<2048xi32, #tpu.memory_space<vmem>> -> memref<128xi32, #tpu.memory_space<vmem>>
    %dma_wait3A_807 = arith.constant 0 : i32
    %dma_wait3A_808 = arith.constant 0 : i32
    %dma_wait3A_809 = tpu.memref_slice %arg8[%dma_wait3A_807, %dma_wait3A_808] : memref<8200x128xf32, #tpu.memory_space<vmem_shared>> -> memref<8200x128xf32, #tpu.memory_space<vmem_shared>>
    tpu.wait_indirect_dma semaphore(%arg9 : memref<!tpu.dma_semaphore, #tpu.memory_space<semaphore_mem>>) src(%dma_wait3A_809 : memref<8200x128xf32, #tpu.memory_space<vmem_shared>>) dst(%dma_wait3A_804 : memref<128x128xf32, #tpu.memory_space<vmem>>)
    %add3A_810 = arith.constant 128 : i32
    %add3A_811 = arith.addi %mul3A_0, %add3A_810 : i32
    %dma_start3A_812 = arith.constant 2 : i32
    %dma_start3A_813 = arith.constant 0 : i32
    %dma_start3A_814 = arith.constant 0 : i32
    %dma_start3A_815 = tpu.memref_slice %arg7[%dma_start3A_812, %dma_start3A_813, %dma_start3A_814] : memref<3x128x128xf32, #tpu.memory_space<vmem>> -> memref<1x128x128xf32, #tpu.memory_space<vmem>>
    %dma_start3A_816 = tpu.memref_squeeze %dma_start3A_815 : memref<1x128x128xf32, #tpu.memory_space<vmem>> -> memref<128x128xf32, #tpu.memory_space<vmem>>
    %dma_start3A_817 = tpu.memref_slice %arg5[%add3A_811, %add3A_709] : memref<32768x768xf32, #tpu.memory_space<hbm>> -> memref<128x128xf32, #tpu.memory_space<hbm>>
    %dma_start3A_818 = tpu.memref_slice %arg5[%add3A_811, %add3A_709] : memref<32768x768xf32, #tpu.memory_space<hbm>> -> memref<128x128xf32, #tpu.memory_space<hbm>>
    %dma_start3A_819 = arith.constant 0 : i32
    %dma_start3A_820 = arith.constant 0 : i32
    %dma_start3A_821 = tpu.memref_slice %arg7[%dma_start3A_812, %dma_start3A_819, %dma_start3A_820] : memref<3x128x128xf32, #tpu.memory_space<vmem>> -> memref<1x128x128xf32, #tpu.memory_space<vmem>>
    %dma_start3A_822 = tpu.memref_squeeze %dma_start3A_821 : memref<1x128x128xf32, #tpu.memory_space<vmem>> -> memref<128x128xf32, #tpu.memory_space<vmem>>
    tpu.enqueue_dma source(%dma_start3A_822 : memref<128x128xf32, #tpu.memory_space<vmem>>) target(%dma_start3A_818 : memref<128x128xf32, #tpu.memory_space<hbm>>) target_semaphore(%arg10 : memref<!tpu.dma_semaphore, #tpu.memory_space<semaphore_mem>>)
    %dma_wait3A_823 = arith.constant 1 : i32
    %dma_wait3A_824 = arith.constant 0 : i32
    %dma_wait3A_825 = arith.constant 0 : i32
    %dma_wait3A_826 = tpu.memref_slice %arg7[%dma_wait3A_823, %dma_wait3A_824, %dma_wait3A_825] : memref<3x128x128xf32, #tpu.memory_space<vmem>> -> memref<1x128x128xf32, #tpu.memory_space<vmem>>
    %dma_wait3A_827 = tpu.memref_squeeze %dma_wait3A_826 : memref<1x128x128xf32, #tpu.memory_space<vmem>> -> memref<128x128xf32, #tpu.memory_space<vmem>>
    %dma_wait3A_828 = tpu.memref_slice %arg5[%add3A_767, %add3A_709] : memref<32768x768xf32, #tpu.memory_space<hbm>> -> memref<128x128xf32, #tpu.memory_space<hbm>>
    %dma_wait3A_829 = tpu.memref_slice %arg5[%add3A_767, %add3A_709] : memref<32768x768xf32, #tpu.memory_space<hbm>> -> memref<128x128xf32, #tpu.memory_space<hbm>>
    %dma_wait3A_830 = arith.constant 0 : i32
    %dma_wait3A_831 = arith.constant 0 : i32
    %dma_wait3A_832 = tpu.memref_slice %arg7[%dma_wait3A_823, %dma_wait3A_830, %dma_wait3A_831] : memref<3x128x128xf32, #tpu.memory_space<vmem>> -> memref<1x128x128xf32, #tpu.memory_space<vmem>>
    %dma_wait3A_833 = tpu.memref_squeeze %dma_wait3A_832 : memref<1x128x128xf32, #tpu.memory_space<vmem>> -> memref<128x128xf32, #tpu.memory_space<vmem>>
    tpu.wait_dma2 semaphore(%arg10 : memref<!tpu.dma_semaphore, #tpu.memory_space<semaphore_mem>>) src(%dma_wait3A_833 : memref<128x128xf32, #tpu.memory_space<vmem>>) dst(%dma_wait3A_829 : memref<128x128xf32, #tpu.memory_space<hbm>>)
    %dma_start3A_834 = arith.constant 1 : i32
    %dma_start3A_835 = arith.constant 0 : i32
    %dma_start3A_836 = arith.constant 0 : i32
    %dma_start3A_837 = tpu.memref_slice %arg7[%dma_start3A_834, %dma_start3A_835, %dma_start3A_836] : memref<3x128x128xf32, #tpu.memory_space<vmem>> -> memref<1x128x128xf32, #tpu.memory_space<vmem>>
    %dma_start3A_838 = tpu.memref_squeeze %dma_start3A_837 : memref<1x128x128xf32, #tpu.memory_space<vmem>> -> memref<128x128xf32, #tpu.memory_space<vmem>>
    %dma_start3A_839 = arith.constant 384 : i32
    %dma_start3A_840 = tpu.memref_slice %arg6[%dma_start3A_839] : memref<2048xi32, #tpu.memory_space<vmem>> -> memref<128xi32, #tpu.memory_space<vmem>>
    %dma_start3A_841 = arith.constant 0 : i32
    %dma_start3A_842 = arith.constant 0 : i32
    %dma_start3A_843 = tpu.memref_slice %arg8[%dma_start3A_841, %dma_start3A_842] : memref<8200x128xf32, #tpu.memory_space<vmem_shared>> -> memref<8200x128xf32, #tpu.memory_space<vmem_shared>>
    tpu.enqueue_indirect_dma source(%dma_start3A_843 : memref<8200x128xf32, #tpu.memory_space<vmem_shared>>) target(%dma_start3A_838 : memref<128x128xf32, #tpu.memory_space<vmem>>) offsets(%dma_start3A_840 : memref<128xi32, #tpu.memory_space<vmem>>) semaphore(%arg9 : memref<!tpu.dma_semaphore, #tpu.memory_space<semaphore_mem>>)
    %dma_wait3A_844 = arith.constant 0 : i32
    %dma_wait3A_845 = arith.constant 0 : i32
    %dma_wait3A_846 = arith.constant 0 : i32
    %dma_wait3A_847 = tpu.memref_slice %arg7[%dma_wait3A_844, %dma_wait3A_845, %dma_wait3A_846] : memref<3x128x128xf32, #tpu.memory_space<vmem>> -> memref<1x128x128xf32, #tpu.memory_space<vmem>>
    %dma_wait3A_848 = tpu.memref_squeeze %dma_wait3A_847 : memref<1x128x128xf32, #tpu.memory_space<vmem>> -> memref<128x128xf32, #tpu.memory_space<vmem>>
    %dma_wait3A_849 = arith.constant 256 : i32
    %dma_wait3A_850 = tpu.memref_slice %arg6[%dma_wait3A_849] : memref<2048xi32, #tpu.memory_space<vmem>> -> memref<128xi32, #tpu.memory_space<vmem>>
    %dma_wait3A_851 = arith.constant 0 : i32
    %dma_wait3A_852 = arith.constant 0 : i32
    %dma_wait3A_853 = tpu.memref_slice %arg8[%dma_wait3A_851, %dma_wait3A_852] : memref<8200x128xf32, #tpu.memory_space<vmem_shared>> -> memref<8200x128xf32, #tpu.memory_space<vmem_shared>>
    tpu.wait_indirect_dma semaphore(%arg9 : memref<!tpu.dma_semaphore, #tpu.memory_space<semaphore_mem>>) src(%dma_wait3A_853 : memref<8200x128xf32, #tpu.memory_space<vmem_shared>>) dst(%dma_wait3A_848 : memref<128x128xf32, #tpu.memory_space<vmem>>)
    %add3A_854 = arith.constant 256 : i32
    %add3A_855 = arith.addi %mul3A_0, %add3A_854 : i32
    %dma_start3A_856 = arith.constant 0 : i32
    %dma_start3A_857 = arith.constant 0 : i32
    %dma_start3A_858 = arith.constant 0 : i32
    %dma_start3A_859 = tpu.memref_slice %arg7[%dma_start3A_856, %dma_start3A_857, %dma_start3A_858] : memref<3x128x128xf32, #tpu.memory_space<vmem>> -> memref<1x128x128xf32, #tpu.memory_space<vmem>>
    %dma_start3A_860 = tpu.memref_squeeze %dma_start3A_859 : memref<1x128x128xf32, #tpu.memory_space<vmem>> -> memref<128x128xf32, #tpu.memory_space<vmem>>
    %dma_start3A_861 = tpu.memref_slice %arg5[%add3A_855, %add3A_709] : memref<32768x768xf32, #tpu.memory_space<hbm>> -> memref<128x128xf32, #tpu.memory_space<hbm>>
    %dma_start3A_862 = tpu.memref_slice %arg5[%add3A_855, %add3A_709] : memref<32768x768xf32, #tpu.memory_space<hbm>> -> memref<128x128xf32, #tpu.memory_space<hbm>>
    %dma_start3A_863 = arith.constant 0 : i32
    %dma_start3A_864 = arith.constant 0 : i32
    %dma_start3A_865 = tpu.memref_slice %arg7[%dma_start3A_856, %dma_start3A_863, %dma_start3A_864] : memref<3x128x128xf32, #tpu.memory_space<vmem>> -> memref<1x128x128xf32, #tpu.memory_space<vmem>>
    %dma_start3A_866 = tpu.memref_squeeze %dma_start3A_865 : memref<1x128x128xf32, #tpu.memory_space<vmem>> -> memref<128x128xf32, #tpu.memory_space<vmem>>
    tpu.enqueue_dma source(%dma_start3A_866 : memref<128x128xf32, #tpu.memory_space<vmem>>) target(%dma_start3A_862 : memref<128x128xf32, #tpu.memory_space<hbm>>) target_semaphore(%arg10 : memref<!tpu.dma_semaphore, #tpu.memory_space<semaphore_mem>>)
    %dma_wait3A_867 = arith.constant 2 : i32
    %dma_wait3A_868 = arith.constant 0 : i32
    %dma_wait3A_869 = arith.constant 0 : i32
    %dma_wait3A_870 = tpu.memref_slice %arg7[%dma_wait3A_867, %dma_wait3A_868, %dma_wait3A_869] : memref<3x128x128xf32, #tpu.memory_space<vmem>> -> memref<1x128x128xf32, #tpu.memory_space<vmem>>
    %dma_wait3A_871 = tpu.memref_squeeze %dma_wait3A_870 : memref<1x128x128xf32, #tpu.memory_space<vmem>> -> memref<128x128xf32, #tpu.memory_space<vmem>>
    %dma_wait3A_872 = tpu.memref_slice %arg5[%add3A_811, %add3A_709] : memref<32768x768xf32, #tpu.memory_space<hbm>> -> memref<128x128xf32, #tpu.memory_space<hbm>>
    %dma_wait3A_873 = tpu.memref_slice %arg5[%add3A_811, %add3A_709] : memref<32768x768xf32, #tpu.memory_space<hbm>> -> memref<128x128xf32, #tpu.memory_space<hbm>>
    %dma_wait3A_874 = arith.constant 0 : i32
    %dma_wait3A_875 = arith.constant 0 : i32
    %dma_wait3A_876 = tpu.memref_slice %arg7[%dma_wait3A_867, %dma_wait3A_874, %dma_wait3A_875] : memref<3x128x128xf32, #tpu.memory_space<vmem>> -> memref<1x128x128xf32, #tpu.memory_space<vmem>>
    %dma_wait3A_877 = tpu.memref_squeeze %dma_wait3A_876 : memref<1x128x128xf32, #tpu.memory_space<vmem>> -> memref<128x128xf32, #tpu.memory_space<vmem>>
    tpu.wait_dma2 semaphore(%arg10 : memref<!tpu.dma_semaphore, #tpu.memory_space<semaphore_mem>>) src(%dma_wait3A_877 : memref<128x128xf32, #tpu.memory_space<vmem>>) dst(%dma_wait3A_873 : memref<128x128xf32, #tpu.memory_space<hbm>>)
    %dma_start3A_878 = arith.constant 2 : i32
    %dma_start3A_879 = arith.constant 0 : i32
    %dma_start3A_880 = arith.constant 0 : i32
    %dma_start3A_881 = tpu.memref_slice %arg7[%dma_start3A_878, %dma_start3A_879, %dma_start3A_880] : memref<3x128x128xf32, #tpu.memory_space<vmem>> -> memref<1x128x128xf32, #tpu.memory_space<vmem>>
    %dma_start3A_882 = tpu.memref_squeeze %dma_start3A_881 : memref<1x128x128xf32, #tpu.memory_space<vmem>> -> memref<128x128xf32, #tpu.memory_space<vmem>>
    %dma_start3A_883 = arith.constant 512 : i32
    %dma_start3A_884 = tpu.memref_slice %arg6[%dma_start3A_883] : memref<2048xi32, #tpu.memory_space<vmem>> -> memref<128xi32, #tpu.memory_space<vmem>>
    %dma_start3A_885 = arith.constant 0 : i32
    %dma_start3A_886 = arith.constant 0 : i32
    %dma_start3A_887 = tpu.memref_slice %arg8[%dma_start3A_885, %dma_start3A_886] : memref<8200x128xf32, #tpu.memory_space<vmem_shared>> -> memref<8200x128xf32, #tpu.memory_space<vmem_shared>>
    tpu.enqueue_indirect_dma source(%dma_start3A_887 : memref<8200x128xf32, #tpu.memory_space<vmem_shared>>) target(%dma_start3A_882 : memref<128x128xf32, #tpu.memory_space<vmem>>) offsets(%dma_start3A_884 : memref<128xi32, #tpu.memory_space<vmem>>) semaphore(%arg9 : memref<!tpu.dma_semaphore, #tpu.memory_space<semaphore_mem>>)
    %dma_wait3A_888 = arith.constant 1 : i32
    %dma_wait3A_889 = arith.constant 0 : i32
    %dma_wait3A_890 = arith.constant 0 : i32
    %dma_wait3A_891 = tpu.memref_slice %arg7[%dma_wait3A_888, %dma_wait3A_889, %dma_wait3A_890] : memref<3x128x128xf32, #tpu.memory_space<vmem>> -> memref<1x128x128xf32, #tpu.memory_space<vmem>>
    %dma_wait3A_892 = tpu.memref_squeeze %dma_wait3A_891 : memref<1x128x128xf32, #tpu.memory_space<vmem>> -> memref<128x128xf32, #tpu.memory_space<vmem>>
    %dma_wait3A_893 = arith.constant 384 : i32
    %dma_wait3A_894 = tpu.memref_slice %arg6[%dma_wait3A_893] : memref<2048xi32, #tpu.memory_space<vmem>> -> memref<128xi32, #tpu.memory_space<vmem>>
    %dma_wait3A_895 = arith.constant 0 : i32
    %dma_wait3A_896 = arith.constant 0 : i32
    %dma_wait3A_897 = tpu.memref_slice %arg8[%dma_wait3A_895, %dma_wait3A_896] : memref<8200x128xf32, #tpu.memory_space<vmem_shared>> -> memref<8200x128xf32, #tpu.memory_space<vmem_shared>>
    tpu.wait_indirect_dma semaphore(%arg9 : memref<!tpu.dma_semaphore, #tpu.memory_space<semaphore_mem>>) src(%dma_wait3A_897 : memref<8200x128xf32, #tpu.memory_space<vmem_shared>>) dst(%dma_wait3A_892 : memref<128x128xf32, #tpu.memory_space<vmem>>)
    %add3A_898 = arith.constant 384 : i32
    %add3A_899 = arith.addi %mul3A_0, %add3A_898 : i32
    %dma_start3A_900 = arith.constant 1 : i32
    %dma_start3A_901 = arith.constant 0 : i32
    %dma_start3A_902 = arith.constant 0 : i32
    %dma_start3A_903 = tpu.memref_slice %arg7[%dma_start3A_900, %dma_start3A_901, %dma_start3A_902] : memref<3x128x128xf32, #tpu.memory_space<vmem>> -> memref<1x128x128xf32, #tpu.memory_space<vmem>>
    %dma_start3A_904 = tpu.memref_squeeze %dma_start3A_903 : memref<1x128x128xf32, #tpu.memory_space<vmem>> -> memref<128x128xf32, #tpu.memory_space<vmem>>
    %dma_start3A_905 = tpu.memref_slice %arg5[%add3A_899, %add3A_709] : memref<32768x768xf32, #tpu.memory_space<hbm>> -> memref<128x128xf32, #tpu.memory_space<hbm>>
    %dma_start3A_906 = tpu.memref_slice %arg5[%add3A_899, %add3A_709] : memref<32768x768xf32, #tpu.memory_space<hbm>> -> memref<128x128xf32, #tpu.memory_space<hbm>>
    %dma_start3A_907 = arith.constant 0 : i32
    %dma_start3A_908 = arith.constant 0 : i32
    %dma_start3A_909 = tpu.memref_slice %arg7[%dma_start3A_900, %dma_start3A_907, %dma_start3A_908] : memref<3x128x128xf32, #tpu.memory_space<vmem>> -> memref<1x128x128xf32, #tpu.memory_space<vmem>>
    %dma_start3A_910 = tpu.memref_squeeze %dma_start3A_909 : memref<1x128x128xf32, #tpu.memory_space<vmem>> -> memref<128x128xf32, #tpu.memory_space<vmem>>
    tpu.enqueue_dma source(%dma_start3A_910 : memref<128x128xf32, #tpu.memory_space<vmem>>) target(%dma_start3A_906 : memref<128x128xf32, #tpu.memory_space<hbm>>) target_semaphore(%arg10 : memref<!tpu.dma_semaphore, #tpu.memory_space<semaphore_mem>>)
    %dma_wait3A_911 = arith.constant 0 : i32
    %dma_wait3A_912 = arith.constant 0 : i32
    %dma_wait3A_913 = arith.constant 0 : i32
    %dma_wait3A_914 = tpu.memref_slice %arg7[%dma_wait3A_911, %dma_wait3A_912, %dma_wait3A_913] : memref<3x128x128xf32, #tpu.memory_space<vmem>> -> memref<1x128x128xf32, #tpu.memory_space<vmem>>
    %dma_wait3A_915 = tpu.memref_squeeze %dma_wait3A_914 : memref<1x128x128xf32, #tpu.memory_space<vmem>> -> memref<128x128xf32, #tpu.memory_space<vmem>>
    %dma_wait3A_916 = tpu.memref_slice %arg5[%add3A_855, %add3A_709] : memref<32768x768xf32, #tpu.memory_space<hbm>> -> memref<128x128xf32, #tpu.memory_space<hbm>>
    %dma_wait3A_917 = tpu.memref_slice %arg5[%add3A_855, %add3A_709] : memref<32768x768xf32, #tpu.memory_space<hbm>> -> memref<128x128xf32, #tpu.memory_space<hbm>>
    %dma_wait3A_918 = arith.constant 0 : i32
    %dma_wait3A_919 = arith.constant 0 : i32
    %dma_wait3A_920 = tpu.memref_slice %arg7[%dma_wait3A_911, %dma_wait3A_918, %dma_wait3A_919] : memref<3x128x128xf32, #tpu.memory_space<vmem>> -> memref<1x128x128xf32, #tpu.memory_space<vmem>>
    %dma_wait3A_921 = tpu.memref_squeeze %dma_wait3A_920 : memref<1x128x128xf32, #tpu.memory_space<vmem>> -> memref<128x128xf32, #tpu.memory_space<vmem>>
    tpu.wait_dma2 semaphore(%arg10 : memref<!tpu.dma_semaphore, #tpu.memory_space<semaphore_mem>>) src(%dma_wait3A_921 : memref<128x128xf32, #tpu.memory_space<vmem>>) dst(%dma_wait3A_917 : memref<128x128xf32, #tpu.memory_space<hbm>>)
    %dma_start3A_922 = arith.constant 0 : i32
    %dma_start3A_923 = arith.constant 0 : i32
    %dma_start3A_924 = arith.constant 0 : i32
    %dma_start3A_925 = tpu.memref_slice %arg7[%dma_start3A_922, %dma_start3A_923, %dma_start3A_924] : memref<3x128x128xf32, #tpu.memory_space<vmem>> -> memref<1x128x128xf32, #tpu.memory_space<vmem>>
    %dma_start3A_926 = tpu.memref_squeeze %dma_start3A_925 : memref<1x128x128xf32, #tpu.memory_space<vmem>> -> memref<128x128xf32, #tpu.memory_space<vmem>>
    %dma_start3A_927 = arith.constant 640 : i32
    %dma_start3A_928 = tpu.memref_slice %arg6[%dma_start3A_927] : memref<2048xi32, #tpu.memory_space<vmem>> -> memref<128xi32, #tpu.memory_space<vmem>>
    %dma_start3A_929 = arith.constant 0 : i32
    %dma_start3A_930 = arith.constant 0 : i32
    %dma_start3A_931 = tpu.memref_slice %arg8[%dma_start3A_929, %dma_start3A_930] : memref<8200x128xf32, #tpu.memory_space<vmem_shared>> -> memref<8200x128xf32, #tpu.memory_space<vmem_shared>>
    tpu.enqueue_indirect_dma source(%dma_start3A_931 : memref<8200x128xf32, #tpu.memory_space<vmem_shared>>) target(%dma_start3A_926 : memref<128x128xf32, #tpu.memory_space<vmem>>) offsets(%dma_start3A_928 : memref<128xi32, #tpu.memory_space<vmem>>) semaphore(%arg9 : memref<!tpu.dma_semaphore, #tpu.memory_space<semaphore_mem>>)
    %dma_wait3A_932 = arith.constant 2 : i32
    %dma_wait3A_933 = arith.constant 0 : i32
    %dma_wait3A_934 = arith.constant 0 : i32
    %dma_wait3A_935 = tpu.memref_slice %arg7[%dma_wait3A_932, %dma_wait3A_933, %dma_wait3A_934] : memref<3x128x128xf32, #tpu.memory_space<vmem>> -> memref<1x128x128xf32, #tpu.memory_space<vmem>>
    %dma_wait3A_936 = tpu.memref_squeeze %dma_wait3A_935 : memref<1x128x128xf32, #tpu.memory_space<vmem>> -> memref<128x128xf32, #tpu.memory_space<vmem>>
    %dma_wait3A_937 = arith.constant 512 : i32
    %dma_wait3A_938 = tpu.memref_slice %arg6[%dma_wait3A_937] : memref<2048xi32, #tpu.memory_space<vmem>> -> memref<128xi32, #tpu.memory_space<vmem>>
    %dma_wait3A_939 = arith.constant 0 : i32
    %dma_wait3A_940 = arith.constant 0 : i32
    %dma_wait3A_941 = tpu.memref_slice %arg8[%dma_wait3A_939, %dma_wait3A_940] : memref<8200x128xf32, #tpu.memory_space<vmem_shared>> -> memref<8200x128xf32, #tpu.memory_space<vmem_shared>>
    tpu.wait_indirect_dma semaphore(%arg9 : memref<!tpu.dma_semaphore, #tpu.memory_space<semaphore_mem>>) src(%dma_wait3A_941 : memref<8200x128xf32, #tpu.memory_space<vmem_shared>>) dst(%dma_wait3A_936 : memref<128x128xf32, #tpu.memory_space<vmem>>)
    %add3A_942 = arith.constant 512 : i32
    %add3A_943 = arith.addi %mul3A_0, %add3A_942 : i32
    %dma_start3A_944 = arith.constant 2 : i32
    %dma_start3A_945 = arith.constant 0 : i32
    %dma_start3A_946 = arith.constant 0 : i32
    %dma_start3A_947 = tpu.memref_slice %arg7[%dma_start3A_944, %dma_start3A_945, %dma_start3A_946] : memref<3x128x128xf32, #tpu.memory_space<vmem>> -> memref<1x128x128xf32, #tpu.memory_space<vmem>>
    %dma_start3A_948 = tpu.memref_squeeze %dma_start3A_947 : memref<1x128x128xf32, #tpu.memory_space<vmem>> -> memref<128x128xf32, #tpu.memory_space<vmem>>
    %dma_start3A_949 = tpu.memref_slice %arg5[%add3A_943, %add3A_709] : memref<32768x768xf32, #tpu.memory_space<hbm>> -> memref<128x128xf32, #tpu.memory_space<hbm>>
    %dma_start3A_950 = tpu.memref_slice %arg5[%add3A_943, %add3A_709] : memref<32768x768xf32, #tpu.memory_space<hbm>> -> memref<128x128xf32, #tpu.memory_space<hbm>>
    %dma_start3A_951 = arith.constant 0 : i32
    %dma_start3A_952 = arith.constant 0 : i32
    %dma_start3A_953 = tpu.memref_slice %arg7[%dma_start3A_944, %dma_start3A_951, %dma_start3A_952] : memref<3x128x128xf32, #tpu.memory_space<vmem>> -> memref<1x128x128xf32, #tpu.memory_space<vmem>>
    %dma_start3A_954 = tpu.memref_squeeze %dma_start3A_953 : memref<1x128x128xf32, #tpu.memory_space<vmem>> -> memref<128x128xf32, #tpu.memory_space<vmem>>
    tpu.enqueue_dma source(%dma_start3A_954 : memref<128x128xf32, #tpu.memory_space<vmem>>) target(%dma_start3A_950 : memref<128x128xf32, #tpu.memory_space<hbm>>) target_semaphore(%arg10 : memref<!tpu.dma_semaphore, #tpu.memory_space<semaphore_mem>>)
    %dma_wait3A_955 = arith.constant 1 : i32
    %dma_wait3A_956 = arith.constant 0 : i32
    %dma_wait3A_957 = arith.constant 0 : i32
    %dma_wait3A_958 = tpu.memref_slice %arg7[%dma_wait3A_955, %dma_wait3A_956, %dma_wait3A_957] : memref<3x128x128xf32, #tpu.memory_space<vmem>> -> memref<1x128x128xf32, #tpu.memory_space<vmem>>
    %dma_wait3A_959 = tpu.memref_squeeze %dma_wait3A_958 : memref<1x128x128xf32, #tpu.memory_space<vmem>> -> memref<128x128xf32, #tpu.memory_space<vmem>>
    %dma_wait3A_960 = tpu.memref_slice %arg5[%add3A_899, %add3A_709] : memref<32768x768xf32, #tpu.memory_space<hbm>> -> memref<128x128xf32, #tpu.memory_space<hbm>>
    %dma_wait3A_961 = tpu.memref_slice %arg5[%add3A_899, %add3A_709] : memref<32768x768xf32, #tpu.memory_space<hbm>> -> memref<128x128xf32, #tpu.memory_space<hbm>>
    %dma_wait3A_962 = arith.constant 0 : i32
    %dma_wait3A_963 = arith.constant 0 : i32
    %dma_wait3A_964 = tpu.memref_slice %arg7[%dma_wait3A_955, %dma_wait3A_962, %dma_wait3A_963] : memref<3x128x128xf32, #tpu.memory_space<vmem>> -> memref<1x128x128xf32, #tpu.memory_space<vmem>>
    %dma_wait3A_965 = tpu.memref_squeeze %dma_wait3A_964 : memref<1x128x128xf32, #tpu.memory_space<vmem>> -> memref<128x128xf32, #tpu.memory_space<vmem>>
    tpu.wait_dma2 semaphore(%arg10 : memref<!tpu.dma_semaphore, #tpu.memory_space<semaphore_mem>>) src(%dma_wait3A_965 : memref<128x128xf32, #tpu.memory_space<vmem>>) dst(%dma_wait3A_961 : memref<128x128xf32, #tpu.memory_space<hbm>>)
    %dma_start3A_966 = arith.constant 1 : i32
    %dma_start3A_967 = arith.constant 0 : i32
    %dma_start3A_968 = arith.constant 0 : i32
    %dma_start3A_969 = tpu.memref_slice %arg7[%dma_start3A_966, %dma_start3A_967, %dma_start3A_968] : memref<3x128x128xf32, #tpu.memory_space<vmem>> -> memref<1x128x128xf32, #tpu.memory_space<vmem>>
    %dma_start3A_970 = tpu.memref_squeeze %dma_start3A_969 : memref<1x128x128xf32, #tpu.memory_space<vmem>> -> memref<128x128xf32, #tpu.memory_space<vmem>>
    %dma_start3A_971 = arith.constant 768 : i32
    %dma_start3A_972 = tpu.memref_slice %arg6[%dma_start3A_971] : memref<2048xi32, #tpu.memory_space<vmem>> -> memref<128xi32, #tpu.memory_space<vmem>>
    %dma_start3A_973 = arith.constant 0 : i32
    %dma_start3A_974 = arith.constant 0 : i32
    %dma_start3A_975 = tpu.memref_slice %arg8[%dma_start3A_973, %dma_start3A_974] : memref<8200x128xf32, #tpu.memory_space<vmem_shared>> -> memref<8200x128xf32, #tpu.memory_space<vmem_shared>>
    tpu.enqueue_indirect_dma source(%dma_start3A_975 : memref<8200x128xf32, #tpu.memory_space<vmem_shared>>) target(%dma_start3A_970 : memref<128x128xf32, #tpu.memory_space<vmem>>) offsets(%dma_start3A_972 : memref<128xi32, #tpu.memory_space<vmem>>) semaphore(%arg9 : memref<!tpu.dma_semaphore, #tpu.memory_space<semaphore_mem>>)
    %dma_wait3A_976 = arith.constant 0 : i32
    %dma_wait3A_977 = arith.constant 0 : i32
    %dma_wait3A_978 = arith.constant 0 : i32
    %dma_wait3A_979 = tpu.memref_slice %arg7[%dma_wait3A_976, %dma_wait3A_977, %dma_wait3A_978] : memref<3x128x128xf32, #tpu.memory_space<vmem>> -> memref<1x128x128xf32, #tpu.memory_space<vmem>>
    %dma_wait3A_980 = tpu.memref_squeeze %dma_wait3A_979 : memref<1x128x128xf32, #tpu.memory_space<vmem>> -> memref<128x128xf32, #tpu.memory_space<vmem>>
    %dma_wait3A_981 = arith.constant 640 : i32
    %dma_wait3A_982 = tpu.memref_slice %arg6[%dma_wait3A_981] : memref<2048xi32, #tpu.memory_space<vmem>> -> memref<128xi32, #tpu.memory_space<vmem>>
    %dma_wait3A_983 = arith.constant 0 : i32
    %dma_wait3A_984 = arith.constant 0 : i32
    %dma_wait3A_985 = tpu.memref_slice %arg8[%dma_wait3A_983, %dma_wait3A_984] : memref<8200x128xf32, #tpu.memory_space<vmem_shared>> -> memref<8200x128xf32, #tpu.memory_space<vmem_shared>>
    tpu.wait_indirect_dma semaphore(%arg9 : memref<!tpu.dma_semaphore, #tpu.memory_space<semaphore_mem>>) src(%dma_wait3A_985 : memref<8200x128xf32, #tpu.memory_space<vmem_shared>>) dst(%dma_wait3A_980 : memref<128x128xf32, #tpu.memory_space<vmem>>)
    %add3A_986 = arith.constant 640 : i32
    %add3A_987 = arith.addi %mul3A_0, %add3A_986 : i32
    %dma_start3A_988 = arith.constant 0 : i32
    %dma_start3A_989 = arith.constant 0 : i32
    %dma_start3A_990 = arith.constant 0 : i32
    %dma_start3A_991 = tpu.memref_slice %arg7[%dma_start3A_988, %dma_start3A_989, %dma_start3A_990] : memref<3x128x128xf32, #tpu.memory_space<vmem>> -> memref<1x128x128xf32, #tpu.memory_space<vmem>>
    %dma_start3A_992 = tpu.memref_squeeze %dma_start3A_991 : memref<1x128x128xf32, #tpu.memory_space<vmem>> -> memref<128x128xf32, #tpu.memory_space<vmem>>
    %dma_start3A_993 = tpu.memref_slice %arg5[%add3A_987, %add3A_709] : memref<32768x768xf32, #tpu.memory_space<hbm>> -> memref<128x128xf32, #tpu.memory_space<hbm>>
    %dma_start3A_994 = tpu.memref_slice %arg5[%add3A_987, %add3A_709] : memref<32768x768xf32, #tpu.memory_space<hbm>> -> memref<128x128xf32, #tpu.memory_space<hbm>>
    %dma_start3A_995 = arith.constant 0 : i32
    %dma_start3A_996 = arith.constant 0 : i32
    %dma_start3A_997 = tpu.memref_slice %arg7[%dma_start3A_988, %dma_start3A_995, %dma_start3A_996] : memref<3x128x128xf32, #tpu.memory_space<vmem>> -> memref<1x128x128xf32, #tpu.memory_space<vmem>>
    %dma_start3A_998 = tpu.memref_squeeze %dma_start3A_997 : memref<1x128x128xf32, #tpu.memory_space<vmem>> -> memref<128x128xf32, #tpu.memory_space<vmem>>
    tpu.enqueue_dma source(%dma_start3A_998 : memref<128x128xf32, #tpu.memory_space<vmem>>) target(%dma_start3A_994 : memref<128x128xf32, #tpu.memory_space<hbm>>) target_semaphore(%arg10 : memref<!tpu.dma_semaphore, #tpu.memory_space<semaphore_mem>>)
    %dma_wait3A_999 = arith.constant 2 : i32
    %dma_wait3A_1000 = arith.constant 0 : i32
    %dma_wait3A_1001 = arith.constant 0 : i32
    %dma_wait3A_1002 = tpu.memref_slice %arg7[%dma_wait3A_999, %dma_wait3A_1000, %dma_wait3A_1001] : memref<3x128x128xf32, #tpu.memory_space<vmem>> -> memref<1x128x128xf32, #tpu.memory_space<vmem>>
    %dma_wait3A_1003 = tpu.memref_squeeze %dma_wait3A_1002 : memref<1x128x128xf32, #tpu.memory_space<vmem>> -> memref<128x128xf32, #tpu.memory_space<vmem>>
    %dma_wait3A_1004 = tpu.memref_slice %arg5[%add3A_943, %add3A_709] : memref<32768x768xf32, #tpu.memory_space<hbm>> -> memref<128x128xf32, #tpu.memory_space<hbm>>
    %dma_wait3A_1005 = tpu.memref_slice %arg5[%add3A_943, %add3A_709] : memref<32768x768xf32, #tpu.memory_space<hbm>> -> memref<128x128xf32, #tpu.memory_space<hbm>>
    %dma_wait3A_1006 = arith.constant 0 : i32
    %dma_wait3A_1007 = arith.constant 0 : i32
    %dma_wait3A_1008 = tpu.memref_slice %arg7[%dma_wait3A_999, %dma_wait3A_1006, %dma_wait3A_1007] : memref<3x128x128xf32, #tpu.memory_space<vmem>> -> memref<1x128x128xf32, #tpu.memory_space<vmem>>
    %dma_wait3A_1009 = tpu.memref_squeeze %dma_wait3A_1008 : memref<1x128x128xf32, #tpu.memory_space<vmem>> -> memref<128x128xf32, #tpu.memory_space<vmem>>
    tpu.wait_dma2 semaphore(%arg10 : memref<!tpu.dma_semaphore, #tpu.memory_space<semaphore_mem>>) src(%dma_wait3A_1009 : memref<128x128xf32, #tpu.memory_space<vmem>>) dst(%dma_wait3A_1005 : memref<128x128xf32, #tpu.memory_space<hbm>>)
    %dma_start3A_1010 = arith.constant 2 : i32
    %dma_start3A_1011 = arith.constant 0 : i32
    %dma_start3A_1012 = arith.constant 0 : i32
    %dma_start3A_1013 = tpu.memref_slice %arg7[%dma_start3A_1010, %dma_start3A_1011, %dma_start3A_1012] : memref<3x128x128xf32, #tpu.memory_space<vmem>> -> memref<1x128x128xf32, #tpu.memory_space<vmem>>
    %dma_start3A_1014 = tpu.memref_squeeze %dma_start3A_1013 : memref<1x128x128xf32, #tpu.memory_space<vmem>> -> memref<128x128xf32, #tpu.memory_space<vmem>>
    %dma_start3A_1015 = arith.constant 896 : i32
    %dma_start3A_1016 = tpu.memref_slice %arg6[%dma_start3A_1015] : memref<2048xi32, #tpu.memory_space<vmem>> -> memref<128xi32, #tpu.memory_space<vmem>>
    %dma_start3A_1017 = arith.constant 0 : i32
    %dma_start3A_1018 = arith.constant 0 : i32
    %dma_start3A_1019 = tpu.memref_slice %arg8[%dma_start3A_1017, %dma_start3A_1018] : memref<8200x128xf32, #tpu.memory_space<vmem_shared>> -> memref<8200x128xf32, #tpu.memory_space<vmem_shared>>
    tpu.enqueue_indirect_dma source(%dma_start3A_1019 : memref<8200x128xf32, #tpu.memory_space<vmem_shared>>) target(%dma_start3A_1014 : memref<128x128xf32, #tpu.memory_space<vmem>>) offsets(%dma_start3A_1016 : memref<128xi32, #tpu.memory_space<vmem>>) semaphore(%arg9 : memref<!tpu.dma_semaphore, #tpu.memory_space<semaphore_mem>>)
    %dma_wait3A_1020 = arith.constant 1 : i32
    %dma_wait3A_1021 = arith.constant 0 : i32
    %dma_wait3A_1022 = arith.constant 0 : i32
    %dma_wait3A_1023 = tpu.memref_slice %arg7[%dma_wait3A_1020, %dma_wait3A_1021, %dma_wait3A_1022] : memref<3x128x128xf32, #tpu.memory_space<vmem>> -> memref<1x128x128xf32, #tpu.memory_space<vmem>>
    %dma_wait3A_1024 = tpu.memref_squeeze %dma_wait3A_1023 : memref<1x128x128xf32, #tpu.memory_space<vmem>> -> memref<128x128xf32, #tpu.memory_space<vmem>>
    %dma_wait3A_1025 = arith.constant 768 : i32
    %dma_wait3A_1026 = tpu.memref_slice %arg6[%dma_wait3A_1025] : memref<2048xi32, #tpu.memory_space<vmem>> -> memref<128xi32, #tpu.memory_space<vmem>>
    %dma_wait3A_1027 = arith.constant 0 : i32
    %dma_wait3A_1028 = arith.constant 0 : i32
    %dma_wait3A_1029 = tpu.memref_slice %arg8[%dma_wait3A_1027, %dma_wait3A_1028] : memref<8200x128xf32, #tpu.memory_space<vmem_shared>> -> memref<8200x128xf32, #tpu.memory_space<vmem_shared>>
    tpu.wait_indirect_dma semaphore(%arg9 : memref<!tpu.dma_semaphore, #tpu.memory_space<semaphore_mem>>) src(%dma_wait3A_1029 : memref<8200x128xf32, #tpu.memory_space<vmem_shared>>) dst(%dma_wait3A_1024 : memref<128x128xf32, #tpu.memory_space<vmem>>)
    %add3A_1030 = arith.constant 768 : i32
    %add3A_1031 = arith.addi %mul3A_0, %add3A_1030 : i32
    %dma_start3A_1032 = arith.constant 1 : i32
    %dma_start3A_1033 = arith.constant 0 : i32
    %dma_start3A_1034 = arith.constant 0 : i32
    %dma_start3A_1035 = tpu.memref_slice %arg7[%dma_start3A_1032, %dma_start3A_1033, %dma_start3A_1034] : memref<3x128x128xf32, #tpu.memory_space<vmem>> -> memref<1x128x128xf32, #tpu.memory_space<vmem>>
    %dma_start3A_1036 = tpu.memref_squeeze %dma_start3A_1035 : memref<1x128x128xf32, #tpu.memory_space<vmem>> -> memref<128x128xf32, #tpu.memory_space<vmem>>
    %dma_start3A_1037 = tpu.memref_slice %arg5[%add3A_1031, %add3A_709] : memref<32768x768xf32, #tpu.memory_space<hbm>> -> memref<128x128xf32, #tpu.memory_space<hbm>>
    %dma_start3A_1038 = tpu.memref_slice %arg5[%add3A_1031, %add3A_709] : memref<32768x768xf32, #tpu.memory_space<hbm>> -> memref<128x128xf32, #tpu.memory_space<hbm>>
    %dma_start3A_1039 = arith.constant 0 : i32
    %dma_start3A_1040 = arith.constant 0 : i32
    %dma_start3A_1041 = tpu.memref_slice %arg7[%dma_start3A_1032, %dma_start3A_1039, %dma_start3A_1040] : memref<3x128x128xf32, #tpu.memory_space<vmem>> -> memref<1x128x128xf32, #tpu.memory_space<vmem>>
    %dma_start3A_1042 = tpu.memref_squeeze %dma_start3A_1041 : memref<1x128x128xf32, #tpu.memory_space<vmem>> -> memref<128x128xf32, #tpu.memory_space<vmem>>
    tpu.enqueue_dma source(%dma_start3A_1042 : memref<128x128xf32, #tpu.memory_space<vmem>>) target(%dma_start3A_1038 : memref<128x128xf32, #tpu.memory_space<hbm>>) target_semaphore(%arg10 : memref<!tpu.dma_semaphore, #tpu.memory_space<semaphore_mem>>)
    %dma_wait3A_1043 = arith.constant 0 : i32
    %dma_wait3A_1044 = arith.constant 0 : i32
    %dma_wait3A_1045 = arith.constant 0 : i32
    %dma_wait3A_1046 = tpu.memref_slice %arg7[%dma_wait3A_1043, %dma_wait3A_1044, %dma_wait3A_1045] : memref<3x128x128xf32, #tpu.memory_space<vmem>> -> memref<1x128x128xf32, #tpu.memory_space<vmem>>
    %dma_wait3A_1047 = tpu.memref_squeeze %dma_wait3A_1046 : memref<1x128x128xf32, #tpu.memory_space<vmem>> -> memref<128x128xf32, #tpu.memory_space<vmem>>
    %dma_wait3A_1048 = tpu.memref_slice %arg5[%add3A_987, %add3A_709] : memref<32768x768xf32, #tpu.memory_space<hbm>> -> memref<128x128xf32, #tpu.memory_space<hbm>>
    %dma_wait3A_1049 = tpu.memref_slice %arg5[%add3A_987, %add3A_709] : memref<32768x768xf32, #tpu.memory_space<hbm>> -> memref<128x128xf32, #tpu.memory_space<hbm>>
    %dma_wait3A_1050 = arith.constant 0 : i32
    %dma_wait3A_1051 = arith.constant 0 : i32
    %dma_wait3A_1052 = tpu.memref_slice %arg7[%dma_wait3A_1043, %dma_wait3A_1050, %dma_wait3A_1051] : memref<3x128x128xf32, #tpu.memory_space<vmem>> -> memref<1x128x128xf32, #tpu.memory_space<vmem>>
    %dma_wait3A_1053 = tpu.memref_squeeze %dma_wait3A_1052 : memref<1x128x128xf32, #tpu.memory_space<vmem>> -> memref<128x128xf32, #tpu.memory_space<vmem>>
    tpu.wait_dma2 semaphore(%arg10 : memref<!tpu.dma_semaphore, #tpu.memory_space<semaphore_mem>>) src(%dma_wait3A_1053 : memref<128x128xf32, #tpu.memory_space<vmem>>) dst(%dma_wait3A_1049 : memref<128x128xf32, #tpu.memory_space<hbm>>)
    %dma_start3A_1054 = arith.constant 0 : i32
    %dma_start3A_1055 = arith.constant 0 : i32
    %dma_start3A_1056 = arith.constant 0 : i32
    %dma_start3A_1057 = tpu.memref_slice %arg7[%dma_start3A_1054, %dma_start3A_1055, %dma_start3A_1056] : memref<3x128x128xf32, #tpu.memory_space<vmem>> -> memref<1x128x128xf32, #tpu.memory_space<vmem>>
    %dma_start3A_1058 = tpu.memref_squeeze %dma_start3A_1057 : memref<1x128x128xf32, #tpu.memory_space<vmem>> -> memref<128x128xf32, #tpu.memory_space<vmem>>
    %dma_start3A_1059 = arith.constant 1024 : i32
    %dma_start3A_1060 = tpu.memref_slice %arg6[%dma_start3A_1059] : memref<2048xi32, #tpu.memory_space<vmem>> -> memref<128xi32, #tpu.memory_space<vmem>>
    %dma_start3A_1061 = arith.constant 0 : i32
    %dma_start3A_1062 = arith.constant 0 : i32
    %dma_start3A_1063 = tpu.memref_slice %arg8[%dma_start3A_1061, %dma_start3A_1062] : memref<8200x128xf32, #tpu.memory_space<vmem_shared>> -> memref<8200x128xf32, #tpu.memory_space<vmem_shared>>
    tpu.enqueue_indirect_dma source(%dma_start3A_1063 : memref<8200x128xf32, #tpu.memory_space<vmem_shared>>) target(%dma_start3A_1058 : memref<128x128xf32, #tpu.memory_space<vmem>>) offsets(%dma_start3A_1060 : memref<128xi32, #tpu.memory_space<vmem>>) semaphore(%arg9 : memref<!tpu.dma_semaphore, #tpu.memory_space<semaphore_mem>>)
    %dma_wait3A_1064 = arith.constant 2 : i32
    %dma_wait3A_1065 = arith.constant 0 : i32
    %dma_wait3A_1066 = arith.constant 0 : i32
    %dma_wait3A_1067 = tpu.memref_slice %arg7[%dma_wait3A_1064, %dma_wait3A_1065, %dma_wait3A_1066] : memref<3x128x128xf32, #tpu.memory_space<vmem>> -> memref<1x128x128xf32, #tpu.memory_space<vmem>>
    %dma_wait3A_1068 = tpu.memref_squeeze %dma_wait3A_1067 : memref<1x128x128xf32, #tpu.memory_space<vmem>> -> memref<128x128xf32, #tpu.memory_space<vmem>>
    %dma_wait3A_1069 = arith.constant 896 : i32
    %dma_wait3A_1070 = tpu.memref_slice %arg6[%dma_wait3A_1069] : memref<2048xi32, #tpu.memory_space<vmem>> -> memref<128xi32, #tpu.memory_space<vmem>>
    %dma_wait3A_1071 = arith.constant 0 : i32
    %dma_wait3A_1072 = arith.constant 0 : i32
    %dma_wait3A_1073 = tpu.memref_slice %arg8[%dma_wait3A_1071, %dma_wait3A_1072] : memref<8200x128xf32, #tpu.memory_space<vmem_shared>> -> memref<8200x128xf32, #tpu.memory_space<vmem_shared>>
    tpu.wait_indirect_dma semaphore(%arg9 : memref<!tpu.dma_semaphore, #tpu.memory_space<semaphore_mem>>) src(%dma_wait3A_1073 : memref<8200x128xf32, #tpu.memory_space<vmem_shared>>) dst(%dma_wait3A_1068 : memref<128x128xf32, #tpu.memory_space<vmem>>)
    %add3A_1074 = arith.constant 896 : i32
    %add3A_1075 = arith.addi %mul3A_0, %add3A_1074 : i32
    %dma_start3A_1076 = arith.constant 2 : i32
    %dma_start3A_1077 = arith.constant 0 : i32
    %dma_start3A_1078 = arith.constant 0 : i32
    %dma_start3A_1079 = tpu.memref_slice %arg7[%dma_start3A_1076, %dma_start3A_1077, %dma_start3A_1078] : memref<3x128x128xf32, #tpu.memory_space<vmem>> -> memref<1x128x128xf32, #tpu.memory_space<vmem>>
    %dma_start3A_1080 = tpu.memref_squeeze %dma_start3A_1079 : memref<1x128x128xf32, #tpu.memory_space<vmem>> -> memref<128x128xf32, #tpu.memory_space<vmem>>
    %dma_start3A_1081 = tpu.memref_slice %arg5[%add3A_1075, %add3A_709] : memref<32768x768xf32, #tpu.memory_space<hbm>> -> memref<128x128xf32, #tpu.memory_space<hbm>>
    %dma_start3A_1082 = tpu.memref_slice %arg5[%add3A_1075, %add3A_709] : memref<32768x768xf32, #tpu.memory_space<hbm>> -> memref<128x128xf32, #tpu.memory_space<hbm>>
    %dma_start3A_1083 = arith.constant 0 : i32
    %dma_start3A_1084 = arith.constant 0 : i32
    %dma_start3A_1085 = tpu.memref_slice %arg7[%dma_start3A_1076, %dma_start3A_1083, %dma_start3A_1084] : memref<3x128x128xf32, #tpu.memory_space<vmem>> -> memref<1x128x128xf32, #tpu.memory_space<vmem>>
    %dma_start3A_1086 = tpu.memref_squeeze %dma_start3A_1085 : memref<1x128x128xf32, #tpu.memory_space<vmem>> -> memref<128x128xf32, #tpu.memory_space<vmem>>
    tpu.enqueue_dma source(%dma_start3A_1086 : memref<128x128xf32, #tpu.memory_space<vmem>>) target(%dma_start3A_1082 : memref<128x128xf32, #tpu.memory_space<hbm>>) target_semaphore(%arg10 : memref<!tpu.dma_semaphore, #tpu.memory_space<semaphore_mem>>)
    %dma_wait3A_1087 = arith.constant 1 : i32
    %dma_wait3A_1088 = arith.constant 0 : i32
    %dma_wait3A_1089 = arith.constant 0 : i32
    %dma_wait3A_1090 = tpu.memref_slice %arg7[%dma_wait3A_1087, %dma_wait3A_1088, %dma_wait3A_1089] : memref<3x128x128xf32, #tpu.memory_space<vmem>> -> memref<1x128x128xf32, #tpu.memory_space<vmem>>
    %dma_wait3A_1091 = tpu.memref_squeeze %dma_wait3A_1090 : memref<1x128x128xf32, #tpu.memory_space<vmem>> -> memref<128x128xf32, #tpu.memory_space<vmem>>
    %dma_wait3A_1092 = tpu.memref_slice %arg5[%add3A_1031, %add3A_709] : memref<32768x768xf32, #tpu.memory_space<hbm>> -> memref<128x128xf32, #tpu.memory_space<hbm>>
    %dma_wait3A_1093 = tpu.memref_slice %arg5[%add3A_1031, %add3A_709] : memref<32768x768xf32, #tpu.memory_space<hbm>> -> memref<128x128xf32, #tpu.memory_space<hbm>>
    %dma_wait3A_1094 = arith.constant 0 : i32
    %dma_wait3A_1095 = arith.constant 0 : i32
    %dma_wait3A_1096 = tpu.memref_slice %arg7[%dma_wait3A_1087, %dma_wait3A_1094, %dma_wait3A_1095] : memref<3x128x128xf32, #tpu.memory_space<vmem>> -> memref<1x128x128xf32, #tpu.memory_space<vmem>>
    %dma_wait3A_1097 = tpu.memref_squeeze %dma_wait3A_1096 : memref<1x128x128xf32, #tpu.memory_space<vmem>> -> memref<128x128xf32, #tpu.memory_space<vmem>>
    tpu.wait_dma2 semaphore(%arg10 : memref<!tpu.dma_semaphore, #tpu.memory_space<semaphore_mem>>) src(%dma_wait3A_1097 : memref<128x128xf32, #tpu.memory_space<vmem>>) dst(%dma_wait3A_1093 : memref<128x128xf32, #tpu.memory_space<hbm>>)
    %dma_start3A_1098 = arith.constant 1 : i32
    %dma_start3A_1099 = arith.constant 0 : i32
    %dma_start3A_1100 = arith.constant 0 : i32
    %dma_start3A_1101 = tpu.memref_slice %arg7[%dma_start3A_1098, %dma_start3A_1099, %dma_start3A_1100] : memref<3x128x128xf32, #tpu.memory_space<vmem>> -> memref<1x128x128xf32, #tpu.memory_space<vmem>>
    %dma_start3A_1102 = tpu.memref_squeeze %dma_start3A_1101 : memref<1x128x128xf32, #tpu.memory_space<vmem>> -> memref<128x128xf32, #tpu.memory_space<vmem>>
    %dma_start3A_1103 = arith.constant 1152 : i32
    %dma_start3A_1104 = tpu.memref_slice %arg6[%dma_start3A_1103] : memref<2048xi32, #tpu.memory_space<vmem>> -> memref<128xi32, #tpu.memory_space<vmem>>
    %dma_start3A_1105 = arith.constant 0 : i32
    %dma_start3A_1106 = arith.constant 0 : i32
    %dma_start3A_1107 = tpu.memref_slice %arg8[%dma_start3A_1105, %dma_start3A_1106] : memref<8200x128xf32, #tpu.memory_space<vmem_shared>> -> memref<8200x128xf32, #tpu.memory_space<vmem_shared>>
    tpu.enqueue_indirect_dma source(%dma_start3A_1107 : memref<8200x128xf32, #tpu.memory_space<vmem_shared>>) target(%dma_start3A_1102 : memref<128x128xf32, #tpu.memory_space<vmem>>) offsets(%dma_start3A_1104 : memref<128xi32, #tpu.memory_space<vmem>>) semaphore(%arg9 : memref<!tpu.dma_semaphore, #tpu.memory_space<semaphore_mem>>)
    %dma_wait3A_1108 = arith.constant 0 : i32
    %dma_wait3A_1109 = arith.constant 0 : i32
    %dma_wait3A_1110 = arith.constant 0 : i32
    %dma_wait3A_1111 = tpu.memref_slice %arg7[%dma_wait3A_1108, %dma_wait3A_1109, %dma_wait3A_1110] : memref<3x128x128xf32, #tpu.memory_space<vmem>> -> memref<1x128x128xf32, #tpu.memory_space<vmem>>
    %dma_wait3A_1112 = tpu.memref_squeeze %dma_wait3A_1111 : memref<1x128x128xf32, #tpu.memory_space<vmem>> -> memref<128x128xf32, #tpu.memory_space<vmem>>
    %dma_wait3A_1113 = arith.constant 1024 : i32
    %dma_wait3A_1114 = tpu.memref_slice %arg6[%dma_wait3A_1113] : memref<2048xi32, #tpu.memory_space<vmem>> -> memref<128xi32, #tpu.memory_space<vmem>>
    %dma_wait3A_1115 = arith.constant 0 : i32
    %dma_wait3A_1116 = arith.constant 0 : i32
    %dma_wait3A_1117 = tpu.memref_slice %arg8[%dma_wait3A_1115, %dma_wait3A_1116] : memref<8200x128xf32, #tpu.memory_space<vmem_shared>> -> memref<8200x128xf32, #tpu.memory_space<vmem_shared>>
    tpu.wait_indirect_dma semaphore(%arg9 : memref<!tpu.dma_semaphore, #tpu.memory_space<semaphore_mem>>) src(%dma_wait3A_1117 : memref<8200x128xf32, #tpu.memory_space<vmem_shared>>) dst(%dma_wait3A_1112 : memref<128x128xf32, #tpu.memory_space<vmem>>)
    %add3A_1118 = arith.constant 1024 : i32
    %add3A_1119 = arith.addi %mul3A_0, %add3A_1118 : i32
    %dma_start3A_1120 = arith.constant 0 : i32
    %dma_start3A_1121 = arith.constant 0 : i32
    %dma_start3A_1122 = arith.constant 0 : i32
    %dma_start3A_1123 = tpu.memref_slice %arg7[%dma_start3A_1120, %dma_start3A_1121, %dma_start3A_1122] : memref<3x128x128xf32, #tpu.memory_space<vmem>> -> memref<1x128x128xf32, #tpu.memory_space<vmem>>
    %dma_start3A_1124 = tpu.memref_squeeze %dma_start3A_1123 : memref<1x128x128xf32, #tpu.memory_space<vmem>> -> memref<128x128xf32, #tpu.memory_space<vmem>>
    %dma_start3A_1125 = tpu.memref_slice %arg5[%add3A_1119, %add3A_709] : memref<32768x768xf32, #tpu.memory_space<hbm>> -> memref<128x128xf32, #tpu.memory_space<hbm>>
    %dma_start3A_1126 = tpu.memref_slice %arg5[%add3A_1119, %add3A_709] : memref<32768x768xf32, #tpu.memory_space<hbm>> -> memref<128x128xf32, #tpu.memory_space<hbm>>
    %dma_start3A_1127 = arith.constant 0 : i32
    %dma_start3A_1128 = arith.constant 0 : i32
    %dma_start3A_1129 = tpu.memref_slice %arg7[%dma_start3A_1120, %dma_start3A_1127, %dma_start3A_1128] : memref<3x128x128xf32, #tpu.memory_space<vmem>> -> memref<1x128x128xf32, #tpu.memory_space<vmem>>
    %dma_start3A_1130 = tpu.memref_squeeze %dma_start3A_1129 : memref<1x128x128xf32, #tpu.memory_space<vmem>> -> memref<128x128xf32, #tpu.memory_space<vmem>>
    tpu.enqueue_dma source(%dma_start3A_1130 : memref<128x128xf32, #tpu.memory_space<vmem>>) target(%dma_start3A_1126 : memref<128x128xf32, #tpu.memory_space<hbm>>) target_semaphore(%arg10 : memref<!tpu.dma_semaphore, #tpu.memory_space<semaphore_mem>>)
    %dma_wait3A_1131 = arith.constant 2 : i32
    %dma_wait3A_1132 = arith.constant 0 : i32
    %dma_wait3A_1133 = arith.constant 0 : i32
    %dma_wait3A_1134 = tpu.memref_slice %arg7[%dma_wait3A_1131, %dma_wait3A_1132, %dma_wait3A_1133] : memref<3x128x128xf32, #tpu.memory_space<vmem>> -> memref<1x128x128xf32, #tpu.memory_space<vmem>>
    %dma_wait3A_1135 = tpu.memref_squeeze %dma_wait3A_1134 : memref<1x128x128xf32, #tpu.memory_space<vmem>> -> memref<128x128xf32, #tpu.memory_space<vmem>>
    %dma_wait3A_1136 = tpu.memref_slice %arg5[%add3A_1075, %add3A_709] : memref<32768x768xf32, #tpu.memory_space<hbm>> -> memref<128x128xf32, #tpu.memory_space<hbm>>
    %dma_wait3A_1137 = tpu.memref_slice %arg5[%add3A_1075, %add3A_709] : memref<32768x768xf32, #tpu.memory_space<hbm>> -> memref<128x128xf32, #tpu.memory_space<hbm>>
    %dma_wait3A_1138 = arith.constant 0 : i32
    %dma_wait3A_1139 = arith.constant 0 : i32
    %dma_wait3A_1140 = tpu.memref_slice %arg7[%dma_wait3A_1131, %dma_wait3A_1138, %dma_wait3A_1139] : memref<3x128x128xf32, #tpu.memory_space<vmem>> -> memref<1x128x128xf32, #tpu.memory_space<vmem>>
    %dma_wait3A_1141 = tpu.memref_squeeze %dma_wait3A_1140 : memref<1x128x128xf32, #tpu.memory_space<vmem>> -> memref<128x128xf32, #tpu.memory_space<vmem>>
    tpu.wait_dma2 semaphore(%arg10 : memref<!tpu.dma_semaphore, #tpu.memory_space<semaphore_mem>>) src(%dma_wait3A_1141 : memref<128x128xf32, #tpu.memory_space<vmem>>) dst(%dma_wait3A_1137 : memref<128x128xf32, #tpu.memory_space<hbm>>)
    %dma_start3A_1142 = arith.constant 2 : i32
    %dma_start3A_1143 = arith.constant 0 : i32
    %dma_start3A_1144 = arith.constant 0 : i32
    %dma_start3A_1145 = tpu.memref_slice %arg7[%dma_start3A_1142, %dma_start3A_1143, %dma_start3A_1144] : memref<3x128x128xf32, #tpu.memory_space<vmem>> -> memref<1x128x128xf32, #tpu.memory_space<vmem>>
    %dma_start3A_1146 = tpu.memref_squeeze %dma_start3A_1145 : memref<1x128x128xf32, #tpu.memory_space<vmem>> -> memref<128x128xf32, #tpu.memory_space<vmem>>
    %dma_start3A_1147 = arith.constant 1280 : i32
    %dma_start3A_1148 = tpu.memref_slice %arg6[%dma_start3A_1147] : memref<2048xi32, #tpu.memory_space<vmem>> -> memref<128xi32, #tpu.memory_space<vmem>>
    %dma_start3A_1149 = arith.constant 0 : i32
    %dma_start3A_1150 = arith.constant 0 : i32
    %dma_start3A_1151 = tpu.memref_slice %arg8[%dma_start3A_1149, %dma_start3A_1150] : memref<8200x128xf32, #tpu.memory_space<vmem_shared>> -> memref<8200x128xf32, #tpu.memory_space<vmem_shared>>
    tpu.enqueue_indirect_dma source(%dma_start3A_1151 : memref<8200x128xf32, #tpu.memory_space<vmem_shared>>) target(%dma_start3A_1146 : memref<128x128xf32, #tpu.memory_space<vmem>>) offsets(%dma_start3A_1148 : memref<128xi32, #tpu.memory_space<vmem>>) semaphore(%arg9 : memref<!tpu.dma_semaphore, #tpu.memory_space<semaphore_mem>>)
    %dma_wait3A_1152 = arith.constant 1 : i32
    %dma_wait3A_1153 = arith.constant 0 : i32
    %dma_wait3A_1154 = arith.constant 0 : i32
    %dma_wait3A_1155 = tpu.memref_slice %arg7[%dma_wait3A_1152, %dma_wait3A_1153, %dma_wait3A_1154] : memref<3x128x128xf32, #tpu.memory_space<vmem>> -> memref<1x128x128xf32, #tpu.memory_space<vmem>>
    %dma_wait3A_1156 = tpu.memref_squeeze %dma_wait3A_1155 : memref<1x128x128xf32, #tpu.memory_space<vmem>> -> memref<128x128xf32, #tpu.memory_space<vmem>>
    %dma_wait3A_1157 = arith.constant 1152 : i32
    %dma_wait3A_1158 = tpu.memref_slice %arg6[%dma_wait3A_1157] : memref<2048xi32, #tpu.memory_space<vmem>> -> memref<128xi32, #tpu.memory_space<vmem>>
    %dma_wait3A_1159 = arith.constant 0 : i32
    %dma_wait3A_1160 = arith.constant 0 : i32
    %dma_wait3A_1161 = tpu.memref_slice %arg8[%dma_wait3A_1159, %dma_wait3A_1160] : memref<8200x128xf32, #tpu.memory_space<vmem_shared>> -> memref<8200x128xf32, #tpu.memory_space<vmem_shared>>
    tpu.wait_indirect_dma semaphore(%arg9 : memref<!tpu.dma_semaphore, #tpu.memory_space<semaphore_mem>>) src(%dma_wait3A_1161 : memref<8200x128xf32, #tpu.memory_space<vmem_shared>>) dst(%dma_wait3A_1156 : memref<128x128xf32, #tpu.memory_space<vmem>>)
    %add3A_1162 = arith.constant 1152 : i32
    %add3A_1163 = arith.addi %mul3A_0, %add3A_1162 : i32
    %dma_start3A_1164 = arith.constant 1 : i32
    %dma_start3A_1165 = arith.constant 0 : i32
    %dma_start3A_1166 = arith.constant 0 : i32
    %dma_start3A_1167 = tpu.memref_slice %arg7[%dma_start3A_1164, %dma_start3A_1165, %dma_start3A_1166] : memref<3x128x128xf32, #tpu.memory_space<vmem>> -> memref<1x128x128xf32, #tpu.memory_space<vmem>>
    %dma_start3A_1168 = tpu.memref_squeeze %dma_start3A_1167 : memref<1x128x128xf32, #tpu.memory_space<vmem>> -> memref<128x128xf32, #tpu.memory_space<vmem>>
    %dma_start3A_1169 = tpu.memref_slice %arg5[%add3A_1163, %add3A_709] : memref<32768x768xf32, #tpu.memory_space<hbm>> -> memref<128x128xf32, #tpu.memory_space<hbm>>
    %dma_start3A_1170 = tpu.memref_slice %arg5[%add3A_1163, %add3A_709] : memref<32768x768xf32, #tpu.memory_space<hbm>> -> memref<128x128xf32, #tpu.memory_space<hbm>>
    %dma_start3A_1171 = arith.constant 0 : i32
    %dma_start3A_1172 = arith.constant 0 : i32
    %dma_start3A_1173 = tpu.memref_slice %arg7[%dma_start3A_1164, %dma_start3A_1171, %dma_start3A_1172] : memref<3x128x128xf32, #tpu.memory_space<vmem>> -> memref<1x128x128xf32, #tpu.memory_space<vmem>>
    %dma_start3A_1174 = tpu.memref_squeeze %dma_start3A_1173 : memref<1x128x128xf32, #tpu.memory_space<vmem>> -> memref<128x128xf32, #tpu.memory_space<vmem>>
    tpu.enqueue_dma source(%dma_start3A_1174 : memref<128x128xf32, #tpu.memory_space<vmem>>) target(%dma_start3A_1170 : memref<128x128xf32, #tpu.memory_space<hbm>>) target_semaphore(%arg10 : memref<!tpu.dma_semaphore, #tpu.memory_space<semaphore_mem>>)
    %dma_wait3A_1175 = arith.constant 0 : i32
    %dma_wait3A_1176 = arith.constant 0 : i32
    %dma_wait3A_1177 = arith.constant 0 : i32
    %dma_wait3A_1178 = tpu.memref_slice %arg7[%dma_wait3A_1175, %dma_wait3A_1176, %dma_wait3A_1177] : memref<3x128x128xf32, #tpu.memory_space<vmem>> -> memref<1x128x128xf32, #tpu.memory_space<vmem>>
    %dma_wait3A_1179 = tpu.memref_squeeze %dma_wait3A_1178 : memref<1x128x128xf32, #tpu.memory_space<vmem>> -> memref<128x128xf32, #tpu.memory_space<vmem>>
    %dma_wait3A_1180 = tpu.memref_slice %arg5[%add3A_1119, %add3A_709] : memref<32768x768xf32, #tpu.memory_space<hbm>> -> memref<128x128xf32, #tpu.memory_space<hbm>>
    %dma_wait3A_1181 = tpu.memref_slice %arg5[%add3A_1119, %add3A_709] : memref<32768x768xf32, #tpu.memory_space<hbm>> -> memref<128x128xf32, #tpu.memory_space<hbm>>
    %dma_wait3A_1182 = arith.constant 0 : i32
    %dma_wait3A_1183 = arith.constant 0 : i32
    %dma_wait3A_1184 = tpu.memref_slice %arg7[%dma_wait3A_1175, %dma_wait3A_1182, %dma_wait3A_1183] : memref<3x128x128xf32, #tpu.memory_space<vmem>> -> memref<1x128x128xf32, #tpu.memory_space<vmem>>
    %dma_wait3A_1185 = tpu.memref_squeeze %dma_wait3A_1184 : memref<1x128x128xf32, #tpu.memory_space<vmem>> -> memref<128x128xf32, #tpu.memory_space<vmem>>
    tpu.wait_dma2 semaphore(%arg10 : memref<!tpu.dma_semaphore, #tpu.memory_space<semaphore_mem>>) src(%dma_wait3A_1185 : memref<128x128xf32, #tpu.memory_space<vmem>>) dst(%dma_wait3A_1181 : memref<128x128xf32, #tpu.memory_space<hbm>>)
    %dma_start3A_1186 = arith.constant 0 : i32
    %dma_start3A_1187 = arith.constant 0 : i32
    %dma_start3A_1188 = arith.constant 0 : i32
    %dma_start3A_1189 = tpu.memref_slice %arg7[%dma_start3A_1186, %dma_start3A_1187, %dma_start3A_1188] : memref<3x128x128xf32, #tpu.memory_space<vmem>> -> memref<1x128x128xf32, #tpu.memory_space<vmem>>
    %dma_start3A_1190 = tpu.memref_squeeze %dma_start3A_1189 : memref<1x128x128xf32, #tpu.memory_space<vmem>> -> memref<128x128xf32, #tpu.memory_space<vmem>>
    %dma_start3A_1191 = arith.constant 1408 : i32
    %dma_start3A_1192 = tpu.memref_slice %arg6[%dma_start3A_1191] : memref<2048xi32, #tpu.memory_space<vmem>> -> memref<128xi32, #tpu.memory_space<vmem>>
    %dma_start3A_1193 = arith.constant 0 : i32
    %dma_start3A_1194 = arith.constant 0 : i32
    %dma_start3A_1195 = tpu.memref_slice %arg8[%dma_start3A_1193, %dma_start3A_1194] : memref<8200x128xf32, #tpu.memory_space<vmem_shared>> -> memref<8200x128xf32, #tpu.memory_space<vmem_shared>>
    tpu.enqueue_indirect_dma source(%dma_start3A_1195 : memref<8200x128xf32, #tpu.memory_space<vmem_shared>>) target(%dma_start3A_1190 : memref<128x128xf32, #tpu.memory_space<vmem>>) offsets(%dma_start3A_1192 : memref<128xi32, #tpu.memory_space<vmem>>) semaphore(%arg9 : memref<!tpu.dma_semaphore, #tpu.memory_space<semaphore_mem>>)
    %dma_wait3A_1196 = arith.constant 2 : i32
    %dma_wait3A_1197 = arith.constant 0 : i32
    %dma_wait3A_1198 = arith.constant 0 : i32
    %dma_wait3A_1199 = tpu.memref_slice %arg7[%dma_wait3A_1196, %dma_wait3A_1197, %dma_wait3A_1198] : memref<3x128x128xf32, #tpu.memory_space<vmem>> -> memref<1x128x128xf32, #tpu.memory_space<vmem>>
    %dma_wait3A_1200 = tpu.memref_squeeze %dma_wait3A_1199 : memref<1x128x128xf32, #tpu.memory_space<vmem>> -> memref<128x128xf32, #tpu.memory_space<vmem>>
    %dma_wait3A_1201 = arith.constant 1280 : i32
    %dma_wait3A_1202 = tpu.memref_slice %arg6[%dma_wait3A_1201] : memref<2048xi32, #tpu.memory_space<vmem>> -> memref<128xi32, #tpu.memory_space<vmem>>
    %dma_wait3A_1203 = arith.constant 0 : i32
    %dma_wait3A_1204 = arith.constant 0 : i32
    %dma_wait3A_1205 = tpu.memref_slice %arg8[%dma_wait3A_1203, %dma_wait3A_1204] : memref<8200x128xf32, #tpu.memory_space<vmem_shared>> -> memref<8200x128xf32, #tpu.memory_space<vmem_shared>>
    tpu.wait_indirect_dma semaphore(%arg9 : memref<!tpu.dma_semaphore, #tpu.memory_space<semaphore_mem>>) src(%dma_wait3A_1205 : memref<8200x128xf32, #tpu.memory_space<vmem_shared>>) dst(%dma_wait3A_1200 : memref<128x128xf32, #tpu.memory_space<vmem>>)
    %add3A_1206 = arith.constant 1280 : i32
    %add3A_1207 = arith.addi %mul3A_0, %add3A_1206 : i32
    %dma_start3A_1208 = arith.constant 2 : i32
    %dma_start3A_1209 = arith.constant 0 : i32
    %dma_start3A_1210 = arith.constant 0 : i32
    %dma_start3A_1211 = tpu.memref_slice %arg7[%dma_start3A_1208, %dma_start3A_1209, %dma_start3A_1210] : memref<3x128x128xf32, #tpu.memory_space<vmem>> -> memref<1x128x128xf32, #tpu.memory_space<vmem>>
    %dma_start3A_1212 = tpu.memref_squeeze %dma_start3A_1211 : memref<1x128x128xf32, #tpu.memory_space<vmem>> -> memref<128x128xf32, #tpu.memory_space<vmem>>
    %dma_start3A_1213 = tpu.memref_slice %arg5[%add3A_1207, %add3A_709] : memref<32768x768xf32, #tpu.memory_space<hbm>> -> memref<128x128xf32, #tpu.memory_space<hbm>>
    %dma_start3A_1214 = tpu.memref_slice %arg5[%add3A_1207, %add3A_709] : memref<32768x768xf32, #tpu.memory_space<hbm>> -> memref<128x128xf32, #tpu.memory_space<hbm>>
    %dma_start3A_1215 = arith.constant 0 : i32
    %dma_start3A_1216 = arith.constant 0 : i32
    %dma_start3A_1217 = tpu.memref_slice %arg7[%dma_start3A_1208, %dma_start3A_1215, %dma_start3A_1216] : memref<3x128x128xf32, #tpu.memory_space<vmem>> -> memref<1x128x128xf32, #tpu.memory_space<vmem>>
    %dma_start3A_1218 = tpu.memref_squeeze %dma_start3A_1217 : memref<1x128x128xf32, #tpu.memory_space<vmem>> -> memref<128x128xf32, #tpu.memory_space<vmem>>
    tpu.enqueue_dma source(%dma_start3A_1218 : memref<128x128xf32, #tpu.memory_space<vmem>>) target(%dma_start3A_1214 : memref<128x128xf32, #tpu.memory_space<hbm>>) target_semaphore(%arg10 : memref<!tpu.dma_semaphore, #tpu.memory_space<semaphore_mem>>)
    %dma_wait3A_1219 = arith.constant 1 : i32
    %dma_wait3A_1220 = arith.constant 0 : i32
    %dma_wait3A_1221 = arith.constant 0 : i32
    %dma_wait3A_1222 = tpu.memref_slice %arg7[%dma_wait3A_1219, %dma_wait3A_1220, %dma_wait3A_1221] : memref<3x128x128xf32, #tpu.memory_space<vmem>> -> memref<1x128x128xf32, #tpu.memory_space<vmem>>
    %dma_wait3A_1223 = tpu.memref_squeeze %dma_wait3A_1222 : memref<1x128x128xf32, #tpu.memory_space<vmem>> -> memref<128x128xf32, #tpu.memory_space<vmem>>
    %dma_wait3A_1224 = tpu.memref_slice %arg5[%add3A_1163, %add3A_709] : memref<32768x768xf32, #tpu.memory_space<hbm>> -> memref<128x128xf32, #tpu.memory_space<hbm>>
    %dma_wait3A_1225 = tpu.memref_slice %arg5[%add3A_1163, %add3A_709] : memref<32768x768xf32, #tpu.memory_space<hbm>> -> memref<128x128xf32, #tpu.memory_space<hbm>>
    %dma_wait3A_1226 = arith.constant 0 : i32
    %dma_wait3A_1227 = arith.constant 0 : i32
    %dma_wait3A_1228 = tpu.memref_slice %arg7[%dma_wait3A_1219, %dma_wait3A_1226, %dma_wait3A_1227] : memref<3x128x128xf32, #tpu.memory_space<vmem>> -> memref<1x128x128xf32, #tpu.memory_space<vmem>>
    %dma_wait3A_1229 = tpu.memref_squeeze %dma_wait3A_1228 : memref<1x128x128xf32, #tpu.memory_space<vmem>> -> memref<128x128xf32, #tpu.memory_space<vmem>>
    tpu.wait_dma2 semaphore(%arg10 : memref<!tpu.dma_semaphore, #tpu.memory_space<semaphore_mem>>) src(%dma_wait3A_1229 : memref<128x128xf32, #tpu.memory_space<vmem>>) dst(%dma_wait3A_1225 : memref<128x128xf32, #tpu.memory_space<hbm>>)
    %dma_start3A_1230 = arith.constant 1 : i32
    %dma_start3A_1231 = arith.constant 0 : i32
    %dma_start3A_1232 = arith.constant 0 : i32
    %dma_start3A_1233 = tpu.memref_slice %arg7[%dma_start3A_1230, %dma_start3A_1231, %dma_start3A_1232] : memref<3x128x128xf32, #tpu.memory_space<vmem>> -> memref<1x128x128xf32, #tpu.memory_space<vmem>>
    %dma_start3A_1234 = tpu.memref_squeeze %dma_start3A_1233 : memref<1x128x128xf32, #tpu.memory_space<vmem>> -> memref<128x128xf32, #tpu.memory_space<vmem>>
    %dma_start3A_1235 = arith.constant 1536 : i32
    %dma_start3A_1236 = tpu.memref_slice %arg6[%dma_start3A_1235] : memref<2048xi32, #tpu.memory_space<vmem>> -> memref<128xi32, #tpu.memory_space<vmem>>
    %dma_start3A_1237 = arith.constant 0 : i32
    %dma_start3A_1238 = arith.constant 0 : i32
    %dma_start3A_1239 = tpu.memref_slice %arg8[%dma_start3A_1237, %dma_start3A_1238] : memref<8200x128xf32, #tpu.memory_space<vmem_shared>> -> memref<8200x128xf32, #tpu.memory_space<vmem_shared>>
    tpu.enqueue_indirect_dma source(%dma_start3A_1239 : memref<8200x128xf32, #tpu.memory_space<vmem_shared>>) target(%dma_start3A_1234 : memref<128x128xf32, #tpu.memory_space<vmem>>) offsets(%dma_start3A_1236 : memref<128xi32, #tpu.memory_space<vmem>>) semaphore(%arg9 : memref<!tpu.dma_semaphore, #tpu.memory_space<semaphore_mem>>)
    %dma_wait3A_1240 = arith.constant 0 : i32
    %dma_wait3A_1241 = arith.constant 0 : i32
    %dma_wait3A_1242 = arith.constant 0 : i32
    %dma_wait3A_1243 = tpu.memref_slice %arg7[%dma_wait3A_1240, %dma_wait3A_1241, %dma_wait3A_1242] : memref<3x128x128xf32, #tpu.memory_space<vmem>> -> memref<1x128x128xf32, #tpu.memory_space<vmem>>
    %dma_wait3A_1244 = tpu.memref_squeeze %dma_wait3A_1243 : memref<1x128x128xf32, #tpu.memory_space<vmem>> -> memref<128x128xf32, #tpu.memory_space<vmem>>
    %dma_wait3A_1245 = arith.constant 1408 : i32
    %dma_wait3A_1246 = tpu.memref_slice %arg6[%dma_wait3A_1245] : memref<2048xi32, #tpu.memory_space<vmem>> -> memref<128xi32, #tpu.memory_space<vmem>>
    %dma_wait3A_1247 = arith.constant 0 : i32
    %dma_wait3A_1248 = arith.constant 0 : i32
    %dma_wait3A_1249 = tpu.memref_slice %arg8[%dma_wait3A_1247, %dma_wait3A_1248] : memref<8200x128xf32, #tpu.memory_space<vmem_shared>> -> memref<8200x128xf32, #tpu.memory_space<vmem_shared>>
    tpu.wait_indirect_dma semaphore(%arg9 : memref<!tpu.dma_semaphore, #tpu.memory_space<semaphore_mem>>) src(%dma_wait3A_1249 : memref<8200x128xf32, #tpu.memory_space<vmem_shared>>) dst(%dma_wait3A_1244 : memref<128x128xf32, #tpu.memory_space<vmem>>)
    %add3A_1250 = arith.constant 1408 : i32
    %add3A_1251 = arith.addi %mul3A_0, %add3A_1250 : i32
    %dma_start3A_1252 = arith.constant 0 : i32
    %dma_start3A_1253 = arith.constant 0 : i32
    %dma_start3A_1254 = arith.constant 0 : i32
    %dma_start3A_1255 = tpu.memref_slice %arg7[%dma_start3A_1252, %dma_start3A_1253, %dma_start3A_1254] : memref<3x128x128xf32, #tpu.memory_space<vmem>> -> memref<1x128x128xf32, #tpu.memory_space<vmem>>
    %dma_start3A_1256 = tpu.memref_squeeze %dma_start3A_1255 : memref<1x128x128xf32, #tpu.memory_space<vmem>> -> memref<128x128xf32, #tpu.memory_space<vmem>>
    %dma_start3A_1257 = tpu.memref_slice %arg5[%add3A_1251, %add3A_709] : memref<32768x768xf32, #tpu.memory_space<hbm>> -> memref<128x128xf32, #tpu.memory_space<hbm>>
    %dma_start3A_1258 = tpu.memref_slice %arg5[%add3A_1251, %add3A_709] : memref<32768x768xf32, #tpu.memory_space<hbm>> -> memref<128x128xf32, #tpu.memory_space<hbm>>
    %dma_start3A_1259 = arith.constant 0 : i32
    %dma_start3A_1260 = arith.constant 0 : i32
    %dma_start3A_1261 = tpu.memref_slice %arg7[%dma_start3A_1252, %dma_start3A_1259, %dma_start3A_1260] : memref<3x128x128xf32, #tpu.memory_space<vmem>> -> memref<1x128x128xf32, #tpu.memory_space<vmem>>
    %dma_start3A_1262 = tpu.memref_squeeze %dma_start3A_1261 : memref<1x128x128xf32, #tpu.memory_space<vmem>> -> memref<128x128xf32, #tpu.memory_space<vmem>>
    tpu.enqueue_dma source(%dma_start3A_1262 : memref<128x128xf32, #tpu.memory_space<vmem>>) target(%dma_start3A_1258 : memref<128x128xf32, #tpu.memory_space<hbm>>) target_semaphore(%arg10 : memref<!tpu.dma_semaphore, #tpu.memory_space<semaphore_mem>>)
    %dma_wait3A_1263 = arith.constant 2 : i32
    %dma_wait3A_1264 = arith.constant 0 : i32
    %dma_wait3A_1265 = arith.constant 0 : i32
    %dma_wait3A_1266 = tpu.memref_slice %arg7[%dma_wait3A_1263, %dma_wait3A_1264, %dma_wait3A_1265] : memref<3x128x128xf32, #tpu.memory_space<vmem>> -> memref<1x128x128xf32, #tpu.memory_space<vmem>>
    %dma_wait3A_1267 = tpu.memref_squeeze %dma_wait3A_1266 : memref<1x128x128xf32, #tpu.memory_space<vmem>> -> memref<128x128xf32, #tpu.memory_space<vmem>>
    %dma_wait3A_1268 = tpu.memref_slice %arg5[%add3A_1207, %add3A_709] : memref<32768x768xf32, #tpu.memory_space<hbm>> -> memref<128x128xf32, #tpu.memory_space<hbm>>
    %dma_wait3A_1269 = tpu.memref_slice %arg5[%add3A_1207, %add3A_709] : memref<32768x768xf32, #tpu.memory_space<hbm>> -> memref<128x128xf32, #tpu.memory_space<hbm>>
    %dma_wait3A_1270 = arith.constant 0 : i32
    %dma_wait3A_1271 = arith.constant 0 : i32
    %dma_wait3A_1272 = tpu.memref_slice %arg7[%dma_wait3A_1263, %dma_wait3A_1270, %dma_wait3A_1271] : memref<3x128x128xf32, #tpu.memory_space<vmem>> -> memref<1x128x128xf32, #tpu.memory_space<vmem>>
    %dma_wait3A_1273 = tpu.memref_squeeze %dma_wait3A_1272 : memref<1x128x128xf32, #tpu.memory_space<vmem>> -> memref<128x128xf32, #tpu.memory_space<vmem>>
    tpu.wait_dma2 semaphore(%arg10 : memref<!tpu.dma_semaphore, #tpu.memory_space<semaphore_mem>>) src(%dma_wait3A_1273 : memref<128x128xf32, #tpu.memory_space<vmem>>) dst(%dma_wait3A_1269 : memref<128x128xf32, #tpu.memory_space<hbm>>)
    %dma_start3A_1274 = arith.constant 2 : i32
    %dma_start3A_1275 = arith.constant 0 : i32
    %dma_start3A_1276 = arith.constant 0 : i32
    %dma_start3A_1277 = tpu.memref_slice %arg7[%dma_start3A_1274, %dma_start3A_1275, %dma_start3A_1276] : memref<3x128x128xf32, #tpu.memory_space<vmem>> -> memref<1x128x128xf32, #tpu.memory_space<vmem>>
    %dma_start3A_1278 = tpu.memref_squeeze %dma_start3A_1277 : memref<1x128x128xf32, #tpu.memory_space<vmem>> -> memref<128x128xf32, #tpu.memory_space<vmem>>
    %dma_start3A_1279 = arith.constant 1664 : i32
    %dma_start3A_1280 = tpu.memref_slice %arg6[%dma_start3A_1279] : memref<2048xi32, #tpu.memory_space<vmem>> -> memref<128xi32, #tpu.memory_space<vmem>>
    %dma_start3A_1281 = arith.constant 0 : i32
    %dma_start3A_1282 = arith.constant 0 : i32
    %dma_start3A_1283 = tpu.memref_slice %arg8[%dma_start3A_1281, %dma_start3A_1282] : memref<8200x128xf32, #tpu.memory_space<vmem_shared>> -> memref<8200x128xf32, #tpu.memory_space<vmem_shared>>
    tpu.enqueue_indirect_dma source(%dma_start3A_1283 : memref<8200x128xf32, #tpu.memory_space<vmem_shared>>) target(%dma_start3A_1278 : memref<128x128xf32, #tpu.memory_space<vmem>>) offsets(%dma_start3A_1280 : memref<128xi32, #tpu.memory_space<vmem>>) semaphore(%arg9 : memref<!tpu.dma_semaphore, #tpu.memory_space<semaphore_mem>>)
    %dma_wait3A_1284 = arith.constant 1 : i32
    %dma_wait3A_1285 = arith.constant 0 : i32
    %dma_wait3A_1286 = arith.constant 0 : i32
    %dma_wait3A_1287 = tpu.memref_slice %arg7[%dma_wait3A_1284, %dma_wait3A_1285, %dma_wait3A_1286] : memref<3x128x128xf32, #tpu.memory_space<vmem>> -> memref<1x128x128xf32, #tpu.memory_space<vmem>>
    %dma_wait3A_1288 = tpu.memref_squeeze %dma_wait3A_1287 : memref<1x128x128xf32, #tpu.memory_space<vmem>> -> memref<128x128xf32, #tpu.memory_space<vmem>>
    %dma_wait3A_1289 = arith.constant 1536 : i32
    %dma_wait3A_1290 = tpu.memref_slice %arg6[%dma_wait3A_1289] : memref<2048xi32, #tpu.memory_space<vmem>> -> memref<128xi32, #tpu.memory_space<vmem>>
    %dma_wait3A_1291 = arith.constant 0 : i32
    %dma_wait3A_1292 = arith.constant 0 : i32
    %dma_wait3A_1293 = tpu.memref_slice %arg8[%dma_wait3A_1291, %dma_wait3A_1292] : memref<8200x128xf32, #tpu.memory_space<vmem_shared>> -> memref<8200x128xf32, #tpu.memory_space<vmem_shared>>
    tpu.wait_indirect_dma semaphore(%arg9 : memref<!tpu.dma_semaphore, #tpu.memory_space<semaphore_mem>>) src(%dma_wait3A_1293 : memref<8200x128xf32, #tpu.memory_space<vmem_shared>>) dst(%dma_wait3A_1288 : memref<128x128xf32, #tpu.memory_space<vmem>>)
    %add3A_1294 = arith.constant 1536 : i32
    %add3A_1295 = arith.addi %mul3A_0, %add3A_1294 : i32
    %dma_start3A_1296 = arith.constant 1 : i32
    %dma_start3A_1297 = arith.constant 0 : i32
    %dma_start3A_1298 = arith.constant 0 : i32
    %dma_start3A_1299 = tpu.memref_slice %arg7[%dma_start3A_1296, %dma_start3A_1297, %dma_start3A_1298] : memref<3x128x128xf32, #tpu.memory_space<vmem>> -> memref<1x128x128xf32, #tpu.memory_space<vmem>>
    %dma_start3A_1300 = tpu.memref_squeeze %dma_start3A_1299 : memref<1x128x128xf32, #tpu.memory_space<vmem>> -> memref<128x128xf32, #tpu.memory_space<vmem>>
    %dma_start3A_1301 = tpu.memref_slice %arg5[%add3A_1295, %add3A_709] : memref<32768x768xf32, #tpu.memory_space<hbm>> -> memref<128x128xf32, #tpu.memory_space<hbm>>
    %dma_start3A_1302 = tpu.memref_slice %arg5[%add3A_1295, %add3A_709] : memref<32768x768xf32, #tpu.memory_space<hbm>> -> memref<128x128xf32, #tpu.memory_space<hbm>>
    %dma_start3A_1303 = arith.constant 0 : i32
    %dma_start3A_1304 = arith.constant 0 : i32
    %dma_start3A_1305 = tpu.memref_slice %arg7[%dma_start3A_1296, %dma_start3A_1303, %dma_start3A_1304] : memref<3x128x128xf32, #tpu.memory_space<vmem>> -> memref<1x128x128xf32, #tpu.memory_space<vmem>>
    %dma_start3A_1306 = tpu.memref_squeeze %dma_start3A_1305 : memref<1x128x128xf32, #tpu.memory_space<vmem>> -> memref<128x128xf32, #tpu.memory_space<vmem>>
    tpu.enqueue_dma source(%dma_start3A_1306 : memref<128x128xf32, #tpu.memory_space<vmem>>) target(%dma_start3A_1302 : memref<128x128xf32, #tpu.memory_space<hbm>>) target_semaphore(%arg10 : memref<!tpu.dma_semaphore, #tpu.memory_space<semaphore_mem>>)
    %dma_wait3A_1307 = arith.constant 0 : i32
    %dma_wait3A_1308 = arith.constant 0 : i32
    %dma_wait3A_1309 = arith.constant 0 : i32
    %dma_wait3A_1310 = tpu.memref_slice %arg7[%dma_wait3A_1307, %dma_wait3A_1308, %dma_wait3A_1309] : memref<3x128x128xf32, #tpu.memory_space<vmem>> -> memref<1x128x128xf32, #tpu.memory_space<vmem>>
    %dma_wait3A_1311 = tpu.memref_squeeze %dma_wait3A_1310 : memref<1x128x128xf32, #tpu.memory_space<vmem>> -> memref<128x128xf32, #tpu.memory_space<vmem>>
    %dma_wait3A_1312 = tpu.memref_slice %arg5[%add3A_1251, %add3A_709] : memref<32768x768xf32, #tpu.memory_space<hbm>> -> memref<128x128xf32, #tpu.memory_space<hbm>>
    %dma_wait3A_1313 = tpu.memref_slice %arg5[%add3A_1251, %add3A_709] : memref<32768x768xf32, #tpu.memory_space<hbm>> -> memref<128x128xf32, #tpu.memory_space<hbm>>
    %dma_wait3A_1314 = arith.constant 0 : i32
    %dma_wait3A_1315 = arith.constant 0 : i32
    %dma_wait3A_1316 = tpu.memref_slice %arg7[%dma_wait3A_1307, %dma_wait3A_1314, %dma_wait3A_1315] : memref<3x128x128xf32, #tpu.memory_space<vmem>> -> memref<1x128x128xf32, #tpu.memory_space<vmem>>
    %dma_wait3A_1317 = tpu.memref_squeeze %dma_wait3A_1316 : memref<1x128x128xf32, #tpu.memory_space<vmem>> -> memref<128x128xf32, #tpu.memory_space<vmem>>
    tpu.wait_dma2 semaphore(%arg10 : memref<!tpu.dma_semaphore, #tpu.memory_space<semaphore_mem>>) src(%dma_wait3A_1317 : memref<128x128xf32, #tpu.memory_space<vmem>>) dst(%dma_wait3A_1313 : memref<128x128xf32, #tpu.memory_space<hbm>>)
    %dma_start3A_1318 = arith.constant 0 : i32
    %dma_start3A_1319 = arith.constant 0 : i32
    %dma_start3A_1320 = arith.constant 0 : i32
    %dma_start3A_1321 = tpu.memref_slice %arg7[%dma_start3A_1318, %dma_start3A_1319, %dma_start3A_1320] : memref<3x128x128xf32, #tpu.memory_space<vmem>> -> memref<1x128x128xf32, #tpu.memory_space<vmem>>
    %dma_start3A_1322 = tpu.memref_squeeze %dma_start3A_1321 : memref<1x128x128xf32, #tpu.memory_space<vmem>> -> memref<128x128xf32, #tpu.memory_space<vmem>>
    %dma_start3A_1323 = arith.constant 1792 : i32
    %dma_start3A_1324 = tpu.memref_slice %arg6[%dma_start3A_1323] : memref<2048xi32, #tpu.memory_space<vmem>> -> memref<128xi32, #tpu.memory_space<vmem>>
    %dma_start3A_1325 = arith.constant 0 : i32
    %dma_start3A_1326 = arith.constant 0 : i32
    %dma_start3A_1327 = tpu.memref_slice %arg8[%dma_start3A_1325, %dma_start3A_1326] : memref<8200x128xf32, #tpu.memory_space<vmem_shared>> -> memref<8200x128xf32, #tpu.memory_space<vmem_shared>>
    tpu.enqueue_indirect_dma source(%dma_start3A_1327 : memref<8200x128xf32, #tpu.memory_space<vmem_shared>>) target(%dma_start3A_1322 : memref<128x128xf32, #tpu.memory_space<vmem>>) offsets(%dma_start3A_1324 : memref<128xi32, #tpu.memory_space<vmem>>) semaphore(%arg9 : memref<!tpu.dma_semaphore, #tpu.memory_space<semaphore_mem>>)
    %dma_wait3A_1328 = arith.constant 2 : i32
    %dma_wait3A_1329 = arith.constant 0 : i32
    %dma_wait3A_1330 = arith.constant 0 : i32
    %dma_wait3A_1331 = tpu.memref_slice %arg7[%dma_wait3A_1328, %dma_wait3A_1329, %dma_wait3A_1330] : memref<3x128x128xf32, #tpu.memory_space<vmem>> -> memref<1x128x128xf32, #tpu.memory_space<vmem>>
    %dma_wait3A_1332 = tpu.memref_squeeze %dma_wait3A_1331 : memref<1x128x128xf32, #tpu.memory_space<vmem>> -> memref<128x128xf32, #tpu.memory_space<vmem>>
    %dma_wait3A_1333 = arith.constant 1664 : i32
    %dma_wait3A_1334 = tpu.memref_slice %arg6[%dma_wait3A_1333] : memref<2048xi32, #tpu.memory_space<vmem>> -> memref<128xi32, #tpu.memory_space<vmem>>
    %dma_wait3A_1335 = arith.constant 0 : i32
    %dma_wait3A_1336 = arith.constant 0 : i32
    %dma_wait3A_1337 = tpu.memref_slice %arg8[%dma_wait3A_1335, %dma_wait3A_1336] : memref<8200x128xf32, #tpu.memory_space<vmem_shared>> -> memref<8200x128xf32, #tpu.memory_space<vmem_shared>>
    tpu.wait_indirect_dma semaphore(%arg9 : memref<!tpu.dma_semaphore, #tpu.memory_space<semaphore_mem>>) src(%dma_wait3A_1337 : memref<8200x128xf32, #tpu.memory_space<vmem_shared>>) dst(%dma_wait3A_1332 : memref<128x128xf32, #tpu.memory_space<vmem>>)
    %add3A_1338 = arith.constant 1664 : i32
    %add3A_1339 = arith.addi %mul3A_0, %add3A_1338 : i32
    %dma_start3A_1340 = arith.constant 2 : i32
    %dma_start3A_1341 = arith.constant 0 : i32
    %dma_start3A_1342 = arith.constant 0 : i32
    %dma_start3A_1343 = tpu.memref_slice %arg7[%dma_start3A_1340, %dma_start3A_1341, %dma_start3A_1342] : memref<3x128x128xf32, #tpu.memory_space<vmem>> -> memref<1x128x128xf32, #tpu.memory_space<vmem>>
    %dma_start3A_1344 = tpu.memref_squeeze %dma_start3A_1343 : memref<1x128x128xf32, #tpu.memory_space<vmem>> -> memref<128x128xf32, #tpu.memory_space<vmem>>
    %dma_start3A_1345 = tpu.memref_slice %arg5[%add3A_1339, %add3A_709] : memref<32768x768xf32, #tpu.memory_space<hbm>> -> memref<128x128xf32, #tpu.memory_space<hbm>>
    %dma_start3A_1346 = tpu.memref_slice %arg5[%add3A_1339, %add3A_709] : memref<32768x768xf32, #tpu.memory_space<hbm>> -> memref<128x128xf32, #tpu.memory_space<hbm>>
    %dma_start3A_1347 = arith.constant 0 : i32
    %dma_start3A_1348 = arith.constant 0 : i32
    %dma_start3A_1349 = tpu.memref_slice %arg7[%dma_start3A_1340, %dma_start3A_1347, %dma_start3A_1348] : memref<3x128x128xf32, #tpu.memory_space<vmem>> -> memref<1x128x128xf32, #tpu.memory_space<vmem>>
    %dma_start3A_1350 = tpu.memref_squeeze %dma_start3A_1349 : memref<1x128x128xf32, #tpu.memory_space<vmem>> -> memref<128x128xf32, #tpu.memory_space<vmem>>
    tpu.enqueue_dma source(%dma_start3A_1350 : memref<128x128xf32, #tpu.memory_space<vmem>>) target(%dma_start3A_1346 : memref<128x128xf32, #tpu.memory_space<hbm>>) target_semaphore(%arg10 : memref<!tpu.dma_semaphore, #tpu.memory_space<semaphore_mem>>)
    %dma_wait3A_1351 = arith.constant 1 : i32
    %dma_wait3A_1352 = arith.constant 0 : i32
    %dma_wait3A_1353 = arith.constant 0 : i32
    %dma_wait3A_1354 = tpu.memref_slice %arg7[%dma_wait3A_1351, %dma_wait3A_1352, %dma_wait3A_1353] : memref<3x128x128xf32, #tpu.memory_space<vmem>> -> memref<1x128x128xf32, #tpu.memory_space<vmem>>
    %dma_wait3A_1355 = tpu.memref_squeeze %dma_wait3A_1354 : memref<1x128x128xf32, #tpu.memory_space<vmem>> -> memref<128x128xf32, #tpu.memory_space<vmem>>
    %dma_wait3A_1356 = tpu.memref_slice %arg5[%add3A_1295, %add3A_709] : memref<32768x768xf32, #tpu.memory_space<hbm>> -> memref<128x128xf32, #tpu.memory_space<hbm>>
    %dma_wait3A_1357 = tpu.memref_slice %arg5[%add3A_1295, %add3A_709] : memref<32768x768xf32, #tpu.memory_space<hbm>> -> memref<128x128xf32, #tpu.memory_space<hbm>>
    %dma_wait3A_1358 = arith.constant 0 : i32
    %dma_wait3A_1359 = arith.constant 0 : i32
    %dma_wait3A_1360 = tpu.memref_slice %arg7[%dma_wait3A_1351, %dma_wait3A_1358, %dma_wait3A_1359] : memref<3x128x128xf32, #tpu.memory_space<vmem>> -> memref<1x128x128xf32, #tpu.memory_space<vmem>>
    %dma_wait3A_1361 = tpu.memref_squeeze %dma_wait3A_1360 : memref<1x128x128xf32, #tpu.memory_space<vmem>> -> memref<128x128xf32, #tpu.memory_space<vmem>>
    tpu.wait_dma2 semaphore(%arg10 : memref<!tpu.dma_semaphore, #tpu.memory_space<semaphore_mem>>) src(%dma_wait3A_1361 : memref<128x128xf32, #tpu.memory_space<vmem>>) dst(%dma_wait3A_1357 : memref<128x128xf32, #tpu.memory_space<hbm>>)
    %dma_start3A_1362 = arith.constant 1 : i32
    %dma_start3A_1363 = arith.constant 0 : i32
    %dma_start3A_1364 = arith.constant 0 : i32
    %dma_start3A_1365 = tpu.memref_slice %arg7[%dma_start3A_1362, %dma_start3A_1363, %dma_start3A_1364] : memref<3x128x128xf32, #tpu.memory_space<vmem>> -> memref<1x128x128xf32, #tpu.memory_space<vmem>>
    %dma_start3A_1366 = tpu.memref_squeeze %dma_start3A_1365 : memref<1x128x128xf32, #tpu.memory_space<vmem>> -> memref<128x128xf32, #tpu.memory_space<vmem>>
    %dma_start3A_1367 = arith.constant 1920 : i32
    %dma_start3A_1368 = tpu.memref_slice %arg6[%dma_start3A_1367] : memref<2048xi32, #tpu.memory_space<vmem>> -> memref<128xi32, #tpu.memory_space<vmem>>
    %dma_start3A_1369 = arith.constant 0 : i32
    %dma_start3A_1370 = arith.constant 0 : i32
    %dma_start3A_1371 = tpu.memref_slice %arg8[%dma_start3A_1369, %dma_start3A_1370] : memref<8200x128xf32, #tpu.memory_space<vmem_shared>> -> memref<8200x128xf32, #tpu.memory_space<vmem_shared>>
    tpu.enqueue_indirect_dma source(%dma_start3A_1371 : memref<8200x128xf32, #tpu.memory_space<vmem_shared>>) target(%dma_start3A_1366 : memref<128x128xf32, #tpu.memory_space<vmem>>) offsets(%dma_start3A_1368 : memref<128xi32, #tpu.memory_space<vmem>>) semaphore(%arg9 : memref<!tpu.dma_semaphore, #tpu.memory_space<semaphore_mem>>)
    %dma_wait3A_1372 = arith.constant 0 : i32
    %dma_wait3A_1373 = arith.constant 0 : i32
    %dma_wait3A_1374 = arith.constant 0 : i32
    %dma_wait3A_1375 = tpu.memref_slice %arg7[%dma_wait3A_1372, %dma_wait3A_1373, %dma_wait3A_1374] : memref<3x128x128xf32, #tpu.memory_space<vmem>> -> memref<1x128x128xf32, #tpu.memory_space<vmem>>
    %dma_wait3A_1376 = tpu.memref_squeeze %dma_wait3A_1375 : memref<1x128x128xf32, #tpu.memory_space<vmem>> -> memref<128x128xf32, #tpu.memory_space<vmem>>
    %dma_wait3A_1377 = arith.constant 1792 : i32
    %dma_wait3A_1378 = tpu.memref_slice %arg6[%dma_wait3A_1377] : memref<2048xi32, #tpu.memory_space<vmem>> -> memref<128xi32, #tpu.memory_space<vmem>>
    %dma_wait3A_1379 = arith.constant 0 : i32
    %dma_wait3A_1380 = arith.constant 0 : i32
    %dma_wait3A_1381 = tpu.memref_slice %arg8[%dma_wait3A_1379, %dma_wait3A_1380] : memref<8200x128xf32, #tpu.memory_space<vmem_shared>> -> memref<8200x128xf32, #tpu.memory_space<vmem_shared>>
    tpu.wait_indirect_dma semaphore(%arg9 : memref<!tpu.dma_semaphore, #tpu.memory_space<semaphore_mem>>) src(%dma_wait3A_1381 : memref<8200x128xf32, #tpu.memory_space<vmem_shared>>) dst(%dma_wait3A_1376 : memref<128x128xf32, #tpu.memory_space<vmem>>)
    %add3A_1382 = arith.constant 1792 : i32
    %add3A_1383 = arith.addi %mul3A_0, %add3A_1382 : i32
    %dma_start3A_1384 = arith.constant 0 : i32
    %dma_start3A_1385 = arith.constant 0 : i32
    %dma_start3A_1386 = arith.constant 0 : i32
    %dma_start3A_1387 = tpu.memref_slice %arg7[%dma_start3A_1384, %dma_start3A_1385, %dma_start3A_1386] : memref<3x128x128xf32, #tpu.memory_space<vmem>> -> memref<1x128x128xf32, #tpu.memory_space<vmem>>
    %dma_start3A_1388 = tpu.memref_squeeze %dma_start3A_1387 : memref<1x128x128xf32, #tpu.memory_space<vmem>> -> memref<128x128xf32, #tpu.memory_space<vmem>>
    %dma_start3A_1389 = tpu.memref_slice %arg5[%add3A_1383, %add3A_709] : memref<32768x768xf32, #tpu.memory_space<hbm>> -> memref<128x128xf32, #tpu.memory_space<hbm>>
    %dma_start3A_1390 = tpu.memref_slice %arg5[%add3A_1383, %add3A_709] : memref<32768x768xf32, #tpu.memory_space<hbm>> -> memref<128x128xf32, #tpu.memory_space<hbm>>
    %dma_start3A_1391 = arith.constant 0 : i32
    %dma_start3A_1392 = arith.constant 0 : i32
    %dma_start3A_1393 = tpu.memref_slice %arg7[%dma_start3A_1384, %dma_start3A_1391, %dma_start3A_1392] : memref<3x128x128xf32, #tpu.memory_space<vmem>> -> memref<1x128x128xf32, #tpu.memory_space<vmem>>
    %dma_start3A_1394 = tpu.memref_squeeze %dma_start3A_1393 : memref<1x128x128xf32, #tpu.memory_space<vmem>> -> memref<128x128xf32, #tpu.memory_space<vmem>>
    tpu.enqueue_dma source(%dma_start3A_1394 : memref<128x128xf32, #tpu.memory_space<vmem>>) target(%dma_start3A_1390 : memref<128x128xf32, #tpu.memory_space<hbm>>) target_semaphore(%arg10 : memref<!tpu.dma_semaphore, #tpu.memory_space<semaphore_mem>>)
    %dma_wait3A_1395 = arith.constant 1 : i32
    %dma_wait3A_1396 = arith.constant 0 : i32
    %dma_wait3A_1397 = arith.constant 0 : i32
    %dma_wait3A_1398 = tpu.memref_slice %arg7[%dma_wait3A_1395, %dma_wait3A_1396, %dma_wait3A_1397] : memref<3x128x128xf32, #tpu.memory_space<vmem>> -> memref<1x128x128xf32, #tpu.memory_space<vmem>>
    %dma_wait3A_1399 = tpu.memref_squeeze %dma_wait3A_1398 : memref<1x128x128xf32, #tpu.memory_space<vmem>> -> memref<128x128xf32, #tpu.memory_space<vmem>>
    %dma_wait3A_1400 = arith.constant 1920 : i32
    %dma_wait3A_1401 = tpu.memref_slice %arg6[%dma_wait3A_1400] : memref<2048xi32, #tpu.memory_space<vmem>> -> memref<128xi32, #tpu.memory_space<vmem>>
    %dma_wait3A_1402 = arith.constant 0 : i32
    %dma_wait3A_1403 = arith.constant 0 : i32
    %dma_wait3A_1404 = tpu.memref_slice %arg8[%dma_wait3A_1402, %dma_wait3A_1403] : memref<8200x128xf32, #tpu.memory_space<vmem_shared>> -> memref<8200x128xf32, #tpu.memory_space<vmem_shared>>
    tpu.wait_indirect_dma semaphore(%arg9 : memref<!tpu.dma_semaphore, #tpu.memory_space<semaphore_mem>>) src(%dma_wait3A_1404 : memref<8200x128xf32, #tpu.memory_space<vmem_shared>>) dst(%dma_wait3A_1399 : memref<128x128xf32, #tpu.memory_space<vmem>>)
    %add3A_1405 = arith.constant 1920 : i32
    %add3A_1406 = arith.addi %mul3A_0, %add3A_1405 : i32
    %dma_start3A_1407 = arith.constant 1 : i32
    %dma_start3A_1408 = arith.constant 0 : i32
    %dma_start3A_1409 = arith.constant 0 : i32
    %dma_start3A_1410 = tpu.memref_slice %arg7[%dma_start3A_1407, %dma_start3A_1408, %dma_start3A_1409] : memref<3x128x128xf32, #tpu.memory_space<vmem>> -> memref<1x128x128xf32, #tpu.memory_space<vmem>>
    %dma_start3A_1411 = tpu.memref_squeeze %dma_start3A_1410 : memref<1x128x128xf32, #tpu.memory_space<vmem>> -> memref<128x128xf32, #tpu.memory_space<vmem>>
    %dma_start3A_1412 = tpu.memref_slice %arg5[%add3A_1406, %add3A_709] : memref<32768x768xf32, #tpu.memory_space<hbm>> -> memref<128x128xf32, #tpu.memory_space<hbm>>
    %dma_start3A_1413 = tpu.memref_slice %arg5[%add3A_1406, %add3A_709] : memref<32768x768xf32, #tpu.memory_space<hbm>> -> memref<128x128xf32, #tpu.memory_space<hbm>>
    %dma_start3A_1414 = arith.constant 0 : i32
    %dma_start3A_1415 = arith.constant 0 : i32
    %dma_start3A_1416 = tpu.memref_slice %arg7[%dma_start3A_1407, %dma_start3A_1414, %dma_start3A_1415] : memref<3x128x128xf32, #tpu.memory_space<vmem>> -> memref<1x128x128xf32, #tpu.memory_space<vmem>>
    %dma_start3A_1417 = tpu.memref_squeeze %dma_start3A_1416 : memref<1x128x128xf32, #tpu.memory_space<vmem>> -> memref<128x128xf32, #tpu.memory_space<vmem>>
    tpu.enqueue_dma source(%dma_start3A_1417 : memref<128x128xf32, #tpu.memory_space<vmem>>) target(%dma_start3A_1413 : memref<128x128xf32, #tpu.memory_space<hbm>>) target_semaphore(%arg10 : memref<!tpu.dma_semaphore, #tpu.memory_space<semaphore_mem>>)
    %barrier3A_1418 = arith.constant 0 : index
    tpu.barrier barrier_id(%barrier3A_1418)
    %mul3A_1419 = arith.constant 384 : i32
    %mul3A_1420 = arith.muli %arg0, %mul3A_1419 : i32
    %add3A_1421 = arith.constant 256 : i32
    %add3A_1422 = arith.addi %mul3A_1420, %add3A_1421 : i32
    %mul3A_1423 = arith.constant 512 : i32
    %mul3A_1424 = arith.muli %arg1, %mul3A_1423 : i32
    %mul3A_1425 = arith.constant 512 : i32
    %mul3A_1426 = arith.muli %arg1, %mul3A_1425 : i32
    %dma_start3A_1427 = arith.constant 0 : i32
    %dma_start3A_1428 = tpu.memref_slice %arg8[%mul3A_1426, %dma_start3A_1427] : memref<8200x128xf32, #tpu.memory_space<vmem_shared>> -> memref<512x128xf32, #tpu.memory_space<vmem_shared>>
    %dma_start3A_1429 = tpu.memref_slice %arg2[%mul3A_1424, %add3A_1422] : memref<8193x768xf32, #tpu.memory_space<hbm>> -> memref<512x128xf32, #tpu.memory_space<hbm>>
    tpu.enqueue_dma source(%dma_start3A_1429 : memref<512x128xf32, #tpu.memory_space<hbm>>) target(%dma_start3A_1428 : memref<512x128xf32, #tpu.memory_space<vmem_shared>>) target_semaphore(%arg11 : memref<!tpu.dma_semaphore, #tpu.memory_space<semaphore_mem>>)
    %eq3A_1430 = arith.constant 0 : i32
    %eq3A_1431 = arith.cmpi eq, %arg1, %eq3A_1430 : i32
    %convert_element_type3A_1432 = arith.extui %eq3A_1431 : i1 to i32
    %cond3A_1433 = arith.constant 0 : i32
    %cond3A_1434 = arith.cmpi ne, %convert_element_type3A_1432, %cond3A_1433 : i32
    scf.if %cond3A_1434 {
      "tpu.region"() ({
        %run_scoped3A = tpu.sem_alloc : memref<!tpu.dma_semaphore, #tpu.memory_space<semaphore_mem>>
        %dma_start3A_2181 = arith.constant 8192 : i32
        %dma_start3A_2182 = arith.constant 0 : i32
        %dma_start3A_2183 = tpu.memref_slice %arg8[%dma_start3A_2181, %dma_start3A_2182] : memref<8200x128xf32, #tpu.memory_space<vmem_shared>> -> memref<8x128xf32, #tpu.memory_space<vmem_shared>>
        %dma_start3A_2184 = arith.constant 0 : i32
        %dma_start3A_2185 = tpu.memref_slice %arg3[%dma_start3A_2184, %add3A_1422] : memref<8x768xf32, #tpu.memory_space<hbm>> -> memref<8x128xf32, #tpu.memory_space<hbm>>
        tpu.enqueue_dma source(%dma_start3A_2185 : memref<8x128xf32, #tpu.memory_space<hbm>>) target(%dma_start3A_2183 : memref<8x128xf32, #tpu.memory_space<vmem_shared>>) target_semaphore(%run_scoped3A : memref<!tpu.dma_semaphore, #tpu.memory_space<semaphore_mem>>)
        %dma_wait3A_2186 = arith.constant 8192 : i32
        %dma_wait3A_2187 = arith.constant 0 : i32
        %dma_wait3A_2188 = tpu.memref_slice %arg8[%dma_wait3A_2186, %dma_wait3A_2187] : memref<8200x128xf32, #tpu.memory_space<vmem_shared>> -> memref<8x128xf32, #tpu.memory_space<vmem_shared>>
        %dma_wait3A_2189 = arith.constant 0 : i32
        %dma_wait3A_2190 = tpu.memref_slice %arg3[%dma_wait3A_2189, %add3A_1422] : memref<8x768xf32, #tpu.memory_space<hbm>> -> memref<8x128xf32, #tpu.memory_space<hbm>>
        tpu.wait_dma2 semaphore(%run_scoped3A : memref<!tpu.dma_semaphore, #tpu.memory_space<semaphore_mem>>) src(%dma_wait3A_2190 : memref<8x128xf32, #tpu.memory_space<hbm>>) dst(%dma_wait3A_2188 : memref<8x128xf32, #tpu.memory_space<vmem_shared>>)
        tpu.yield
      }) : () -> ()
    } else {
    }
    %mul3A_1435 = arith.constant 384 : i32
    %mul3A_1436 = arith.muli %arg0, %mul3A_1435 : i32
    %add3A_1437 = arith.constant 256 : i32
    %add3A_1438 = arith.addi %mul3A_1436, %add3A_1437 : i32
    %dma_wait3A_1439 = arith.constant 0 : i32
    %dma_wait3A_1440 = tpu.memref_slice %arg8[%mul3A_1426, %dma_wait3A_1439] : memref<8200x128xf32, #tpu.memory_space<vmem_shared>> -> memref<512x128xf32, #tpu.memory_space<vmem_shared>>
    %dma_wait3A_1441 = tpu.memref_slice %arg2[%mul3A_1424, %add3A_1422] : memref<8193x768xf32, #tpu.memory_space<hbm>> -> memref<512x128xf32, #tpu.memory_space<hbm>>
    tpu.wait_dma2 semaphore(%arg11 : memref<!tpu.dma_semaphore, #tpu.memory_space<semaphore_mem>>) src(%dma_wait3A_1441 : memref<512x128xf32, #tpu.memory_space<hbm>>) dst(%dma_wait3A_1440 : memref<512x128xf32, #tpu.memory_space<vmem_shared>>)
    %barrier3A_1442 = arith.constant 0 : index
    tpu.barrier barrier_id(%barrier3A_1442)
    %dma_wait3A_1443 = arith.constant 2 : i32
    %dma_wait3A_1444 = arith.constant 0 : i32
    %dma_wait3A_1445 = arith.constant 0 : i32
    %dma_wait3A_1446 = tpu.memref_slice %arg7[%dma_wait3A_1443, %dma_wait3A_1444, %dma_wait3A_1445] : memref<3x128x128xf32, #tpu.memory_space<vmem>> -> memref<1x128x128xf32, #tpu.memory_space<vmem>>
    %dma_wait3A_1447 = tpu.memref_squeeze %dma_wait3A_1446 : memref<1x128x128xf32, #tpu.memory_space<vmem>> -> memref<128x128xf32, #tpu.memory_space<vmem>>
    %dma_wait3A_1448 = tpu.memref_slice %arg5[%add3A_1339, %add3A_709] : memref<32768x768xf32, #tpu.memory_space<hbm>> -> memref<128x128xf32, #tpu.memory_space<hbm>>
    %dma_wait3A_1449 = tpu.memref_slice %arg5[%add3A_1339, %add3A_709] : memref<32768x768xf32, #tpu.memory_space<hbm>> -> memref<128x128xf32, #tpu.memory_space<hbm>>
    %dma_wait3A_1450 = arith.constant 0 : i32
    %dma_wait3A_1451 = arith.constant 0 : i32
    %dma_wait3A_1452 = tpu.memref_slice %arg7[%dma_wait3A_1443, %dma_wait3A_1450, %dma_wait3A_1451] : memref<3x128x128xf32, #tpu.memory_space<vmem>> -> memref<1x128x128xf32, #tpu.memory_space<vmem>>
    %dma_wait3A_1453 = tpu.memref_squeeze %dma_wait3A_1452 : memref<1x128x128xf32, #tpu.memory_space<vmem>> -> memref<128x128xf32, #tpu.memory_space<vmem>>
    tpu.wait_dma2 semaphore(%arg10 : memref<!tpu.dma_semaphore, #tpu.memory_space<semaphore_mem>>) src(%dma_wait3A_1453 : memref<128x128xf32, #tpu.memory_space<vmem>>) dst(%dma_wait3A_1449 : memref<128x128xf32, #tpu.memory_space<hbm>>)
    %dma_start3A_1454 = arith.constant 2 : i32
    %dma_start3A_1455 = arith.constant 0 : i32
    %dma_start3A_1456 = arith.constant 0 : i32
    %dma_start3A_1457 = tpu.memref_slice %arg7[%dma_start3A_1454, %dma_start3A_1455, %dma_start3A_1456] : memref<3x128x128xf32, #tpu.memory_space<vmem>> -> memref<1x128x128xf32, #tpu.memory_space<vmem>>
    %dma_start3A_1458 = tpu.memref_squeeze %dma_start3A_1457 : memref<1x128x128xf32, #tpu.memory_space<vmem>> -> memref<128x128xf32, #tpu.memory_space<vmem>>
    %dma_start3A_1459 = arith.constant 0 : i32
    %dma_start3A_1460 = tpu.memref_slice %arg6[%dma_start3A_1459] : memref<2048xi32, #tpu.memory_space<vmem>> -> memref<128xi32, #tpu.memory_space<vmem>>
    %dma_start3A_1461 = arith.constant 0 : i32
    %dma_start3A_1462 = arith.constant 0 : i32
    %dma_start3A_1463 = tpu.memref_slice %arg8[%dma_start3A_1461, %dma_start3A_1462] : memref<8200x128xf32, #tpu.memory_space<vmem_shared>> -> memref<8200x128xf32, #tpu.memory_space<vmem_shared>>
    tpu.enqueue_indirect_dma source(%dma_start3A_1463 : memref<8200x128xf32, #tpu.memory_space<vmem_shared>>) target(%dma_start3A_1458 : memref<128x128xf32, #tpu.memory_space<vmem>>) offsets(%dma_start3A_1460 : memref<128xi32, #tpu.memory_space<vmem>>) semaphore(%arg9 : memref<!tpu.dma_semaphore, #tpu.memory_space<semaphore_mem>>)
    %dma_wait3A_1464 = arith.constant 0 : i32
    %dma_wait3A_1465 = arith.constant 0 : i32
    %dma_wait3A_1466 = arith.constant 0 : i32
    %dma_wait3A_1467 = tpu.memref_slice %arg7[%dma_wait3A_1464, %dma_wait3A_1465, %dma_wait3A_1466] : memref<3x128x128xf32, #tpu.memory_space<vmem>> -> memref<1x128x128xf32, #tpu.memory_space<vmem>>
    %dma_wait3A_1468 = tpu.memref_squeeze %dma_wait3A_1467 : memref<1x128x128xf32, #tpu.memory_space<vmem>> -> memref<128x128xf32, #tpu.memory_space<vmem>>
    %dma_wait3A_1469 = tpu.memref_slice %arg5[%add3A_1383, %add3A_709] : memref<32768x768xf32, #tpu.memory_space<hbm>> -> memref<128x128xf32, #tpu.memory_space<hbm>>
    %dma_wait3A_1470 = tpu.memref_slice %arg5[%add3A_1383, %add3A_709] : memref<32768x768xf32, #tpu.memory_space<hbm>> -> memref<128x128xf32, #tpu.memory_space<hbm>>
    %dma_wait3A_1471 = arith.constant 0 : i32
    %dma_wait3A_1472 = arith.constant 0 : i32
    %dma_wait3A_1473 = tpu.memref_slice %arg7[%dma_wait3A_1464, %dma_wait3A_1471, %dma_wait3A_1472] : memref<3x128x128xf32, #tpu.memory_space<vmem>> -> memref<1x128x128xf32, #tpu.memory_space<vmem>>
    %dma_wait3A_1474 = tpu.memref_squeeze %dma_wait3A_1473 : memref<1x128x128xf32, #tpu.memory_space<vmem>> -> memref<128x128xf32, #tpu.memory_space<vmem>>
    tpu.wait_dma2 semaphore(%arg10 : memref<!tpu.dma_semaphore, #tpu.memory_space<semaphore_mem>>) src(%dma_wait3A_1474 : memref<128x128xf32, #tpu.memory_space<vmem>>) dst(%dma_wait3A_1470 : memref<128x128xf32, #tpu.memory_space<hbm>>)
    %dma_start3A_1475 = arith.constant 0 : i32
    %dma_start3A_1476 = arith.constant 0 : i32
    %dma_start3A_1477 = arith.constant 0 : i32
    %dma_start3A_1478 = tpu.memref_slice %arg7[%dma_start3A_1475, %dma_start3A_1476, %dma_start3A_1477] : memref<3x128x128xf32, #tpu.memory_space<vmem>> -> memref<1x128x128xf32, #tpu.memory_space<vmem>>
    %dma_start3A_1479 = tpu.memref_squeeze %dma_start3A_1478 : memref<1x128x128xf32, #tpu.memory_space<vmem>> -> memref<128x128xf32, #tpu.memory_space<vmem>>
    %dma_start3A_1480 = arith.constant 128 : i32
    %dma_start3A_1481 = tpu.memref_slice %arg6[%dma_start3A_1480] : memref<2048xi32, #tpu.memory_space<vmem>> -> memref<128xi32, #tpu.memory_space<vmem>>
    %dma_start3A_1482 = arith.constant 0 : i32
    %dma_start3A_1483 = arith.constant 0 : i32
    %dma_start3A_1484 = tpu.memref_slice %arg8[%dma_start3A_1482, %dma_start3A_1483] : memref<8200x128xf32, #tpu.memory_space<vmem_shared>> -> memref<8200x128xf32, #tpu.memory_space<vmem_shared>>
    tpu.enqueue_indirect_dma source(%dma_start3A_1484 : memref<8200x128xf32, #tpu.memory_space<vmem_shared>>) target(%dma_start3A_1479 : memref<128x128xf32, #tpu.memory_space<vmem>>) offsets(%dma_start3A_1481 : memref<128xi32, #tpu.memory_space<vmem>>) semaphore(%arg9 : memref<!tpu.dma_semaphore, #tpu.memory_space<semaphore_mem>>)
    %dma_wait3A_1485 = arith.constant 2 : i32
    %dma_wait3A_1486 = arith.constant 0 : i32
    %dma_wait3A_1487 = arith.constant 0 : i32
    %dma_wait3A_1488 = tpu.memref_slice %arg7[%dma_wait3A_1485, %dma_wait3A_1486, %dma_wait3A_1487] : memref<3x128x128xf32, #tpu.memory_space<vmem>> -> memref<1x128x128xf32, #tpu.memory_space<vmem>>
    %dma_wait3A_1489 = tpu.memref_squeeze %dma_wait3A_1488 : memref<1x128x128xf32, #tpu.memory_space<vmem>> -> memref<128x128xf32, #tpu.memory_space<vmem>>
    %dma_wait3A_1490 = arith.constant 0 : i32
    %dma_wait3A_1491 = tpu.memref_slice %arg6[%dma_wait3A_1490] : memref<2048xi32, #tpu.memory_space<vmem>> -> memref<128xi32, #tpu.memory_space<vmem>>
    %dma_wait3A_1492 = arith.constant 0 : i32
    %dma_wait3A_1493 = arith.constant 0 : i32
    %dma_wait3A_1494 = tpu.memref_slice %arg8[%dma_wait3A_1492, %dma_wait3A_1493] : memref<8200x128xf32, #tpu.memory_space<vmem_shared>> -> memref<8200x128xf32, #tpu.memory_space<vmem_shared>>
    tpu.wait_indirect_dma semaphore(%arg9 : memref<!tpu.dma_semaphore, #tpu.memory_space<semaphore_mem>>) src(%dma_wait3A_1494 : memref<8200x128xf32, #tpu.memory_space<vmem_shared>>) dst(%dma_wait3A_1489 : memref<128x128xf32, #tpu.memory_space<vmem>>)
    %add3A_1495 = arith.constant 0 : i32
    %add3A_1496 = arith.addi %mul3A_0, %add3A_1495 : i32
    %dma_start3A_1497 = arith.constant 2 : i32
    %dma_start3A_1498 = arith.constant 0 : i32
    %dma_start3A_1499 = arith.constant 0 : i32
    %dma_start3A_1500 = tpu.memref_slice %arg7[%dma_start3A_1497, %dma_start3A_1498, %dma_start3A_1499] : memref<3x128x128xf32, #tpu.memory_space<vmem>> -> memref<1x128x128xf32, #tpu.memory_space<vmem>>
    %dma_start3A_1501 = tpu.memref_squeeze %dma_start3A_1500 : memref<1x128x128xf32, #tpu.memory_space<vmem>> -> memref<128x128xf32, #tpu.memory_space<vmem>>
    %dma_start3A_1502 = tpu.memref_slice %arg5[%add3A_1496, %add3A_1438] : memref<32768x768xf32, #tpu.memory_space<hbm>> -> memref<128x128xf32, #tpu.memory_space<hbm>>
    %dma_start3A_1503 = tpu.memref_slice %arg5[%add3A_1496, %add3A_1438] : memref<32768x768xf32, #tpu.memory_space<hbm>> -> memref<128x128xf32, #tpu.memory_space<hbm>>
    %dma_start3A_1504 = arith.constant 0 : i32
    %dma_start3A_1505 = arith.constant 0 : i32
    %dma_start3A_1506 = tpu.memref_slice %arg7[%dma_start3A_1497, %dma_start3A_1504, %dma_start3A_1505] : memref<3x128x128xf32, #tpu.memory_space<vmem>> -> memref<1x128x128xf32, #tpu.memory_space<vmem>>
    %dma_start3A_1507 = tpu.memref_squeeze %dma_start3A_1506 : memref<1x128x128xf32, #tpu.memory_space<vmem>> -> memref<128x128xf32, #tpu.memory_space<vmem>>
    tpu.enqueue_dma source(%dma_start3A_1507 : memref<128x128xf32, #tpu.memory_space<vmem>>) target(%dma_start3A_1503 : memref<128x128xf32, #tpu.memory_space<hbm>>) target_semaphore(%arg10 : memref<!tpu.dma_semaphore, #tpu.memory_space<semaphore_mem>>)
    %dma_wait3A_1508 = arith.constant 1 : i32
    %dma_wait3A_1509 = arith.constant 0 : i32
    %dma_wait3A_1510 = arith.constant 0 : i32
    %dma_wait3A_1511 = tpu.memref_slice %arg7[%dma_wait3A_1508, %dma_wait3A_1509, %dma_wait3A_1510] : memref<3x128x128xf32, #tpu.memory_space<vmem>> -> memref<1x128x128xf32, #tpu.memory_space<vmem>>
    %dma_wait3A_1512 = tpu.memref_squeeze %dma_wait3A_1511 : memref<1x128x128xf32, #tpu.memory_space<vmem>> -> memref<128x128xf32, #tpu.memory_space<vmem>>
    %dma_wait3A_1513 = tpu.memref_slice %arg5[%add3A_1406, %add3A_709] : memref<32768x768xf32, #tpu.memory_space<hbm>> -> memref<128x128xf32, #tpu.memory_space<hbm>>
    %dma_wait3A_1514 = tpu.memref_slice %arg5[%add3A_1406, %add3A_709] : memref<32768x768xf32, #tpu.memory_space<hbm>> -> memref<128x128xf32, #tpu.memory_space<hbm>>
    %dma_wait3A_1515 = arith.constant 0 : i32
    %dma_wait3A_1516 = arith.constant 0 : i32
    %dma_wait3A_1517 = tpu.memref_slice %arg7[%dma_wait3A_1508, %dma_wait3A_1515, %dma_wait3A_1516] : memref<3x128x128xf32, #tpu.memory_space<vmem>> -> memref<1x128x128xf32, #tpu.memory_space<vmem>>
    %dma_wait3A_1518 = tpu.memref_squeeze %dma_wait3A_1517 : memref<1x128x128xf32, #tpu.memory_space<vmem>> -> memref<128x128xf32, #tpu.memory_space<vmem>>
    tpu.wait_dma2 semaphore(%arg10 : memref<!tpu.dma_semaphore, #tpu.memory_space<semaphore_mem>>) src(%dma_wait3A_1518 : memref<128x128xf32, #tpu.memory_space<vmem>>) dst(%dma_wait3A_1514 : memref<128x128xf32, #tpu.memory_space<hbm>>)
    %dma_start3A_1519 = arith.constant 1 : i32
    %dma_start3A_1520 = arith.constant 0 : i32
    %dma_start3A_1521 = arith.constant 0 : i32
    %dma_start3A_1522 = tpu.memref_slice %arg7[%dma_start3A_1519, %dma_start3A_1520, %dma_start3A_1521] : memref<3x128x128xf32, #tpu.memory_space<vmem>> -> memref<1x128x128xf32, #tpu.memory_space<vmem>>
    %dma_start3A_1523 = tpu.memref_squeeze %dma_start3A_1522 : memref<1x128x128xf32, #tpu.memory_space<vmem>> -> memref<128x128xf32, #tpu.memory_space<vmem>>
    %dma_start3A_1524 = arith.constant 256 : i32
    %dma_start3A_1525 = tpu.memref_slice %arg6[%dma_start3A_1524] : memref<2048xi32, #tpu.memory_space<vmem>> -> memref<128xi32, #tpu.memory_space<vmem>>
    %dma_start3A_1526 = arith.constant 0 : i32
    %dma_start3A_1527 = arith.constant 0 : i32
    %dma_start3A_1528 = tpu.memref_slice %arg8[%dma_start3A_1526, %dma_start3A_1527] : memref<8200x128xf32, #tpu.memory_space<vmem_shared>> -> memref<8200x128xf32, #tpu.memory_space<vmem_shared>>
    tpu.enqueue_indirect_dma source(%dma_start3A_1528 : memref<8200x128xf32, #tpu.memory_space<vmem_shared>>) target(%dma_start3A_1523 : memref<128x128xf32, #tpu.memory_space<vmem>>) offsets(%dma_start3A_1525 : memref<128xi32, #tpu.memory_space<vmem>>) semaphore(%arg9 : memref<!tpu.dma_semaphore, #tpu.memory_space<semaphore_mem>>)
    %dma_wait3A_1529 = arith.constant 0 : i32
    %dma_wait3A_1530 = arith.constant 0 : i32
    %dma_wait3A_1531 = arith.constant 0 : i32
    %dma_wait3A_1532 = tpu.memref_slice %arg7[%dma_wait3A_1529, %dma_wait3A_1530, %dma_wait3A_1531] : memref<3x128x128xf32, #tpu.memory_space<vmem>> -> memref<1x128x128xf32, #tpu.memory_space<vmem>>
    %dma_wait3A_1533 = tpu.memref_squeeze %dma_wait3A_1532 : memref<1x128x128xf32, #tpu.memory_space<vmem>> -> memref<128x128xf32, #tpu.memory_space<vmem>>
    %dma_wait3A_1534 = arith.constant 128 : i32
    %dma_wait3A_1535 = tpu.memref_slice %arg6[%dma_wait3A_1534] : memref<2048xi32, #tpu.memory_space<vmem>> -> memref<128xi32, #tpu.memory_space<vmem>>
    %dma_wait3A_1536 = arith.constant 0 : i32
    %dma_wait3A_1537 = arith.constant 0 : i32
    %dma_wait3A_1538 = tpu.memref_slice %arg8[%dma_wait3A_1536, %dma_wait3A_1537] : memref<8200x128xf32, #tpu.memory_space<vmem_shared>> -> memref<8200x128xf32, #tpu.memory_space<vmem_shared>>
    tpu.wait_indirect_dma semaphore(%arg9 : memref<!tpu.dma_semaphore, #tpu.memory_space<semaphore_mem>>) src(%dma_wait3A_1538 : memref<8200x128xf32, #tpu.memory_space<vmem_shared>>) dst(%dma_wait3A_1533 : memref<128x128xf32, #tpu.memory_space<vmem>>)
    %add3A_1539 = arith.constant 128 : i32
    %add3A_1540 = arith.addi %mul3A_0, %add3A_1539 : i32
    %dma_start3A_1541 = arith.constant 0 : i32
    %dma_start3A_1542 = arith.constant 0 : i32
    %dma_start3A_1543 = arith.constant 0 : i32
    %dma_start3A_1544 = tpu.memref_slice %arg7[%dma_start3A_1541, %dma_start3A_1542, %dma_start3A_1543] : memref<3x128x128xf32, #tpu.memory_space<vmem>> -> memref<1x128x128xf32, #tpu.memory_space<vmem>>
    %dma_start3A_1545 = tpu.memref_squeeze %dma_start3A_1544 : memref<1x128x128xf32, #tpu.memory_space<vmem>> -> memref<128x128xf32, #tpu.memory_space<vmem>>
    %dma_start3A_1546 = tpu.memref_slice %arg5[%add3A_1540, %add3A_1438] : memref<32768x768xf32, #tpu.memory_space<hbm>> -> memref<128x128xf32, #tpu.memory_space<hbm>>
    %dma_start3A_1547 = tpu.memref_slice %arg5[%add3A_1540, %add3A_1438] : memref<32768x768xf32, #tpu.memory_space<hbm>> -> memref<128x128xf32, #tpu.memory_space<hbm>>
    %dma_start3A_1548 = arith.constant 0 : i32
    %dma_start3A_1549 = arith.constant 0 : i32
    %dma_start3A_1550 = tpu.memref_slice %arg7[%dma_start3A_1541, %dma_start3A_1548, %dma_start3A_1549] : memref<3x128x128xf32, #tpu.memory_space<vmem>> -> memref<1x128x128xf32, #tpu.memory_space<vmem>>
    %dma_start3A_1551 = tpu.memref_squeeze %dma_start3A_1550 : memref<1x128x128xf32, #tpu.memory_space<vmem>> -> memref<128x128xf32, #tpu.memory_space<vmem>>
    tpu.enqueue_dma source(%dma_start3A_1551 : memref<128x128xf32, #tpu.memory_space<vmem>>) target(%dma_start3A_1547 : memref<128x128xf32, #tpu.memory_space<hbm>>) target_semaphore(%arg10 : memref<!tpu.dma_semaphore, #tpu.memory_space<semaphore_mem>>)
    %dma_wait3A_1552 = arith.constant 2 : i32
    %dma_wait3A_1553 = arith.constant 0 : i32
    %dma_wait3A_1554 = arith.constant 0 : i32
    %dma_wait3A_1555 = tpu.memref_slice %arg7[%dma_wait3A_1552, %dma_wait3A_1553, %dma_wait3A_1554] : memref<3x128x128xf32, #tpu.memory_space<vmem>> -> memref<1x128x128xf32, #tpu.memory_space<vmem>>
    %dma_wait3A_1556 = tpu.memref_squeeze %dma_wait3A_1555 : memref<1x128x128xf32, #tpu.memory_space<vmem>> -> memref<128x128xf32, #tpu.memory_space<vmem>>
    %dma_wait3A_1557 = tpu.memref_slice %arg5[%add3A_1496, %add3A_1438] : memref<32768x768xf32, #tpu.memory_space<hbm>> -> memref<128x128xf32, #tpu.memory_space<hbm>>
    %dma_wait3A_1558 = tpu.memref_slice %arg5[%add3A_1496, %add3A_1438] : memref<32768x768xf32, #tpu.memory_space<hbm>> -> memref<128x128xf32, #tpu.memory_space<hbm>>
    %dma_wait3A_1559 = arith.constant 0 : i32
    %dma_wait3A_1560 = arith.constant 0 : i32
    %dma_wait3A_1561 = tpu.memref_slice %arg7[%dma_wait3A_1552, %dma_wait3A_1559, %dma_wait3A_1560] : memref<3x128x128xf32, #tpu.memory_space<vmem>> -> memref<1x128x128xf32, #tpu.memory_space<vmem>>
    %dma_wait3A_1562 = tpu.memref_squeeze %dma_wait3A_1561 : memref<1x128x128xf32, #tpu.memory_space<vmem>> -> memref<128x128xf32, #tpu.memory_space<vmem>>
    tpu.wait_dma2 semaphore(%arg10 : memref<!tpu.dma_semaphore, #tpu.memory_space<semaphore_mem>>) src(%dma_wait3A_1562 : memref<128x128xf32, #tpu.memory_space<vmem>>) dst(%dma_wait3A_1558 : memref<128x128xf32, #tpu.memory_space<hbm>>)
    %dma_start3A_1563 = arith.constant 2 : i32
    %dma_start3A_1564 = arith.constant 0 : i32
    %dma_start3A_1565 = arith.constant 0 : i32
    %dma_start3A_1566 = tpu.memref_slice %arg7[%dma_start3A_1563, %dma_start3A_1564, %dma_start3A_1565] : memref<3x128x128xf32, #tpu.memory_space<vmem>> -> memref<1x128x128xf32, #tpu.memory_space<vmem>>
    %dma_start3A_1567 = tpu.memref_squeeze %dma_start3A_1566 : memref<1x128x128xf32, #tpu.memory_space<vmem>> -> memref<128x128xf32, #tpu.memory_space<vmem>>
    %dma_start3A_1568 = arith.constant 384 : i32
    %dma_start3A_1569 = tpu.memref_slice %arg6[%dma_start3A_1568] : memref<2048xi32, #tpu.memory_space<vmem>> -> memref<128xi32, #tpu.memory_space<vmem>>
    %dma_start3A_1570 = arith.constant 0 : i32
    %dma_start3A_1571 = arith.constant 0 : i32
    %dma_start3A_1572 = tpu.memref_slice %arg8[%dma_start3A_1570, %dma_start3A_1571] : memref<8200x128xf32, #tpu.memory_space<vmem_shared>> -> memref<8200x128xf32, #tpu.memory_space<vmem_shared>>
    tpu.enqueue_indirect_dma source(%dma_start3A_1572 : memref<8200x128xf32, #tpu.memory_space<vmem_shared>>) target(%dma_start3A_1567 : memref<128x128xf32, #tpu.memory_space<vmem>>) offsets(%dma_start3A_1569 : memref<128xi32, #tpu.memory_space<vmem>>) semaphore(%arg9 : memref<!tpu.dma_semaphore, #tpu.memory_space<semaphore_mem>>)
    %dma_wait3A_1573 = arith.constant 1 : i32
    %dma_wait3A_1574 = arith.constant 0 : i32
    %dma_wait3A_1575 = arith.constant 0 : i32
    %dma_wait3A_1576 = tpu.memref_slice %arg7[%dma_wait3A_1573, %dma_wait3A_1574, %dma_wait3A_1575] : memref<3x128x128xf32, #tpu.memory_space<vmem>> -> memref<1x128x128xf32, #tpu.memory_space<vmem>>
    %dma_wait3A_1577 = tpu.memref_squeeze %dma_wait3A_1576 : memref<1x128x128xf32, #tpu.memory_space<vmem>> -> memref<128x128xf32, #tpu.memory_space<vmem>>
    %dma_wait3A_1578 = arith.constant 256 : i32
    %dma_wait3A_1579 = tpu.memref_slice %arg6[%dma_wait3A_1578] : memref<2048xi32, #tpu.memory_space<vmem>> -> memref<128xi32, #tpu.memory_space<vmem>>
    %dma_wait3A_1580 = arith.constant 0 : i32
    %dma_wait3A_1581 = arith.constant 0 : i32
    %dma_wait3A_1582 = tpu.memref_slice %arg8[%dma_wait3A_1580, %dma_wait3A_1581] : memref<8200x128xf32, #tpu.memory_space<vmem_shared>> -> memref<8200x128xf32, #tpu.memory_space<vmem_shared>>
    tpu.wait_indirect_dma semaphore(%arg9 : memref<!tpu.dma_semaphore, #tpu.memory_space<semaphore_mem>>) src(%dma_wait3A_1582 : memref<8200x128xf32, #tpu.memory_space<vmem_shared>>) dst(%dma_wait3A_1577 : memref<128x128xf32, #tpu.memory_space<vmem>>)
    %add3A_1583 = arith.constant 256 : i32
    %add3A_1584 = arith.addi %mul3A_0, %add3A_1583 : i32
    %dma_start3A_1585 = arith.constant 1 : i32
    %dma_start3A_1586 = arith.constant 0 : i32
    %dma_start3A_1587 = arith.constant 0 : i32
    %dma_start3A_1588 = tpu.memref_slice %arg7[%dma_start3A_1585, %dma_start3A_1586, %dma_start3A_1587] : memref<3x128x128xf32, #tpu.memory_space<vmem>> -> memref<1x128x128xf32, #tpu.memory_space<vmem>>
    %dma_start3A_1589 = tpu.memref_squeeze %dma_start3A_1588 : memref<1x128x128xf32, #tpu.memory_space<vmem>> -> memref<128x128xf32, #tpu.memory_space<vmem>>
    %dma_start3A_1590 = tpu.memref_slice %arg5[%add3A_1584, %add3A_1438] : memref<32768x768xf32, #tpu.memory_space<hbm>> -> memref<128x128xf32, #tpu.memory_space<hbm>>
    %dma_start3A_1591 = tpu.memref_slice %arg5[%add3A_1584, %add3A_1438] : memref<32768x768xf32, #tpu.memory_space<hbm>> -> memref<128x128xf32, #tpu.memory_space<hbm>>
    %dma_start3A_1592 = arith.constant 0 : i32
    %dma_start3A_1593 = arith.constant 0 : i32
    %dma_start3A_1594 = tpu.memref_slice %arg7[%dma_start3A_1585, %dma_start3A_1592, %dma_start3A_1593] : memref<3x128x128xf32, #tpu.memory_space<vmem>> -> memref<1x128x128xf32, #tpu.memory_space<vmem>>
    %dma_start3A_1595 = tpu.memref_squeeze %dma_start3A_1594 : memref<1x128x128xf32, #tpu.memory_space<vmem>> -> memref<128x128xf32, #tpu.memory_space<vmem>>
    tpu.enqueue_dma source(%dma_start3A_1595 : memref<128x128xf32, #tpu.memory_space<vmem>>) target(%dma_start3A_1591 : memref<128x128xf32, #tpu.memory_space<hbm>>) target_semaphore(%arg10 : memref<!tpu.dma_semaphore, #tpu.memory_space<semaphore_mem>>)
    %dma_wait3A_1596 = arith.constant 0 : i32
    %dma_wait3A_1597 = arith.constant 0 : i32
    %dma_wait3A_1598 = arith.constant 0 : i32
    %dma_wait3A_1599 = tpu.memref_slice %arg7[%dma_wait3A_1596, %dma_wait3A_1597, %dma_wait3A_1598] : memref<3x128x128xf32, #tpu.memory_space<vmem>> -> memref<1x128x128xf32, #tpu.memory_space<vmem>>
    %dma_wait3A_1600 = tpu.memref_squeeze %dma_wait3A_1599 : memref<1x128x128xf32, #tpu.memory_space<vmem>> -> memref<128x128xf32, #tpu.memory_space<vmem>>
    %dma_wait3A_1601 = tpu.memref_slice %arg5[%add3A_1540, %add3A_1438] : memref<32768x768xf32, #tpu.memory_space<hbm>> -> memref<128x128xf32, #tpu.memory_space<hbm>>
    %dma_wait3A_1602 = tpu.memref_slice %arg5[%add3A_1540, %add3A_1438] : memref<32768x768xf32, #tpu.memory_space<hbm>> -> memref<128x128xf32, #tpu.memory_space<hbm>>
    %dma_wait3A_1603 = arith.constant 0 : i32
    %dma_wait3A_1604 = arith.constant 0 : i32
    %dma_wait3A_1605 = tpu.memref_slice %arg7[%dma_wait3A_1596, %dma_wait3A_1603, %dma_wait3A_1604] : memref<3x128x128xf32, #tpu.memory_space<vmem>> -> memref<1x128x128xf32, #tpu.memory_space<vmem>>
    %dma_wait3A_1606 = tpu.memref_squeeze %dma_wait3A_1605 : memref<1x128x128xf32, #tpu.memory_space<vmem>> -> memref<128x128xf32, #tpu.memory_space<vmem>>
    tpu.wait_dma2 semaphore(%arg10 : memref<!tpu.dma_semaphore, #tpu.memory_space<semaphore_mem>>) src(%dma_wait3A_1606 : memref<128x128xf32, #tpu.memory_space<vmem>>) dst(%dma_wait3A_1602 : memref<128x128xf32, #tpu.memory_space<hbm>>)
    %dma_start3A_1607 = arith.constant 0 : i32
    %dma_start3A_1608 = arith.constant 0 : i32
    %dma_start3A_1609 = arith.constant 0 : i32
    %dma_start3A_1610 = tpu.memref_slice %arg7[%dma_start3A_1607, %dma_start3A_1608, %dma_start3A_1609] : memref<3x128x128xf32, #tpu.memory_space<vmem>> -> memref<1x128x128xf32, #tpu.memory_space<vmem>>
    %dma_start3A_1611 = tpu.memref_squeeze %dma_start3A_1610 : memref<1x128x128xf32, #tpu.memory_space<vmem>> -> memref<128x128xf32, #tpu.memory_space<vmem>>
    %dma_start3A_1612 = arith.constant 512 : i32
    %dma_start3A_1613 = tpu.memref_slice %arg6[%dma_start3A_1612] : memref<2048xi32, #tpu.memory_space<vmem>> -> memref<128xi32, #tpu.memory_space<vmem>>
    %dma_start3A_1614 = arith.constant 0 : i32
    %dma_start3A_1615 = arith.constant 0 : i32
    %dma_start3A_1616 = tpu.memref_slice %arg8[%dma_start3A_1614, %dma_start3A_1615] : memref<8200x128xf32, #tpu.memory_space<vmem_shared>> -> memref<8200x128xf32, #tpu.memory_space<vmem_shared>>
    tpu.enqueue_indirect_dma source(%dma_start3A_1616 : memref<8200x128xf32, #tpu.memory_space<vmem_shared>>) target(%dma_start3A_1611 : memref<128x128xf32, #tpu.memory_space<vmem>>) offsets(%dma_start3A_1613 : memref<128xi32, #tpu.memory_space<vmem>>) semaphore(%arg9 : memref<!tpu.dma_semaphore, #tpu.memory_space<semaphore_mem>>)
    %dma_wait3A_1617 = arith.constant 2 : i32
    %dma_wait3A_1618 = arith.constant 0 : i32
    %dma_wait3A_1619 = arith.constant 0 : i32
    %dma_wait3A_1620 = tpu.memref_slice %arg7[%dma_wait3A_1617, %dma_wait3A_1618, %dma_wait3A_1619] : memref<3x128x128xf32, #tpu.memory_space<vmem>> -> memref<1x128x128xf32, #tpu.memory_space<vmem>>
    %dma_wait3A_1621 = tpu.memref_squeeze %dma_wait3A_1620 : memref<1x128x128xf32, #tpu.memory_space<vmem>> -> memref<128x128xf32, #tpu.memory_space<vmem>>
    %dma_wait3A_1622 = arith.constant 384 : i32
    %dma_wait3A_1623 = tpu.memref_slice %arg6[%dma_wait3A_1622] : memref<2048xi32, #tpu.memory_space<vmem>> -> memref<128xi32, #tpu.memory_space<vmem>>
    %dma_wait3A_1624 = arith.constant 0 : i32
    %dma_wait3A_1625 = arith.constant 0 : i32
    %dma_wait3A_1626 = tpu.memref_slice %arg8[%dma_wait3A_1624, %dma_wait3A_1625] : memref<8200x128xf32, #tpu.memory_space<vmem_shared>> -> memref<8200x128xf32, #tpu.memory_space<vmem_shared>>
    tpu.wait_indirect_dma semaphore(%arg9 : memref<!tpu.dma_semaphore, #tpu.memory_space<semaphore_mem>>) src(%dma_wait3A_1626 : memref<8200x128xf32, #tpu.memory_space<vmem_shared>>) dst(%dma_wait3A_1621 : memref<128x128xf32, #tpu.memory_space<vmem>>)
    %add3A_1627 = arith.constant 384 : i32
    %add3A_1628 = arith.addi %mul3A_0, %add3A_1627 : i32
    %dma_start3A_1629 = arith.constant 2 : i32
    %dma_start3A_1630 = arith.constant 0 : i32
    %dma_start3A_1631 = arith.constant 0 : i32
    %dma_start3A_1632 = tpu.memref_slice %arg7[%dma_start3A_1629, %dma_start3A_1630, %dma_start3A_1631] : memref<3x128x128xf32, #tpu.memory_space<vmem>> -> memref<1x128x128xf32, #tpu.memory_space<vmem>>
    %dma_start3A_1633 = tpu.memref_squeeze %dma_start3A_1632 : memref<1x128x128xf32, #tpu.memory_space<vmem>> -> memref<128x128xf32, #tpu.memory_space<vmem>>
    %dma_start3A_1634 = tpu.memref_slice %arg5[%add3A_1628, %add3A_1438] : memref<32768x768xf32, #tpu.memory_space<hbm>> -> memref<128x128xf32, #tpu.memory_space<hbm>>
    %dma_start3A_1635 = tpu.memref_slice %arg5[%add3A_1628, %add3A_1438] : memref<32768x768xf32, #tpu.memory_space<hbm>> -> memref<128x128xf32, #tpu.memory_space<hbm>>
    %dma_start3A_1636 = arith.constant 0 : i32
    %dma_start3A_1637 = arith.constant 0 : i32
    %dma_start3A_1638 = tpu.memref_slice %arg7[%dma_start3A_1629, %dma_start3A_1636, %dma_start3A_1637] : memref<3x128x128xf32, #tpu.memory_space<vmem>> -> memref<1x128x128xf32, #tpu.memory_space<vmem>>
    %dma_start3A_1639 = tpu.memref_squeeze %dma_start3A_1638 : memref<1x128x128xf32, #tpu.memory_space<vmem>> -> memref<128x128xf32, #tpu.memory_space<vmem>>
    tpu.enqueue_dma source(%dma_start3A_1639 : memref<128x128xf32, #tpu.memory_space<vmem>>) target(%dma_start3A_1635 : memref<128x128xf32, #tpu.memory_space<hbm>>) target_semaphore(%arg10 : memref<!tpu.dma_semaphore, #tpu.memory_space<semaphore_mem>>)
    %dma_wait3A_1640 = arith.constant 1 : i32
    %dma_wait3A_1641 = arith.constant 0 : i32
    %dma_wait3A_1642 = arith.constant 0 : i32
    %dma_wait3A_1643 = tpu.memref_slice %arg7[%dma_wait3A_1640, %dma_wait3A_1641, %dma_wait3A_1642] : memref<3x128x128xf32, #tpu.memory_space<vmem>> -> memref<1x128x128xf32, #tpu.memory_space<vmem>>
    %dma_wait3A_1644 = tpu.memref_squeeze %dma_wait3A_1643 : memref<1x128x128xf32, #tpu.memory_space<vmem>> -> memref<128x128xf32, #tpu.memory_space<vmem>>
    %dma_wait3A_1645 = tpu.memref_slice %arg5[%add3A_1584, %add3A_1438] : memref<32768x768xf32, #tpu.memory_space<hbm>> -> memref<128x128xf32, #tpu.memory_space<hbm>>
    %dma_wait3A_1646 = tpu.memref_slice %arg5[%add3A_1584, %add3A_1438] : memref<32768x768xf32, #tpu.memory_space<hbm>> -> memref<128x128xf32, #tpu.memory_space<hbm>>
    %dma_wait3A_1647 = arith.constant 0 : i32
    %dma_wait3A_1648 = arith.constant 0 : i32
    %dma_wait3A_1649 = tpu.memref_slice %arg7[%dma_wait3A_1640, %dma_wait3A_1647, %dma_wait3A_1648] : memref<3x128x128xf32, #tpu.memory_space<vmem>> -> memref<1x128x128xf32, #tpu.memory_space<vmem>>
    %dma_wait3A_1650 = tpu.memref_squeeze %dma_wait3A_1649 : memref<1x128x128xf32, #tpu.memory_space<vmem>> -> memref<128x128xf32, #tpu.memory_space<vmem>>
    tpu.wait_dma2 semaphore(%arg10 : memref<!tpu.dma_semaphore, #tpu.memory_space<semaphore_mem>>) src(%dma_wait3A_1650 : memref<128x128xf32, #tpu.memory_space<vmem>>) dst(%dma_wait3A_1646 : memref<128x128xf32, #tpu.memory_space<hbm>>)
    %dma_start3A_1651 = arith.constant 1 : i32
    %dma_start3A_1652 = arith.constant 0 : i32
    %dma_start3A_1653 = arith.constant 0 : i32
    %dma_start3A_1654 = tpu.memref_slice %arg7[%dma_start3A_1651, %dma_start3A_1652, %dma_start3A_1653] : memref<3x128x128xf32, #tpu.memory_space<vmem>> -> memref<1x128x128xf32, #tpu.memory_space<vmem>>
    %dma_start3A_1655 = tpu.memref_squeeze %dma_start3A_1654 : memref<1x128x128xf32, #tpu.memory_space<vmem>> -> memref<128x128xf32, #tpu.memory_space<vmem>>
    %dma_start3A_1656 = arith.constant 640 : i32
    %dma_start3A_1657 = tpu.memref_slice %arg6[%dma_start3A_1656] : memref<2048xi32, #tpu.memory_space<vmem>> -> memref<128xi32, #tpu.memory_space<vmem>>
    %dma_start3A_1658 = arith.constant 0 : i32
    %dma_start3A_1659 = arith.constant 0 : i32
    %dma_start3A_1660 = tpu.memref_slice %arg8[%dma_start3A_1658, %dma_start3A_1659] : memref<8200x128xf32, #tpu.memory_space<vmem_shared>> -> memref<8200x128xf32, #tpu.memory_space<vmem_shared>>
    tpu.enqueue_indirect_dma source(%dma_start3A_1660 : memref<8200x128xf32, #tpu.memory_space<vmem_shared>>) target(%dma_start3A_1655 : memref<128x128xf32, #tpu.memory_space<vmem>>) offsets(%dma_start3A_1657 : memref<128xi32, #tpu.memory_space<vmem>>) semaphore(%arg9 : memref<!tpu.dma_semaphore, #tpu.memory_space<semaphore_mem>>)
    %dma_wait3A_1661 = arith.constant 0 : i32
    %dma_wait3A_1662 = arith.constant 0 : i32
    %dma_wait3A_1663 = arith.constant 0 : i32
    %dma_wait3A_1664 = tpu.memref_slice %arg7[%dma_wait3A_1661, %dma_wait3A_1662, %dma_wait3A_1663] : memref<3x128x128xf32, #tpu.memory_space<vmem>> -> memref<1x128x128xf32, #tpu.memory_space<vmem>>
    %dma_wait3A_1665 = tpu.memref_squeeze %dma_wait3A_1664 : memref<1x128x128xf32, #tpu.memory_space<vmem>> -> memref<128x128xf32, #tpu.memory_space<vmem>>
    %dma_wait3A_1666 = arith.constant 512 : i32
    %dma_wait3A_1667 = tpu.memref_slice %arg6[%dma_wait3A_1666] : memref<2048xi32, #tpu.memory_space<vmem>> -> memref<128xi32, #tpu.memory_space<vmem>>
    %dma_wait3A_1668 = arith.constant 0 : i32
    %dma_wait3A_1669 = arith.constant 0 : i32
    %dma_wait3A_1670 = tpu.memref_slice %arg8[%dma_wait3A_1668, %dma_wait3A_1669] : memref<8200x128xf32, #tpu.memory_space<vmem_shared>> -> memref<8200x128xf32, #tpu.memory_space<vmem_shared>>
    tpu.wait_indirect_dma semaphore(%arg9 : memref<!tpu.dma_semaphore, #tpu.memory_space<semaphore_mem>>) src(%dma_wait3A_1670 : memref<8200x128xf32, #tpu.memory_space<vmem_shared>>) dst(%dma_wait3A_1665 : memref<128x128xf32, #tpu.memory_space<vmem>>)
    %add3A_1671 = arith.constant 512 : i32
    %add3A_1672 = arith.addi %mul3A_0, %add3A_1671 : i32
    %dma_start3A_1673 = arith.constant 0 : i32
    %dma_start3A_1674 = arith.constant 0 : i32
    %dma_start3A_1675 = arith.constant 0 : i32
    %dma_start3A_1676 = tpu.memref_slice %arg7[%dma_start3A_1673, %dma_start3A_1674, %dma_start3A_1675] : memref<3x128x128xf32, #tpu.memory_space<vmem>> -> memref<1x128x128xf32, #tpu.memory_space<vmem>>
    %dma_start3A_1677 = tpu.memref_squeeze %dma_start3A_1676 : memref<1x128x128xf32, #tpu.memory_space<vmem>> -> memref<128x128xf32, #tpu.memory_space<vmem>>
    %dma_start3A_1678 = tpu.memref_slice %arg5[%add3A_1672, %add3A_1438] : memref<32768x768xf32, #tpu.memory_space<hbm>> -> memref<128x128xf32, #tpu.memory_space<hbm>>
    %dma_start3A_1679 = tpu.memref_slice %arg5[%add3A_1672, %add3A_1438] : memref<32768x768xf32, #tpu.memory_space<hbm>> -> memref<128x128xf32, #tpu.memory_space<hbm>>
    %dma_start3A_1680 = arith.constant 0 : i32
    %dma_start3A_1681 = arith.constant 0 : i32
    %dma_start3A_1682 = tpu.memref_slice %arg7[%dma_start3A_1673, %dma_start3A_1680, %dma_start3A_1681] : memref<3x128x128xf32, #tpu.memory_space<vmem>> -> memref<1x128x128xf32, #tpu.memory_space<vmem>>
    %dma_start3A_1683 = tpu.memref_squeeze %dma_start3A_1682 : memref<1x128x128xf32, #tpu.memory_space<vmem>> -> memref<128x128xf32, #tpu.memory_space<vmem>>
    tpu.enqueue_dma source(%dma_start3A_1683 : memref<128x128xf32, #tpu.memory_space<vmem>>) target(%dma_start3A_1679 : memref<128x128xf32, #tpu.memory_space<hbm>>) target_semaphore(%arg10 : memref<!tpu.dma_semaphore, #tpu.memory_space<semaphore_mem>>)
    %dma_wait3A_1684 = arith.constant 2 : i32
    %dma_wait3A_1685 = arith.constant 0 : i32
    %dma_wait3A_1686 = arith.constant 0 : i32
    %dma_wait3A_1687 = tpu.memref_slice %arg7[%dma_wait3A_1684, %dma_wait3A_1685, %dma_wait3A_1686] : memref<3x128x128xf32, #tpu.memory_space<vmem>> -> memref<1x128x128xf32, #tpu.memory_space<vmem>>
    %dma_wait3A_1688 = tpu.memref_squeeze %dma_wait3A_1687 : memref<1x128x128xf32, #tpu.memory_space<vmem>> -> memref<128x128xf32, #tpu.memory_space<vmem>>
    %dma_wait3A_1689 = tpu.memref_slice %arg5[%add3A_1628, %add3A_1438] : memref<32768x768xf32, #tpu.memory_space<hbm>> -> memref<128x128xf32, #tpu.memory_space<hbm>>
    %dma_wait3A_1690 = tpu.memref_slice %arg5[%add3A_1628, %add3A_1438] : memref<32768x768xf32, #tpu.memory_space<hbm>> -> memref<128x128xf32, #tpu.memory_space<hbm>>
    %dma_wait3A_1691 = arith.constant 0 : i32
    %dma_wait3A_1692 = arith.constant 0 : i32
    %dma_wait3A_1693 = tpu.memref_slice %arg7[%dma_wait3A_1684, %dma_wait3A_1691, %dma_wait3A_1692] : memref<3x128x128xf32, #tpu.memory_space<vmem>> -> memref<1x128x128xf32, #tpu.memory_space<vmem>>
    %dma_wait3A_1694 = tpu.memref_squeeze %dma_wait3A_1693 : memref<1x128x128xf32, #tpu.memory_space<vmem>> -> memref<128x128xf32, #tpu.memory_space<vmem>>
    tpu.wait_dma2 semaphore(%arg10 : memref<!tpu.dma_semaphore, #tpu.memory_space<semaphore_mem>>) src(%dma_wait3A_1694 : memref<128x128xf32, #tpu.memory_space<vmem>>) dst(%dma_wait3A_1690 : memref<128x128xf32, #tpu.memory_space<hbm>>)
    %dma_start3A_1695 = arith.constant 2 : i32
    %dma_start3A_1696 = arith.constant 0 : i32
    %dma_start3A_1697 = arith.constant 0 : i32
    %dma_start3A_1698 = tpu.memref_slice %arg7[%dma_start3A_1695, %dma_start3A_1696, %dma_start3A_1697] : memref<3x128x128xf32, #tpu.memory_space<vmem>> -> memref<1x128x128xf32, #tpu.memory_space<vmem>>
    %dma_start3A_1699 = tpu.memref_squeeze %dma_start3A_1698 : memref<1x128x128xf32, #tpu.memory_space<vmem>> -> memref<128x128xf32, #tpu.memory_space<vmem>>
    %dma_start3A_1700 = arith.constant 768 : i32
    %dma_start3A_1701 = tpu.memref_slice %arg6[%dma_start3A_1700] : memref<2048xi32, #tpu.memory_space<vmem>> -> memref<128xi32, #tpu.memory_space<vmem>>
    %dma_start3A_1702 = arith.constant 0 : i32
    %dma_start3A_1703 = arith.constant 0 : i32
    %dma_start3A_1704 = tpu.memref_slice %arg8[%dma_start3A_1702, %dma_start3A_1703] : memref<8200x128xf32, #tpu.memory_space<vmem_shared>> -> memref<8200x128xf32, #tpu.memory_space<vmem_shared>>
    tpu.enqueue_indirect_dma source(%dma_start3A_1704 : memref<8200x128xf32, #tpu.memory_space<vmem_shared>>) target(%dma_start3A_1699 : memref<128x128xf32, #tpu.memory_space<vmem>>) offsets(%dma_start3A_1701 : memref<128xi32, #tpu.memory_space<vmem>>) semaphore(%arg9 : memref<!tpu.dma_semaphore, #tpu.memory_space<semaphore_mem>>)
    %dma_wait3A_1705 = arith.constant 1 : i32
    %dma_wait3A_1706 = arith.constant 0 : i32
    %dma_wait3A_1707 = arith.constant 0 : i32
    %dma_wait3A_1708 = tpu.memref_slice %arg7[%dma_wait3A_1705, %dma_wait3A_1706, %dma_wait3A_1707] : memref<3x128x128xf32, #tpu.memory_space<vmem>> -> memref<1x128x128xf32, #tpu.memory_space<vmem>>
    %dma_wait3A_1709 = tpu.memref_squeeze %dma_wait3A_1708 : memref<1x128x128xf32, #tpu.memory_space<vmem>> -> memref<128x128xf32, #tpu.memory_space<vmem>>
    %dma_wait3A_1710 = arith.constant 640 : i32
    %dma_wait3A_1711 = tpu.memref_slice %arg6[%dma_wait3A_1710] : memref<2048xi32, #tpu.memory_space<vmem>> -> memref<128xi32, #tpu.memory_space<vmem>>
    %dma_wait3A_1712 = arith.constant 0 : i32
    %dma_wait3A_1713 = arith.constant 0 : i32
    %dma_wait3A_1714 = tpu.memref_slice %arg8[%dma_wait3A_1712, %dma_wait3A_1713] : memref<8200x128xf32, #tpu.memory_space<vmem_shared>> -> memref<8200x128xf32, #tpu.memory_space<vmem_shared>>
    tpu.wait_indirect_dma semaphore(%arg9 : memref<!tpu.dma_semaphore, #tpu.memory_space<semaphore_mem>>) src(%dma_wait3A_1714 : memref<8200x128xf32, #tpu.memory_space<vmem_shared>>) dst(%dma_wait3A_1709 : memref<128x128xf32, #tpu.memory_space<vmem>>)
    %add3A_1715 = arith.constant 640 : i32
    %add3A_1716 = arith.addi %mul3A_0, %add3A_1715 : i32
    %dma_start3A_1717 = arith.constant 1 : i32
    %dma_start3A_1718 = arith.constant 0 : i32
    %dma_start3A_1719 = arith.constant 0 : i32
    %dma_start3A_1720 = tpu.memref_slice %arg7[%dma_start3A_1717, %dma_start3A_1718, %dma_start3A_1719] : memref<3x128x128xf32, #tpu.memory_space<vmem>> -> memref<1x128x128xf32, #tpu.memory_space<vmem>>
    %dma_start3A_1721 = tpu.memref_squeeze %dma_start3A_1720 : memref<1x128x128xf32, #tpu.memory_space<vmem>> -> memref<128x128xf32, #tpu.memory_space<vmem>>
    %dma_start3A_1722 = tpu.memref_slice %arg5[%add3A_1716, %add3A_1438] : memref<32768x768xf32, #tpu.memory_space<hbm>> -> memref<128x128xf32, #tpu.memory_space<hbm>>
    %dma_start3A_1723 = tpu.memref_slice %arg5[%add3A_1716, %add3A_1438] : memref<32768x768xf32, #tpu.memory_space<hbm>> -> memref<128x128xf32, #tpu.memory_space<hbm>>
    %dma_start3A_1724 = arith.constant 0 : i32
    %dma_start3A_1725 = arith.constant 0 : i32
    %dma_start3A_1726 = tpu.memref_slice %arg7[%dma_start3A_1717, %dma_start3A_1724, %dma_start3A_1725] : memref<3x128x128xf32, #tpu.memory_space<vmem>> -> memref<1x128x128xf32, #tpu.memory_space<vmem>>
    %dma_start3A_1727 = tpu.memref_squeeze %dma_start3A_1726 : memref<1x128x128xf32, #tpu.memory_space<vmem>> -> memref<128x128xf32, #tpu.memory_space<vmem>>
    tpu.enqueue_dma source(%dma_start3A_1727 : memref<128x128xf32, #tpu.memory_space<vmem>>) target(%dma_start3A_1723 : memref<128x128xf32, #tpu.memory_space<hbm>>) target_semaphore(%arg10 : memref<!tpu.dma_semaphore, #tpu.memory_space<semaphore_mem>>)
    %dma_wait3A_1728 = arith.constant 0 : i32
    %dma_wait3A_1729 = arith.constant 0 : i32
    %dma_wait3A_1730 = arith.constant 0 : i32
    %dma_wait3A_1731 = tpu.memref_slice %arg7[%dma_wait3A_1728, %dma_wait3A_1729, %dma_wait3A_1730] : memref<3x128x128xf32, #tpu.memory_space<vmem>> -> memref<1x128x128xf32, #tpu.memory_space<vmem>>
    %dma_wait3A_1732 = tpu.memref_squeeze %dma_wait3A_1731 : memref<1x128x128xf32, #tpu.memory_space<vmem>> -> memref<128x128xf32, #tpu.memory_space<vmem>>
    %dma_wait3A_1733 = tpu.memref_slice %arg5[%add3A_1672, %add3A_1438] : memref<32768x768xf32, #tpu.memory_space<hbm>> -> memref<128x128xf32, #tpu.memory_space<hbm>>
    %dma_wait3A_1734 = tpu.memref_slice %arg5[%add3A_1672, %add3A_1438] : memref<32768x768xf32, #tpu.memory_space<hbm>> -> memref<128x128xf32, #tpu.memory_space<hbm>>
    %dma_wait3A_1735 = arith.constant 0 : i32
    %dma_wait3A_1736 = arith.constant 0 : i32
    %dma_wait3A_1737 = tpu.memref_slice %arg7[%dma_wait3A_1728, %dma_wait3A_1735, %dma_wait3A_1736] : memref<3x128x128xf32, #tpu.memory_space<vmem>> -> memref<1x128x128xf32, #tpu.memory_space<vmem>>
    %dma_wait3A_1738 = tpu.memref_squeeze %dma_wait3A_1737 : memref<1x128x128xf32, #tpu.memory_space<vmem>> -> memref<128x128xf32, #tpu.memory_space<vmem>>
    tpu.wait_dma2 semaphore(%arg10 : memref<!tpu.dma_semaphore, #tpu.memory_space<semaphore_mem>>) src(%dma_wait3A_1738 : memref<128x128xf32, #tpu.memory_space<vmem>>) dst(%dma_wait3A_1734 : memref<128x128xf32, #tpu.memory_space<hbm>>)
    %dma_start3A_1739 = arith.constant 0 : i32
    %dma_start3A_1740 = arith.constant 0 : i32
    %dma_start3A_1741 = arith.constant 0 : i32
    %dma_start3A_1742 = tpu.memref_slice %arg7[%dma_start3A_1739, %dma_start3A_1740, %dma_start3A_1741] : memref<3x128x128xf32, #tpu.memory_space<vmem>> -> memref<1x128x128xf32, #tpu.memory_space<vmem>>
    %dma_start3A_1743 = tpu.memref_squeeze %dma_start3A_1742 : memref<1x128x128xf32, #tpu.memory_space<vmem>> -> memref<128x128xf32, #tpu.memory_space<vmem>>
    %dma_start3A_1744 = arith.constant 896 : i32
    %dma_start3A_1745 = tpu.memref_slice %arg6[%dma_start3A_1744] : memref<2048xi32, #tpu.memory_space<vmem>> -> memref<128xi32, #tpu.memory_space<vmem>>
    %dma_start3A_1746 = arith.constant 0 : i32
    %dma_start3A_1747 = arith.constant 0 : i32
    %dma_start3A_1748 = tpu.memref_slice %arg8[%dma_start3A_1746, %dma_start3A_1747] : memref<8200x128xf32, #tpu.memory_space<vmem_shared>> -> memref<8200x128xf32, #tpu.memory_space<vmem_shared>>
    tpu.enqueue_indirect_dma source(%dma_start3A_1748 : memref<8200x128xf32, #tpu.memory_space<vmem_shared>>) target(%dma_start3A_1743 : memref<128x128xf32, #tpu.memory_space<vmem>>) offsets(%dma_start3A_1745 : memref<128xi32, #tpu.memory_space<vmem>>) semaphore(%arg9 : memref<!tpu.dma_semaphore, #tpu.memory_space<semaphore_mem>>)
    %dma_wait3A_1749 = arith.constant 2 : i32
    %dma_wait3A_1750 = arith.constant 0 : i32
    %dma_wait3A_1751 = arith.constant 0 : i32
    %dma_wait3A_1752 = tpu.memref_slice %arg7[%dma_wait3A_1749, %dma_wait3A_1750, %dma_wait3A_1751] : memref<3x128x128xf32, #tpu.memory_space<vmem>> -> memref<1x128x128xf32, #tpu.memory_space<vmem>>
    %dma_wait3A_1753 = tpu.memref_squeeze %dma_wait3A_1752 : memref<1x128x128xf32, #tpu.memory_space<vmem>> -> memref<128x128xf32, #tpu.memory_space<vmem>>
    %dma_wait3A_1754 = arith.constant 768 : i32
    %dma_wait3A_1755 = tpu.memref_slice %arg6[%dma_wait3A_1754] : memref<2048xi32, #tpu.memory_space<vmem>> -> memref<128xi32, #tpu.memory_space<vmem>>
    %dma_wait3A_1756 = arith.constant 0 : i32
    %dma_wait3A_1757 = arith.constant 0 : i32
    %dma_wait3A_1758 = tpu.memref_slice %arg8[%dma_wait3A_1756, %dma_wait3A_1757] : memref<8200x128xf32, #tpu.memory_space<vmem_shared>> -> memref<8200x128xf32, #tpu.memory_space<vmem_shared>>
    tpu.wait_indirect_dma semaphore(%arg9 : memref<!tpu.dma_semaphore, #tpu.memory_space<semaphore_mem>>) src(%dma_wait3A_1758 : memref<8200x128xf32, #tpu.memory_space<vmem_shared>>) dst(%dma_wait3A_1753 : memref<128x128xf32, #tpu.memory_space<vmem>>)
    %add3A_1759 = arith.constant 768 : i32
    %add3A_1760 = arith.addi %mul3A_0, %add3A_1759 : i32
    %dma_start3A_1761 = arith.constant 2 : i32
    %dma_start3A_1762 = arith.constant 0 : i32
    %dma_start3A_1763 = arith.constant 0 : i32
    %dma_start3A_1764 = tpu.memref_slice %arg7[%dma_start3A_1761, %dma_start3A_1762, %dma_start3A_1763] : memref<3x128x128xf32, #tpu.memory_space<vmem>> -> memref<1x128x128xf32, #tpu.memory_space<vmem>>
    %dma_start3A_1765 = tpu.memref_squeeze %dma_start3A_1764 : memref<1x128x128xf32, #tpu.memory_space<vmem>> -> memref<128x128xf32, #tpu.memory_space<vmem>>
    %dma_start3A_1766 = tpu.memref_slice %arg5[%add3A_1760, %add3A_1438] : memref<32768x768xf32, #tpu.memory_space<hbm>> -> memref<128x128xf32, #tpu.memory_space<hbm>>
    %dma_start3A_1767 = tpu.memref_slice %arg5[%add3A_1760, %add3A_1438] : memref<32768x768xf32, #tpu.memory_space<hbm>> -> memref<128x128xf32, #tpu.memory_space<hbm>>
    %dma_start3A_1768 = arith.constant 0 : i32
    %dma_start3A_1769 = arith.constant 0 : i32
    %dma_start3A_1770 = tpu.memref_slice %arg7[%dma_start3A_1761, %dma_start3A_1768, %dma_start3A_1769] : memref<3x128x128xf32, #tpu.memory_space<vmem>> -> memref<1x128x128xf32, #tpu.memory_space<vmem>>
    %dma_start3A_1771 = tpu.memref_squeeze %dma_start3A_1770 : memref<1x128x128xf32, #tpu.memory_space<vmem>> -> memref<128x128xf32, #tpu.memory_space<vmem>>
    tpu.enqueue_dma source(%dma_start3A_1771 : memref<128x128xf32, #tpu.memory_space<vmem>>) target(%dma_start3A_1767 : memref<128x128xf32, #tpu.memory_space<hbm>>) target_semaphore(%arg10 : memref<!tpu.dma_semaphore, #tpu.memory_space<semaphore_mem>>)
    %dma_wait3A_1772 = arith.constant 1 : i32
    %dma_wait3A_1773 = arith.constant 0 : i32
    %dma_wait3A_1774 = arith.constant 0 : i32
    %dma_wait3A_1775 = tpu.memref_slice %arg7[%dma_wait3A_1772, %dma_wait3A_1773, %dma_wait3A_1774] : memref<3x128x128xf32, #tpu.memory_space<vmem>> -> memref<1x128x128xf32, #tpu.memory_space<vmem>>
    %dma_wait3A_1776 = tpu.memref_squeeze %dma_wait3A_1775 : memref<1x128x128xf32, #tpu.memory_space<vmem>> -> memref<128x128xf32, #tpu.memory_space<vmem>>
    %dma_wait3A_1777 = tpu.memref_slice %arg5[%add3A_1716, %add3A_1438] : memref<32768x768xf32, #tpu.memory_space<hbm>> -> memref<128x128xf32, #tpu.memory_space<hbm>>
    %dma_wait3A_1778 = tpu.memref_slice %arg5[%add3A_1716, %add3A_1438] : memref<32768x768xf32, #tpu.memory_space<hbm>> -> memref<128x128xf32, #tpu.memory_space<hbm>>
    %dma_wait3A_1779 = arith.constant 0 : i32
    %dma_wait3A_1780 = arith.constant 0 : i32
    %dma_wait3A_1781 = tpu.memref_slice %arg7[%dma_wait3A_1772, %dma_wait3A_1779, %dma_wait3A_1780] : memref<3x128x128xf32, #tpu.memory_space<vmem>> -> memref<1x128x128xf32, #tpu.memory_space<vmem>>
    %dma_wait3A_1782 = tpu.memref_squeeze %dma_wait3A_1781 : memref<1x128x128xf32, #tpu.memory_space<vmem>> -> memref<128x128xf32, #tpu.memory_space<vmem>>
    tpu.wait_dma2 semaphore(%arg10 : memref<!tpu.dma_semaphore, #tpu.memory_space<semaphore_mem>>) src(%dma_wait3A_1782 : memref<128x128xf32, #tpu.memory_space<vmem>>) dst(%dma_wait3A_1778 : memref<128x128xf32, #tpu.memory_space<hbm>>)
    %dma_start3A_1783 = arith.constant 1 : i32
    %dma_start3A_1784 = arith.constant 0 : i32
    %dma_start3A_1785 = arith.constant 0 : i32
    %dma_start3A_1786 = tpu.memref_slice %arg7[%dma_start3A_1783, %dma_start3A_1784, %dma_start3A_1785] : memref<3x128x128xf32, #tpu.memory_space<vmem>> -> memref<1x128x128xf32, #tpu.memory_space<vmem>>
    %dma_start3A_1787 = tpu.memref_squeeze %dma_start3A_1786 : memref<1x128x128xf32, #tpu.memory_space<vmem>> -> memref<128x128xf32, #tpu.memory_space<vmem>>
    %dma_start3A_1788 = arith.constant 1024 : i32
    %dma_start3A_1789 = tpu.memref_slice %arg6[%dma_start3A_1788] : memref<2048xi32, #tpu.memory_space<vmem>> -> memref<128xi32, #tpu.memory_space<vmem>>
    %dma_start3A_1790 = arith.constant 0 : i32
    %dma_start3A_1791 = arith.constant 0 : i32
    %dma_start3A_1792 = tpu.memref_slice %arg8[%dma_start3A_1790, %dma_start3A_1791] : memref<8200x128xf32, #tpu.memory_space<vmem_shared>> -> memref<8200x128xf32, #tpu.memory_space<vmem_shared>>
    tpu.enqueue_indirect_dma source(%dma_start3A_1792 : memref<8200x128xf32, #tpu.memory_space<vmem_shared>>) target(%dma_start3A_1787 : memref<128x128xf32, #tpu.memory_space<vmem>>) offsets(%dma_start3A_1789 : memref<128xi32, #tpu.memory_space<vmem>>) semaphore(%arg9 : memref<!tpu.dma_semaphore, #tpu.memory_space<semaphore_mem>>)
    %dma_wait3A_1793 = arith.constant 0 : i32
    %dma_wait3A_1794 = arith.constant 0 : i32
    %dma_wait3A_1795 = arith.constant 0 : i32
    %dma_wait3A_1796 = tpu.memref_slice %arg7[%dma_wait3A_1793, %dma_wait3A_1794, %dma_wait3A_1795] : memref<3x128x128xf32, #tpu.memory_space<vmem>> -> memref<1x128x128xf32, #tpu.memory_space<vmem>>
    %dma_wait3A_1797 = tpu.memref_squeeze %dma_wait3A_1796 : memref<1x128x128xf32, #tpu.memory_space<vmem>> -> memref<128x128xf32, #tpu.memory_space<vmem>>
    %dma_wait3A_1798 = arith.constant 896 : i32
    %dma_wait3A_1799 = tpu.memref_slice %arg6[%dma_wait3A_1798] : memref<2048xi32, #tpu.memory_space<vmem>> -> memref<128xi32, #tpu.memory_space<vmem>>
    %dma_wait3A_1800 = arith.constant 0 : i32
    %dma_wait3A_1801 = arith.constant 0 : i32
    %dma_wait3A_1802 = tpu.memref_slice %arg8[%dma_wait3A_1800, %dma_wait3A_1801] : memref<8200x128xf32, #tpu.memory_space<vmem_shared>> -> memref<8200x128xf32, #tpu.memory_space<vmem_shared>>
    tpu.wait_indirect_dma semaphore(%arg9 : memref<!tpu.dma_semaphore, #tpu.memory_space<semaphore_mem>>) src(%dma_wait3A_1802 : memref<8200x128xf32, #tpu.memory_space<vmem_shared>>) dst(%dma_wait3A_1797 : memref<128x128xf32, #tpu.memory_space<vmem>>)
    %add3A_1803 = arith.constant 896 : i32
    %add3A_1804 = arith.addi %mul3A_0, %add3A_1803 : i32
    %dma_start3A_1805 = arith.constant 0 : i32
    %dma_start3A_1806 = arith.constant 0 : i32
    %dma_start3A_1807 = arith.constant 0 : i32
    %dma_start3A_1808 = tpu.memref_slice %arg7[%dma_start3A_1805, %dma_start3A_1806, %dma_start3A_1807] : memref<3x128x128xf32, #tpu.memory_space<vmem>> -> memref<1x128x128xf32, #tpu.memory_space<vmem>>
    %dma_start3A_1809 = tpu.memref_squeeze %dma_start3A_1808 : memref<1x128x128xf32, #tpu.memory_space<vmem>> -> memref<128x128xf32, #tpu.memory_space<vmem>>
    %dma_start3A_1810 = tpu.memref_slice %arg5[%add3A_1804, %add3A_1438] : memref<32768x768xf32, #tpu.memory_space<hbm>> -> memref<128x128xf32, #tpu.memory_space<hbm>>
    %dma_start3A_1811 = tpu.memref_slice %arg5[%add3A_1804, %add3A_1438] : memref<32768x768xf32, #tpu.memory_space<hbm>> -> memref<128x128xf32, #tpu.memory_space<hbm>>
    %dma_start3A_1812 = arith.constant 0 : i32
    %dma_start3A_1813 = arith.constant 0 : i32
    %dma_start3A_1814 = tpu.memref_slice %arg7[%dma_start3A_1805, %dma_start3A_1812, %dma_start3A_1813] : memref<3x128x128xf32, #tpu.memory_space<vmem>> -> memref<1x128x128xf32, #tpu.memory_space<vmem>>
    %dma_start3A_1815 = tpu.memref_squeeze %dma_start3A_1814 : memref<1x128x128xf32, #tpu.memory_space<vmem>> -> memref<128x128xf32, #tpu.memory_space<vmem>>
    tpu.enqueue_dma source(%dma_start3A_1815 : memref<128x128xf32, #tpu.memory_space<vmem>>) target(%dma_start3A_1811 : memref<128x128xf32, #tpu.memory_space<hbm>>) target_semaphore(%arg10 : memref<!tpu.dma_semaphore, #tpu.memory_space<semaphore_mem>>)
    %dma_wait3A_1816 = arith.constant 2 : i32
    %dma_wait3A_1817 = arith.constant 0 : i32
    %dma_wait3A_1818 = arith.constant 0 : i32
    %dma_wait3A_1819 = tpu.memref_slice %arg7[%dma_wait3A_1816, %dma_wait3A_1817, %dma_wait3A_1818] : memref<3x128x128xf32, #tpu.memory_space<vmem>> -> memref<1x128x128xf32, #tpu.memory_space<vmem>>
    %dma_wait3A_1820 = tpu.memref_squeeze %dma_wait3A_1819 : memref<1x128x128xf32, #tpu.memory_space<vmem>> -> memref<128x128xf32, #tpu.memory_space<vmem>>
    %dma_wait3A_1821 = tpu.memref_slice %arg5[%add3A_1760, %add3A_1438] : memref<32768x768xf32, #tpu.memory_space<hbm>> -> memref<128x128xf32, #tpu.memory_space<hbm>>
    %dma_wait3A_1822 = tpu.memref_slice %arg5[%add3A_1760, %add3A_1438] : memref<32768x768xf32, #tpu.memory_space<hbm>> -> memref<128x128xf32, #tpu.memory_space<hbm>>
    %dma_wait3A_1823 = arith.constant 0 : i32
    %dma_wait3A_1824 = arith.constant 0 : i32
    %dma_wait3A_1825 = tpu.memref_slice %arg7[%dma_wait3A_1816, %dma_wait3A_1823, %dma_wait3A_1824] : memref<3x128x128xf32, #tpu.memory_space<vmem>> -> memref<1x128x128xf32, #tpu.memory_space<vmem>>
    %dma_wait3A_1826 = tpu.memref_squeeze %dma_wait3A_1825 : memref<1x128x128xf32, #tpu.memory_space<vmem>> -> memref<128x128xf32, #tpu.memory_space<vmem>>
    tpu.wait_dma2 semaphore(%arg10 : memref<!tpu.dma_semaphore, #tpu.memory_space<semaphore_mem>>) src(%dma_wait3A_1826 : memref<128x128xf32, #tpu.memory_space<vmem>>) dst(%dma_wait3A_1822 : memref<128x128xf32, #tpu.memory_space<hbm>>)
    %dma_start3A_1827 = arith.constant 2 : i32
    %dma_start3A_1828 = arith.constant 0 : i32
    %dma_start3A_1829 = arith.constant 0 : i32
    %dma_start3A_1830 = tpu.memref_slice %arg7[%dma_start3A_1827, %dma_start3A_1828, %dma_start3A_1829] : memref<3x128x128xf32, #tpu.memory_space<vmem>> -> memref<1x128x128xf32, #tpu.memory_space<vmem>>
    %dma_start3A_1831 = tpu.memref_squeeze %dma_start3A_1830 : memref<1x128x128xf32, #tpu.memory_space<vmem>> -> memref<128x128xf32, #tpu.memory_space<vmem>>
    %dma_start3A_1832 = arith.constant 1152 : i32
    %dma_start3A_1833 = tpu.memref_slice %arg6[%dma_start3A_1832] : memref<2048xi32, #tpu.memory_space<vmem>> -> memref<128xi32, #tpu.memory_space<vmem>>
    %dma_start3A_1834 = arith.constant 0 : i32
    %dma_start3A_1835 = arith.constant 0 : i32
    %dma_start3A_1836 = tpu.memref_slice %arg8[%dma_start3A_1834, %dma_start3A_1835] : memref<8200x128xf32, #tpu.memory_space<vmem_shared>> -> memref<8200x128xf32, #tpu.memory_space<vmem_shared>>
    tpu.enqueue_indirect_dma source(%dma_start3A_1836 : memref<8200x128xf32, #tpu.memory_space<vmem_shared>>) target(%dma_start3A_1831 : memref<128x128xf32, #tpu.memory_space<vmem>>) offsets(%dma_start3A_1833 : memref<128xi32, #tpu.memory_space<vmem>>) semaphore(%arg9 : memref<!tpu.dma_semaphore, #tpu.memory_space<semaphore_mem>>)
    %dma_wait3A_1837 = arith.constant 1 : i32
    %dma_wait3A_1838 = arith.constant 0 : i32
    %dma_wait3A_1839 = arith.constant 0 : i32
    %dma_wait3A_1840 = tpu.memref_slice %arg7[%dma_wait3A_1837, %dma_wait3A_1838, %dma_wait3A_1839] : memref<3x128x128xf32, #tpu.memory_space<vmem>> -> memref<1x128x128xf32, #tpu.memory_space<vmem>>
    %dma_wait3A_1841 = tpu.memref_squeeze %dma_wait3A_1840 : memref<1x128x128xf32, #tpu.memory_space<vmem>> -> memref<128x128xf32, #tpu.memory_space<vmem>>
    %dma_wait3A_1842 = arith.constant 1024 : i32
    %dma_wait3A_1843 = tpu.memref_slice %arg6[%dma_wait3A_1842] : memref<2048xi32, #tpu.memory_space<vmem>> -> memref<128xi32, #tpu.memory_space<vmem>>
    %dma_wait3A_1844 = arith.constant 0 : i32
    %dma_wait3A_1845 = arith.constant 0 : i32
    %dma_wait3A_1846 = tpu.memref_slice %arg8[%dma_wait3A_1844, %dma_wait3A_1845] : memref<8200x128xf32, #tpu.memory_space<vmem_shared>> -> memref<8200x128xf32, #tpu.memory_space<vmem_shared>>
    tpu.wait_indirect_dma semaphore(%arg9 : memref<!tpu.dma_semaphore, #tpu.memory_space<semaphore_mem>>) src(%dma_wait3A_1846 : memref<8200x128xf32, #tpu.memory_space<vmem_shared>>) dst(%dma_wait3A_1841 : memref<128x128xf32, #tpu.memory_space<vmem>>)
    %add3A_1847 = arith.constant 1024 : i32
    %add3A_1848 = arith.addi %mul3A_0, %add3A_1847 : i32
    %dma_start3A_1849 = arith.constant 1 : i32
    %dma_start3A_1850 = arith.constant 0 : i32
    %dma_start3A_1851 = arith.constant 0 : i32
    %dma_start3A_1852 = tpu.memref_slice %arg7[%dma_start3A_1849, %dma_start3A_1850, %dma_start3A_1851] : memref<3x128x128xf32, #tpu.memory_space<vmem>> -> memref<1x128x128xf32, #tpu.memory_space<vmem>>
    %dma_start3A_1853 = tpu.memref_squeeze %dma_start3A_1852 : memref<1x128x128xf32, #tpu.memory_space<vmem>> -> memref<128x128xf32, #tpu.memory_space<vmem>>
    %dma_start3A_1854 = tpu.memref_slice %arg5[%add3A_1848, %add3A_1438] : memref<32768x768xf32, #tpu.memory_space<hbm>> -> memref<128x128xf32, #tpu.memory_space<hbm>>
    %dma_start3A_1855 = tpu.memref_slice %arg5[%add3A_1848, %add3A_1438] : memref<32768x768xf32, #tpu.memory_space<hbm>> -> memref<128x128xf32, #tpu.memory_space<hbm>>
    %dma_start3A_1856 = arith.constant 0 : i32
    %dma_start3A_1857 = arith.constant 0 : i32
    %dma_start3A_1858 = tpu.memref_slice %arg7[%dma_start3A_1849, %dma_start3A_1856, %dma_start3A_1857] : memref<3x128x128xf32, #tpu.memory_space<vmem>> -> memref<1x128x128xf32, #tpu.memory_space<vmem>>
    %dma_start3A_1859 = tpu.memref_squeeze %dma_start3A_1858 : memref<1x128x128xf32, #tpu.memory_space<vmem>> -> memref<128x128xf32, #tpu.memory_space<vmem>>
    tpu.enqueue_dma source(%dma_start3A_1859 : memref<128x128xf32, #tpu.memory_space<vmem>>) target(%dma_start3A_1855 : memref<128x128xf32, #tpu.memory_space<hbm>>) target_semaphore(%arg10 : memref<!tpu.dma_semaphore, #tpu.memory_space<semaphore_mem>>)
    %dma_wait3A_1860 = arith.constant 0 : i32
    %dma_wait3A_1861 = arith.constant 0 : i32
    %dma_wait3A_1862 = arith.constant 0 : i32
    %dma_wait3A_1863 = tpu.memref_slice %arg7[%dma_wait3A_1860, %dma_wait3A_1861, %dma_wait3A_1862] : memref<3x128x128xf32, #tpu.memory_space<vmem>> -> memref<1x128x128xf32, #tpu.memory_space<vmem>>
    %dma_wait3A_1864 = tpu.memref_squeeze %dma_wait3A_1863 : memref<1x128x128xf32, #tpu.memory_space<vmem>> -> memref<128x128xf32, #tpu.memory_space<vmem>>
    %dma_wait3A_1865 = tpu.memref_slice %arg5[%add3A_1804, %add3A_1438] : memref<32768x768xf32, #tpu.memory_space<hbm>> -> memref<128x128xf32, #tpu.memory_space<hbm>>
    %dma_wait3A_1866 = tpu.memref_slice %arg5[%add3A_1804, %add3A_1438] : memref<32768x768xf32, #tpu.memory_space<hbm>> -> memref<128x128xf32, #tpu.memory_space<hbm>>
    %dma_wait3A_1867 = arith.constant 0 : i32
    %dma_wait3A_1868 = arith.constant 0 : i32
    %dma_wait3A_1869 = tpu.memref_slice %arg7[%dma_wait3A_1860, %dma_wait3A_1867, %dma_wait3A_1868] : memref<3x128x128xf32, #tpu.memory_space<vmem>> -> memref<1x128x128xf32, #tpu.memory_space<vmem>>
    %dma_wait3A_1870 = tpu.memref_squeeze %dma_wait3A_1869 : memref<1x128x128xf32, #tpu.memory_space<vmem>> -> memref<128x128xf32, #tpu.memory_space<vmem>>
    tpu.wait_dma2 semaphore(%arg10 : memref<!tpu.dma_semaphore, #tpu.memory_space<semaphore_mem>>) src(%dma_wait3A_1870 : memref<128x128xf32, #tpu.memory_space<vmem>>) dst(%dma_wait3A_1866 : memref<128x128xf32, #tpu.memory_space<hbm>>)
    %dma_start3A_1871 = arith.constant 0 : i32
    %dma_start3A_1872 = arith.constant 0 : i32
    %dma_start3A_1873 = arith.constant 0 : i32
    %dma_start3A_1874 = tpu.memref_slice %arg7[%dma_start3A_1871, %dma_start3A_1872, %dma_start3A_1873] : memref<3x128x128xf32, #tpu.memory_space<vmem>> -> memref<1x128x128xf32, #tpu.memory_space<vmem>>
    %dma_start3A_1875 = tpu.memref_squeeze %dma_start3A_1874 : memref<1x128x128xf32, #tpu.memory_space<vmem>> -> memref<128x128xf32, #tpu.memory_space<vmem>>
    %dma_start3A_1876 = arith.constant 1280 : i32
    %dma_start3A_1877 = tpu.memref_slice %arg6[%dma_start3A_1876] : memref<2048xi32, #tpu.memory_space<vmem>> -> memref<128xi32, #tpu.memory_space<vmem>>
    %dma_start3A_1878 = arith.constant 0 : i32
    %dma_start3A_1879 = arith.constant 0 : i32
    %dma_start3A_1880 = tpu.memref_slice %arg8[%dma_start3A_1878, %dma_start3A_1879] : memref<8200x128xf32, #tpu.memory_space<vmem_shared>> -> memref<8200x128xf32, #tpu.memory_space<vmem_shared>>
    tpu.enqueue_indirect_dma source(%dma_start3A_1880 : memref<8200x128xf32, #tpu.memory_space<vmem_shared>>) target(%dma_start3A_1875 : memref<128x128xf32, #tpu.memory_space<vmem>>) offsets(%dma_start3A_1877 : memref<128xi32, #tpu.memory_space<vmem>>) semaphore(%arg9 : memref<!tpu.dma_semaphore, #tpu.memory_space<semaphore_mem>>)
    %dma_wait3A_1881 = arith.constant 2 : i32
    %dma_wait3A_1882 = arith.constant 0 : i32
    %dma_wait3A_1883 = arith.constant 0 : i32
    %dma_wait3A_1884 = tpu.memref_slice %arg7[%dma_wait3A_1881, %dma_wait3A_1882, %dma_wait3A_1883] : memref<3x128x128xf32, #tpu.memory_space<vmem>> -> memref<1x128x128xf32, #tpu.memory_space<vmem>>
    %dma_wait3A_1885 = tpu.memref_squeeze %dma_wait3A_1884 : memref<1x128x128xf32, #tpu.memory_space<vmem>> -> memref<128x128xf32, #tpu.memory_space<vmem>>
    %dma_wait3A_1886 = arith.constant 1152 : i32
    %dma_wait3A_1887 = tpu.memref_slice %arg6[%dma_wait3A_1886] : memref<2048xi32, #tpu.memory_space<vmem>> -> memref<128xi32, #tpu.memory_space<vmem>>
    %dma_wait3A_1888 = arith.constant 0 : i32
    %dma_wait3A_1889 = arith.constant 0 : i32
    %dma_wait3A_1890 = tpu.memref_slice %arg8[%dma_wait3A_1888, %dma_wait3A_1889] : memref<8200x128xf32, #tpu.memory_space<vmem_shared>> -> memref<8200x128xf32, #tpu.memory_space<vmem_shared>>
    tpu.wait_indirect_dma semaphore(%arg9 : memref<!tpu.dma_semaphore, #tpu.memory_space<semaphore_mem>>) src(%dma_wait3A_1890 : memref<8200x128xf32, #tpu.memory_space<vmem_shared>>) dst(%dma_wait3A_1885 : memref<128x128xf32, #tpu.memory_space<vmem>>)
    %add3A_1891 = arith.constant 1152 : i32
    %add3A_1892 = arith.addi %mul3A_0, %add3A_1891 : i32
    %dma_start3A_1893 = arith.constant 2 : i32
    %dma_start3A_1894 = arith.constant 0 : i32
    %dma_start3A_1895 = arith.constant 0 : i32
    %dma_start3A_1896 = tpu.memref_slice %arg7[%dma_start3A_1893, %dma_start3A_1894, %dma_start3A_1895] : memref<3x128x128xf32, #tpu.memory_space<vmem>> -> memref<1x128x128xf32, #tpu.memory_space<vmem>>
    %dma_start3A_1897 = tpu.memref_squeeze %dma_start3A_1896 : memref<1x128x128xf32, #tpu.memory_space<vmem>> -> memref<128x128xf32, #tpu.memory_space<vmem>>
    %dma_start3A_1898 = tpu.memref_slice %arg5[%add3A_1892, %add3A_1438] : memref<32768x768xf32, #tpu.memory_space<hbm>> -> memref<128x128xf32, #tpu.memory_space<hbm>>
    %dma_start3A_1899 = tpu.memref_slice %arg5[%add3A_1892, %add3A_1438] : memref<32768x768xf32, #tpu.memory_space<hbm>> -> memref<128x128xf32, #tpu.memory_space<hbm>>
    %dma_start3A_1900 = arith.constant 0 : i32
    %dma_start3A_1901 = arith.constant 0 : i32
    %dma_start3A_1902 = tpu.memref_slice %arg7[%dma_start3A_1893, %dma_start3A_1900, %dma_start3A_1901] : memref<3x128x128xf32, #tpu.memory_space<vmem>> -> memref<1x128x128xf32, #tpu.memory_space<vmem>>
    %dma_start3A_1903 = tpu.memref_squeeze %dma_start3A_1902 : memref<1x128x128xf32, #tpu.memory_space<vmem>> -> memref<128x128xf32, #tpu.memory_space<vmem>>
    tpu.enqueue_dma source(%dma_start3A_1903 : memref<128x128xf32, #tpu.memory_space<vmem>>) target(%dma_start3A_1899 : memref<128x128xf32, #tpu.memory_space<hbm>>) target_semaphore(%arg10 : memref<!tpu.dma_semaphore, #tpu.memory_space<semaphore_mem>>)
    %dma_wait3A_1904 = arith.constant 1 : i32
    %dma_wait3A_1905 = arith.constant 0 : i32
    %dma_wait3A_1906 = arith.constant 0 : i32
    %dma_wait3A_1907 = tpu.memref_slice %arg7[%dma_wait3A_1904, %dma_wait3A_1905, %dma_wait3A_1906] : memref<3x128x128xf32, #tpu.memory_space<vmem>> -> memref<1x128x128xf32, #tpu.memory_space<vmem>>
    %dma_wait3A_1908 = tpu.memref_squeeze %dma_wait3A_1907 : memref<1x128x128xf32, #tpu.memory_space<vmem>> -> memref<128x128xf32, #tpu.memory_space<vmem>>
    %dma_wait3A_1909 = tpu.memref_slice %arg5[%add3A_1848, %add3A_1438] : memref<32768x768xf32, #tpu.memory_space<hbm>> -> memref<128x128xf32, #tpu.memory_space<hbm>>
    %dma_wait3A_1910 = tpu.memref_slice %arg5[%add3A_1848, %add3A_1438] : memref<32768x768xf32, #tpu.memory_space<hbm>> -> memref<128x128xf32, #tpu.memory_space<hbm>>
    %dma_wait3A_1911 = arith.constant 0 : i32
    %dma_wait3A_1912 = arith.constant 0 : i32
    %dma_wait3A_1913 = tpu.memref_slice %arg7[%dma_wait3A_1904, %dma_wait3A_1911, %dma_wait3A_1912] : memref<3x128x128xf32, #tpu.memory_space<vmem>> -> memref<1x128x128xf32, #tpu.memory_space<vmem>>
    %dma_wait3A_1914 = tpu.memref_squeeze %dma_wait3A_1913 : memref<1x128x128xf32, #tpu.memory_space<vmem>> -> memref<128x128xf32, #tpu.memory_space<vmem>>
    tpu.wait_dma2 semaphore(%arg10 : memref<!tpu.dma_semaphore, #tpu.memory_space<semaphore_mem>>) src(%dma_wait3A_1914 : memref<128x128xf32, #tpu.memory_space<vmem>>) dst(%dma_wait3A_1910 : memref<128x128xf32, #tpu.memory_space<hbm>>)
    %dma_start3A_1915 = arith.constant 1 : i32
    %dma_start3A_1916 = arith.constant 0 : i32
    %dma_start3A_1917 = arith.constant 0 : i32
    %dma_start3A_1918 = tpu.memref_slice %arg7[%dma_start3A_1915, %dma_start3A_1916, %dma_start3A_1917] : memref<3x128x128xf32, #tpu.memory_space<vmem>> -> memref<1x128x128xf32, #tpu.memory_space<vmem>>
    %dma_start3A_1919 = tpu.memref_squeeze %dma_start3A_1918 : memref<1x128x128xf32, #tpu.memory_space<vmem>> -> memref<128x128xf32, #tpu.memory_space<vmem>>
    %dma_start3A_1920 = arith.constant 1408 : i32
    %dma_start3A_1921 = tpu.memref_slice %arg6[%dma_start3A_1920] : memref<2048xi32, #tpu.memory_space<vmem>> -> memref<128xi32, #tpu.memory_space<vmem>>
    %dma_start3A_1922 = arith.constant 0 : i32
    %dma_start3A_1923 = arith.constant 0 : i32
    %dma_start3A_1924 = tpu.memref_slice %arg8[%dma_start3A_1922, %dma_start3A_1923] : memref<8200x128xf32, #tpu.memory_space<vmem_shared>> -> memref<8200x128xf32, #tpu.memory_space<vmem_shared>>
    tpu.enqueue_indirect_dma source(%dma_start3A_1924 : memref<8200x128xf32, #tpu.memory_space<vmem_shared>>) target(%dma_start3A_1919 : memref<128x128xf32, #tpu.memory_space<vmem>>) offsets(%dma_start3A_1921 : memref<128xi32, #tpu.memory_space<vmem>>) semaphore(%arg9 : memref<!tpu.dma_semaphore, #tpu.memory_space<semaphore_mem>>)
    %dma_wait3A_1925 = arith.constant 0 : i32
    %dma_wait3A_1926 = arith.constant 0 : i32
    %dma_wait3A_1927 = arith.constant 0 : i32
    %dma_wait3A_1928 = tpu.memref_slice %arg7[%dma_wait3A_1925, %dma_wait3A_1926, %dma_wait3A_1927] : memref<3x128x128xf32, #tpu.memory_space<vmem>> -> memref<1x128x128xf32, #tpu.memory_space<vmem>>
    %dma_wait3A_1929 = tpu.memref_squeeze %dma_wait3A_1928 : memref<1x128x128xf32, #tpu.memory_space<vmem>> -> memref<128x128xf32, #tpu.memory_space<vmem>>
    %dma_wait3A_1930 = arith.constant 1280 : i32
    %dma_wait3A_1931 = tpu.memref_slice %arg6[%dma_wait3A_1930] : memref<2048xi32, #tpu.memory_space<vmem>> -> memref<128xi32, #tpu.memory_space<vmem>>
    %dma_wait3A_1932 = arith.constant 0 : i32
    %dma_wait3A_1933 = arith.constant 0 : i32
    %dma_wait3A_1934 = tpu.memref_slice %arg8[%dma_wait3A_1932, %dma_wait3A_1933] : memref<8200x128xf32, #tpu.memory_space<vmem_shared>> -> memref<8200x128xf32, #tpu.memory_space<vmem_shared>>
    tpu.wait_indirect_dma semaphore(%arg9 : memref<!tpu.dma_semaphore, #tpu.memory_space<semaphore_mem>>) src(%dma_wait3A_1934 : memref<8200x128xf32, #tpu.memory_space<vmem_shared>>) dst(%dma_wait3A_1929 : memref<128x128xf32, #tpu.memory_space<vmem>>)
    %add3A_1935 = arith.constant 1280 : i32
    %add3A_1936 = arith.addi %mul3A_0, %add3A_1935 : i32
    %dma_start3A_1937 = arith.constant 0 : i32
    %dma_start3A_1938 = arith.constant 0 : i32
    %dma_start3A_1939 = arith.constant 0 : i32
    %dma_start3A_1940 = tpu.memref_slice %arg7[%dma_start3A_1937, %dma_start3A_1938, %dma_start3A_1939] : memref<3x128x128xf32, #tpu.memory_space<vmem>> -> memref<1x128x128xf32, #tpu.memory_space<vmem>>
    %dma_start3A_1941 = tpu.memref_squeeze %dma_start3A_1940 : memref<1x128x128xf32, #tpu.memory_space<vmem>> -> memref<128x128xf32, #tpu.memory_space<vmem>>
    %dma_start3A_1942 = tpu.memref_slice %arg5[%add3A_1936, %add3A_1438] : memref<32768x768xf32, #tpu.memory_space<hbm>> -> memref<128x128xf32, #tpu.memory_space<hbm>>
    %dma_start3A_1943 = tpu.memref_slice %arg5[%add3A_1936, %add3A_1438] : memref<32768x768xf32, #tpu.memory_space<hbm>> -> memref<128x128xf32, #tpu.memory_space<hbm>>
    %dma_start3A_1944 = arith.constant 0 : i32
    %dma_start3A_1945 = arith.constant 0 : i32
    %dma_start3A_1946 = tpu.memref_slice %arg7[%dma_start3A_1937, %dma_start3A_1944, %dma_start3A_1945] : memref<3x128x128xf32, #tpu.memory_space<vmem>> -> memref<1x128x128xf32, #tpu.memory_space<vmem>>
    %dma_start3A_1947 = tpu.memref_squeeze %dma_start3A_1946 : memref<1x128x128xf32, #tpu.memory_space<vmem>> -> memref<128x128xf32, #tpu.memory_space<vmem>>
    tpu.enqueue_dma source(%dma_start3A_1947 : memref<128x128xf32, #tpu.memory_space<vmem>>) target(%dma_start3A_1943 : memref<128x128xf32, #tpu.memory_space<hbm>>) target_semaphore(%arg10 : memref<!tpu.dma_semaphore, #tpu.memory_space<semaphore_mem>>)
    %dma_wait3A_1948 = arith.constant 2 : i32
    %dma_wait3A_1949 = arith.constant 0 : i32
    %dma_wait3A_1950 = arith.constant 0 : i32
    %dma_wait3A_1951 = tpu.memref_slice %arg7[%dma_wait3A_1948, %dma_wait3A_1949, %dma_wait3A_1950] : memref<3x128x128xf32, #tpu.memory_space<vmem>> -> memref<1x128x128xf32, #tpu.memory_space<vmem>>
    %dma_wait3A_1952 = tpu.memref_squeeze %dma_wait3A_1951 : memref<1x128x128xf32, #tpu.memory_space<vmem>> -> memref<128x128xf32, #tpu.memory_space<vmem>>
    %dma_wait3A_1953 = tpu.memref_slice %arg5[%add3A_1892, %add3A_1438] : memref<32768x768xf32, #tpu.memory_space<hbm>> -> memref<128x128xf32, #tpu.memory_space<hbm>>
    %dma_wait3A_1954 = tpu.memref_slice %arg5[%add3A_1892, %add3A_1438] : memref<32768x768xf32, #tpu.memory_space<hbm>> -> memref<128x128xf32, #tpu.memory_space<hbm>>
    %dma_wait3A_1955 = arith.constant 0 : i32
    %dma_wait3A_1956 = arith.constant 0 : i32
    %dma_wait3A_1957 = tpu.memref_slice %arg7[%dma_wait3A_1948, %dma_wait3A_1955, %dma_wait3A_1956] : memref<3x128x128xf32, #tpu.memory_space<vmem>> -> memref<1x128x128xf32, #tpu.memory_space<vmem>>
    %dma_wait3A_1958 = tpu.memref_squeeze %dma_wait3A_1957 : memref<1x128x128xf32, #tpu.memory_space<vmem>> -> memref<128x128xf32, #tpu.memory_space<vmem>>
    tpu.wait_dma2 semaphore(%arg10 : memref<!tpu.dma_semaphore, #tpu.memory_space<semaphore_mem>>) src(%dma_wait3A_1958 : memref<128x128xf32, #tpu.memory_space<vmem>>) dst(%dma_wait3A_1954 : memref<128x128xf32, #tpu.memory_space<hbm>>)
    %dma_start3A_1959 = arith.constant 2 : i32
    %dma_start3A_1960 = arith.constant 0 : i32
    %dma_start3A_1961 = arith.constant 0 : i32
    %dma_start3A_1962 = tpu.memref_slice %arg7[%dma_start3A_1959, %dma_start3A_1960, %dma_start3A_1961] : memref<3x128x128xf32, #tpu.memory_space<vmem>> -> memref<1x128x128xf32, #tpu.memory_space<vmem>>
    %dma_start3A_1963 = tpu.memref_squeeze %dma_start3A_1962 : memref<1x128x128xf32, #tpu.memory_space<vmem>> -> memref<128x128xf32, #tpu.memory_space<vmem>>
    %dma_start3A_1964 = arith.constant 1536 : i32
    %dma_start3A_1965 = tpu.memref_slice %arg6[%dma_start3A_1964] : memref<2048xi32, #tpu.memory_space<vmem>> -> memref<128xi32, #tpu.memory_space<vmem>>
    %dma_start3A_1966 = arith.constant 0 : i32
    %dma_start3A_1967 = arith.constant 0 : i32
    %dma_start3A_1968 = tpu.memref_slice %arg8[%dma_start3A_1966, %dma_start3A_1967] : memref<8200x128xf32, #tpu.memory_space<vmem_shared>> -> memref<8200x128xf32, #tpu.memory_space<vmem_shared>>
    tpu.enqueue_indirect_dma source(%dma_start3A_1968 : memref<8200x128xf32, #tpu.memory_space<vmem_shared>>) target(%dma_start3A_1963 : memref<128x128xf32, #tpu.memory_space<vmem>>) offsets(%dma_start3A_1965 : memref<128xi32, #tpu.memory_space<vmem>>) semaphore(%arg9 : memref<!tpu.dma_semaphore, #tpu.memory_space<semaphore_mem>>)
    %dma_wait3A_1969 = arith.constant 1 : i32
    %dma_wait3A_1970 = arith.constant 0 : i32
    %dma_wait3A_1971 = arith.constant 0 : i32
    %dma_wait3A_1972 = tpu.memref_slice %arg7[%dma_wait3A_1969, %dma_wait3A_1970, %dma_wait3A_1971] : memref<3x128x128xf32, #tpu.memory_space<vmem>> -> memref<1x128x128xf32, #tpu.memory_space<vmem>>
    %dma_wait3A_1973 = tpu.memref_squeeze %dma_wait3A_1972 : memref<1x128x128xf32, #tpu.memory_space<vmem>> -> memref<128x128xf32, #tpu.memory_space<vmem>>
    %dma_wait3A_1974 = arith.constant 1408 : i32
    %dma_wait3A_1975 = tpu.memref_slice %arg6[%dma_wait3A_1974] : memref<2048xi32, #tpu.memory_space<vmem>> -> memref<128xi32, #tpu.memory_space<vmem>>
    %dma_wait3A_1976 = arith.constant 0 : i32
    %dma_wait3A_1977 = arith.constant 0 : i32
    %dma_wait3A_1978 = tpu.memref_slice %arg8[%dma_wait3A_1976, %dma_wait3A_1977] : memref<8200x128xf32, #tpu.memory_space<vmem_shared>> -> memref<8200x128xf32, #tpu.memory_space<vmem_shared>>
    tpu.wait_indirect_dma semaphore(%arg9 : memref<!tpu.dma_semaphore, #tpu.memory_space<semaphore_mem>>) src(%dma_wait3A_1978 : memref<8200x128xf32, #tpu.memory_space<vmem_shared>>) dst(%dma_wait3A_1973 : memref<128x128xf32, #tpu.memory_space<vmem>>)
    %add3A_1979 = arith.constant 1408 : i32
    %add3A_1980 = arith.addi %mul3A_0, %add3A_1979 : i32
    %dma_start3A_1981 = arith.constant 1 : i32
    %dma_start3A_1982 = arith.constant 0 : i32
    %dma_start3A_1983 = arith.constant 0 : i32
    %dma_start3A_1984 = tpu.memref_slice %arg7[%dma_start3A_1981, %dma_start3A_1982, %dma_start3A_1983] : memref<3x128x128xf32, #tpu.memory_space<vmem>> -> memref<1x128x128xf32, #tpu.memory_space<vmem>>
    %dma_start3A_1985 = tpu.memref_squeeze %dma_start3A_1984 : memref<1x128x128xf32, #tpu.memory_space<vmem>> -> memref<128x128xf32, #tpu.memory_space<vmem>>
    %dma_start3A_1986 = tpu.memref_slice %arg5[%add3A_1980, %add3A_1438] : memref<32768x768xf32, #tpu.memory_space<hbm>> -> memref<128x128xf32, #tpu.memory_space<hbm>>
    %dma_start3A_1987 = tpu.memref_slice %arg5[%add3A_1980, %add3A_1438] : memref<32768x768xf32, #tpu.memory_space<hbm>> -> memref<128x128xf32, #tpu.memory_space<hbm>>
    %dma_start3A_1988 = arith.constant 0 : i32
    %dma_start3A_1989 = arith.constant 0 : i32
    %dma_start3A_1990 = tpu.memref_slice %arg7[%dma_start3A_1981, %dma_start3A_1988, %dma_start3A_1989] : memref<3x128x128xf32, #tpu.memory_space<vmem>> -> memref<1x128x128xf32, #tpu.memory_space<vmem>>
    %dma_start3A_1991 = tpu.memref_squeeze %dma_start3A_1990 : memref<1x128x128xf32, #tpu.memory_space<vmem>> -> memref<128x128xf32, #tpu.memory_space<vmem>>
    tpu.enqueue_dma source(%dma_start3A_1991 : memref<128x128xf32, #tpu.memory_space<vmem>>) target(%dma_start3A_1987 : memref<128x128xf32, #tpu.memory_space<hbm>>) target_semaphore(%arg10 : memref<!tpu.dma_semaphore, #tpu.memory_space<semaphore_mem>>)
    %dma_wait3A_1992 = arith.constant 0 : i32
    %dma_wait3A_1993 = arith.constant 0 : i32
    %dma_wait3A_1994 = arith.constant 0 : i32
    %dma_wait3A_1995 = tpu.memref_slice %arg7[%dma_wait3A_1992, %dma_wait3A_1993, %dma_wait3A_1994] : memref<3x128x128xf32, #tpu.memory_space<vmem>> -> memref<1x128x128xf32, #tpu.memory_space<vmem>>
    %dma_wait3A_1996 = tpu.memref_squeeze %dma_wait3A_1995 : memref<1x128x128xf32, #tpu.memory_space<vmem>> -> memref<128x128xf32, #tpu.memory_space<vmem>>
    %dma_wait3A_1997 = tpu.memref_slice %arg5[%add3A_1936, %add3A_1438] : memref<32768x768xf32, #tpu.memory_space<hbm>> -> memref<128x128xf32, #tpu.memory_space<hbm>>
    %dma_wait3A_1998 = tpu.memref_slice %arg5[%add3A_1936, %add3A_1438] : memref<32768x768xf32, #tpu.memory_space<hbm>> -> memref<128x128xf32, #tpu.memory_space<hbm>>
    %dma_wait3A_1999 = arith.constant 0 : i32
    %dma_wait3A_2000 = arith.constant 0 : i32
    %dma_wait3A_2001 = tpu.memref_slice %arg7[%dma_wait3A_1992, %dma_wait3A_1999, %dma_wait3A_2000] : memref<3x128x128xf32, #tpu.memory_space<vmem>> -> memref<1x128x128xf32, #tpu.memory_space<vmem>>
    %dma_wait3A_2002 = tpu.memref_squeeze %dma_wait3A_2001 : memref<1x128x128xf32, #tpu.memory_space<vmem>> -> memref<128x128xf32, #tpu.memory_space<vmem>>
    tpu.wait_dma2 semaphore(%arg10 : memref<!tpu.dma_semaphore, #tpu.memory_space<semaphore_mem>>) src(%dma_wait3A_2002 : memref<128x128xf32, #tpu.memory_space<vmem>>) dst(%dma_wait3A_1998 : memref<128x128xf32, #tpu.memory_space<hbm>>)
    %dma_start3A_2003 = arith.constant 0 : i32
    %dma_start3A_2004 = arith.constant 0 : i32
    %dma_start3A_2005 = arith.constant 0 : i32
    %dma_start3A_2006 = tpu.memref_slice %arg7[%dma_start3A_2003, %dma_start3A_2004, %dma_start3A_2005] : memref<3x128x128xf32, #tpu.memory_space<vmem>> -> memref<1x128x128xf32, #tpu.memory_space<vmem>>
    %dma_start3A_2007 = tpu.memref_squeeze %dma_start3A_2006 : memref<1x128x128xf32, #tpu.memory_space<vmem>> -> memref<128x128xf32, #tpu.memory_space<vmem>>
    %dma_start3A_2008 = arith.constant 1664 : i32
    %dma_start3A_2009 = tpu.memref_slice %arg6[%dma_start3A_2008] : memref<2048xi32, #tpu.memory_space<vmem>> -> memref<128xi32, #tpu.memory_space<vmem>>
    %dma_start3A_2010 = arith.constant 0 : i32
    %dma_start3A_2011 = arith.constant 0 : i32
    %dma_start3A_2012 = tpu.memref_slice %arg8[%dma_start3A_2010, %dma_start3A_2011] : memref<8200x128xf32, #tpu.memory_space<vmem_shared>> -> memref<8200x128xf32, #tpu.memory_space<vmem_shared>>
    tpu.enqueue_indirect_dma source(%dma_start3A_2012 : memref<8200x128xf32, #tpu.memory_space<vmem_shared>>) target(%dma_start3A_2007 : memref<128x128xf32, #tpu.memory_space<vmem>>) offsets(%dma_start3A_2009 : memref<128xi32, #tpu.memory_space<vmem>>) semaphore(%arg9 : memref<!tpu.dma_semaphore, #tpu.memory_space<semaphore_mem>>)
    %dma_wait3A_2013 = arith.constant 2 : i32
    %dma_wait3A_2014 = arith.constant 0 : i32
    %dma_wait3A_2015 = arith.constant 0 : i32
    %dma_wait3A_2016 = tpu.memref_slice %arg7[%dma_wait3A_2013, %dma_wait3A_2014, %dma_wait3A_2015] : memref<3x128x128xf32, #tpu.memory_space<vmem>> -> memref<1x128x128xf32, #tpu.memory_space<vmem>>
    %dma_wait3A_2017 = tpu.memref_squeeze %dma_wait3A_2016 : memref<1x128x128xf32, #tpu.memory_space<vmem>> -> memref<128x128xf32, #tpu.memory_space<vmem>>
    %dma_wait3A_2018 = arith.constant 1536 : i32
    %dma_wait3A_2019 = tpu.memref_slice %arg6[%dma_wait3A_2018] : memref<2048xi32, #tpu.memory_space<vmem>> -> memref<128xi32, #tpu.memory_space<vmem>>
    %dma_wait3A_2020 = arith.constant 0 : i32
    %dma_wait3A_2021 = arith.constant 0 : i32
    %dma_wait3A_2022 = tpu.memref_slice %arg8[%dma_wait3A_2020, %dma_wait3A_2021] : memref<8200x128xf32, #tpu.memory_space<vmem_shared>> -> memref<8200x128xf32, #tpu.memory_space<vmem_shared>>
    tpu.wait_indirect_dma semaphore(%arg9 : memref<!tpu.dma_semaphore, #tpu.memory_space<semaphore_mem>>) src(%dma_wait3A_2022 : memref<8200x128xf32, #tpu.memory_space<vmem_shared>>) dst(%dma_wait3A_2017 : memref<128x128xf32, #tpu.memory_space<vmem>>)
    %add3A_2023 = arith.constant 1536 : i32
    %add3A_2024 = arith.addi %mul3A_0, %add3A_2023 : i32
    %dma_start3A_2025 = arith.constant 2 : i32
    %dma_start3A_2026 = arith.constant 0 : i32
    %dma_start3A_2027 = arith.constant 0 : i32
    %dma_start3A_2028 = tpu.memref_slice %arg7[%dma_start3A_2025, %dma_start3A_2026, %dma_start3A_2027] : memref<3x128x128xf32, #tpu.memory_space<vmem>> -> memref<1x128x128xf32, #tpu.memory_space<vmem>>
    %dma_start3A_2029 = tpu.memref_squeeze %dma_start3A_2028 : memref<1x128x128xf32, #tpu.memory_space<vmem>> -> memref<128x128xf32, #tpu.memory_space<vmem>>
    %dma_start3A_2030 = tpu.memref_slice %arg5[%add3A_2024, %add3A_1438] : memref<32768x768xf32, #tpu.memory_space<hbm>> -> memref<128x128xf32, #tpu.memory_space<hbm>>
    %dma_start3A_2031 = tpu.memref_slice %arg5[%add3A_2024, %add3A_1438] : memref<32768x768xf32, #tpu.memory_space<hbm>> -> memref<128x128xf32, #tpu.memory_space<hbm>>
    %dma_start3A_2032 = arith.constant 0 : i32
    %dma_start3A_2033 = arith.constant 0 : i32
    %dma_start3A_2034 = tpu.memref_slice %arg7[%dma_start3A_2025, %dma_start3A_2032, %dma_start3A_2033] : memref<3x128x128xf32, #tpu.memory_space<vmem>> -> memref<1x128x128xf32, #tpu.memory_space<vmem>>
    %dma_start3A_2035 = tpu.memref_squeeze %dma_start3A_2034 : memref<1x128x128xf32, #tpu.memory_space<vmem>> -> memref<128x128xf32, #tpu.memory_space<vmem>>
    tpu.enqueue_dma source(%dma_start3A_2035 : memref<128x128xf32, #tpu.memory_space<vmem>>) target(%dma_start3A_2031 : memref<128x128xf32, #tpu.memory_space<hbm>>) target_semaphore(%arg10 : memref<!tpu.dma_semaphore, #tpu.memory_space<semaphore_mem>>)
    %dma_wait3A_2036 = arith.constant 1 : i32
    %dma_wait3A_2037 = arith.constant 0 : i32
    %dma_wait3A_2038 = arith.constant 0 : i32
    %dma_wait3A_2039 = tpu.memref_slice %arg7[%dma_wait3A_2036, %dma_wait3A_2037, %dma_wait3A_2038] : memref<3x128x128xf32, #tpu.memory_space<vmem>> -> memref<1x128x128xf32, #tpu.memory_space<vmem>>
    %dma_wait3A_2040 = tpu.memref_squeeze %dma_wait3A_2039 : memref<1x128x128xf32, #tpu.memory_space<vmem>> -> memref<128x128xf32, #tpu.memory_space<vmem>>
    %dma_wait3A_2041 = tpu.memref_slice %arg5[%add3A_1980, %add3A_1438] : memref<32768x768xf32, #tpu.memory_space<hbm>> -> memref<128x128xf32, #tpu.memory_space<hbm>>
    %dma_wait3A_2042 = tpu.memref_slice %arg5[%add3A_1980, %add3A_1438] : memref<32768x768xf32, #tpu.memory_space<hbm>> -> memref<128x128xf32, #tpu.memory_space<hbm>>
    %dma_wait3A_2043 = arith.constant 0 : i32
    %dma_wait3A_2044 = arith.constant 0 : i32
    %dma_wait3A_2045 = tpu.memref_slice %arg7[%dma_wait3A_2036, %dma_wait3A_2043, %dma_wait3A_2044] : memref<3x128x128xf32, #tpu.memory_space<vmem>> -> memref<1x128x128xf32, #tpu.memory_space<vmem>>
    %dma_wait3A_2046 = tpu.memref_squeeze %dma_wait3A_2045 : memref<1x128x128xf32, #tpu.memory_space<vmem>> -> memref<128x128xf32, #tpu.memory_space<vmem>>
    tpu.wait_dma2 semaphore(%arg10 : memref<!tpu.dma_semaphore, #tpu.memory_space<semaphore_mem>>) src(%dma_wait3A_2046 : memref<128x128xf32, #tpu.memory_space<vmem>>) dst(%dma_wait3A_2042 : memref<128x128xf32, #tpu.memory_space<hbm>>)
    %dma_start3A_2047 = arith.constant 1 : i32
    %dma_start3A_2048 = arith.constant 0 : i32
    %dma_start3A_2049 = arith.constant 0 : i32
    %dma_start3A_2050 = tpu.memref_slice %arg7[%dma_start3A_2047, %dma_start3A_2048, %dma_start3A_2049] : memref<3x128x128xf32, #tpu.memory_space<vmem>> -> memref<1x128x128xf32, #tpu.memory_space<vmem>>
    %dma_start3A_2051 = tpu.memref_squeeze %dma_start3A_2050 : memref<1x128x128xf32, #tpu.memory_space<vmem>> -> memref<128x128xf32, #tpu.memory_space<vmem>>
    %dma_start3A_2052 = arith.constant 1792 : i32
    %dma_start3A_2053 = tpu.memref_slice %arg6[%dma_start3A_2052] : memref<2048xi32, #tpu.memory_space<vmem>> -> memref<128xi32, #tpu.memory_space<vmem>>
    %dma_start3A_2054 = arith.constant 0 : i32
    %dma_start3A_2055 = arith.constant 0 : i32
    %dma_start3A_2056 = tpu.memref_slice %arg8[%dma_start3A_2054, %dma_start3A_2055] : memref<8200x128xf32, #tpu.memory_space<vmem_shared>> -> memref<8200x128xf32, #tpu.memory_space<vmem_shared>>
    tpu.enqueue_indirect_dma source(%dma_start3A_2056 : memref<8200x128xf32, #tpu.memory_space<vmem_shared>>) target(%dma_start3A_2051 : memref<128x128xf32, #tpu.memory_space<vmem>>) offsets(%dma_start3A_2053 : memref<128xi32, #tpu.memory_space<vmem>>) semaphore(%arg9 : memref<!tpu.dma_semaphore, #tpu.memory_space<semaphore_mem>>)
    %dma_wait3A_2057 = arith.constant 0 : i32
    %dma_wait3A_2058 = arith.constant 0 : i32
    %dma_wait3A_2059 = arith.constant 0 : i32
    %dma_wait3A_2060 = tpu.memref_slice %arg7[%dma_wait3A_2057, %dma_wait3A_2058, %dma_wait3A_2059] : memref<3x128x128xf32, #tpu.memory_space<vmem>> -> memref<1x128x128xf32, #tpu.memory_space<vmem>>
    %dma_wait3A_2061 = tpu.memref_squeeze %dma_wait3A_2060 : memref<1x128x128xf32, #tpu.memory_space<vmem>> -> memref<128x128xf32, #tpu.memory_space<vmem>>
    %dma_wait3A_2062 = arith.constant 1664 : i32
    %dma_wait3A_2063 = tpu.memref_slice %arg6[%dma_wait3A_2062] : memref<2048xi32, #tpu.memory_space<vmem>> -> memref<128xi32, #tpu.memory_space<vmem>>
    %dma_wait3A_2064 = arith.constant 0 : i32
    %dma_wait3A_2065 = arith.constant 0 : i32
    %dma_wait3A_2066 = tpu.memref_slice %arg8[%dma_wait3A_2064, %dma_wait3A_2065] : memref<8200x128xf32, #tpu.memory_space<vmem_shared>> -> memref<8200x128xf32, #tpu.memory_space<vmem_shared>>
    tpu.wait_indirect_dma semaphore(%arg9 : memref<!tpu.dma_semaphore, #tpu.memory_space<semaphore_mem>>) src(%dma_wait3A_2066 : memref<8200x128xf32, #tpu.memory_space<vmem_shared>>) dst(%dma_wait3A_2061 : memref<128x128xf32, #tpu.memory_space<vmem>>)
    %add3A_2067 = arith.constant 1664 : i32
    %add3A_2068 = arith.addi %mul3A_0, %add3A_2067 : i32
    %dma_start3A_2069 = arith.constant 0 : i32
    %dma_start3A_2070 = arith.constant 0 : i32
    %dma_start3A_2071 = arith.constant 0 : i32
    %dma_start3A_2072 = tpu.memref_slice %arg7[%dma_start3A_2069, %dma_start3A_2070, %dma_start3A_2071] : memref<3x128x128xf32, #tpu.memory_space<vmem>> -> memref<1x128x128xf32, #tpu.memory_space<vmem>>
    %dma_start3A_2073 = tpu.memref_squeeze %dma_start3A_2072 : memref<1x128x128xf32, #tpu.memory_space<vmem>> -> memref<128x128xf32, #tpu.memory_space<vmem>>
    %dma_start3A_2074 = tpu.memref_slice %arg5[%add3A_2068, %add3A_1438] : memref<32768x768xf32, #tpu.memory_space<hbm>> -> memref<128x128xf32, #tpu.memory_space<hbm>>
    %dma_start3A_2075 = tpu.memref_slice %arg5[%add3A_2068, %add3A_1438] : memref<32768x768xf32, #tpu.memory_space<hbm>> -> memref<128x128xf32, #tpu.memory_space<hbm>>
    %dma_start3A_2076 = arith.constant 0 : i32
    %dma_start3A_2077 = arith.constant 0 : i32
    %dma_start3A_2078 = tpu.memref_slice %arg7[%dma_start3A_2069, %dma_start3A_2076, %dma_start3A_2077] : memref<3x128x128xf32, #tpu.memory_space<vmem>> -> memref<1x128x128xf32, #tpu.memory_space<vmem>>
    %dma_start3A_2079 = tpu.memref_squeeze %dma_start3A_2078 : memref<1x128x128xf32, #tpu.memory_space<vmem>> -> memref<128x128xf32, #tpu.memory_space<vmem>>
    tpu.enqueue_dma source(%dma_start3A_2079 : memref<128x128xf32, #tpu.memory_space<vmem>>) target(%dma_start3A_2075 : memref<128x128xf32, #tpu.memory_space<hbm>>) target_semaphore(%arg10 : memref<!tpu.dma_semaphore, #tpu.memory_space<semaphore_mem>>)
    %dma_wait3A_2080 = arith.constant 2 : i32
    %dma_wait3A_2081 = arith.constant 0 : i32
    %dma_wait3A_2082 = arith.constant 0 : i32
    %dma_wait3A_2083 = tpu.memref_slice %arg7[%dma_wait3A_2080, %dma_wait3A_2081, %dma_wait3A_2082] : memref<3x128x128xf32, #tpu.memory_space<vmem>> -> memref<1x128x128xf32, #tpu.memory_space<vmem>>
    %dma_wait3A_2084 = tpu.memref_squeeze %dma_wait3A_2083 : memref<1x128x128xf32, #tpu.memory_space<vmem>> -> memref<128x128xf32, #tpu.memory_space<vmem>>
    %dma_wait3A_2085 = tpu.memref_slice %arg5[%add3A_2024, %add3A_1438] : memref<32768x768xf32, #tpu.memory_space<hbm>> -> memref<128x128xf32, #tpu.memory_space<hbm>>
    %dma_wait3A_2086 = tpu.memref_slice %arg5[%add3A_2024, %add3A_1438] : memref<32768x768xf32, #tpu.memory_space<hbm>> -> memref<128x128xf32, #tpu.memory_space<hbm>>
    %dma_wait3A_2087 = arith.constant 0 : i32
    %dma_wait3A_2088 = arith.constant 0 : i32
    %dma_wait3A_2089 = tpu.memref_slice %arg7[%dma_wait3A_2080, %dma_wait3A_2087, %dma_wait3A_2088] : memref<3x128x128xf32, #tpu.memory_space<vmem>> -> memref<1x128x128xf32, #tpu.memory_space<vmem>>
    %dma_wait3A_2090 = tpu.memref_squeeze %dma_wait3A_2089 : memref<1x128x128xf32, #tpu.memory_space<vmem>> -> memref<128x128xf32, #tpu.memory_space<vmem>>
    tpu.wait_dma2 semaphore(%arg10 : memref<!tpu.dma_semaphore, #tpu.memory_space<semaphore_mem>>) src(%dma_wait3A_2090 : memref<128x128xf32, #tpu.memory_space<vmem>>) dst(%dma_wait3A_2086 : memref<128x128xf32, #tpu.memory_space<hbm>>)
    %dma_start3A_2091 = arith.constant 2 : i32
    %dma_start3A_2092 = arith.constant 0 : i32
    %dma_start3A_2093 = arith.constant 0 : i32
    %dma_start3A_2094 = tpu.memref_slice %arg7[%dma_start3A_2091, %dma_start3A_2092, %dma_start3A_2093] : memref<3x128x128xf32, #tpu.memory_space<vmem>> -> memref<1x128x128xf32, #tpu.memory_space<vmem>>
    %dma_start3A_2095 = tpu.memref_squeeze %dma_start3A_2094 : memref<1x128x128xf32, #tpu.memory_space<vmem>> -> memref<128x128xf32, #tpu.memory_space<vmem>>
    %dma_start3A_2096 = arith.constant 1920 : i32
    %dma_start3A_2097 = tpu.memref_slice %arg6[%dma_start3A_2096] : memref<2048xi32, #tpu.memory_space<vmem>> -> memref<128xi32, #tpu.memory_space<vmem>>
    %dma_start3A_2098 = arith.constant 0 : i32
    %dma_start3A_2099 = arith.constant 0 : i32
    %dma_start3A_2100 = tpu.memref_slice %arg8[%dma_start3A_2098, %dma_start3A_2099] : memref<8200x128xf32, #tpu.memory_space<vmem_shared>> -> memref<8200x128xf32, #tpu.memory_space<vmem_shared>>
    tpu.enqueue_indirect_dma source(%dma_start3A_2100 : memref<8200x128xf32, #tpu.memory_space<vmem_shared>>) target(%dma_start3A_2095 : memref<128x128xf32, #tpu.memory_space<vmem>>) offsets(%dma_start3A_2097 : memref<128xi32, #tpu.memory_space<vmem>>) semaphore(%arg9 : memref<!tpu.dma_semaphore, #tpu.memory_space<semaphore_mem>>)
    %dma_wait3A_2101 = arith.constant 1 : i32
    %dma_wait3A_2102 = arith.constant 0 : i32
    %dma_wait3A_2103 = arith.constant 0 : i32
    %dma_wait3A_2104 = tpu.memref_slice %arg7[%dma_wait3A_2101, %dma_wait3A_2102, %dma_wait3A_2103] : memref<3x128x128xf32, #tpu.memory_space<vmem>> -> memref<1x128x128xf32, #tpu.memory_space<vmem>>
    %dma_wait3A_2105 = tpu.memref_squeeze %dma_wait3A_2104 : memref<1x128x128xf32, #tpu.memory_space<vmem>> -> memref<128x128xf32, #tpu.memory_space<vmem>>
    %dma_wait3A_2106 = arith.constant 1792 : i32
    %dma_wait3A_2107 = tpu.memref_slice %arg6[%dma_wait3A_2106] : memref<2048xi32, #tpu.memory_space<vmem>> -> memref<128xi32, #tpu.memory_space<vmem>>
    %dma_wait3A_2108 = arith.constant 0 : i32
    %dma_wait3A_2109 = arith.constant 0 : i32
    %dma_wait3A_2110 = tpu.memref_slice %arg8[%dma_wait3A_2108, %dma_wait3A_2109] : memref<8200x128xf32, #tpu.memory_space<vmem_shared>> -> memref<8200x128xf32, #tpu.memory_space<vmem_shared>>
    tpu.wait_indirect_dma semaphore(%arg9 : memref<!tpu.dma_semaphore, #tpu.memory_space<semaphore_mem>>) src(%dma_wait3A_2110 : memref<8200x128xf32, #tpu.memory_space<vmem_shared>>) dst(%dma_wait3A_2105 : memref<128x128xf32, #tpu.memory_space<vmem>>)
    %add3A_2111 = arith.constant 1792 : i32
    %add3A_2112 = arith.addi %mul3A_0, %add3A_2111 : i32
    %dma_start3A_2113 = arith.constant 1 : i32
    %dma_start3A_2114 = arith.constant 0 : i32
    %dma_start3A_2115 = arith.constant 0 : i32
    %dma_start3A_2116 = tpu.memref_slice %arg7[%dma_start3A_2113, %dma_start3A_2114, %dma_start3A_2115] : memref<3x128x128xf32, #tpu.memory_space<vmem>> -> memref<1x128x128xf32, #tpu.memory_space<vmem>>
    %dma_start3A_2117 = tpu.memref_squeeze %dma_start3A_2116 : memref<1x128x128xf32, #tpu.memory_space<vmem>> -> memref<128x128xf32, #tpu.memory_space<vmem>>
    %dma_start3A_2118 = tpu.memref_slice %arg5[%add3A_2112, %add3A_1438] : memref<32768x768xf32, #tpu.memory_space<hbm>> -> memref<128x128xf32, #tpu.memory_space<hbm>>
    %dma_start3A_2119 = tpu.memref_slice %arg5[%add3A_2112, %add3A_1438] : memref<32768x768xf32, #tpu.memory_space<hbm>> -> memref<128x128xf32, #tpu.memory_space<hbm>>
    %dma_start3A_2120 = arith.constant 0 : i32
    %dma_start3A_2121 = arith.constant 0 : i32
    %dma_start3A_2122 = tpu.memref_slice %arg7[%dma_start3A_2113, %dma_start3A_2120, %dma_start3A_2121] : memref<3x128x128xf32, #tpu.memory_space<vmem>> -> memref<1x128x128xf32, #tpu.memory_space<vmem>>
    %dma_start3A_2123 = tpu.memref_squeeze %dma_start3A_2122 : memref<1x128x128xf32, #tpu.memory_space<vmem>> -> memref<128x128xf32, #tpu.memory_space<vmem>>
    tpu.enqueue_dma source(%dma_start3A_2123 : memref<128x128xf32, #tpu.memory_space<vmem>>) target(%dma_start3A_2119 : memref<128x128xf32, #tpu.memory_space<hbm>>) target_semaphore(%arg10 : memref<!tpu.dma_semaphore, #tpu.memory_space<semaphore_mem>>)
    %dma_wait3A_2124 = arith.constant 2 : i32
    %dma_wait3A_2125 = arith.constant 0 : i32
    %dma_wait3A_2126 = arith.constant 0 : i32
    %dma_wait3A_2127 = tpu.memref_slice %arg7[%dma_wait3A_2124, %dma_wait3A_2125, %dma_wait3A_2126] : memref<3x128x128xf32, #tpu.memory_space<vmem>> -> memref<1x128x128xf32, #tpu.memory_space<vmem>>
    %dma_wait3A_2128 = tpu.memref_squeeze %dma_wait3A_2127 : memref<1x128x128xf32, #tpu.memory_space<vmem>> -> memref<128x128xf32, #tpu.memory_space<vmem>>
    %dma_wait3A_2129 = arith.constant 1920 : i32
    %dma_wait3A_2130 = tpu.memref_slice %arg6[%dma_wait3A_2129] : memref<2048xi32, #tpu.memory_space<vmem>> -> memref<128xi32, #tpu.memory_space<vmem>>
    %dma_wait3A_2131 = arith.constant 0 : i32
    %dma_wait3A_2132 = arith.constant 0 : i32
    %dma_wait3A_2133 = tpu.memref_slice %arg8[%dma_wait3A_2131, %dma_wait3A_2132] : memref<8200x128xf32, #tpu.memory_space<vmem_shared>> -> memref<8200x128xf32, #tpu.memory_space<vmem_shared>>
    tpu.wait_indirect_dma semaphore(%arg9 : memref<!tpu.dma_semaphore, #tpu.memory_space<semaphore_mem>>) src(%dma_wait3A_2133 : memref<8200x128xf32, #tpu.memory_space<vmem_shared>>) dst(%dma_wait3A_2128 : memref<128x128xf32, #tpu.memory_space<vmem>>)
    %add3A_2134 = arith.constant 1920 : i32
    %add3A_2135 = arith.addi %mul3A_0, %add3A_2134 : i32
    %dma_start3A_2136 = arith.constant 2 : i32
    %dma_start3A_2137 = arith.constant 0 : i32
    %dma_start3A_2138 = arith.constant 0 : i32
    %dma_start3A_2139 = tpu.memref_slice %arg7[%dma_start3A_2136, %dma_start3A_2137, %dma_start3A_2138] : memref<3x128x128xf32, #tpu.memory_space<vmem>> -> memref<1x128x128xf32, #tpu.memory_space<vmem>>
    %dma_start3A_2140 = tpu.memref_squeeze %dma_start3A_2139 : memref<1x128x128xf32, #tpu.memory_space<vmem>> -> memref<128x128xf32, #tpu.memory_space<vmem>>
    %dma_start3A_2141 = tpu.memref_slice %arg5[%add3A_2135, %add3A_1438] : memref<32768x768xf32, #tpu.memory_space<hbm>> -> memref<128x128xf32, #tpu.memory_space<hbm>>
    %dma_start3A_2142 = tpu.memref_slice %arg5[%add3A_2135, %add3A_1438] : memref<32768x768xf32, #tpu.memory_space<hbm>> -> memref<128x128xf32, #tpu.memory_space<hbm>>
    %dma_start3A_2143 = arith.constant 0 : i32
    %dma_start3A_2144 = arith.constant 0 : i32
    %dma_start3A_2145 = tpu.memref_slice %arg7[%dma_start3A_2136, %dma_start3A_2143, %dma_start3A_2144] : memref<3x128x128xf32, #tpu.memory_space<vmem>> -> memref<1x128x128xf32, #tpu.memory_space<vmem>>
    %dma_start3A_2146 = tpu.memref_squeeze %dma_start3A_2145 : memref<1x128x128xf32, #tpu.memory_space<vmem>> -> memref<128x128xf32, #tpu.memory_space<vmem>>
    tpu.enqueue_dma source(%dma_start3A_2146 : memref<128x128xf32, #tpu.memory_space<vmem>>) target(%dma_start3A_2142 : memref<128x128xf32, #tpu.memory_space<hbm>>) target_semaphore(%arg10 : memref<!tpu.dma_semaphore, #tpu.memory_space<semaphore_mem>>)
    %barrier3A_2147 = arith.constant 0 : index
    tpu.barrier barrier_id(%barrier3A_2147)
    %dma_wait3A_2148 = arith.constant 0 : i32
    %dma_wait3A_2149 = arith.constant 0 : i32
    %dma_wait3A_2150 = arith.constant 0 : i32
    %dma_wait3A_2151 = tpu.memref_slice %arg7[%dma_wait3A_2148, %dma_wait3A_2149, %dma_wait3A_2150] : memref<3x128x128xf32, #tpu.memory_space<vmem>> -> memref<1x128x128xf32, #tpu.memory_space<vmem>>
    %dma_wait3A_2152 = tpu.memref_squeeze %dma_wait3A_2151 : memref<1x128x128xf32, #tpu.memory_space<vmem>> -> memref<128x128xf32, #tpu.memory_space<vmem>>
    %dma_wait3A_2153 = tpu.memref_slice %arg5[%add3A_2068, %add3A_1438] : memref<32768x768xf32, #tpu.memory_space<hbm>> -> memref<128x128xf32, #tpu.memory_space<hbm>>
    %dma_wait3A_2154 = tpu.memref_slice %arg5[%add3A_2068, %add3A_1438] : memref<32768x768xf32, #tpu.memory_space<hbm>> -> memref<128x128xf32, #tpu.memory_space<hbm>>
    %dma_wait3A_2155 = arith.constant 0 : i32
    %dma_wait3A_2156 = arith.constant 0 : i32
    %dma_wait3A_2157 = tpu.memref_slice %arg7[%dma_wait3A_2148, %dma_wait3A_2155, %dma_wait3A_2156] : memref<3x128x128xf32, #tpu.memory_space<vmem>> -> memref<1x128x128xf32, #tpu.memory_space<vmem>>
    %dma_wait3A_2158 = tpu.memref_squeeze %dma_wait3A_2157 : memref<1x128x128xf32, #tpu.memory_space<vmem>> -> memref<128x128xf32, #tpu.memory_space<vmem>>
    tpu.wait_dma2 semaphore(%arg10 : memref<!tpu.dma_semaphore, #tpu.memory_space<semaphore_mem>>) src(%dma_wait3A_2158 : memref<128x128xf32, #tpu.memory_space<vmem>>) dst(%dma_wait3A_2154 : memref<128x128xf32, #tpu.memory_space<hbm>>)
    %dma_wait3A_2159 = arith.constant 1 : i32
    %dma_wait3A_2160 = arith.constant 0 : i32
    %dma_wait3A_2161 = arith.constant 0 : i32
    %dma_wait3A_2162 = tpu.memref_slice %arg7[%dma_wait3A_2159, %dma_wait3A_2160, %dma_wait3A_2161] : memref<3x128x128xf32, #tpu.memory_space<vmem>> -> memref<1x128x128xf32, #tpu.memory_space<vmem>>
    %dma_wait3A_2163 = tpu.memref_squeeze %dma_wait3A_2162 : memref<1x128x128xf32, #tpu.memory_space<vmem>> -> memref<128x128xf32, #tpu.memory_space<vmem>>
    %dma_wait3A_2164 = tpu.memref_slice %arg5[%add3A_2112, %add3A_1438] : memref<32768x768xf32, #tpu.memory_space<hbm>> -> memref<128x128xf32, #tpu.memory_space<hbm>>
    %dma_wait3A_2165 = tpu.memref_slice %arg5[%add3A_2112, %add3A_1438] : memref<32768x768xf32, #tpu.memory_space<hbm>> -> memref<128x128xf32, #tpu.memory_space<hbm>>
    %dma_wait3A_2166 = arith.constant 0 : i32
    %dma_wait3A_2167 = arith.constant 0 : i32
    %dma_wait3A_2168 = tpu.memref_slice %arg7[%dma_wait3A_2159, %dma_wait3A_2166, %dma_wait3A_2167] : memref<3x128x128xf32, #tpu.memory_space<vmem>> -> memref<1x128x128xf32, #tpu.memory_space<vmem>>
    %dma_wait3A_2169 = tpu.memref_squeeze %dma_wait3A_2168 : memref<1x128x128xf32, #tpu.memory_space<vmem>> -> memref<128x128xf32, #tpu.memory_space<vmem>>
    tpu.wait_dma2 semaphore(%arg10 : memref<!tpu.dma_semaphore, #tpu.memory_space<semaphore_mem>>) src(%dma_wait3A_2169 : memref<128x128xf32, #tpu.memory_space<vmem>>) dst(%dma_wait3A_2165 : memref<128x128xf32, #tpu.memory_space<hbm>>)
    %dma_wait3A_2170 = arith.constant 2 : i32
    %dma_wait3A_2171 = arith.constant 0 : i32
    %dma_wait3A_2172 = arith.constant 0 : i32
    %dma_wait3A_2173 = tpu.memref_slice %arg7[%dma_wait3A_2170, %dma_wait3A_2171, %dma_wait3A_2172] : memref<3x128x128xf32, #tpu.memory_space<vmem>> -> memref<1x128x128xf32, #tpu.memory_space<vmem>>
    %dma_wait3A_2174 = tpu.memref_squeeze %dma_wait3A_2173 : memref<1x128x128xf32, #tpu.memory_space<vmem>> -> memref<128x128xf32, #tpu.memory_space<vmem>>
    %dma_wait3A_2175 = tpu.memref_slice %arg5[%add3A_2135, %add3A_1438] : memref<32768x768xf32, #tpu.memory_space<hbm>> -> memref<128x128xf32, #tpu.memory_space<hbm>>
    %dma_wait3A_2176 = tpu.memref_slice %arg5[%add3A_2135, %add3A_1438] : memref<32768x768xf32, #tpu.memory_space<hbm>> -> memref<128x128xf32, #tpu.memory_space<hbm>>
    %dma_wait3A_2177 = arith.constant 0 : i32
    %dma_wait3A_2178 = arith.constant 0 : i32
    %dma_wait3A_2179 = tpu.memref_slice %arg7[%dma_wait3A_2170, %dma_wait3A_2177, %dma_wait3A_2178] : memref<3x128x128xf32, #tpu.memory_space<vmem>> -> memref<1x128x128xf32, #tpu.memory_space<vmem>>
    %dma_wait3A_2180 = tpu.memref_squeeze %dma_wait3A_2179 : memref<1x128x128xf32, #tpu.memory_space<vmem>> -> memref<128x128xf32, #tpu.memory_space<vmem>>
    tpu.wait_dma2 semaphore(%arg10 : memref<!tpu.dma_semaphore, #tpu.memory_space<semaphore_mem>>) src(%dma_wait3A_2180 : memref<128x128xf32, #tpu.memory_space<vmem>>) dst(%dma_wait3A_2176 : memref<128x128xf32, #tpu.memory_space<hbm>>)
    return
  }
}

</mosaic_0001>

<sc_bundles>
// kernel: kernel.3.cloned.1.call-start
scs
__scs_entry_jumppad:
0x0: {  	(pc) =	sbr.rel $0x88, $3  }
0x1: {  	(tag) =	ssettag $0x0;
	lr =	simm.s32 $0x1  }
0x2: {  	[smem:$0x3F9F] =	sst lr;
	_ =	strace $0xD0000000  }
0x3: {  	_ = 	snop  }
0x4: {  	_ = 	snop  }
0x5: {  	_ = 	snop  }
0x6: {  	_ = 	snop  }
0x7: {  	_ = 	snop  }
__scs_overlays_trampoline_lowered:
0x8: {  	[smem:$0x3FAE] =	sst s0  }
0x9: {  	[smem:$0x3FAF] =	sst s1  }
0xa: {  	[smem:$0x3FB0] =	sst s2  }
0xb: {  	[smem:$0x3FB1] =	sst s3  }
0xc: {  	[smem:$0x3FB2] =	sst s4  }
0xd: {  	[smem:$0x3FB3] =	sst s5  }
0xe: {  	[smem:$0x3FB4] =	sst s6  }
0xf: {  	[smem:$0x3FB5] =	sst s7  }
0x10: {  	[smem:$0x3FB6] =	sst s8  }
0x11: {  	[smem:$0x3FB7] =	sst s9;
	s0 =	simm.s32 @!p0 $0x0  }
0x12: {  	s1 =	sld [smem:$0x3F9D];
	s0 =	simm.s32 @p0 $0x1  }
0x13: {  	[smem:$0x3FB8] =	sst s0;
	s0 =	simm.s32 @!p1 $0x0  }
0x14: {  	s2 =	sld [smem:$0x3F9C];
	s0 =	simm.s32 @p1 $0x1  }
0x15: {  	[smem:$0x3FB9] =	sst s0;
	s0 =	simm.s32 @!p2 $0x0  }
0x16: {  	s3 =	sld [smem:$0x3FDB];
	s0 =	simm.s32 @p2 $0x1  }
0x17: {  	s4 =	simm.s32 $0x1BF5;
	[smem:$0x3FBB] =	sst s0  }
0x18: {  	s0 =	sld [smem:$0x3F9E];
	_ =	swait.ge [sflag:s4], $0x0  }
0x19: {  	s7 =	sld [smem:$0x3F9F]  }
0x1a: {  	s8 =	sadd.s32 $0xFFFFE003, lr  }
0x1b: {  	s9 =	sadd.s32 $0xFFFFFEF7, lr;
	s5 =	simm.s32 $0xFFFFFFFF;
	p2 =	slt.u32 s8, $0xFFFFF086  }
0x1c: {  	p1 =	slt.u32 s9, $0xF7A;
	s5 =	simm.s32 @!p2 $0x0  }
0x1d: {  	s5 =	simm.s32 @p1 $0x1;
	p0 =	seq.s32 s7, s2  }
0x1e: {  	s7 =	smul.u32 @!p0 $0xF7A, s2;
	p2 =	seq.s32 @!p0 s5, $0x0  }
0x1f: {  	s9 =	smul.u32 $0xF7A, s1;
	s8 =	simm.s32 @!p0 $0x1BF5;
	p2 =	por !p2, p0  }
0x20: {  	[sflag:s8] =	ssyncset.s32 @!p0 $0xFFFFF086;
	s6 =	sadd.s32 @!p0 s3, s7;
	s7 =	simm.s32 @!p0 $0x108  }
0x21: {  	s3 =	sadd.s32 s3, s9;
	s6 =	sadd.s32 @!p0 $0x88, s6;
	s7 =	simm.s32 @p2 $0x1082  }
0x22: {  	[simem:s7], [sflag:s8] =	dma.local @!p0 [hbm:s6], $0xF7A  }
0x23: {  	s9 =	sor.u32 $0xD0000000, s2;
	s6 =	simm.s32 $0x108;
	_ =	swait.ge @!p0 [sflag:s8], $0x0  }
0x24: {  	s3 =	sadd.s32 $0x88, s3;
	s6 =	simm.s32 @!p1 $0x1082;
	[sflag:s4] =	ssyncset.s32 $0xFFFFF086  }
0x25: {  	[simem:s6], [sflag:s4] =	dma.local [hbm:s3], $0xF7A  }
0x26: {  	[smem:$0x3F9F] =	sst s1;
	(tag) =	ssettag s2;
	_ =	strace s9  }
0x27: {  	s1 =	sld [smem:$0x3FAF]  }
0x28: {  	s2 =	sld [smem:$0x3FB0]  }
0x29: {  	s4 =	sld [smem:$0x3FB2]  }
0x2a: {  	p0 =	seq.s32 s5, $0x0;
	s5 =	sld [smem:$0x3FB3]  }
0x2b: {  	s6 =	sld [smem:$0x3FB4]  }
0x2c: {  	s7 =	sld [smem:$0x3FB5]  }
0x2d: {  	s3 =	simm.s32 $0x108;
	s8 =	sld [smem:$0x3FB6]  }
0x2e: {  	s3 =	simm.s32 @!p0 $0x1082;
	s9 =	sld [smem:$0x3FB7]  }
0x2f: {  	lr =	sadd.s32 s0, s3;
	s0 =	sld [smem:$0x3FAE]  }
0x30: {  	s3 =	sld [smem:$0x3FB1]  }
0x31: {  	[smem:$0x3FBA] =	sst s10  }
0x32: {  	s10 =	sld [smem:$0x3FB8];
	_ =	sdelay $0x3  }
0x33: {  	p0 =	seq.s32 s10, $0x1;
	s10 =	sld [smem:$0x3FBA];
	_ =	sdelay $0x3  }
0x34: {  	[smem:$0x3FBA] =	sst s10  }
0x35: {  	s10 =	sld [smem:$0x3FB9];
	_ =	sdelay $0x3  }
0x36: {  	p1 =	seq.s32 s10, $0x1;
	s10 =	sld [smem:$0x3FBA];
	_ =	sdelay $0x3  }
0x37: {  	[smem:$0x3FBA] =	sst s10  }
0x38: {  	s10 =	sld [smem:$0x3FBB]  }
0x39: {  	_ = 	snop;
	(pc) =	sbr.ind lr, $3  }
0x3a: {  	_ = 	snop  }
0x3b: {  	_ = 	snop  }
0x3c: {  	p2 =	seq.s32 s10, $0x1;
	s10 =	sld [smem:$0x3FBA]  }
0x3d: {  	_ =	shalt  }
0x3e: {  	_ =	shalt  }
0x3f: {  	_ =	shalt  }
0x40: {  	_ =	shalt  }
0x41: {  	_ =	shalt  }
0x42: {  	_ =	shalt  }
0x43: {  	_ =	shalt  }
0x44: {  	_ =	shalt  }
0x45: {  	_ =	shalt  }
0x46: {  	_ =	shalt  }
0x47: {  	_ =	shalt  }
0x48: {  	_ =	shalt  }
0x49: {  	_ =	shalt  }
0x4a: {  	_ =	shalt  }
0x4b: {  	_ =	shalt  }
0x4c: {  	_ =	shalt  }
0x4d: {  	_ =	shalt  }
0x4e: {  	_ =	shalt  }
0x4f: {  	_ =	shalt  }
0x50: {  	_ =	shalt  }
0x51: {  	_ =	shalt  }
0x52: {  	_ =	shalt  }
0x53: {  	_ =	shalt  }
0x54: {  	_ =	shalt  }
0x55: {  	_ =	shalt  }
0x56: {  	_ =	shalt  }
0x57: {  	_ =	shalt  }
0x58: {  	_ =	shalt  }
0x59: {  	_ =	shalt  }
0x5a: {  	_ =	shalt  }
0x5b: {  	_ =	shalt  }
0x5c: {  	_ =	shalt  }
0x5d: {  	_ =	shalt  }
0x5e: {  	_ =	shalt  }
0x5f: {  	_ =	shalt  }
0x60: {  	_ =	shalt  }
0x61: {  	_ =	shalt  }
0x62: {  	_ =	shalt  }
0x63: {  	_ =	shalt  }
0x64: {  	_ =	shalt  }
0x65: {  	_ =	shalt  }
0x66: {  	_ =	shalt  }
0x67: {  	_ =	shalt  }
0x68: {  	_ =	shalt  }
0x69: {  	_ =	shalt  }
0x6a: {  	_ =	shalt  }
0x6b: {  	_ =	shalt  }
0x6c: {  	_ =	shalt  }
0x6d: {  	_ =	shalt  }
0x6e: {  	_ =	shalt  }
0x6f: {  	_ =	shalt  }
0x70: {  	_ =	shalt  }
0x71: {  	_ =	shalt  }
0x72: {  	_ =	shalt  }
0x73: {  	_ =	shalt  }
0x74: {  	_ =	shalt  }
0x75: {  	_ =	shalt  }
0x76: {  	_ =	shalt  }
0x77: {  	_ =	shalt  }
0x78: {  	_ =	shalt  }
0x79: {  	_ =	shalt  }
0x7a: {  	_ =	shalt  }
0x7b: {  	_ =	shalt  }
0x7c: {  	_ =	shalt  }
0x7d: {  	_ =	shalt  }
0x7e: {  	_ =	shalt  }
0x7f: {  	_ =	shalt  }
0x80: {  	_ =	shalt  }
0x81: {  	_ =	shalt  }
0x82: {  	_ =	shalt  }
0x83: {  	_ =	shalt  }
0x84: {  	_ =	shalt  }
0x85: {  	_ =	shalt  }
0x86: {  	_ =	shalt  }
0x87: {  	_ =	shalt  }
.Lfunc_end0:
.L_simem_size_0:
called_computation_lowered:
.L_overlay_start_0:
0x88: {  	s2 =	sld [smem:$0x3FD9]  }
0x89: {  	s3 =	sld [smem:$0x3FFE];
	_ =	sdelay $0x1  }
0x8a: {  	s1 =	srdreg.scid  }
0x8b: {  	s0 =	sand.u32 $0x1, s1  }
0x8c: {  	s17 =	sshll.u32 s0, $0xA;
	s2 =	sadd.s32 s3, s2  }
0x8d: {  	s2 =	sadd.s32 s2, s17  }
0x8e: {  	[smem:$0x3FC6] =	sst s2  }
0x8f: {  	_ = 	snop  }
0x90: {  	s2 =	sld [smem:$0x3FC8]  }
0x91: {  	s18 =	sld [smem:$0x3FD0];
	(tm) =	ssettm $0x1  }
0x92: {  	s4 =	sld [smem:$0x3FFB];
	_ =	sdelay $0x3  }
0x93: {  	_ =	strace s4  }
0x94: {  	s4 =	sld [smem:$0x3FFC];
	_ =	sdelay $0x3  }
0x95: {  	_ =	strace s4  }
0x96: {  	s4 =	sld [smem:$0x3FFD];
	_ =	sdelay $0x3  }
0x97: {  	_ =	strace s4  }
0x98: {  	_ =	strace $0x8FFFFFFF  }
0x99: {  	s19 =	sld [smem:$0x3FDB];
	_ =	sdelay $0x1  }
0x9a: {  	s5 =	simm.s32 $_scs_section_size  }
0x9b: {  	s6 =	simm.s32 $_size__tile_overlayer_lowered;
	s7 =	simm.s32 $_tile_overlayer_lowered  }
0x9c: {  	s22 =	simm.s32 $0x1BFF;
	s21 =	sshll.u32 s7, $0x1;
	s4 =	sadd.s32 s5, s19  }
0x9d: {  	s8 =	simm.s32 $0x0;
	s20 =	sshll.u32 s6, $0x1;
	s6 =	sadd.s32 s21, s4  }
0x9e: {  	[timem:s8], [sflag:s22] =	dma.local [hbm:s6], s20  }
0x9f: {  	_ =	swait.ge [sflag:s22], s20  }
0xa0: {  	s5 =	ssub.s32 $0x0, s20;
	[sflag:s22] =	ssyncset.done $0x0  }
0xa1: {  	[sflag:s22] =	ssyncadd.s32 s5;
	_ =	sdelay $0x1  }
0xa2: {  	s23 =	simm.s32 $0x1B8B  }
0xa3: {  	_ =	swait.ge [sflag:s23], $0x1  }
0xa4: {  	[sflag:s23] =	ssyncset.done $0x0  }
0xa5: {  	s25 =	simm.s32 $0x1B8E;
	s24 =	sld [smem:$0x3FFE];
	[sflag:s23] =	ssyncadd.s32 $0xFFFFFFFF  }
0xa6: {  	s26 =	simm.s32 $execute0_lowered;
	[smem:$0x3FD2] =	sst s25  }
0xa7: {  	s6 =	sshll.u32 s26, $0x1;
	_ =	strace $0x80000046;
	[dreg:$0x1] =	wrdreg $0xFFFFFFFF  }
0xa8: {  	s28 =	simm.s32 $_size_execute0_lowered;
	s4 =	sadd.s32 s4, s6;
	[dreg:$0x0] =	wrdreg $0x0  }
0xa9: {  	s6 =	sshll.u32 s28, $0x1;
	[dreg:$0x2] =	wrdreg s4  }
0xaa: {  	[dreg:$0x3] =	wrdreg s6  }
0xab: {  	[dreg:$0x4] =	wrdreg $0xC0  }
0xac: {  	_ =	task [dreg:s8], $0x5FFFF  }
0xad: {  	[dreg:$0x1] =	wrdreg $0xFFFFFFFF  }
0xae: {  	[dreg:$0x0] =	wrdreg $0x60  }
0xaf: {  	[dreg:$0x2] =	wrdreg s2  }
0xb0: {  	[dreg:$0x3] =	wrdreg s24  }
0xb1: {  	[dreg:$0x4] =	wrdreg s18  }
0xb2: {  	[dreg:$0x5] =	wrdreg $0xC8000  }
0xb3: {  	[dreg:$0x6] =	wrdreg $0x9  }
0xb4: {  	_ =	task.clear_ibuf [dreg:s8], $0x7FFFF;
	_ =	strace $0x90000046  }
0xb5: {  	s29 =	simm.s32 $0x9;
	_ =	strace $0x80000048  }
0xb6: {  	_ =	swait.ge [sflag:s29], $0x1  }
0xb7: {  	[sflag:s29] =	ssyncadd.s32 $0xFFFFFFFF  }
0xb8: {  	_ =	strace $0x90000048  }
0xb9: {  	_ =	sfence  }
0xba: {  	s30 =	sld [smem:$0x0];
	_ =	sdelay $0x2  }
0xbb: {  	s31 =	sshll.u32 s1, $0xD;
	s1 =	sshrl.u32 s1, $0x2  }
0xbc: {  	s3 =	sand.u32 $0x4000, s31;
	s1 =	sadd.s32 s1, s30  }
0xbd: {  	s0 =	sor.u32 s3, s0;
	s1 =	sshll.u32 s1, $0x11  }
0xbe: {  	s0 =	sor.u32 s1, s0  }
0xbf: {  	s0 =	sadd.s32 $0x8F2B, s0  }
0xc0: {  	[sflag:s0] =	ssyncadd.remote.s32 $0x1  }
0xc1: {  	_ =	sfence.sel $0xFFFF  }
0xc2: {  	[dreg:$0x0] =	wrdreg $0xFFFFFFFF;
	(pc) =	sbr.abs _section_cstart, $3  }
0xc3: {  	[dreg:$0x1] =	wrdreg $0xFFFFFFFF  }
0xc4: {  	_ =	task.clear_ibuf [dreg:s8], $0x2FFFF;
	_ =	strace $0x9FFFFFFF  }
0xc5: {  	(tm) =	ssettm $0x7FFFFFFF  }
tec
execute0_lowered:
.L_overlay_start_1:
0x0: {  	(tag) =	ssettag $0x1  }
0x1: {  	s4 =	rddreg [dreg:$0x0]  }
0x2: {  	s11 =	rddreg [dreg:$0x1];
	s1 =	srdreg.scid  }
0x3: {  	s0 =	stileid.u32;
	s3 =	rddreg [dreg:$0x2]  }
0x4: {  	s2 =	simm.s32 $0x0;
	s5 =	sand.u32 $0x1, s1;
	s1 =	rddreg [dreg:$0x3]  }
0x5: {  	p1 =	por $0x0, $0x0;
	s7 =	smul.u32 $0x60000, s0;
	[smem:$0x7FF] =	sst s2  }
0x6: {  	s6 =	sshll.u32 s0, $0x10;
	s12 =	sshll.u32 s0, $0x8;
	p0 =	sne.s32 s0, $0x0  }
0x7: {  	s8 =	smul.u32 $0xC00, s5;
	_ =	strace $0x80000047;
	s10 =	sadd.s32 s6, s1  }
0x8: {  	s6 =	sadd.s32 $0x1000, s11;
	s15 =	sadd.s32 $0x100000, s1;
	[dreg:$0x5] =	wrdreg s10  }
0x9: {  	s11 =	sadd.s32 s11, s12;
	s5 =	ssub.s32 $0x2, s5;
	[dreg:$0x7] =	wrdreg s15  }
0xa: {  	s10 =	smul.u32 $0x180000, s0;
	s9 =	sor.u32 s8, s7;
	s16 =	sshrl.u32 s8, $0x3  }
0xb: {  	[dreg:$0x9] =	wrdreg s11;
	s9 =	sshrl.u32 s9, $0x3;
	s17 =	sadd.s32 s6, s16  }
0xc: {  	s13 =	sor.u32 s8, s10;
	s12 =	sor.u32 $0x30000, s10;
	s11 =	sor.u32 $0x60000, s10  }
0xd: {  	s9 =	sadd.s32 s4, s9;
	[dreg:$0x8] =	wrdreg s17;
	s18 =	sshrl.u32 s13, $0x3  }
0xe: {  	s23 =	sor.u32 s8, s12;
	s13 =	sor.u32 $0x48000, s10;
	s16 =	sor.u32 s8, s11  }
0xf: {  	[dreg:$0x6] =	wrdreg s9;
	s9 =	sor.u32 $0x18000, s10;
	s20 =	sadd.s32 s3, s18  }
0x10: {  	s14 =	sshrl.u32 s23, $0x3;
	s15 =	sor.u32 s8, s13;
	s25 =	sshrl.u32 s16, $0x3  }
0x11: {  	s16 =	sadd.s32 $0x90000, s10;
	s19 =	sor.u32 s8, s9;
	[dreg:$0xa] =	wrdreg s20  }
0x12: {  	s14 =	sadd.s32 s3, s14;
	s15 =	sshrl.u32 s15, $0x3;
	s26 =	sadd.s32 s3, s25  }
0x13: {  	s18 =	sor.u32 s8, s16;
	s21 =	sshrl.u32 s19, $0x3;
	[dreg:$0xc] =	wrdreg s14  }
0x14: {  	s24 =	sadd.s32 s3, s15;
	s15 =	sor.u32 $0x78000, s10;
	[dreg:$0xe] =	wrdreg s26  }
0x15: {  	s14 =	sadd.s32 $0xA8000, s10;
	s18 =	sshrl.u32 s18, $0x3;
	s22 =	sadd.s32 s3, s21  }
0x16: {  	[dreg:$0xd] =	wrdreg s24;
	s29 =	sor.u32 s8, s15;
	s19 =	sor.u32 s8, s14  }
0x17: {  	s30 =	sadd.s32 s3, s18;
	s18 =	sadd.s32 $0xC0000, s10;
	[dreg:$0xb] =	wrdreg s22  }
0x18: {  	s17 =	sshrl.u32 s29, $0x3;
	s31 =	sshrl.u32 s19, $0x3;
	[dreg:$0x10] =	wrdreg s30  }
0x19: {  	s20 =	sor.u32 s8, s18;
	s17 =	sadd.s32 s3, s17;
	s19 =	sadd.s32 s3, s31  }
0x1a: {  	s20 =	sshrl.u32 s20, $0x3;
	[dreg:$0x11] =	wrdreg s19;
	s19 =	sadd.s32 $0xD8000, s10  }
0x1b: {  	[dreg:$0xf] =	wrdreg s17;
	s17 =	sadd.s32 $0xF0000, s10;
	s21 =	sor.u32 s8, s19  }
0x1c: {  	s20 =	sadd.s32 s3, s20;
	s22 =	sor.u32 s8, s17;
	s21 =	sshrl.u32 s21, $0x3  }
0x1d: {  	[dreg:$0x12] =	wrdreg s20;
	s23 =	sshrl.u32 s22, $0x3;
	s21 =	sadd.s32 s3, s21  }
0x1e: {  	s22 =	sadd.s32 $0x120000, s10;
	s24 =	sadd.s32 s3, s23;
	[dreg:$0x13] =	wrdreg s21  }
0x1f: {  	s21 =	sadd.s32 $0x108000, s10;
	[dreg:$0x14] =	wrdreg s24;
	s24 =	sor.u32 s8, s22  }
0x20: {  	s20 =	sadd.s32 $0x138000, s10;
	s25 =	sor.u32 s8, s21;
	s24 =	sshrl.u32 s24, $0x3  }
0x21: {  	s23 =	sshrl.u32 s25, $0x3;
	s25 =	sor.u32 s8, s20;
	s26 =	sadd.s32 s3, s24  }
0x22: {  	s23 =	sadd.s32 s3, s23;
	s29 =	sshrl.u32 s25, $0x3;
	[dreg:$0x16] =	wrdreg s26  }
0x23: {  	s25 =	sadd.s32 $0x400, s8;
	[dreg:$0x15] =	wrdreg s23;
	s23 =	sadd.s32 $0x150000, s10  }
0x24: {  	s24 =	sadd.s32 s3, s29;
	s29 =	sor.u32 s7, s25;
	s30 =	sor.u32 s8, s23  }
0x25: {  	[dreg:$0x17] =	wrdreg s24;
	s24 =	sadd.s32 $0x168000, s10;
	s26 =	sshrl.u32 s30, $0x3  }
0x26: {  	s28 =	sor.u32 s8, s24;
	s30 =	sshrl.u32 s25, $0x3;
	s8 =	sadd.s32 $0x800, s8  }
0x27: {  	s26 =	sadd.s32 s3, s26;
	s28 =	sshrl.u32 s28, $0x3;
	s7 =	sor.u32 s7, s8  }
0x28: {  	[dreg:$0x18] =	wrdreg s26;
	s31 =	sadd.s32 s3, s28;
	s28 =	sshrl.u32 s29, $0x3  }
0x29: {  	s26 =	sadd.s32 s6, s30;
	s7 =	sshrl.u32 s7, $0x3;
	[dreg:$0x19] =	wrdreg s31  }
0x2a: {  	s29 =	sadd.s32 s4, s28;
	s28 =	sor.u32 s10, s25;
	[dreg:$0x1b] =	wrdreg s26  }
0x2b: {  	s31 =	sor.u32 s25, s9;
	s4 =	sadd.s32 s4, s7;
	[dreg:$0x1a] =	wrdreg s29  }
0x2c: {  	s10 =	sor.u32 s10, s8;
	s28 =	sshrl.u32 s28, $0x3;
	[smem:$0x7EC] =	sst s4  }
0x2d: {  	s4 =	sshrl.u32 s5, $0x1;
	s30 =	sadd.s32 s3, s28;
	s28 =	sshrl.u32 s31, $0x3  }
0x2e: {  	s4 =	ssub.s32 s5, s4;
	s31 =	sadd.s32 s3, s28;
	s28 =	sor.u32 s25, s12  }
0x2f: {  	[dreg:$0x1c] =	wrdreg s30;
	s29 =	sshrl.u32 s28, $0x3;
	s28 =	sor.u32 s25, s13  }
0x30: {  	s30 =	sor.u32 s25, s11;
	[dreg:$0x1d] =	wrdreg s31;
	s28 =	sshrl.u32 s28, $0x3  }
0x31: {  	s26 =	sadd.s32 s3, s29;
	s31 =	sadd.s32 s3, s28;
	s28 =	sshrl.u32 s30, $0x3  }
0x32: {  	[dreg:$0x1e] =	wrdreg s26;
	s29 =	sadd.s32 s3, s28;
	s28 =	sor.u32 s25, s15  }
0x33: {  	[dreg:$0x1f] =	wrdreg s31;
	s30 =	sshrl.u32 s28, $0x3;
	s28 =	sor.u32 s25, s16  }
0x34: {  	s31 =	sor.u32 s25, s14;
	[smem:$0x7E0] =	sst s29;
	s28 =	sshrl.u32 s28, $0x3  }
0x35: {  	s26 =	sadd.s32 s3, s30;
	s30 =	sadd.s32 s3, s28;
	s28 =	sshrl.u32 s31, $0x3  }
0x36: {  	[smem:$0x7E1] =	sst s26;
	s31 =	sadd.s32 s3, s28;
	s28 =	sor.u32 s25, s18  }
0x37: {  	[smem:$0x7E2] =	sst s30;
	s29 =	sshrl.u32 s28, $0x3;
	s28 =	sor.u32 s25, s19  }
0x38: {  	[smem:$0x7E3] =	sst s31;
	s26 =	sadd.s32 s3, s29;
	s28 =	sshrl.u32 s28, $0x3  }
0x39: {  	s30 =	sor.u32 s25, s17;
	[smem:$0x7E4] =	sst s26;
	s31 =	sadd.s32 s3, s28  }
0x3a: {  	s5 =	simm.s32 $0x400;
	s28 =	sshrl.u32 s30, $0x3;
	[smem:$0x7E5] =	sst s31  }
0x3b: {  	s29 =	sadd.s32 s3, s28;
	s28 =	sor.u32 s25, s21;
	s31 =	sor.u32 s25, s20  }
0x3c: {  	[smem:$0x7E6] =	sst s29;
	s30 =	sshrl.u32 s28, $0x3;
	s28 =	sor.u32 s25, s22  }
0x3d: {  	s29 =	sor.u32 s25, s23;
	s25 =	sor.u32 s25, s24;
	s26 =	sadd.s32 s3, s30  }
0x3e: {  	s28 =	sshrl.u32 s28, $0x3;
	s25 =	sshrl.u32 s25, $0x3;
	[smem:$0x7E7] =	sst s26  }
0x3f: {  	s30 =	sadd.s32 s3, s28;
	s28 =	sshrl.u32 s31, $0x3;
	s26 =	sshrl.u32 s29, $0x3  }
0x40: {  	s25 =	sadd.s32 s3, s25;
	s29 =	sor.u32 s8, s13;
	s13 =	sor.u32 s8, s16  }
0x41: {  	[smem:$0x7E8] =	sst s30;
	s31 =	sadd.s32 s3, s28;
	s26 =	sadd.s32 s3, s26  }
0x42: {  	[smem:$0x7EB] =	sst s25;
	s30 =	sshrl.u32 s8, $0x3;
	s16 =	sshrl.u32 s13, $0x3  }
0x43: {  	s13 =	sor.u32 s8, s17;
	s28 =	simm.s32 $0x4;
	[smem:$0x7E9] =	sst s31  }
0x44: {  	[smem:$0x7EA] =	sst s26;
	s6 =	sadd.s32 s6, s30;
	s31 =	sshrl.u32 s10, $0x3  }
0x45: {  	s10 =	sor.u32 s8, s9;
	s26 =	sor.u32 s8, s12;
	s12 =	sor.u32 s8, s15  }
0x46: {  	[smem:$0x7ED] =	sst s6;
	s7 =	sadd.s32 s3, s31;
	s25 =	sshrl.u32 s10, $0x3  }
0x47: {  	s31 =	sshrl.u32 s29, $0x3;
	s10 =	sor.u32 s8, s11;
	[smem:$0x7EE] =	sst s7  }
0x48: {  	s6 =	sadd.s32 s3, s25;
	s7 =	sshrl.u32 s26, $0x3;
	s9 =	sadd.s32 s3, s31  }
0x49: {  	s11 =	sshrl.u32 s10, $0x3;
	s25 =	sadd.s32 s3, s16;
	s26 =	sor.u32 s8, s14  }
0x4a: {  	s31 =	sor.u32 s8, s19;
	s14 =	sshrl.u32 s13, $0x3;
	s16 =	sor.u32 s8, s22  }
0x4b: {  	s13 =	simm.s32 $0x700;
	[smem:$0x7EF] =	sst s6;
	s30 =	sadd.s32 s3, s7  }
0x4c: {  	[smem:$0x7F1] =	sst s9;
	s6 =	sadd.s32 s3, s11;
	s7 =	sshrl.u32 s12, $0x3  }
0x4d: {  	[smem:$0x7F4] =	sst s25;
	s29 =	sshrl.u32 s26, $0x3;
	s11 =	sshrl.u32 s31, $0x3  }
0x4e: {  	s25 =	sor.u32 s8, s23;
	s31 =	smax.u32 s4, $0x1;
	[smem:$0x7F0] =	sst s30  }
0x4f: {  	s4 =	simm.s32 $0x1;
	s9 =	simm.s32 $0x8800;
	[smem:$0x7F2] =	sst s6  }
0x50: {  	s15 =	sadd.s32 s3, s7;
	s12 =	sadd.s32 s3, s11;
	s11 =	rddreg [dreg:$0x5]  }
0x51: {  	s23 =	simm.s32 $0x180;
	s6 =	sadd.s32 s3, s29;
	[smem:$0x7F3] =	sst s15  }
0x52: {  	s30 =	sor.u32 s8, s18;
	s18 =	sshrl.u32 s16, $0x3;
	[smem:$0x7F5] =	sst s6  }
0x53: {  	s16 =	simm.s32 $0x580;
	s7 =	sshrl.u32 s30, $0x3;
	[smem:$0x7F7] =	sst s12  }
0x54: {  	s15 =	sor.u32 s8, s21;
	s6 =	sadd.s32 s3, s14;
	s19 =	sadd.s32 s3, s18  }
0x55: {  	s21 =	sor.u32 s8, s20;
	s8 =	sor.u32 s8, s24;
	s30 =	sshll.u32 s0, $0x6  }
0x56: {  	s0 =	simm.s32 $0x8;
	s18 =	simm.s32 $0x300;
	s20 =	simm.s32 $0x380  }
0x57: {  	s12 =	sadd.s32 $0xFFFFFFFF, s31;
	s14 =	simm.s32 $0x680;
	[smem:$0x7F8] =	sst s6  }
0x58: {  	s10 =	sadd.s32 s3, s7;
	s7 =	sshrl.u32 s15, $0x3;
	[smem:$0x7FA] =	sst s19  }
0x59: {  	s22 =	sshrl.u32 s21, $0x3;
	s29 =	sshrl.u32 s8, $0x3;
	s24 =	sor.u32 $0x1C03, s30  }
0x5a: {  	s8 =	simm.s32 $0x4800;
	s21 =	simm.s32 $0x280;
	s19 =	simm.s32 $0x480  }
0x5b: {  	s15 =	simm.s32 $0x600;
	p2 =	sne.s32 s12, $0x0;
	[smem:$0x7F6] =	sst s10  }
0x5c: {  	s17 =	sadd.s32 s3, s7;
	s6 =	sadd.s32 s3, s22;
	s7 =	sshrl.u32 s25, $0x3  }
.Ltmp0:
0x5d: {  	s25 =	simm.s32 $0x3;
	[smem:$0x7F9] =	sst s17;
	(pc) =	sbr.rel @!p2 .LBB2_5-.Ltmp0, $4  }
0x5e: {  	s10 =	simm.s32 $0x800;
	s22 =	simm.s32 $0x200;
	[smem:$0x7FB] =	sst s6  }
0x5f: {  	s26 =	sadd.s32 s3, s7;
	s3 =	sadd.s32 s3, s29;
	s7 =	simm.s32 $0x80  }
0x60: {  	s6 =	simm.s32 $0x1800;
	s17 =	simm.s32 $0x500;
	[smem:$0x7FC] =	sst s26  }
0x61: {  	[smem:$0x7FD] =	sst s3;
	s26 =	simm.s32 $0x100;
	s3 =	simm.s32 $0x2  }
0x62: {  	s29 =	rddreg [dreg:$0x6];
	s11 =	sshrl.u32 s11, $0x3  }
0x63: {  	[spmem:s11@s7], [sflag:s24] =	dma.strided [hbm:s29@s18], $0x2000, s0, $0x10   }
0x64: {  	[smem:$0x7DF] =	sst s12  }
0x65: {  	[smem:$0x7DE] =	sst s24  }
0x66: {  	s30 =	simm.s32 @!p0 $0x4;
	s29 =	rddreg [dreg:$0x7]  }
0x67: {  	s18 =	simm.s32 @!p0 $0x1C04;
	s0 =	rddreg [dreg:$0x8];
	s31 =	sshrl.u32 @!p0 s29, $0x3  }
0x68: {  	[spmem:s31], [sflag:s18] =	dma.local @!p0 [hbm:s0], $0x80  }
0x69: {  	_ =	swait.ge @!p0 [sflag:s30], $0x80  }
0x6a: {  	[sflag:s30] =	ssyncset.done @!p0 $0x0  }
0x6b: {  	s29 =	rddreg [dreg:$0x9];
	[sflag:s30] =	ssyncadd.s32 @!p0 $0xFFFFFF80  }
0x6c: {  	[tilespmem:s2], [sflag:$0x4] =	stream.linear.gather [hbm4b:s29+s2], $0x800, $0x38;
	[tilespmem:$0x1C840] =	vst v63  }
0x6d: {  	_ =	swait.ge [sflag:s28], $0x800  }
0x6e: {  	[sflag:s28] =	ssyncset.done $0x0  }
0x6f: {  	[sflag:s28] =	ssyncadd.s32 $0xFFFFF800  }
0x70: {  	_ =	swait.ge [sflag:s25], $0x2000  }
0x71: {  	[sflag:s25] =	ssyncset.done $0x0  }
0x72: {  	[sflag:s25] =	ssyncadd.s32 $0xFFFFE000  }
0x73: {  	[bflag:$0x0] =	sbarrier.arrive $0xFFFF  }
0x74: {  	[tilespmem:s10], [sflag:$0x1] =	stream.indirect.gather [spmem:s1], $0x80, s2, s7, $0xb8;
	[tilespmem:$0x1C840] =	vst v63  }
0x75: {  	_ = 	snop  }
0x76: {  	[tilespmem:s8], [sflag:$0x1] =	stream.indirect.gather [spmem:s1], $0x80, s7, s7, $0xb8;
	[tilespmem:$0x1C840] =	vst v63  }
0x77: {  	_ =	swait.ge [sflag:s4], $0x4000  }
0x78: {  	[sflag:s4] =	ssyncset.done $0x0  }
0x79: {  	s28 =	rddreg [dreg:$0xa];
	[sflag:s4] =	ssyncadd.s32 $0xFFFFC000  }
0x7a: {  	[hbm4b:s28+s5] =	stream.strided.scatter [tilespmem:s10], [sflag:$0x2], $0x4000, s6, s5, $0x38;
	[tilespmem:$0x1C840] =	vst v63  }
0x7b: {  	_ = 	snop  }
0x7c: {  	[tilespmem:s9], [sflag:$0x1] =	stream.indirect.gather [spmem:s1], $0x80, s26, s7, $0xb8;
	[tilespmem:$0x1C840] =	vst v63  }
0x7d: {  	_ =	swait.ge [sflag:s4], $0x4000  }
0x7e: {  	[sflag:s4] =	ssyncset.done $0x0  }
0x7f: {  	s29 =	rddreg [dreg:$0xb];
	[sflag:s4] =	ssyncadd.s32 $0xFFFFC000  }
0x80: {  	[hbm4b:s29+s5] =	stream.strided.scatter [tilespmem:s8], [sflag:$0x2], $0x4000, s6, s5, $0x38;
	[tilespmem:$0x1C840] =	vst v63  }
0x81: {  	_ =	swait.ge [sflag:s3], $0x4000  }
0x82: {  	[sflag:s3] =	ssyncset.done $0x0  }
0x83: {  	[sflag:s3] =	ssyncadd.s32 $0xFFFFC000  }
0x84: {  	[tilespmem:s10], [sflag:$0x1] =	stream.indirect.gather [spmem:s1], $0x80, s23, s7, $0xb8;
	[tilespmem:$0x1C840] =	vst v63  }
0x85: {  	_ =	swait.ge [sflag:s4], $0x4000  }
0x86: {  	[sflag:s4] =	ssyncset.done $0x0  }
0x87: {  	s28 =	rddreg [dreg:$0xc];
	[sflag:s4] =	ssyncadd.s32 $0xFFFFC000  }
0x88: {  	[hbm4b:s28+s5] =	stream.strided.scatter [tilespmem:s9], [sflag:$0x2], $0x4000, s6, s5, $0x38;
	[tilespmem:$0x1C840] =	vst v63  }
0x89: {  	_ =	swait.ge [sflag:s3], $0x4000  }
0x8a: {  	[sflag:s3] =	ssyncset.done $0x0  }
0x8b: {  	[sflag:s3] =	ssyncadd.s32 $0xFFFFC000  }
0x8c: {  	[tilespmem:s8], [sflag:$0x1] =	stream.indirect.gather [spmem:s1], $0x80, s22, s7, $0xb8;
	[tilespmem:$0x1C840] =	vst v63  }
0x8d: {  	_ =	swait.ge [sflag:s4], $0x4000  }
0x8e: {  	[sflag:s4] =	ssyncset.done $0x0  }
0x8f: {  	s29 =	rddreg [dreg:$0xd];
	[sflag:s4] =	ssyncadd.s32 $0xFFFFC000  }
0x90: {  	[hbm4b:s29+s5] =	stream.strided.scatter [tilespmem:s10], [sflag:$0x2], $0x4000, s6, s5, $0x38;
	[tilespmem:$0x1C840] =	vst v63  }
0x91: {  	_ =	swait.ge [sflag:s3], $0x4000  }
0x92: {  	[sflag:s3] =	ssyncset.done $0x0  }
0x93: {  	[sflag:s3] =	ssyncadd.s32 $0xFFFFC000  }
0x94: {  	[tilespmem:s9], [sflag:$0x1] =	stream.indirect.gather [spmem:s1], $0x80, s21, s7, $0xb8;
	[tilespmem:$0x1C840] =	vst v63  }
0x95: {  	_ =	swait.ge [sflag:s4], $0x4000  }
0x96: {  	[sflag:s4] =	ssyncset.done $0x0  }
0x97: {  	s28 =	rddreg [dreg:$0xe];
	[sflag:s4] =	ssyncadd.s32 $0xFFFFC000  }
0x98: {  	[hbm4b:s28+s5] =	stream.strided.scatter [tilespmem:s8], [sflag:$0x2], $0x4000, s6, s5, $0x38;
	[tilespmem:$0x1C840] =	vst v63  }
0x99: {  	_ =	swait.ge [sflag:s3], $0x4000  }
0x9a: {  	[sflag:s3] =	ssyncset.done $0x0  }
0x9b: {  	s24 =	simm.s32 $0x300;
	[sflag:s3] =	ssyncadd.s32 $0xFFFFC000  }
0x9c: {  	[tilespmem:s10], [sflag:$0x1] =	stream.indirect.gather [spmem:s1], $0x80, s24, s7, $0xb8;
	[tilespmem:$0x1C840] =	vst v63  }
0x9d: {  	_ =	swait.ge [sflag:s4], $0x4000  }
0x9e: {  	[sflag:s4] =	ssyncset.done $0x0  }
0x9f: {  	s29 =	rddreg [dreg:$0xf];
	[sflag:s4] =	ssyncadd.s32 $0xFFFFC000  }
0xa0: {  	[hbm4b:s29+s5] =	stream.strided.scatter [tilespmem:s9], [sflag:$0x2], $0x4000, s6, s5, $0x38;
	[tilespmem:$0x1C840] =	vst v63  }
0xa1: {  	_ =	swait.ge [sflag:s3], $0x4000  }
0xa2: {  	[sflag:s3] =	ssyncset.done $0x0  }
0xa3: {  	[sflag:s3] =	ssyncadd.s32 $0xFFFFC000  }
0xa4: {  	[tilespmem:s8], [sflag:$0x1] =	stream.indirect.gather [spmem:s1], $0x80, s20, s7, $0xb8;
	[tilespmem:$0x1C840] =	vst v63  }
0xa5: {  	_ =	swait.ge [sflag:s4], $0x4000  }
0xa6: {  	[sflag:s4] =	ssyncset.done $0x0  }
0xa7: {  	s28 =	rddreg [dreg:$0x10];
	[sflag:s4] =	ssyncadd.s32 $0xFFFFC000  }
0xa8: {  	[hbm4b:s28+s5] =	stream.strided.scatter [tilespmem:s10], [sflag:$0x2], $0x4000, s6, s5, $0x38;
	[tilespmem:$0x1C840] =	vst v63  }
0xa9: {  	_ =	swait.ge [sflag:s3], $0x4000  }
0xaa: {  	[sflag:s3] =	ssyncset.done $0x0  }
0xab: {  	[sflag:s3] =	ssyncadd.s32 $0xFFFFC000  }
0xac: {  	[tilespmem:s9], [sflag:$0x1] =	stream.indirect.gather [spmem:s1], $0x80, s5, s7, $0xb8;
	[tilespmem:$0x1C840] =	vst v63  }
0xad: {  	_ =	swait.ge [sflag:s4], $0x4000  }
0xae: {  	[sflag:s4] =	ssyncset.done $0x0  }
0xaf: {  	s29 =	rddreg [dreg:$0x11];
	[sflag:s4] =	ssyncadd.s32 $0xFFFFC000  }
0xb0: {  	[hbm4b:s29+s5] =	stream.strided.scatter [tilespmem:s8], [sflag:$0x2], $0x4000, s6, s5, $0x38;
	[tilespmem:$0x1C840] =	vst v63  }
0xb1: {  	_ =	swait.ge [sflag:s3], $0x4000  }
0xb2: {  	[sflag:s3] =	ssyncset.done $0x0  }
0xb3: {  	[sflag:s3] =	ssyncadd.s32 $0xFFFFC000  }
0xb4: {  	[tilespmem:s10], [sflag:$0x1] =	stream.indirect.gather [spmem:s1], $0x80, s19, s7, $0xb8;
	[tilespmem:$0x1C840] =	vst v63  }
0xb5: {  	_ =	swait.ge [sflag:s4], $0x4000  }
0xb6: {  	[sflag:s4] =	ssyncset.done $0x0  }
0xb7: {  	s28 =	rddreg [dreg:$0x12];
	[sflag:s4] =	ssyncadd.s32 $0xFFFFC000  }
0xb8: {  	[hbm4b:s28+s5] =	stream.strided.scatter [tilespmem:s9], [sflag:$0x2], $0x4000, s6, s5, $0x38;
	[tilespmem:$0x1C840] =	vst v63  }
0xb9: {  	_ =	swait.ge [sflag:s3], $0x4000  }
0xba: {  	[sflag:s3] =	ssyncset.done $0x0  }
0xbb: {  	[sflag:s3] =	ssyncadd.s32 $0xFFFFC000  }
0xbc: {  	[tilespmem:s8], [sflag:$0x1] =	stream.indirect.gather [spmem:s1], $0x80, s17, s7, $0xb8;
	[tilespmem:$0x1C840] =	vst v63  }
0xbd: {  	_ =	swait.ge [sflag:s4], $0x4000  }
0xbe: {  	[sflag:s4] =	ssyncset.done $0x0  }
0xbf: {  	s29 =	rddreg [dreg:$0x13];
	[sflag:s4] =	ssyncadd.s32 $0xFFFFC000  }
0xc0: {  	[hbm4b:s29+s5] =	stream.strided.scatter [tilespmem:s10], [sflag:$0x2], $0x4000, s6, s5, $0x38;
	[tilespmem:$0x1C840] =	vst v63  }
0xc1: {  	_ =	swait.ge [sflag:s3], $0x4000  }
0xc2: {  	[sflag:s3] =	ssyncset.done $0x0  }
0xc3: {  	[sflag:s3] =	ssyncadd.s32 $0xFFFFC000  }
0xc4: {  	[tilespmem:s9], [sflag:$0x1] =	stream.indirect.gather [spmem:s1], $0x80, s16, s7, $0xb8;
	[tilespmem:$0x1C840] =	vst v63  }
0xc5: {  	_ =	swait.ge [sflag:s4], $0x4000  }
0xc6: {  	[sflag:s4] =	ssyncset.done $0x0  }
0xc7: {  	s28 =	rddreg [dreg:$0x14];
	[sflag:s4] =	ssyncadd.s32 $0xFFFFC000  }
0xc8: {  	[hbm4b:s28+s5] =	stream.strided.scatter [tilespmem:s8], [sflag:$0x2], $0x4000, s6, s5, $0x38;
	[tilespmem:$0x1C840] =	vst v63  }
0xc9: {  	_ =	swait.ge [sflag:s3], $0x4000  }
0xca: {  	[sflag:s3] =	ssyncset.done $0x0  }
0xcb: {  	[sflag:s3] =	ssyncadd.s32 $0xFFFFC000  }
0xcc: {  	[tilespmem:s10], [sflag:$0x1] =	stream.indirect.gather [spmem:s1], $0x80, s15, s7, $0xb8;
	[tilespmem:$0x1C840] =	vst v63  }
0xcd: {  	_ =	swait.ge [sflag:s4], $0x4000  }
0xce: {  	[sflag:s4] =	ssyncset.done $0x0  }
0xcf: {  	s29 =	rddreg [dreg:$0x15];
	[sflag:s4] =	ssyncadd.s32 $0xFFFFC000  }
0xd0: {  	[hbm4b:s29+s5] =	stream.strided.scatter [tilespmem:s9], [sflag:$0x2], $0x4000, s6, s5, $0x38;
	[tilespmem:$0x1C840] =	vst v63  }
0xd1: {  	_ =	swait.ge [sflag:s3], $0x4000  }
0xd2: {  	[sflag:s3] =	ssyncset.done $0x0  }
0xd3: {  	[sflag:s3] =	ssyncadd.s32 $0xFFFFC000  }
0xd4: {  	[tilespmem:s8], [sflag:$0x1] =	stream.indirect.gather [spmem:s1], $0x80, s14, s7, $0xb8;
	[tilespmem:$0x1C840] =	vst v63  }
0xd5: {  	_ =	swait.ge [sflag:s4], $0x4000  }
0xd6: {  	[sflag:s4] =	ssyncset.done $0x0  }
0xd7: {  	s28 =	rddreg [dreg:$0x16];
	[sflag:s4] =	ssyncadd.s32 $0xFFFFC000  }
0xd8: {  	[hbm4b:s28+s5] =	stream.strided.scatter [tilespmem:s10], [sflag:$0x2], $0x4000, s6, s5, $0x38;
	[tilespmem:$0x1C840] =	vst v63  }
0xd9: {  	_ =	swait.ge [sflag:s3], $0x4000  }
0xda: {  	[sflag:s3] =	ssyncset.done $0x0  }
0xdb: {  	[sflag:s3] =	ssyncadd.s32 $0xFFFFC000  }
0xdc: {  	[tilespmem:s9], [sflag:$0x1] =	stream.indirect.gather [spmem:s1], $0x80, s13, s7, $0xb8;
	[tilespmem:$0x1C840] =	vst v63  }
0xdd: {  	_ =	swait.ge [sflag:s4], $0x4000  }
0xde: {  	[sflag:s4] =	ssyncset.done $0x0  }
0xdf: {  	s29 =	rddreg [dreg:$0x17];
	[sflag:s4] =	ssyncadd.s32 $0xFFFFC000  }
0xe0: {  	[hbm4b:s29+s5] =	stream.strided.scatter [tilespmem:s8], [sflag:$0x2], $0x4000, s6, s5, $0x38;
	[tilespmem:$0x1C840] =	vst v63  }
0xe1: {  	_ =	swait.ge [sflag:s3], $0x4000  }
0xe2: {  	[sflag:s3] =	ssyncset.done $0x0  }
0xe3: {  	s29 =	simm.s32 $0x780;
	[sflag:s3] =	ssyncadd.s32 $0xFFFFC000  }
0xe4: {  	[tilespmem:s10], [sflag:$0x1] =	stream.indirect.gather [spmem:s1], $0x80, s29, s7, $0xb8;
	[tilespmem:$0x1C840] =	vst v63  }
0xe5: {  	_ =	swait.ge [sflag:s4], $0x4000  }
0xe6: {  	[sflag:s4] =	ssyncset.done $0x0  }
0xe7: {  	s28 =	rddreg [dreg:$0x18];
	[sflag:s4] =	ssyncadd.s32 $0xFFFFC000  }
0xe8: {  	[hbm4b:s28+s5] =	stream.strided.scatter [tilespmem:s9], [sflag:$0x2], $0x4000, s6, s5, $0x38;
	[tilespmem:$0x1C840] =	vst v63  }
0xe9: {  	_ =	swait.ge [sflag:s4], $0x4000  }
0xea: {  	[sflag:s4] =	ssyncset.done $0x0  }
0xeb: {  	s28 =	rddreg [dreg:$0x19];
	[sflag:s4] =	ssyncadd.s32 $0xFFFFC000  }
0xec: {  	[hbm4b:s28+s5] =	stream.strided.scatter [tilespmem:s10], [sflag:$0x2], $0x4000, s6, s5, $0x38;
	[tilespmem:$0x1C840] =	vst v63  }
0xed: {  	[bflag:$0x0] =	sbarrier.arrive $0xFFFF  }
0xee: {  	s28 =	sld [smem:$0x7DE];
	_ =	sdelay $0x1  }
0xef: {  	s12 =	simm.s32 $0x8;
	s0 =	rddreg [dreg:$0x1a]  }
0xf0: {  	[spmem:s11@s7], [sflag:s28] =	dma.strided [hbm:s0@s24], $0x2000, s12, $0x10   }
0xf1: {  	s0 =	rddreg [dreg:$0x1b]  }
0xf2: {  	[spmem:s31], [sflag:s18] =	dma.local @!p0 [hbm:s0], $0x80  }
0xf3: {  	_ =	swait.ge @!p0 [sflag:s30], $0x80  }
0xf4: {  	[sflag:s30] =	ssyncset.done @!p0 $0x0  }
0xf5: {  	[sflag:s30] =	ssyncadd.s32 @!p0 $0xFFFFFF80  }
0xf6: {  	_ =	swait.ge [sflag:s25], $0x2000  }
0xf7: {  	[sflag:s25] =	ssyncset.done $0x0  }
0xf8: {  	[sflag:s25] =	ssyncadd.s32 $0xFFFFE000  }
0xf9: {  	[bflag:$0x0] =	sbarrier.arrive $0xFFFF  }
0xfa: {  	_ =	swait.ge [sflag:s3], $0x4000  }
0xfb: {  	[sflag:s3] =	ssyncset.done $0x0  }
0xfc: {  	[sflag:s3] =	ssyncadd.s32 $0xFFFFC000  }
0xfd: {  	[tilespmem:s8], [sflag:$0x1] =	stream.indirect.gather [spmem:s1], $0x80, s2, s7, $0xb8;
	[tilespmem:$0x1C840] =	vst v63  }
0xfe: {  	_ =	swait.ge [sflag:s3], $0x4000  }
0xff: {  	[sflag:s3] =	ssyncset.done $0x0  }
0x100: {  	[sflag:s3] =	ssyncadd.s32 $0xFFFFC000  }
0x101: {  	[tilespmem:s9], [sflag:$0x1] =	stream.indirect.gather [spmem:s1], $0x80, s7, s7, $0xb8;
	[tilespmem:$0x1C840] =	vst v63  }
0x102: {  	_ =	swait.ge [sflag:s4], $0x4000  }
0x103: {  	[sflag:s4] =	ssyncset.done $0x0  }
0x104: {  	s28 =	rddreg [dreg:$0x1c];
	[sflag:s4] =	ssyncadd.s32 $0xFFFFC000  }
0x105: {  	[hbm4b:s28+s5] =	stream.strided.scatter [tilespmem:s8], [sflag:$0x2], $0x4000, s6, s5, $0x38;
	[tilespmem:$0x1C840] =	vst v63  }
0x106: {  	_ =	swait.ge [sflag:s3], $0x4000  }
0x107: {  	[sflag:s3] =	ssyncset.done $0x0  }
0x108: {  	[sflag:s3] =	ssyncadd.s32 $0xFFFFC000  }
0x109: {  	[tilespmem:s10], [sflag:$0x1] =	stream.indirect.gather [spmem:s1], $0x80, s26, s7, $0xb8;
	[tilespmem:$0x1C840] =	vst v63  }
0x10a: {  	_ =	swait.ge [sflag:s4], $0x4000  }
0x10b: {  	[sflag:s4] =	ssyncset.done $0x0  }
0x10c: {  	s28 =	rddreg [dreg:$0x1d];
	[sflag:s4] =	ssyncadd.s32 $0xFFFFC000  }
0x10d: {  	[hbm4b:s28+s5] =	stream.strided.scatter [tilespmem:s9], [sflag:$0x2], $0x4000, s6, s5, $0x38;
	[tilespmem:$0x1C840] =	vst v63  }
0x10e: {  	_ =	swait.ge [sflag:s3], $0x4000  }
0x10f: {  	[sflag:s3] =	ssyncset.done $0x0  }
0x110: {  	[sflag:s3] =	ssyncadd.s32 $0xFFFFC000  }
0x111: {  	[tilespmem:s8], [sflag:$0x1] =	stream.indirect.gather [spmem:s1], $0x80, s23, s7, $0xb8;
	[tilespmem:$0x1C840] =	vst v63  }
0x112: {  	_ =	swait.ge [sflag:s4], $0x4000  }
0x113: {  	[sflag:s4] =	ssyncset.done $0x0  }
0x114: {  	s28 =	rddreg [dreg:$0x1e];
	[sflag:s4] =	ssyncadd.s32 $0xFFFFC000  }
0x115: {  	[hbm4b:s28+s5] =	stream.strided.scatter [tilespmem:s10], [sflag:$0x2], $0x4000, s6, s5, $0x38;
	[tilespmem:$0x1C840] =	vst v63  }
0x116: {  	_ =	swait.ge [sflag:s3], $0x4000  }
0x117: {  	[sflag:s3] =	ssyncset.done $0x0  }
0x118: {  	[sflag:s3] =	ssyncadd.s32 $0xFFFFC000  }
0x119: {  	[tilespmem:s9], [sflag:$0x1] =	stream.indirect.gather [spmem:s1], $0x80, s22, s7, $0xb8;
	[tilespmem:$0x1C840] =	vst v63  }
0x11a: {  	_ =	swait.ge [sflag:s4], $0x4000  }
0x11b: {  	[sflag:s4] =	ssyncset.done $0x0  }
0x11c: {  	s28 =	rddreg [dreg:$0x1f];
	[sflag:s4] =	ssyncadd.s32 $0xFFFFC000  }
0x11d: {  	[hbm4b:s28+s5] =	stream.strided.scatter [tilespmem:s8], [sflag:$0x2], $0x4000, s6, s5, $0x38;
	[tilespmem:$0x1C840] =	vst v63  }
0x11e: {  	_ =	swait.ge [sflag:s3], $0x4000  }
0x11f: {  	[sflag:s3] =	ssyncset.done $0x0  }
0x120: {  	[sflag:s3] =	ssyncadd.s32 $0xFFFFC000  }
0x121: {  	[tilespmem:s10], [sflag:$0x1] =	stream.indirect.gather [spmem:s1], $0x80, s21, s7, $0xb8;
	[tilespmem:$0x1C840] =	vst v63  }
0x122: {  	_ =	swait.ge [sflag:s4], $0x4000  }
0x123: {  	s28 =	sld [smem:$0x7E0]  }
0x124: {  	[sflag:s4] =	ssyncset.done $0x0  }
0x125: {  	[sflag:s4] =	ssyncadd.s32 $0xFFFFC000  }
0x126: {  	[hbm4b:s28+s5] =	stream.strided.scatter [tilespmem:s9], [sflag:$0x2], $0x4000, s6, s5, $0x38;
	[tilespmem:$0x1C840] =	vst v63  }
0x127: {  	_ =	swait.ge [sflag:s3], $0x4000  }
0x128: {  	[sflag:s3] =	ssyncset.done $0x0  }
0x129: {  	[sflag:s3] =	ssyncadd.s32 $0xFFFFC000  }
0x12a: {  	[tilespmem:s8], [sflag:$0x1] =	stream.indirect.gather [spmem:s1], $0x80, s24, s7, $0xb8;
	[tilespmem:$0x1C840] =	vst v63  }
0x12b: {  	_ =	swait.ge [sflag:s4], $0x4000  }
0x12c: {  	s28 =	sld [smem:$0x7E1]  }
0x12d: {  	[sflag:s4] =	ssyncset.done $0x0  }
0x12e: {  	[sflag:s4] =	ssyncadd.s32 $0xFFFFC000  }
0x12f: {  	[hbm4b:s28+s5] =	stream.strided.scatter [tilespmem:s10], [sflag:$0x2], $0x4000, s6, s5, $0x38;
	[tilespmem:$0x1C840] =	vst v63  }
0x130: {  	_ =	swait.ge [sflag:s3], $0x4000  }
0x131: {  	[sflag:s3] =	ssyncset.done $0x0  }
0x132: {  	[sflag:s3] =	ssyncadd.s32 $0xFFFFC000  }
0x133: {  	[tilespmem:s9], [sflag:$0x1] =	stream.indirect.gather [spmem:s1], $0x80, s20, s7, $0xb8;
	[tilespmem:$0x1C840] =	vst v63  }
0x134: {  	_ =	swait.ge [sflag:s4], $0x4000  }
0x135: {  	s28 =	sld [smem:$0x7E2]  }
0x136: {  	[sflag:s4] =	ssyncset.done $0x0  }
0x137: {  	[sflag:s4] =	ssyncadd.s32 $0xFFFFC000  }
0x138: {  	[hbm4b:s28+s5] =	stream.strided.scatter [tilespmem:s8], [sflag:$0x2], $0x4000, s6, s5, $0x38;
	[tilespmem:$0x1C840] =	vst v63  }
0x139: {  	_ =	swait.ge [sflag:s3], $0x4000  }
0x13a: {  	[sflag:s3] =	ssyncset.done $0x0  }
0x13b: {  	[sflag:s3] =	ssyncadd.s32 $0xFFFFC000  }
0x13c: {  	[tilespmem:s10], [sflag:$0x1] =	stream.indirect.gather [spmem:s1], $0x80, s5, s7, $0xb8;
	[tilespmem:$0x1C840] =	vst v63  }
0x13d: {  	_ =	swait.ge [sflag:s4], $0x4000  }
0x13e: {  	s28 =	sld [smem:$0x7E3]  }
0x13f: {  	[sflag:s4] =	ssyncset.done $0x0  }
0x140: {  	[sflag:s4] =	ssyncadd.s32 $0xFFFFC000  }
0x141: {  	[hbm4b:s28+s5] =	stream.strided.scatter [tilespmem:s9], [sflag:$0x2], $0x4000, s6, s5, $0x38;
	[tilespmem:$0x1C840] =	vst v63  }
0x142: {  	_ =	swait.ge [sflag:s3], $0x4000  }
0x143: {  	[sflag:s3] =	ssyncset.done $0x0  }
0x144: {  	[sflag:s3] =	ssyncadd.s32 $0xFFFFC000  }
0x145: {  	[tilespmem:s8], [sflag:$0x1] =	stream.indirect.gather [spmem:s1], $0x80, s19, s7, $0xb8;
	[tilespmem:$0x1C840] =	vst v63  }
0x146: {  	_ =	swait.ge [sflag:s4], $0x4000  }
0x147: {  	s28 =	sld [smem:$0x7E4]  }
0x148: {  	[sflag:s4] =	ssyncset.done $0x0  }
0x149: {  	[sflag:s4] =	ssyncadd.s32 $0xFFFFC000  }
0x14a: {  	[hbm4b:s28+s5] =	stream.strided.scatter [tilespmem:s10], [sflag:$0x2], $0x4000, s6, s5, $0x38;
	[tilespmem:$0x1C840] =	vst v63  }
0x14b: {  	_ =	swait.ge [sflag:s3], $0x4000  }
0x14c: {  	[sflag:s3] =	ssyncset.done $0x0  }
0x14d: {  	[sflag:s3] =	ssyncadd.s32 $0xFFFFC000  }
0x14e: {  	[tilespmem:s9], [sflag:$0x1] =	stream.indirect.gather [spmem:s1], $0x80, s17, s7, $0xb8;
	[tilespmem:$0x1C840] =	vst v63  }
0x14f: {  	_ =	swait.ge [sflag:s4], $0x4000  }
0x150: {  	s28 =	sld [smem:$0x7E5]  }
0x151: {  	[sflag:s4] =	ssyncset.done $0x0  }
0x152: {  	[sflag:s4] =	ssyncadd.s32 $0xFFFFC000  }
0x153: {  	[hbm4b:s28+s5] =	stream.strided.scatter [tilespmem:s8], [sflag:$0x2], $0x4000, s6, s5, $0x38;
	[tilespmem:$0x1C840] =	vst v63  }
0x154: {  	_ =	swait.ge [sflag:s3], $0x4000  }
0x155: {  	[sflag:s3] =	ssyncset.done $0x0  }
0x156: {  	[sflag:s3] =	ssyncadd.s32 $0xFFFFC000  }
0x157: {  	[tilespmem:s10], [sflag:$0x1] =	stream.indirect.gather [spmem:s1], $0x80, s16, s7, $0xb8;
	[tilespmem:$0x1C840] =	vst v63  }
0x158: {  	_ =	swait.ge [sflag:s4], $0x4000  }
0x159: {  	s28 =	sld [smem:$0x7E6]  }
0x15a: {  	[sflag:s4] =	ssyncset.done $0x0  }
0x15b: {  	[sflag:s4] =	ssyncadd.s32 $0xFFFFC000  }
0x15c: {  	[hbm4b:s28+s5] =	stream.strided.scatter [tilespmem:s9], [sflag:$0x2], $0x4000, s6, s5, $0x38;
	[tilespmem:$0x1C840] =	vst v63  }
0x15d: {  	_ =	swait.ge [sflag:s3], $0x4000  }
0x15e: {  	[sflag:s3] =	ssyncset.done $0x0  }
0x15f: {  	[sflag:s3] =	ssyncadd.s32 $0xFFFFC000  }
0x160: {  	[tilespmem:s8], [sflag:$0x1] =	stream.indirect.gather [spmem:s1], $0x80, s15, s7, $0xb8;
	[tilespmem:$0x1C840] =	vst v63  }
0x161: {  	_ =	swait.ge [sflag:s4], $0x4000  }
0x162: {  	s28 =	sld [smem:$0x7E7]  }
0x163: {  	[sflag:s4] =	ssyncset.done $0x0  }
0x164: {  	[sflag:s4] =	ssyncadd.s32 $0xFFFFC000  }
0x165: {  	[hbm4b:s28+s5] =	stream.strided.scatter [tilespmem:s10], [sflag:$0x2], $0x4000, s6, s5, $0x38;
	[tilespmem:$0x1C840] =	vst v63  }
0x166: {  	_ =	swait.ge [sflag:s3], $0x4000  }
0x167: {  	[sflag:s3] =	ssyncset.done $0x0  }
0x168: {  	[sflag:s3] =	ssyncadd.s32 $0xFFFFC000  }
0x169: {  	[tilespmem:s9], [sflag:$0x1] =	stream.indirect.gather [spmem:s1], $0x80, s14, s7, $0xb8;
	[tilespmem:$0x1C840] =	vst v63  }
0x16a: {  	_ =	swait.ge [sflag:s4], $0x4000  }
0x16b: {  	s28 =	sld [smem:$0x7E8]  }
0x16c: {  	[sflag:s4] =	ssyncset.done $0x0  }
0x16d: {  	[sflag:s4] =	ssyncadd.s32 $0xFFFFC000  }
0x16e: {  	[hbm4b:s28+s5] =	stream.strided.scatter [tilespmem:s8], [sflag:$0x2], $0x4000, s6, s5, $0x38;
	[tilespmem:$0x1C840] =	vst v63  }
0x16f: {  	_ =	swait.ge [sflag:s3], $0x4000  }
0x170: {  	[sflag:s3] =	ssyncset.done $0x0  }
0x171: {  	[sflag:s3] =	ssyncadd.s32 $0xFFFFC000  }
0x172: {  	[tilespmem:s10], [sflag:$0x1] =	stream.indirect.gather [spmem:s1], $0x80, s13, s7, $0xb8;
	[tilespmem:$0x1C840] =	vst v63  }
0x173: {  	_ =	swait.ge [sflag:s4], $0x4000  }
0x174: {  	s28 =	sld [smem:$0x7E9]  }
0x175: {  	[sflag:s4] =	ssyncset.done $0x0  }
0x176: {  	[sflag:s4] =	ssyncadd.s32 $0xFFFFC000  }
0x177: {  	[hbm4b:s28+s5] =	stream.strided.scatter [tilespmem:s9], [sflag:$0x2], $0x4000, s6, s5, $0x38;
	[tilespmem:$0x1C840] =	vst v63  }
0x178: {  	_ =	swait.ge [sflag:s3], $0x4000  }
0x179: {  	[sflag:s3] =	ssyncset.done $0x0  }
0x17a: {  	[sflag:s3] =	ssyncadd.s32 $0xFFFFC000  }
0x17b: {  	[tilespmem:s8], [sflag:$0x1] =	stream.indirect.gather [spmem:s1], $0x80, s29, s7, $0xb8;
	[tilespmem:$0x1C840] =	vst v63  }
0x17c: {  	_ =	swait.ge [sflag:s4], $0x4000  }
0x17d: {  	s28 =	sld [smem:$0x7EA]  }
0x17e: {  	[sflag:s4] =	ssyncset.done $0x0  }
0x17f: {  	[sflag:s4] =	ssyncadd.s32 $0xFFFFC000  }
0x180: {  	[hbm4b:s28+s5] =	stream.strided.scatter [tilespmem:s10], [sflag:$0x2], $0x4000, s6, s5, $0x38;
	[tilespmem:$0x1C840] =	vst v63  }
0x181: {  	_ =	swait.ge [sflag:s4], $0x4000  }
0x182: {  	s28 =	sld [smem:$0x7EB]  }
0x183: {  	[sflag:s4] =	ssyncset.done $0x0  }
0x184: {  	[sflag:s4] =	ssyncadd.s32 $0xFFFFC000  }
0x185: {  	[hbm4b:s28+s5] =	stream.strided.scatter [tilespmem:s8], [sflag:$0x2], $0x4000, s6, s5, $0x38;
	[tilespmem:$0x1C840] =	vst v63  }
0x186: {  	[bflag:$0x0] =	sbarrier.arrive $0xFFFF  }
0x187: {  	s0 =	sld [smem:$0x7EC]  }
0x188: {  	s28 =	sld [smem:$0x7DE];
	_ =	sdelay $0x2  }
0x189: {  	[spmem:s11@s7], [sflag:s28] =	dma.strided [hbm:s0@s24], $0x2000, s12, $0x10   }
0x18a: {  	s0 =	sld [smem:$0x7ED];
	_ =	sdelay $0x1  }
0x18b: {  	s24 =	sld [smem:$0x7DE]  }
0x18c: {  	[spmem:s31], [sflag:s18] =	dma.local @!p0 [hbm:s0], $0x80  }
0x18d: {  	_ =	swait.ge @!p0 [sflag:s30], $0x80  }
0x18e: {  	[sflag:s30] =	ssyncset.done @!p0 $0x0  }
0x18f: {  	[sflag:s30] =	ssyncadd.s32 @!p0 $0xFFFFFF80  }
0x190: {  	_ =	swait.ge [sflag:s25], $0x2000  }
0x191: {  	[sflag:s25] =	ssyncset.done $0x0  }
0x192: {  	[sflag:s25] =	ssyncadd.s32 $0xFFFFE000  }
0x193: {  	[bflag:$0x0] =	sbarrier.arrive $0xFFFF  }
0x194: {  	_ =	swait.ge [sflag:s3], $0x4000  }
0x195: {  	[sflag:s3] =	ssyncset.done $0x0  }
0x196: {  	[sflag:s3] =	ssyncadd.s32 $0xFFFFC000  }
0x197: {  	[tilespmem:s9], [sflag:$0x1] =	stream.indirect.gather [spmem:s1], $0x80, s2, s7, $0xb8;
	[tilespmem:$0x1C840] =	vst v63  }
0x198: {  	_ =	swait.ge [sflag:s3], $0x4000  }
0x199: {  	[sflag:s3] =	ssyncset.done $0x0  }
0x19a: {  	[sflag:s3] =	ssyncadd.s32 $0xFFFFC000  }
0x19b: {  	[tilespmem:s10], [sflag:$0x1] =	stream.indirect.gather [spmem:s1], $0x80, s7, s7, $0xb8;
	[tilespmem:$0x1C840] =	vst v63  }
0x19c: {  	_ =	swait.ge [sflag:s4], $0x4000  }
0x19d: {  	s28 =	sld [smem:$0x7EE]  }
0x19e: {  	[sflag:s4] =	ssyncset.done $0x0  }
0x19f: {  	[sflag:s4] =	ssyncadd.s32 $0xFFFFC000  }
0x1a0: {  	[hbm4b:s28+s5] =	stream.strided.scatter [tilespmem:s9], [sflag:$0x2], $0x4000, s6, s5, $0x38;
	[tilespmem:$0x1C840] =	vst v63  }
0x1a1: {  	_ =	swait.ge [sflag:s3], $0x4000  }
0x1a2: {  	[sflag:s3] =	ssyncset.done $0x0  }
0x1a3: {  	[sflag:s3] =	ssyncadd.s32 $0xFFFFC000  }
0x1a4: {  	[tilespmem:s8], [sflag:$0x1] =	stream.indirect.gather [spmem:s1], $0x80, s26, s7, $0xb8;
	[tilespmem:$0x1C840] =	vst v63  }
0x1a5: {  	_ =	swait.ge [sflag:s4], $0x4000  }
0x1a6: {  	s11 =	sld [smem:$0x7EF]  }
0x1a7: {  	[sflag:s4] =	ssyncset.done $0x0  }
0x1a8: {  	[sflag:s4] =	ssyncadd.s32 $0xFFFFC000  }
0x1a9: {  	[hbm4b:s11+s5] =	stream.strided.scatter [tilespmem:s10], [sflag:$0x2], $0x4000, s6, s5, $0x38;
	[tilespmem:$0x1C840] =	vst v63  }
0x1aa: {  	_ =	swait.ge [sflag:s3], $0x4000  }
0x1ab: {  	[sflag:s3] =	ssyncset.done $0x0  }
0x1ac: {  	[sflag:s3] =	ssyncadd.s32 $0xFFFFC000  }
0x1ad: {  	[tilespmem:s9], [sflag:$0x1] =	stream.indirect.gather [spmem:s1], $0x80, s23, s7, $0xb8;
	[tilespmem:$0x1C840] =	vst v63  }
0x1ae: {  	_ =	swait.ge [sflag:s4], $0x4000  }
0x1af: {  	s12 =	sld [smem:$0x7F0]  }
0x1b0: {  	[sflag:s4] =	ssyncset.done $0x0  }
0x1b1: {  	[sflag:s4] =	ssyncadd.s32 $0xFFFFC000  }
0x1b2: {  	[hbm4b:s12+s5] =	stream.strided.scatter [tilespmem:s8], [sflag:$0x2], $0x4000, s6, s5, $0x38;
	[tilespmem:$0x1C840] =	vst v63  }
0x1b3: {  	_ =	swait.ge [sflag:s3], $0x4000  }
0x1b4: {  	[sflag:s3] =	ssyncset.done $0x0  }
0x1b5: {  	[sflag:s3] =	ssyncadd.s32 $0xFFFFC000  }
0x1b6: {  	[tilespmem:s10], [sflag:$0x1] =	stream.indirect.gather [spmem:s1], $0x80, s22, s7, $0xb8;
	[tilespmem:$0x1C840] =	vst v63  }
0x1b7: {  	_ =	swait.ge [sflag:s4], $0x4000  }
0x1b8: {  	s28 =	sld [smem:$0x7F1]  }
0x1b9: {  	[sflag:s4] =	ssyncset.done $0x0  }
0x1ba: {  	[sflag:s4] =	ssyncadd.s32 $0xFFFFC000  }
0x1bb: {  	[hbm4b:s28+s5] =	stream.strided.scatter [tilespmem:s9], [sflag:$0x2], $0x4000, s6, s5, $0x38;
	[tilespmem:$0x1C840] =	vst v63  }
0x1bc: {  	_ =	swait.ge [sflag:s3], $0x4000  }
0x1bd: {  	[sflag:s3] =	ssyncset.done $0x0  }
0x1be: {  	[sflag:s3] =	ssyncadd.s32 $0xFFFFC000  }
0x1bf: {  	[tilespmem:s8], [sflag:$0x1] =	stream.indirect.gather [spmem:s1], $0x80, s21, s7, $0xb8;
	[tilespmem:$0x1C840] =	vst v63  }
0x1c0: {  	_ =	swait.ge [sflag:s4], $0x4000  }
0x1c1: {  	s11 =	sld [smem:$0x7F2]  }
0x1c2: {  	[sflag:s4] =	ssyncset.done $0x0  }
0x1c3: {  	[sflag:s4] =	ssyncadd.s32 $0xFFFFC000  }
0x1c4: {  	[hbm4b:s11+s5] =	stream.strided.scatter [tilespmem:s10], [sflag:$0x2], $0x4000, s6, s5, $0x38;
	[tilespmem:$0x1C840] =	vst v63  }
0x1c5: {  	_ =	swait.ge [sflag:s3], $0x4000  }
0x1c6: {  	[sflag:s3] =	ssyncset.done $0x0  }
0x1c7: {  	s18 =	simm.s32 $0x300;
	[sflag:s3] =	ssyncadd.s32 $0xFFFFC000  }
0x1c8: {  	[tilespmem:s9], [sflag:$0x1] =	stream.indirect.gather [spmem:s1], $0x80, s18, s7, $0xb8;
	[tilespmem:$0x1C840] =	vst v63  }
0x1c9: {  	_ =	swait.ge [sflag:s4], $0x4000  }
0x1ca: {  	s12 =	sld [smem:$0x7F3]  }
0x1cb: {  	[sflag:s4] =	ssyncset.done $0x0  }
0x1cc: {  	[sflag:s4] =	ssyncadd.s32 $0xFFFFC000  }
0x1cd: {  	[hbm4b:s12+s5] =	stream.strided.scatter [tilespmem:s8], [sflag:$0x2], $0x4000, s6, s5, $0x38;
	[tilespmem:$0x1C840] =	vst v63  }
0x1ce: {  	_ =	swait.ge [sflag:s3], $0x4000  }
0x1cf: {  	[sflag:s3] =	ssyncset.done $0x0  }
0x1d0: {  	[sflag:s3] =	ssyncadd.s32 $0xFFFFC000  }
0x1d1: {  	[tilespmem:s10], [sflag:$0x1] =	stream.indirect.gather [spmem:s1], $0x80, s20, s7, $0xb8;
	[tilespmem:$0x1C840] =	vst v63  }
0x1d2: {  	_ =	swait.ge [sflag:s4], $0x4000  }
0x1d3: {  	s28 =	sld [smem:$0x7F4]  }
0x1d4: {  	[sflag:s4] =	ssyncset.done $0x0  }
0x1d5: {  	[sflag:s4] =	ssyncadd.s32 $0xFFFFC000  }
0x1d6: {  	[hbm4b:s28+s5] =	stream.strided.scatter [tilespmem:s9], [sflag:$0x2], $0x4000, s6, s5, $0x38;
	[tilespmem:$0x1C840] =	vst v63  }
0x1d7: {  	_ =	swait.ge [sflag:s3], $0x4000  }
0x1d8: {  	[sflag:s3] =	ssyncset.done $0x0  }
0x1d9: {  	[sflag:s3] =	ssyncadd.s32 $0xFFFFC000  }
0x1da: {  	[tilespmem:s8], [sflag:$0x1] =	stream.indirect.gather [spmem:s1], $0x80, s5, s7, $0xb8;
	[tilespmem:$0x1C840] =	vst v63  }
0x1db: {  	_ =	swait.ge [sflag:s4], $0x4000  }
0x1dc: {  	s11 =	sld [smem:$0x7F5]  }
0x1dd: {  	[sflag:s4] =	ssyncset.done $0x0  }
0x1de: {  	[sflag:s4] =	ssyncadd.s32 $0xFFFFC000  }
0x1df: {  	[hbm4b:s11+s5] =	stream.strided.scatter [tilespmem:s10], [sflag:$0x2], $0x4000, s6, s5, $0x38;
	[tilespmem:$0x1C840] =	vst v63  }
0x1e0: {  	_ =	swait.ge [sflag:s3], $0x4000  }
0x1e1: {  	[sflag:s3] =	ssyncset.done $0x0  }
0x1e2: {  	[sflag:s3] =	ssyncadd.s32 $0xFFFFC000  }
0x1e3: {  	[tilespmem:s9], [sflag:$0x1] =	stream.indirect.gather [spmem:s1], $0x80, s19, s7, $0xb8;
	[tilespmem:$0x1C840] =	vst v63  }
0x1e4: {  	_ =	swait.ge [sflag:s4], $0x4000  }
0x1e5: {  	s12 =	sld [smem:$0x7F6]  }
0x1e6: {  	[sflag:s4] =	ssyncset.done $0x0  }
0x1e7: {  	[sflag:s4] =	ssyncadd.s32 $0xFFFFC000  }
0x1e8: {  	[hbm4b:s12+s5] =	stream.strided.scatter [tilespmem:s8], [sflag:$0x2], $0x4000, s6, s5, $0x38;
	[tilespmem:$0x1C840] =	vst v63  }
0x1e9: {  	_ =	swait.ge [sflag:s3], $0x4000  }
0x1ea: {  	[sflag:s3] =	ssyncset.done $0x0  }
0x1eb: {  	[sflag:s3] =	ssyncadd.s32 $0xFFFFC000  }
0x1ec: {  	[tilespmem:s10], [sflag:$0x1] =	stream.indirect.gather [spmem:s1], $0x80, s17, s7, $0xb8;
	[tilespmem:$0x1C840] =	vst v63  }
0x1ed: {  	_ =	swait.ge [sflag:s4], $0x4000  }
0x1ee: {  	s28 =	sld [smem:$0x7F7]  }
0x1ef: {  	[sflag:s4] =	ssyncset.done $0x0  }
0x1f0: {  	[sflag:s4] =	ssyncadd.s32 $0xFFFFC000  }
0x1f1: {  	[hbm4b:s28+s5] =	stream.strided.scatter [tilespmem:s9], [sflag:$0x2], $0x4000, s6, s5, $0x38;
	[tilespmem:$0x1C840] =	vst v63  }
0x1f2: {  	_ =	swait.ge [sflag:s3], $0x4000  }
0x1f3: {  	[sflag:s3] =	ssyncset.done $0x0  }
0x1f4: {  	[sflag:s3] =	ssyncadd.s32 $0xFFFFC000  }
0x1f5: {  	[tilespmem:s8], [sflag:$0x1] =	stream.indirect.gather [spmem:s1], $0x80, s16, s7, $0xb8;
	[tilespmem:$0x1C840] =	vst v63  }
0x1f6: {  	_ =	swait.ge [sflag:s4], $0x4000  }
0x1f7: {  	s11 =	sld [smem:$0x7F8]  }
0x1f8: {  	[sflag:s4] =	ssyncset.done $0x0  }
0x1f9: {  	[sflag:s4] =	ssyncadd.s32 $0xFFFFC000  }
0x1fa: {  	[hbm4b:s11+s5] =	stream.strided.scatter [tilespmem:s10], [sflag:$0x2], $0x4000, s6, s5, $0x38;
	[tilespmem:$0x1C840] =	vst v63  }
0x1fb: {  	_ =	swait.ge [sflag:s3], $0x4000  }
0x1fc: {  	[sflag:s3] =	ssyncset.done $0x0  }
0x1fd: {  	[sflag:s3] =	ssyncadd.s32 $0xFFFFC000  }
0x1fe: {  	[tilespmem:s9], [sflag:$0x1] =	stream.indirect.gather [spmem:s1], $0x80, s15, s7, $0xb8;
	[tilespmem:$0x1C840] =	vst v63  }
0x1ff: {  	_ =	swait.ge [sflag:s4], $0x4000  }
0x200: {  	s12 =	sld [smem:$0x7F9]  }
0x201: {  	[sflag:s4] =	ssyncset.done $0x0  }
0x202: {  	[sflag:s4] =	ssyncadd.s32 $0xFFFFC000  }
0x203: {  	[hbm4b:s12+s5] =	stream.strided.scatter [tilespmem:s8], [sflag:$0x2], $0x4000, s6, s5, $0x38;
	[tilespmem:$0x1C840] =	vst v63  }
0x204: {  	_ =	swait.ge [sflag:s3], $0x4000  }
0x205: {  	[sflag:s3] =	ssyncset.done $0x0  }
0x206: {  	[sflag:s3] =	ssyncadd.s32 $0xFFFFC000  }
0x207: {  	[tilespmem:s10], [sflag:$0x1] =	stream.indirect.gather [spmem:s1], $0x80, s14, s7, $0xb8;
	[tilespmem:$0x1C840] =	vst v63  }
0x208: {  	_ =	swait.ge [sflag:s4], $0x4000  }
0x209: {  	s28 =	sld [smem:$0x7FA]  }
0x20a: {  	[sflag:s4] =	ssyncset.done $0x0  }
0x20b: {  	[sflag:s4] =	ssyncadd.s32 $0xFFFFC000  }
0x20c: {  	[hbm4b:s28+s5] =	stream.strided.scatter [tilespmem:s9], [sflag:$0x2], $0x4000, s6, s5, $0x38;
	[tilespmem:$0x1C840] =	vst v63  }
0x20d: {  	_ =	swait.ge [sflag:s3], $0x4000  }
0x20e: {  	[sflag:s3] =	ssyncset.done $0x0  }
0x20f: {  	[sflag:s3] =	ssyncadd.s32 $0xFFFFC000  }
0x210: {  	[tilespmem:s8], [sflag:$0x1] =	stream.indirect.gather [spmem:s1], $0x80, s13, s7, $0xb8;
	[tilespmem:$0x1C840] =	vst v63  }
0x211: {  	_ =	swait.ge [sflag:s4], $0x4000  }
0x212: {  	s11 =	sld [smem:$0x7FB]  }
0x213: {  	[sflag:s4] =	ssyncset.done $0x0  }
0x214: {  	[sflag:s4] =	ssyncadd.s32 $0xFFFFC000  }
0x215: {  	[hbm4b:s11+s5] =	stream.strided.scatter [tilespmem:s10], [sflag:$0x2], $0x4000, s6, s5, $0x38;
	[tilespmem:$0x1C840] =	vst v63  }
0x216: {  	_ =	swait.ge [sflag:s3], $0x4000  }
0x217: {  	[sflag:s3] =	ssyncset.done $0x0  }
0x218: {  	s29 =	simm.s32 $0x780;
	[sflag:s3] =	ssyncadd.s32 $0xFFFFC000  }
0x219: {  	[tilespmem:s9], [sflag:$0x1] =	stream.indirect.gather [spmem:s1], $0x80, s29, s7, $0xb8;
	[tilespmem:$0x1C840] =	vst v63  }
0x21a: {  	_ =	swait.ge [sflag:s4], $0x4000  }
0x21b: {  	s12 =	sld [smem:$0x7FC]  }
0x21c: {  	[sflag:s4] =	ssyncset.done $0x0  }
0x21d: {  	[sflag:s4] =	ssyncadd.s32 $0xFFFFC000  }
0x21e: {  	[hbm4b:s12+s5] =	stream.strided.scatter [tilespmem:s8], [sflag:$0x2], $0x4000, s6, s5, $0x38;
	[tilespmem:$0x1C840] =	vst v63  }
0x21f: {  	_ =	swait.ge [sflag:s4], $0x4000  }
0x220: {  	s28 =	sld [smem:$0x7FD]  }
0x221: {  	[sflag:s4] =	ssyncset.done $0x0  }
0x222: {  	[sflag:s4] =	ssyncadd.s32 $0xFFFFC000  }
0x223: {  	[hbm4b:s28+s5] =	stream.strided.scatter [tilespmem:s9], [sflag:$0x2], $0x4000, s6, s5, $0x38;
	[tilespmem:$0x1C840] =	vst v63  }
0x224: {  	[bflag:$0x0] =	sbarrier.arrive $0xFFFF  }
0x225: {  	_ =	swait.ge [sflag:s3], $0x4000  }
0x226: {  	[sflag:s3] =	ssyncset.done $0x0  }
0x227: {  	[sflag:s3] =	ssyncadd.s32 $0xFFFFC000  }
0x228: {  	_ =	swait.ge [sflag:s3], $0x4000  }
0x229: {  	s29 =	sld [smem:$0x7DF];
	_ =	sdelay $0x2  }
0x22a: {  	s31 =	sadd.s32 $0xFFFFFFFF, s29  }
0x22b: {  	p2 =	sne.s32 s31, $0x0  }
.Ltmp1:
0x22c: {  	_ = 	snop;
	(pc) =	sbr.rel @!p2 .LBB2_6-.Ltmp1, $4  }
0x22d: {  	[sflag:s3] =	ssyncset.done $0x0  }
0x22e: {  	[sflag:s3] =	ssyncadd.s32 $0xFFFFC000  }
0x22f: {  	_ =	swait.ge [sflag:s3], $0x4000  }
0x230: {  	p1 =	por $0x1, $0x1;
	s11 =	rddreg [dreg:$0x5];
	[sflag:s3] =	ssyncset.done $0x0  }
0x231: {  	s29 =	simm.s32 $0x8  }
.LBB2_3:
0x232: {  	s12 =	rddreg [dreg:$0x6];
	[sflag:s3] =	ssyncadd.s32 $0xFFFFC000;
	s0 =	sshrl.u32 s11, $0x3  }
0x233: {  	[spmem:s0@s7], [sflag:s24] =	dma.strided [hbm:s12@s18], $0x2000, s29, $0x10   }
0x234: {  	s11 =	rddreg [dreg:$0x7]  }
0x235: {  	s18 =	simm.s32 @!p0 $0x1C04;
	s12 =	rddreg [dreg:$0x8];
	s11 =	sshrl.u32 @!p0 s11, $0x3  }
0x236: {  	[spmem:s11], [sflag:s18] =	dma.local @!p0 [hbm:s12], $0x80  }
0x237: {  	_ =	swait.ge @!p0 [sflag:s30], $0x80  }
0x238: {  	[sflag:s30] =	ssyncset.done @!p0 $0x0  }
0x239: {  	s28 =	simm.s32 $0x0;
	s13 =	rddreg [dreg:$0x9];
	[sflag:s30] =	ssyncadd.s32 @!p0 $0xFFFFFF80  }
0x23a: {  	[tilespmem:s28], [sflag:$0x4] =	stream.linear.gather [hbm4b:s13+s28], $0x800, $0x38;
	[tilespmem:$0x1C840] =	vst v63  }
0x23b: {  	s13 =	simm.s32 $0x4  }
0x23c: {  	_ =	swait.ge [sflag:s13], $0x800  }
0x23d: {  	[sflag:s13] =	ssyncset.done $0x0  }
0x23e: {  	[sflag:s13] =	ssyncadd.s32 $0xFFFFF800  }
0x23f: {  	_ =	swait.ge [sflag:s25], $0x2000  }
0x240: {  	[sflag:s25] =	ssyncset.done $0x0  }
0x241: {  	[sflag:s25] =	ssyncadd.s32 $0xFFFFE000  }
0x242: {  	[bflag:$0x0] =	sbarrier.arrive $0xFFFF  }
0x243: {  	[tilespmem:s10], [sflag:$0x1] =	stream.indirect.gather [spmem:s1], $0x80, s28, s7, $0xb8;
	[tilespmem:$0x1C840] =	vst v63  }
0x244: {  	_ = 	snop  }
0x245: {  	[tilespmem:s8], [sflag:$0x1] =	stream.indirect.gather [spmem:s1], $0x80, s7, s7, $0xb8;
	[tilespmem:$0x1C840] =	vst v63  }
0x246: {  	_ =	swait.ge [sflag:s4], $0x4000  }
0x247: {  	[sflag:s4] =	ssyncset.done $0x0  }
0x248: {  	s13 =	rddreg [dreg:$0xa];
	[sflag:s4] =	ssyncadd.s32 $0xFFFFC000  }
0x249: {  	[hbm4b:s13+s5] =	stream.strided.scatter [tilespmem:s10], [sflag:$0x2], $0x4000, s6, s5, $0x38;
	[tilespmem:$0x1C840] =	vst v63  }
0x24a: {  	s2 =	simm.s32 $0x100  }
0x24b: {  	[tilespmem:s9], [sflag:$0x1] =	stream.indirect.gather [spmem:s1], $0x80, s2, s7, $0xb8;
	[tilespmem:$0x1C840] =	vst v63  }
0x24c: {  	_ =	swait.ge [sflag:s4], $0x4000  }
0x24d: {  	[sflag:s4] =	ssyncset.done $0x0  }
0x24e: {  	s13 =	rddreg [dreg:$0xb];
	[sflag:s4] =	ssyncadd.s32 $0xFFFFC000  }
0x24f: {  	[hbm4b:s13+s5] =	stream.strided.scatter [tilespmem:s8], [sflag:$0x2], $0x4000, s6, s5, $0x38;
	[tilespmem:$0x1C840] =	vst v63  }
0x250: {  	_ =	swait.ge [sflag:s3], $0x4000  }
0x251: {  	[sflag:s3] =	ssyncset.done $0x0  }
0x252: {  	s26 =	simm.s32 $0x180;
	[sflag:s3] =	ssyncadd.s32 $0xFFFFC000  }
0x253: {  	[tilespmem:s10], [sflag:$0x1] =	stream.indirect.gather [spmem:s1], $0x80, s26, s7, $0xb8;
	[tilespmem:$0x1C840] =	vst v63  }
0x254: {  	_ =	swait.ge [sflag:s4], $0x4000  }
0x255: {  	[sflag:s4] =	ssyncset.done $0x0  }
0x256: {  	s13 =	rddreg [dreg:$0xc];
	[sflag:s4] =	ssyncadd.s32 $0xFFFFC000  }
0x257: {  	[hbm4b:s13+s5] =	stream.strided.scatter [tilespmem:s9], [sflag:$0x2], $0x4000, s6, s5, $0x38;
	[tilespmem:$0x1C840] =	vst v63  }
0x258: {  	_ =	swait.ge [sflag:s3], $0x4000  }
0x259: {  	[sflag:s3] =	ssyncset.done $0x0  }
0x25a: {  	s23 =	simm.s32 $0x200;
	[sflag:s3] =	ssyncadd.s32 $0xFFFFC000  }
0x25b: {  	[tilespmem:s8], [sflag:$0x1] =	stream.indirect.gather [spmem:s1], $0x80, s23, s7, $0xb8;
	[tilespmem:$0x1C840] =	vst v63  }
0x25c: {  	_ =	swait.ge [sflag:s4], $0x4000  }
0x25d: {  	[sflag:s4] =	ssyncset.done $0x0  }
0x25e: {  	s13 =	rddreg [dreg:$0xd];
	[sflag:s4] =	ssyncadd.s32 $0xFFFFC000  }
0x25f: {  	[hbm4b:s13+s5] =	stream.strided.scatter [tilespmem:s10], [sflag:$0x2], $0x4000, s6, s5, $0x38;
	[tilespmem:$0x1C840] =	vst v63  }
0x260: {  	_ =	swait.ge [sflag:s3], $0x4000  }
0x261: {  	[sflag:s3] =	ssyncset.done $0x0  }
0x262: {  	s22 =	simm.s32 $0x280;
	[sflag:s3] =	ssyncadd.s32 $0xFFFFC000  }
0x263: {  	[tilespmem:s9], [sflag:$0x1] =	stream.indirect.gather [spmem:s1], $0x80, s22, s7, $0xb8;
	[tilespmem:$0x1C840] =	vst v63  }
0x264: {  	_ =	swait.ge [sflag:s4], $0x4000  }
0x265: {  	[sflag:s4] =	ssyncset.done $0x0  }
0x266: {  	s13 =	rddreg [dreg:$0xe];
	[sflag:s4] =	ssyncadd.s32 $0xFFFFC000  }
0x267: {  	[hbm4b:s13+s5] =	stream.strided.scatter [tilespmem:s8], [sflag:$0x2], $0x4000, s6, s5, $0x38;
	[tilespmem:$0x1C840] =	vst v63  }
0x268: {  	_ =	swait.ge [sflag:s3], $0x4000  }
0x269: {  	[sflag:s3] =	ssyncset.done $0x0  }
0x26a: {  	s24 =	simm.s32 $0x300;
	[sflag:s3] =	ssyncadd.s32 $0xFFFFC000  }
0x26b: {  	[tilespmem:s10], [sflag:$0x1] =	stream.indirect.gather [spmem:s1], $0x80, s24, s7, $0xb8;
	[tilespmem:$0x1C840] =	vst v63  }
0x26c: {  	_ =	swait.ge [sflag:s4], $0x4000  }
0x26d: {  	[sflag:s4] =	ssyncset.done $0x0  }
0x26e: {  	s13 =	rddreg [dreg:$0xf];
	[sflag:s4] =	ssyncadd.s32 $0xFFFFC000  }
0x26f: {  	[hbm4b:s13+s5] =	stream.strided.scatter [tilespmem:s9], [sflag:$0x2], $0x4000, s6, s5, $0x38;
	[tilespmem:$0x1C840] =	vst v63  }
0x270: {  	_ =	swait.ge [sflag:s3], $0x4000  }
0x271: {  	[sflag:s3] =	ssyncset.done $0x0  }
0x272: {  	s21 =	simm.s32 $0x380;
	[sflag:s3] =	ssyncadd.s32 $0xFFFFC000  }
0x273: {  	[tilespmem:s8], [sflag:$0x1] =	stream.indirect.gather [spmem:s1], $0x80, s21, s7, $0xb8;
	[tilespmem:$0x1C840] =	vst v63  }
0x274: {  	_ =	swait.ge [sflag:s4], $0x4000  }
0x275: {  	[sflag:s4] =	ssyncset.done $0x0  }
0x276: {  	s13 =	rddreg [dreg:$0x10];
	[sflag:s4] =	ssyncadd.s32 $0xFFFFC000  }
0x277: {  	[hbm4b:s13+s5] =	stream.strided.scatter [tilespmem:s10], [sflag:$0x2], $0x4000, s6, s5, $0x38;
	[tilespmem:$0x1C840] =	vst v63  }
0x278: {  	_ =	swait.ge [sflag:s3], $0x4000  }
0x279: {  	[sflag:s3] =	ssyncset.done $0x0  }
0x27a: {  	[sflag:s3] =	ssyncadd.s32 $0xFFFFC000  }
0x27b: {  	[tilespmem:s9], [sflag:$0x1] =	stream.indirect.gather [spmem:s1], $0x80, s5, s7, $0xb8;
	[tilespmem:$0x1C840] =	vst v63  }
0x27c: {  	_ =	swait.ge [sflag:s4], $0x4000  }
0x27d: {  	[sflag:s4] =	ssyncset.done $0x0  }
0x27e: {  	s13 =	rddreg [dreg:$0x11];
	[sflag:s4] =	ssyncadd.s32 $0xFFFFC000  }
0x27f: {  	[hbm4b:s13+s5] =	stream.strided.scatter [tilespmem:s8], [sflag:$0x2], $0x4000, s6, s5, $0x38;
	[tilespmem:$0x1C840] =	vst v63  }
0x280: {  	_ =	swait.ge [sflag:s3], $0x4000  }
0x281: {  	[sflag:s3] =	ssyncset.done $0x0  }
0x282: {  	s20 =	simm.s32 $0x480;
	[sflag:s3] =	ssyncadd.s32 $0xFFFFC000  }
0x283: {  	[tilespmem:s10], [sflag:$0x1] =	stream.indirect.gather [spmem:s1], $0x80, s20, s7, $0xb8;
	[tilespmem:$0x1C840] =	vst v63  }
0x284: {  	_ =	swait.ge [sflag:s4], $0x4000  }
0x285: {  	[sflag:s4] =	ssyncset.done $0x0  }
0x286: {  	s13 =	rddreg [dreg:$0x12];
	[sflag:s4] =	ssyncadd.s32 $0xFFFFC000  }
0x287: {  	[hbm4b:s13+s5] =	stream.strided.scatter [tilespmem:s9], [sflag:$0x2], $0x4000, s6, s5, $0x38;
	[tilespmem:$0x1C840] =	vst v63  }
0x288: {  	_ =	swait.ge [sflag:s3], $0x4000  }
0x289: {  	[sflag:s3] =	ssyncset.done $0x0  }
0x28a: {  	s19 =	simm.s32 $0x500;
	[sflag:s3] =	ssyncadd.s32 $0xFFFFC000  }
0x28b: {  	[tilespmem:s8], [sflag:$0x1] =	stream.indirect.gather [spmem:s1], $0x80, s19, s7, $0xb8;
	[tilespmem:$0x1C840] =	vst v63  }
0x28c: {  	_ =	swait.ge [sflag:s4], $0x4000  }
0x28d: {  	[sflag:s4] =	ssyncset.done $0x0  }
0x28e: {  	s13 =	rddreg [dreg:$0x13];
	[sflag:s4] =	ssyncadd.s32 $0xFFFFC000  }
0x28f: {  	[hbm4b:s13+s5] =	stream.strided.scatter [tilespmem:s10], [sflag:$0x2], $0x4000, s6, s5, $0x38;
	[tilespmem:$0x1C840] =	vst v63  }
0x290: {  	_ =	swait.ge [sflag:s3], $0x4000  }
0x291: {  	[sflag:s3] =	ssyncset.done $0x0  }
0x292: {  	s17 =	simm.s32 $0x580;
	[sflag:s3] =	ssyncadd.s32 $0xFFFFC000  }
0x293: {  	[tilespmem:s9], [sflag:$0x1] =	stream.indirect.gather [spmem:s1], $0x80, s17, s7, $0xb8;
	[tilespmem:$0x1C840] =	vst v63  }
0x294: {  	_ =	swait.ge [sflag:s4], $0x4000  }
0x295: {  	[sflag:s4] =	ssyncset.done $0x0  }
0x296: {  	s13 =	rddreg [dreg:$0x14];
	[sflag:s4] =	ssyncadd.s32 $0xFFFFC000  }
0x297: {  	[hbm4b:s13+s5] =	stream.strided.scatter [tilespmem:s8], [sflag:$0x2], $0x4000, s6, s5, $0x38;
	[tilespmem:$0x1C840] =	vst v63  }
0x298: {  	_ =	swait.ge [sflag:s3], $0x4000  }
0x299: {  	[sflag:s3] =	ssyncset.done $0x0  }
0x29a: {  	s16 =	simm.s32 $0x600;
	[sflag:s3] =	ssyncadd.s32 $0xFFFFC000  }
0x29b: {  	[tilespmem:s10], [sflag:$0x1] =	stream.indirect.gather [spmem:s1], $0x80, s16, s7, $0xb8;
	[tilespmem:$0x1C840] =	vst v63  }
0x29c: {  	_ =	swait.ge [sflag:s4], $0x4000  }
0x29d: {  	[sflag:s4] =	ssyncset.done $0x0  }
0x29e: {  	s13 =	rddreg [dreg:$0x15];
	[sflag:s4] =	ssyncadd.s32 $0xFFFFC000  }
0x29f: {  	[hbm4b:s13+s5] =	stream.strided.scatter [tilespmem:s9], [sflag:$0x2], $0x4000, s6, s5, $0x38;
	[tilespmem:$0x1C840] =	vst v63  }
0x2a0: {  	_ =	swait.ge [sflag:s3], $0x4000  }
0x2a1: {  	[sflag:s3] =	ssyncset.done $0x0  }
0x2a2: {  	s15 =	simm.s32 $0x680;
	[sflag:s3] =	ssyncadd.s32 $0xFFFFC000  }
0x2a3: {  	[tilespmem:s8], [sflag:$0x1] =	stream.indirect.gather [spmem:s1], $0x80, s15, s7, $0xb8;
	[tilespmem:$0x1C840] =	vst v63  }
0x2a4: {  	_ =	swait.ge [sflag:s4], $0x4000  }
0x2a5: {  	[sflag:s4] =	ssyncset.done $0x0  }
0x2a6: {  	s13 =	rddreg [dreg:$0x16];
	[sflag:s4] =	ssyncadd.s32 $0xFFFFC000  }
0x2a7: {  	[hbm4b:s13+s5] =	stream.strided.scatter [tilespmem:s10], [sflag:$0x2], $0x4000, s6, s5, $0x38;
	[tilespmem:$0x1C840] =	vst v63  }
0x2a8: {  	_ =	swait.ge [sflag:s3], $0x4000  }
0x2a9: {  	[sflag:s3] =	ssyncset.done $0x0  }
0x2aa: {  	s14 =	simm.s32 $0x700;
	[sflag:s3] =	ssyncadd.s32 $0xFFFFC000  }
0x2ab: {  	[tilespmem:s9], [sflag:$0x1] =	stream.indirect.gather [spmem:s1], $0x80, s14, s7, $0xb8;
	[tilespmem:$0x1C840] =	vst v63  }
0x2ac: {  	_ =	swait.ge [sflag:s4], $0x4000  }
0x2ad: {  	[sflag:s4] =	ssyncset.done $0x0  }
0x2ae: {  	s13 =	rddreg [dreg:$0x17];
	[sflag:s4] =	ssyncadd.s32 $0xFFFFC000  }
0x2af: {  	[hbm4b:s13+s5] =	stream.strided.scatter [tilespmem:s8], [sflag:$0x2], $0x4000, s6, s5, $0x38;
	[tilespmem:$0x1C840] =	vst v63  }
0x2b0: {  	_ =	swait.ge [sflag:s3], $0x4000  }
0x2b1: {  	[sflag:s3] =	ssyncset.done $0x0  }
0x2b2: {  	s13 =	simm.s32 $0x780;
	[sflag:s3] =	ssyncadd.s32 $0xFFFFC000  }
0x2b3: {  	[tilespmem:s10], [sflag:$0x1] =	stream.indirect.gather [spmem:s1], $0x80, s13, s7, $0xb8;
	[tilespmem:$0x1C840] =	vst v63  }
0x2b4: {  	_ =	swait.ge [sflag:s4], $0x4000  }
0x2b5: {  	[sflag:s4] =	ssyncset.done $0x0  }
0x2b6: {  	s13 =	rddreg [dreg:$0x18];
	[sflag:s4] =	ssyncadd.s32 $0xFFFFC000  }
0x2b7: {  	[hbm4b:s13+s5] =	stream.strided.scatter [tilespmem:s9], [sflag:$0x2], $0x4000, s6, s5, $0x38;
	[tilespmem:$0x1C840] =	vst v63  }
0x2b8: {  	_ =	swait.ge [sflag:s4], $0x4000  }
0x2b9: {  	[sflag:s4] =	ssyncset.done $0x0  }
0x2ba: {  	s13 =	rddreg [dreg:$0x19];
	[sflag:s4] =	ssyncadd.s32 $0xFFFFC000  }
0x2bb: {  	[hbm4b:s13+s5] =	stream.strided.scatter [tilespmem:s10], [sflag:$0x2], $0x4000, s6, s5, $0x38;
	[tilespmem:$0x1C840] =	vst v63  }
0x2bc: {  	[bflag:$0x0] =	sbarrier.arrive $0xFFFF  }
0x2bd: {  	s13 =	sld [smem:$0x7DE];
	_ =	sdelay $0x1  }
0x2be: {  	s12 =	rddreg [dreg:$0x1a]  }
0x2bf: {  	[spmem:s0@s7], [sflag:s13] =	dma.strided [hbm:s12@s24], $0x2000, s29, $0x10   }
0x2c0: {  	s12 =	rddreg [dreg:$0x1b]  }
0x2c1: {  	[spmem:s11], [sflag:s18] =	dma.local @!p0 [hbm:s12], $0x80  }
0x2c2: {  	_ =	swait.ge @!p0 [sflag:s30], $0x80  }
0x2c3: {  	[sflag:s30] =	ssyncset.done @!p0 $0x0  }
0x2c4: {  	[sflag:s30] =	ssyncadd.s32 @!p0 $0xFFFFFF80  }
0x2c5: {  	_ =	swait.ge [sflag:s25], $0x2000  }
0x2c6: {  	[sflag:s25] =	ssyncset.done $0x0  }
0x2c7: {  	[sflag:s25] =	ssyncadd.s32 $0xFFFFE000  }
0x2c8: {  	[bflag:$0x0] =	sbarrier.arrive $0xFFFF  }
0x2c9: {  	_ =	swait.ge [sflag:s3], $0x4000  }
0x2ca: {  	[sflag:s3] =	ssyncset.done $0x0  }
0x2cb: {  	[sflag:s3] =	ssyncadd.s32 $0xFFFFC000  }
0x2cc: {  	[tilespmem:s8], [sflag:$0x1] =	stream.indirect.gather [spmem:s1], $0x80, s28, s7, $0xb8;
	[tilespmem:$0x1C840] =	vst v63  }
0x2cd: {  	_ =	swait.ge [sflag:s3], $0x4000  }
0x2ce: {  	[sflag:s3] =	ssyncset.done $0x0  }
0x2cf: {  	[sflag:s3] =	ssyncadd.s32 $0xFFFFC000  }
0x2d0: {  	[tilespmem:s9], [sflag:$0x1] =	stream.indirect.gather [spmem:s1], $0x80, s7, s7, $0xb8;
	[tilespmem:$0x1C840] =	vst v63  }
0x2d1: {  	_ =	swait.ge [sflag:s4], $0x4000  }
0x2d2: {  	[sflag:s4] =	ssyncset.done $0x0  }
0x2d3: {  	s13 =	rddreg [dreg:$0x1c];
	[sflag:s4] =	ssyncadd.s32 $0xFFFFC000  }
0x2d4: {  	[hbm4b:s13+s5] =	stream.strided.scatter [tilespmem:s8], [sflag:$0x2], $0x4000, s6, s5, $0x38;
	[tilespmem:$0x1C840] =	vst v63  }
0x2d5: {  	_ =	swait.ge [sflag:s3], $0x4000  }
0x2d6: {  	[sflag:s3] =	ssyncset.done $0x0  }
0x2d7: {  	[sflag:s3] =	ssyncadd.s32 $0xFFFFC000  }
0x2d8: {  	[tilespmem:s10], [sflag:$0x1] =	stream.indirect.gather [spmem:s1], $0x80, s2, s7, $0xb8;
	[tilespmem:$0x1C840] =	vst v63  }
0x2d9: {  	_ =	swait.ge [sflag:s4], $0x4000  }
0x2da: {  	[sflag:s4] =	ssyncset.done $0x0  }
0x2db: {  	s28 =	rddreg [dreg:$0x1d];
	[sflag:s4] =	ssyncadd.s32 $0xFFFFC000  }
0x2dc: {  	[hbm4b:s28+s5] =	stream.strided.scatter [tilespmem:s9], [sflag:$0x2], $0x4000, s6, s5, $0x38;
	[tilespmem:$0x1C840] =	vst v63  }
0x2dd: {  	_ =	swait.ge [sflag:s3], $0x4000  }
0x2de: {  	[sflag:s3] =	ssyncset.done $0x0  }
0x2df: {  	[sflag:s3] =	ssyncadd.s32 $0xFFFFC000  }
0x2e0: {  	[tilespmem:s8], [sflag:$0x1] =	stream.indirect.gather [spmem:s1], $0x80, s26, s7, $0xb8;
	[tilespmem:$0x1C840] =	vst v63  }
0x2e1: {  	_ =	swait.ge [sflag:s4], $0x4000  }
0x2e2: {  	[sflag:s4] =	ssyncset.done $0x0  }
0x2e3: {  	s13 =	rddreg [dreg:$0x1e];
	[sflag:s4] =	ssyncadd.s32 $0xFFFFC000  }
0x2e4: {  	[hbm4b:s13+s5] =	stream.strided.scatter [tilespmem:s10], [sflag:$0x2], $0x4000, s6, s5, $0x38;
	[tilespmem:$0x1C840] =	vst v63  }
0x2e5: {  	_ =	swait.ge [sflag:s3], $0x4000  }
0x2e6: {  	[sflag:s3] =	ssyncset.done $0x0  }
0x2e7: {  	[sflag:s3] =	ssyncadd.s32 $0xFFFFC000  }
0x2e8: {  	[tilespmem:s9], [sflag:$0x1] =	stream.indirect.gather [spmem:s1], $0x80, s23, s7, $0xb8;
	[tilespmem:$0x1C840] =	vst v63  }
0x2e9: {  	_ =	swait.ge [sflag:s4], $0x4000  }
0x2ea: {  	[sflag:s4] =	ssyncset.done $0x0  }
0x2eb: {  	s28 =	rddreg [dreg:$0x1f];
	[sflag:s4] =	ssyncadd.s32 $0xFFFFC000  }
0x2ec: {  	[hbm4b:s28+s5] =	stream.strided.scatter [tilespmem:s8], [sflag:$0x2], $0x4000, s6, s5, $0x38;
	[tilespmem:$0x1C840] =	vst v63  }
0x2ed: {  	_ =	swait.ge [sflag:s3], $0x4000  }
0x2ee: {  	[sflag:s3] =	ssyncset.done $0x0  }
0x2ef: {  	[sflag:s3] =	ssyncadd.s32 $0xFFFFC000  }
0x2f0: {  	[tilespmem:s10], [sflag:$0x1] =	stream.indirect.gather [spmem:s1], $0x80, s22, s7, $0xb8;
	[tilespmem:$0x1C840] =	vst v63  }
0x2f1: {  	_ =	swait.ge [sflag:s4], $0x4000  }
0x2f2: {  	s13 =	sld [smem:$0x7E0]  }
0x2f3: {  	[sflag:s4] =	ssyncset.done $0x0  }
0x2f4: {  	[sflag:s4] =	ssyncadd.s32 $0xFFFFC000  }
0x2f5: {  	[hbm4b:s13+s5] =	stream.strided.scatter [tilespmem:s9], [sflag:$0x2], $0x4000, s6, s5, $0x38;
	[tilespmem:$0x1C840] =	vst v63  }
0x2f6: {  	_ =	swait.ge [sflag:s3], $0x4000  }
0x2f7: {  	[sflag:s3] =	ssyncset.done $0x0  }
0x2f8: {  	[sflag:s3] =	ssyncadd.s32 $0xFFFFC000  }
0x2f9: {  	[tilespmem:s8], [sflag:$0x1] =	stream.indirect.gather [spmem:s1], $0x80, s24, s7, $0xb8;
	[tilespmem:$0x1C840] =	vst v63  }
0x2fa: {  	_ =	swait.ge [sflag:s4], $0x4000  }
0x2fb: {  	s28 =	sld [smem:$0x7E1]  }
0x2fc: {  	[sflag:s4] =	ssyncset.done $0x0  }
0x2fd: {  	[sflag:s4] =	ssyncadd.s32 $0xFFFFC000  }
0x2fe: {  	[hbm4b:s28+s5] =	stream.strided.scatter [tilespmem:s10], [sflag:$0x2], $0x4000, s6, s5, $0x38;
	[tilespmem:$0x1C840] =	vst v63  }
0x2ff: {  	_ =	swait.ge [sflag:s3], $0x4000  }
0x300: {  	[sflag:s3] =	ssyncset.done $0x0  }
0x301: {  	[sflag:s3] =	ssyncadd.s32 $0xFFFFC000  }
0x302: {  	[tilespmem:s9], [sflag:$0x1] =	stream.indirect.gather [spmem:s1], $0x80, s21, s7, $0xb8;
	[tilespmem:$0x1C840] =	vst v63  }
0x303: {  	_ =	swait.ge [sflag:s4], $0x4000  }
0x304: {  	s13 =	sld [smem:$0x7E2]  }
0x305: {  	[sflag:s4] =	ssyncset.done $0x0  }
0x306: {  	[sflag:s4] =	ssyncadd.s32 $0xFFFFC000  }
0x307: {  	[hbm4b:s13+s5] =	stream.strided.scatter [tilespmem:s8], [sflag:$0x2], $0x4000, s6, s5, $0x38;
	[tilespmem:$0x1C840] =	vst v63  }
0x308: {  	_ =	swait.ge [sflag:s3], $0x4000  }
0x309: {  	[sflag:s3] =	ssyncset.done $0x0  }
0x30a: {  	[sflag:s3] =	ssyncadd.s32 $0xFFFFC000  }
0x30b: {  	[tilespmem:s10], [sflag:$0x1] =	stream.indirect.gather [spmem:s1], $0x80, s5, s7, $0xb8;
	[tilespmem:$0x1C840] =	vst v63  }
0x30c: {  	_ =	swait.ge [sflag:s4], $0x4000  }
0x30d: {  	s28 =	sld [smem:$0x7E3]  }
0x30e: {  	[sflag:s4] =	ssyncset.done $0x0  }
0x30f: {  	[sflag:s4] =	ssyncadd.s32 $0xFFFFC000  }
0x310: {  	[hbm4b:s28+s5] =	stream.strided.scatter [tilespmem:s9], [sflag:$0x2], $0x4000, s6, s5, $0x38;
	[tilespmem:$0x1C840] =	vst v63  }
0x311: {  	_ =	swait.ge [sflag:s3], $0x4000  }
0x312: {  	[sflag:s3] =	ssyncset.done $0x0  }
0x313: {  	[sflag:s3] =	ssyncadd.s32 $0xFFFFC000  }
0x314: {  	[tilespmem:s8], [sflag:$0x1] =	stream.indirect.gather [spmem:s1], $0x80, s20, s7, $0xb8;
	[tilespmem:$0x1C840] =	vst v63  }
0x315: {  	_ =	swait.ge [sflag:s4], $0x4000  }
0x316: {  	s13 =	sld [smem:$0x7E4]  }
0x317: {  	[sflag:s4] =	ssyncset.done $0x0  }
0x318: {  	[sflag:s4] =	ssyncadd.s32 $0xFFFFC000  }
0x319: {  	[hbm4b:s13+s5] =	stream.strided.scatter [tilespmem:s10], [sflag:$0x2], $0x4000, s6, s5, $0x38;
	[tilespmem:$0x1C840] =	vst v63  }
0x31a: {  	_ =	swait.ge [sflag:s3], $0x4000  }
0x31b: {  	[sflag:s3] =	ssyncset.done $0x0  }
0x31c: {  	[sflag:s3] =	ssyncadd.s32 $0xFFFFC000  }
0x31d: {  	[tilespmem:s9], [sflag:$0x1] =	stream.indirect.gather [spmem:s1], $0x80, s19, s7, $0xb8;
	[tilespmem:$0x1C840] =	vst v63  }
0x31e: {  	_ =	swait.ge [sflag:s4], $0x4000  }
0x31f: {  	s28 =	sld [smem:$0x7E5]  }
0x320: {  	[sflag:s4] =	ssyncset.done $0x0  }
0x321: {  	[sflag:s4] =	ssyncadd.s32 $0xFFFFC000  }
0x322: {  	[hbm4b:s28+s5] =	stream.strided.scatter [tilespmem:s8], [sflag:$0x2], $0x4000, s6, s5, $0x38;
	[tilespmem:$0x1C840] =	vst v63  }
0x323: {  	_ =	swait.ge [sflag:s3], $0x4000  }
0x324: {  	[sflag:s3] =	ssyncset.done $0x0  }
0x325: {  	[sflag:s3] =	ssyncadd.s32 $0xFFFFC000  }
0x326: {  	[tilespmem:s10], [sflag:$0x1] =	stream.indirect.gather [spmem:s1], $0x80, s17, s7, $0xb8;
	[tilespmem:$0x1C840] =	vst v63  }
0x327: {  	_ =	swait.ge [sflag:s4], $0x4000  }
0x328: {  	s13 =	sld [smem:$0x7E6]  }
0x329: {  	[sflag:s4] =	ssyncset.done $0x0  }
0x32a: {  	[sflag:s4] =	ssyncadd.s32 $0xFFFFC000  }
0x32b: {  	[hbm4b:s13+s5] =	stream.strided.scatter [tilespmem:s9], [sflag:$0x2], $0x4000, s6, s5, $0x38;
	[tilespmem:$0x1C840] =	vst v63  }
0x32c: {  	_ =	swait.ge [sflag:s3], $0x4000  }
0x32d: {  	[sflag:s3] =	ssyncset.done $0x0  }
0x32e: {  	[sflag:s3] =	ssyncadd.s32 $0xFFFFC000  }
0x32f: {  	[tilespmem:s8], [sflag:$0x1] =	stream.indirect.gather [spmem:s1], $0x80, s16, s7, $0xb8;
	[tilespmem:$0x1C840] =	vst v63  }
0x330: {  	_ =	swait.ge [sflag:s4], $0x4000  }
0x331: {  	s28 =	sld [smem:$0x7E7]  }
0x332: {  	[sflag:s4] =	ssyncset.done $0x0  }
0x333: {  	[sflag:s4] =	ssyncadd.s32 $0xFFFFC000  }
0x334: {  	[hbm4b:s28+s5] =	stream.strided.scatter [tilespmem:s10], [sflag:$0x2], $0x4000, s6, s5, $0x38;
	[tilespmem:$0x1C840] =	vst v63  }
0x335: {  	_ =	swait.ge [sflag:s3], $0x4000  }
0x336: {  	[sflag:s3] =	ssyncset.done $0x0  }
0x337: {  	[sflag:s3] =	ssyncadd.s32 $0xFFFFC000  }
0x338: {  	[tilespmem:s9], [sflag:$0x1] =	stream.indirect.gather [spmem:s1], $0x80, s15, s7, $0xb8;
	[tilespmem:$0x1C840] =	vst v63  }
0x339: {  	_ =	swait.ge [sflag:s4], $0x4000  }
0x33a: {  	s13 =	sld [smem:$0x7E8]  }
0x33b: {  	[sflag:s4] =	ssyncset.done $0x0  }
0x33c: {  	[sflag:s4] =	ssyncadd.s32 $0xFFFFC000  }
0x33d: {  	[hbm4b:s13+s5] =	stream.strided.scatter [tilespmem:s8], [sflag:$0x2], $0x4000, s6, s5, $0x38;
	[tilespmem:$0x1C840] =	vst v63  }
0x33e: {  	_ =	swait.ge [sflag:s3], $0x4000  }
0x33f: {  	[sflag:s3] =	ssyncset.done $0x0  }
0x340: {  	[sflag:s3] =	ssyncadd.s32 $0xFFFFC000  }
0x341: {  	[tilespmem:s10], [sflag:$0x1] =	stream.indirect.gather [spmem:s1], $0x80, s14, s7, $0xb8;
	[tilespmem:$0x1C840] =	vst v63  }
0x342: {  	_ =	swait.ge [sflag:s4], $0x4000  }
0x343: {  	s28 =	sld [smem:$0x7E9]  }
0x344: {  	[sflag:s4] =	ssyncset.done $0x0  }
0x345: {  	[sflag:s4] =	ssyncadd.s32 $0xFFFFC000  }
0x346: {  	[hbm4b:s28+s5] =	stream.strided.scatter [tilespmem:s9], [sflag:$0x2], $0x4000, s6, s5, $0x38;
	[tilespmem:$0x1C840] =	vst v63  }
0x347: {  	_ =	swait.ge [sflag:s3], $0x4000  }
0x348: {  	[sflag:s3] =	ssyncset.done $0x0  }
0x349: {  	s13 =	simm.s32 $0x780;
	[sflag:s3] =	ssyncadd.s32 $0xFFFFC000  }
0x34a: {  	[tilespmem:s8], [sflag:$0x1] =	stream.indirect.gather [spmem:s1], $0x80, s13, s7, $0xb8;
	[tilespmem:$0x1C840] =	vst v63  }
0x34b: {  	_ =	swait.ge [sflag:s4], $0x4000  }
0x34c: {  	s28 =	sld [smem:$0x7EA]  }
0x34d: {  	[sflag:s4] =	ssyncset.done $0x0  }
0x34e: {  	[sflag:s4] =	ssyncadd.s32 $0xFFFFC000  }
0x34f: {  	[hbm4b:s28+s5] =	stream.strided.scatter [tilespmem:s10], [sflag:$0x2], $0x4000, s6, s5, $0x38;
	[tilespmem:$0x1C840] =	vst v63  }
0x350: {  	_ =	swait.ge [sflag:s4], $0x4000  }
0x351: {  	s28 =	sld [smem:$0x7EB]  }
0x352: {  	[sflag:s4] =	ssyncset.done $0x0  }
0x353: {  	[sflag:s4] =	ssyncadd.s32 $0xFFFFC000  }
0x354: {  	[hbm4b:s28+s5] =	stream.strided.scatter [tilespmem:s8], [sflag:$0x2], $0x4000, s6, s5, $0x38;
	[tilespmem:$0x1C840] =	vst v63  }
0x355: {  	[bflag:$0x0] =	sbarrier.arrive $0xFFFF  }
0x356: {  	s12 =	sld [smem:$0x7EC]  }
0x357: {  	s28 =	sld [smem:$0x7DE];
	_ =	sdelay $0x2  }
0x358: {  	[spmem:s0@s7], [sflag:s28] =	dma.strided [hbm:s12@s24], $0x2000, s29, $0x10   }
0x359: {  	s0 =	sld [smem:$0x7ED];
	_ =	sdelay $0x1  }
0x35a: {  	s24 =	sld [smem:$0x7DE]  }
0x35b: {  	[spmem:s11], [sflag:s18] =	dma.local @!p0 [hbm:s0], $0x80  }
0x35c: {  	_ =	swait.ge @!p0 [sflag:s30], $0x80  }
0x35d: {  	[sflag:s30] =	ssyncset.done @!p0 $0x0  }
0x35e: {  	[sflag:s30] =	ssyncadd.s32 @!p0 $0xFFFFFF80  }
0x35f: {  	_ =	swait.ge [sflag:s25], $0x2000  }
0x360: {  	[sflag:s25] =	ssyncset.done $0x0  }
0x361: {  	[sflag:s25] =	ssyncadd.s32 $0xFFFFE000  }
0x362: {  	[bflag:$0x0] =	sbarrier.arrive $0xFFFF  }
0x363: {  	_ =	swait.ge [sflag:s3], $0x4000  }
0x364: {  	[sflag:s3] =	ssyncset.done $0x0  }
0x365: {  	s2 =	simm.s32 $0x0;
	[sflag:s3] =	ssyncadd.s32 $0xFFFFC000  }
0x366: {  	[tilespmem:s9], [sflag:$0x1] =	stream.indirect.gather [spmem:s1], $0x80, s2, s7, $0xb8;
	[tilespmem:$0x1C840] =	vst v63  }
0x367: {  	_ =	swait.ge [sflag:s3], $0x4000  }
0x368: {  	[sflag:s3] =	ssyncset.done $0x0  }
0x369: {  	[sflag:s3] =	ssyncadd.s32 $0xFFFFC000  }
0x36a: {  	[tilespmem:s10], [sflag:$0x1] =	stream.indirect.gather [spmem:s1], $0x80, s7, s7, $0xb8;
	[tilespmem:$0x1C840] =	vst v63  }
0x36b: {  	_ =	swait.ge [sflag:s4], $0x4000  }
0x36c: {  	s28 =	sld [smem:$0x7EE]  }
0x36d: {  	[sflag:s4] =	ssyncset.done $0x0  }
0x36e: {  	[sflag:s4] =	ssyncadd.s32 $0xFFFFC000  }
0x36f: {  	[hbm4b:s28+s5] =	stream.strided.scatter [tilespmem:s9], [sflag:$0x2], $0x4000, s6, s5, $0x38;
	[tilespmem:$0x1C840] =	vst v63  }
0x370: {  	_ =	swait.ge [sflag:s3], $0x4000  }
0x371: {  	[sflag:s3] =	ssyncset.done $0x0  }
0x372: {  	s26 =	simm.s32 $0x100;
	[sflag:s3] =	ssyncadd.s32 $0xFFFFC000  }
0x373: {  	[tilespmem:s8], [sflag:$0x1] =	stream.indirect.gather [spmem:s1], $0x80, s26, s7, $0xb8;
	[tilespmem:$0x1C840] =	vst v63  }
0x374: {  	_ =	swait.ge [sflag:s4], $0x4000  }
0x375: {  	s11 =	sld [smem:$0x7EF]  }
0x376: {  	[sflag:s4] =	ssyncset.done $0x0  }
0x377: {  	[sflag:s4] =	ssyncadd.s32 $0xFFFFC000  }
0x378: {  	[hbm4b:s11+s5] =	stream.strided.scatter [tilespmem:s10], [sflag:$0x2], $0x4000, s6, s5, $0x38;
	[tilespmem:$0x1C840] =	vst v63  }
0x379: {  	_ =	swait.ge [sflag:s3], $0x4000  }
0x37a: {  	[sflag:s3] =	ssyncset.done $0x0  }
0x37b: {  	s23 =	simm.s32 $0x180;
	[sflag:s3] =	ssyncadd.s32 $0xFFFFC000  }
0x37c: {  	[tilespmem:s9], [sflag:$0x1] =	stream.indirect.gather [spmem:s1], $0x80, s23, s7, $0xb8;
	[tilespmem:$0x1C840] =	vst v63  }
0x37d: {  	_ =	swait.ge [sflag:s4], $0x4000  }
0x37e: {  	s28 =	sld [smem:$0x7F0]  }
0x37f: {  	[sflag:s4] =	ssyncset.done $0x0  }
0x380: {  	[sflag:s4] =	ssyncadd.s32 $0xFFFFC000  }
0x381: {  	[hbm4b:s28+s5] =	stream.strided.scatter [tilespmem:s8], [sflag:$0x2], $0x4000, s6, s5, $0x38;
	[tilespmem:$0x1C840] =	vst v63  }
0x382: {  	_ =	swait.ge [sflag:s3], $0x4000  }
0x383: {  	[sflag:s3] =	ssyncset.done $0x0  }
0x384: {  	s22 =	simm.s32 $0x200;
	[sflag:s3] =	ssyncadd.s32 $0xFFFFC000  }
0x385: {  	[tilespmem:s10], [sflag:$0x1] =	stream.indirect.gather [spmem:s1], $0x80, s22, s7, $0xb8;
	[tilespmem:$0x1C840] =	vst v63  }
0x386: {  	_ =	swait.ge [sflag:s4], $0x4000  }
0x387: {  	s11 =	sld [smem:$0x7F1]  }
0x388: {  	[sflag:s4] =	ssyncset.done $0x0  }
0x389: {  	[sflag:s4] =	ssyncadd.s32 $0xFFFFC000  }
0x38a: {  	[hbm4b:s11+s5] =	stream.strided.scatter [tilespmem:s9], [sflag:$0x2], $0x4000, s6, s5, $0x38;
	[tilespmem:$0x1C840] =	vst v63  }
0x38b: {  	_ =	swait.ge [sflag:s3], $0x4000  }
0x38c: {  	[sflag:s3] =	ssyncset.done $0x0  }
0x38d: {  	s21 =	simm.s32 $0x280;
	[sflag:s3] =	ssyncadd.s32 $0xFFFFC000  }
0x38e: {  	[tilespmem:s8], [sflag:$0x1] =	stream.indirect.gather [spmem:s1], $0x80, s21, s7, $0xb8;
	[tilespmem:$0x1C840] =	vst v63  }
0x38f: {  	_ =	swait.ge [sflag:s4], $0x4000  }
0x390: {  	s28 =	sld [smem:$0x7F2]  }
0x391: {  	[sflag:s4] =	ssyncset.done $0x0  }
0x392: {  	[sflag:s4] =	ssyncadd.s32 $0xFFFFC000  }
0x393: {  	[hbm4b:s28+s5] =	stream.strided.scatter [tilespmem:s10], [sflag:$0x2], $0x4000, s6, s5, $0x38;
	[tilespmem:$0x1C840] =	vst v63  }
0x394: {  	_ =	swait.ge [sflag:s3], $0x4000  }
0x395: {  	[sflag:s3] =	ssyncset.done $0x0  }
0x396: {  	s18 =	simm.s32 $0x300;
	[sflag:s3] =	ssyncadd.s32 $0xFFFFC000  }
0x397: {  	[tilespmem:s9], [sflag:$0x1] =	stream.indirect.gather [spmem:s1], $0x80, s18, s7, $0xb8;
	[tilespmem:$0x1C840] =	vst v63  }
0x398: {  	_ =	swait.ge [sflag:s4], $0x4000  }
0x399: {  	s11 =	sld [smem:$0x7F3]  }
0x39a: {  	[sflag:s4] =	ssyncset.done $0x0  }
0x39b: {  	[sflag:s4] =	ssyncadd.s32 $0xFFFFC000  }
0x39c: {  	[hbm4b:s11+s5] =	stream.strided.scatter [tilespmem:s8], [sflag:$0x2], $0x4000, s6, s5, $0x38;
	[tilespmem:$0x1C840] =	vst v63  }
0x39d: {  	_ =	swait.ge [sflag:s3], $0x4000  }
0x39e: {  	[sflag:s3] =	ssyncset.done $0x0  }
0x39f: {  	s20 =	simm.s32 $0x380;
	[sflag:s3] =	ssyncadd.s32 $0xFFFFC000  }
0x3a0: {  	[tilespmem:s10], [sflag:$0x1] =	stream.indirect.gather [spmem:s1], $0x80, s20, s7, $0xb8;
	[tilespmem:$0x1C840] =	vst v63  }
0x3a1: {  	_ =	swait.ge [sflag:s4], $0x4000  }
0x3a2: {  	s28 =	sld [smem:$0x7F4]  }
0x3a3: {  	[sflag:s4] =	ssyncset.done $0x0  }
0x3a4: {  	[sflag:s4] =	ssyncadd.s32 $0xFFFFC000  }
0x3a5: {  	[hbm4b:s28+s5] =	stream.strided.scatter [tilespmem:s9], [sflag:$0x2], $0x4000, s6, s5, $0x38;
	[tilespmem:$0x1C840] =	vst v63  }
0x3a6: {  	_ =	swait.ge [sflag:s3], $0x4000  }
0x3a7: {  	[sflag:s3] =	ssyncset.done $0x0  }
0x3a8: {  	[sflag:s3] =	ssyncadd.s32 $0xFFFFC000  }
0x3a9: {  	[tilespmem:s8], [sflag:$0x1] =	stream.indirect.gather [spmem:s1], $0x80, s5, s7, $0xb8;
	[tilespmem:$0x1C840] =	vst v63  }
0x3aa: {  	_ =	swait.ge [sflag:s4], $0x4000  }
0x3ab: {  	s11 =	sld [smem:$0x7F5]  }
0x3ac: {  	[sflag:s4] =	ssyncset.done $0x0  }
0x3ad: {  	[sflag:s4] =	ssyncadd.s32 $0xFFFFC000  }
0x3ae: {  	[hbm4b:s11+s5] =	stream.strided.scatter [tilespmem:s10], [sflag:$0x2], $0x4000, s6, s5, $0x38;
	[tilespmem:$0x1C840] =	vst v63  }
0x3af: {  	_ =	swait.ge [sflag:s3], $0x4000  }
0x3b0: {  	[sflag:s3] =	ssyncset.done $0x0  }
0x3b1: {  	s19 =	simm.s32 $0x480;
	[sflag:s3] =	ssyncadd.s32 $0xFFFFC000  }
0x3b2: {  	[tilespmem:s9], [sflag:$0x1] =	stream.indirect.gather [spmem:s1], $0x80, s19, s7, $0xb8;
	[tilespmem:$0x1C840] =	vst v63  }
0x3b3: {  	_ =	swait.ge [sflag:s4], $0x4000  }
0x3b4: {  	s28 =	sld [smem:$0x7F6]  }
0x3b5: {  	[sflag:s4] =	ssyncset.done $0x0  }
0x3b6: {  	[sflag:s4] =	ssyncadd.s32 $0xFFFFC000  }
0x3b7: {  	[hbm4b:s28+s5] =	stream.strided.scatter [tilespmem:s8], [sflag:$0x2], $0x4000, s6, s5, $0x38;
	[tilespmem:$0x1C840] =	vst v63  }
0x3b8: {  	_ =	swait.ge [sflag:s3], $0x4000  }
0x3b9: {  	[sflag:s3] =	ssyncset.done $0x0  }
0x3ba: {  	s17 =	simm.s32 $0x500;
	[sflag:s3] =	ssyncadd.s32 $0xFFFFC000  }
0x3bb: {  	[tilespmem:s10], [sflag:$0x1] =	stream.indirect.gather [spmem:s1], $0x80, s17, s7, $0xb8;
	[tilespmem:$0x1C840] =	vst v63  }
0x3bc: {  	_ =	swait.ge [sflag:s4], $0x4000  }
0x3bd: {  	s11 =	sld [smem:$0x7F7]  }
0x3be: {  	[sflag:s4] =	ssyncset.done $0x0  }
0x3bf: {  	[sflag:s4] =	ssyncadd.s32 $0xFFFFC000  }
0x3c0: {  	[hbm4b:s11+s5] =	stream.strided.scatter [tilespmem:s9], [sflag:$0x2], $0x4000, s6, s5, $0x38;
	[tilespmem:$0x1C840] =	vst v63  }
0x3c1: {  	_ =	swait.ge [sflag:s3], $0x4000  }
0x3c2: {  	[sflag:s3] =	ssyncset.done $0x0  }
0x3c3: {  	s16 =	simm.s32 $0x580;
	[sflag:s3] =	ssyncadd.s32 $0xFFFFC000  }
0x3c4: {  	[tilespmem:s8], [sflag:$0x1] =	stream.indirect.gather [spmem:s1], $0x80, s16, s7, $0xb8;
	[tilespmem:$0x1C840] =	vst v63  }
0x3c5: {  	_ =	swait.ge [sflag:s4], $0x4000  }
0x3c6: {  	s28 =	sld [smem:$0x7F8]  }
0x3c7: {  	[sflag:s4] =	ssyncset.done $0x0  }
0x3c8: {  	[sflag:s4] =	ssyncadd.s32 $0xFFFFC000  }
0x3c9: {  	[hbm4b:s28+s5] =	stream.strided.scatter [tilespmem:s10], [sflag:$0x2], $0x4000, s6, s5, $0x38;
	[tilespmem:$0x1C840] =	vst v63  }
0x3ca: {  	_ =	swait.ge [sflag:s3], $0x4000  }
0x3cb: {  	[sflag:s3] =	ssyncset.done $0x0  }
0x3cc: {  	s15 =	simm.s32 $0x600;
	[sflag:s3] =	ssyncadd.s32 $0xFFFFC000  }
0x3cd: {  	[tilespmem:s9], [sflag:$0x1] =	stream.indirect.gather [spmem:s1], $0x80, s15, s7, $0xb8;
	[tilespmem:$0x1C840] =	vst v63  }
0x3ce: {  	_ =	swait.ge [sflag:s4], $0x4000  }
0x3cf: {  	s11 =	sld [smem:$0x7F9]  }
0x3d0: {  	[sflag:s4] =	ssyncset.done $0x0  }
0x3d1: {  	[sflag:s4] =	ssyncadd.s32 $0xFFFFC000  }
0x3d2: {  	[hbm4b:s11+s5] =	stream.strided.scatter [tilespmem:s8], [sflag:$0x2], $0x4000, s6, s5, $0x38;
	[tilespmem:$0x1C840] =	vst v63  }
0x3d3: {  	_ =	swait.ge [sflag:s3], $0x4000  }
0x3d4: {  	[sflag:s3] =	ssyncset.done $0x0  }
0x3d5: {  	s14 =	simm.s32 $0x680;
	[sflag:s3] =	ssyncadd.s32 $0xFFFFC000  }
0x3d6: {  	[tilespmem:s10], [sflag:$0x1] =	stream.indirect.gather [spmem:s1], $0x80, s14, s7, $0xb8;
	[tilespmem:$0x1C840] =	vst v63  }
0x3d7: {  	_ =	swait.ge [sflag:s4], $0x4000  }
0x3d8: {  	s28 =	sld [smem:$0x7FA]  }
0x3d9: {  	[sflag:s4] =	ssyncset.done $0x0  }
0x3da: {  	[sflag:s4] =	ssyncadd.s32 $0xFFFFC000  }
0x3db: {  	[hbm4b:s28+s5] =	stream.strided.scatter [tilespmem:s9], [sflag:$0x2], $0x4000, s6, s5, $0x38;
	[tilespmem:$0x1C840] =	vst v63  }
0x3dc: {  	_ =	swait.ge [sflag:s3], $0x4000  }
0x3dd: {  	[sflag:s3] =	ssyncset.done $0x0  }
0x3de: {  	s13 =	simm.s32 $0x700;
	[sflag:s3] =	ssyncadd.s32 $0xFFFFC000  }
0x3df: {  	[tilespmem:s8], [sflag:$0x1] =	stream.indirect.gather [spmem:s1], $0x80, s13, s7, $0xb8;
	[tilespmem:$0x1C840] =	vst v63  }
0x3e0: {  	_ =	swait.ge [sflag:s4], $0x4000  }
0x3e1: {  	s11 =	sld [smem:$0x7FB]  }
0x3e2: {  	[sflag:s4] =	ssyncset.done $0x0  }
0x3e3: {  	[sflag:s4] =	ssyncadd.s32 $0xFFFFC000  }
0x3e4: {  	[hbm4b:s11+s5] =	stream.strided.scatter [tilespmem:s10], [sflag:$0x2], $0x4000, s6, s5, $0x38;
	[tilespmem:$0x1C840] =	vst v63  }
0x3e5: {  	_ =	swait.ge [sflag:s3], $0x4000  }
0x3e6: {  	[sflag:s3] =	ssyncset.done $0x0  }
0x3e7: {  	s12 =	simm.s32 $0x780;
	[sflag:s3] =	ssyncadd.s32 $0xFFFFC000  }
0x3e8: {  	[tilespmem:s9], [sflag:$0x1] =	stream.indirect.gather [spmem:s1], $0x80, s12, s7, $0xb8;
	[tilespmem:$0x1C840] =	vst v63  }
0x3e9: {  	_ =	swait.ge [sflag:s4], $0x4000  }
0x3ea: {  	s12 =	sld [smem:$0x7FC]  }
0x3eb: {  	[sflag:s4] =	ssyncset.done $0x0  }
0x3ec: {  	[sflag:s4] =	ssyncadd.s32 $0xFFFFC000  }
0x3ed: {  	[hbm4b:s12+s5] =	stream.strided.scatter [tilespmem:s8], [sflag:$0x2], $0x4000, s6, s5, $0x38;
	[tilespmem:$0x1C840] =	vst v63  }
0x3ee: {  	_ =	swait.ge [sflag:s4], $0x4000  }
0x3ef: {  	s28 =	sld [smem:$0x7FD]  }
0x3f0: {  	[sflag:s4] =	ssyncset.done $0x0  }
0x3f1: {  	[sflag:s4] =	ssyncadd.s32 $0xFFFFC000  }
0x3f2: {  	[hbm4b:s28+s5] =	stream.strided.scatter [tilespmem:s9], [sflag:$0x2], $0x4000, s6, s5, $0x38;
	[tilespmem:$0x1C840] =	vst v63  }
0x3f3: {  	[bflag:$0x0] =	sbarrier.arrive $0xFFFF  }
0x3f4: {  	_ =	swait.ge [sflag:s3], $0x4000  }
0x3f5: {  	s31 =	sadd.s32 $0xFFFFFFFF, s31;
	[sflag:s3] =	ssyncset.done $0x0  }
0x3f6: {  	p2 =	sne.s32 s31, $0x0;
	[sflag:s3] =	ssyncadd.s32 $0xFFFFC000  }
.Ltmp2:
0x3f7: {  	_ =	swait.ge [sflag:s3], $0x4000;
	(pc) =	sbr.rel @p2 .LBB2_3-.Ltmp2, $4  }
0x3f8: {  	[sflag:s3] =	ssyncset.done $0x0  }
0x3f9: {  	[sflag:s3] =	ssyncadd.s32 $0xFFFFC000  }
0x3fa: {  	_ =	swait.ge [sflag:s3], $0x4000  }
0x3fb: {  	s11 =	rddreg [dreg:$0x5];
	[sflag:s3] =	ssyncset.done $0x0  }
0x3fc: {  	s28 =	simm.s32 $0x4  }
.LBB2_5:
0x3fd: {  	s12 =	rddreg [dreg:$0x6]  }
0x3fe: {  	[sflag:s3] =	ssyncadd.s32 @p1 $0xFFFFC000;
	s0 =	sshrl.u32 s11, $0x3;
	s31 =	simm.s32 $0x8  }
0x3ff: {  	[spmem:s0@s7], [sflag:s24] =	dma.strided [hbm:s12@s18], $0x2000, s31, $0x10   }
0x400: {  	s30 =	simm.s32 @!p0 $0x1C04;
	s11 =	rddreg [dreg:$0x7]  }
0x401: {  	s29 =	simm.s32 @!p0 $0x4;
	s12 =	rddreg [dreg:$0x8];
	s11 =	sshrl.u32 @!p0 s11, $0x3  }
0x402: {  	[spmem:s11], [sflag:s30] =	dma.local @!p0 [hbm:s12], $0x80  }
0x403: {  	_ =	swait.ge @!p0 [sflag:s29], $0x80  }
0x404: {  	[sflag:s29] =	ssyncset.done @!p0 $0x0  }
0x405: {  	s12 =	rddreg [dreg:$0x9];
	[sflag:s29] =	ssyncadd.s32 @!p0 $0xFFFFFF80  }
0x406: {  	[tilespmem:s2], [sflag:$0x4] =	stream.linear.gather [hbm4b:s12+s2], $0x800, $0x38;
	[tilespmem:$0x1C840] =	vst v63  }
0x407: {  	_ =	swait.ge [sflag:s28], $0x800  }
0x408: {  	[sflag:s28] =	ssyncset.done $0x0  }
0x409: {  	[sflag:s28] =	ssyncadd.s32 $0xFFFFF800  }
0x40a: {  	_ =	swait.ge [sflag:s25], $0x2000  }
0x40b: {  	[sflag:s25] =	ssyncset.done $0x0  }
0x40c: {  	[sflag:s25] =	ssyncadd.s32 $0xFFFFE000  }
0x40d: {  	[bflag:$0x0] =	sbarrier.arrive $0xFFFF  }
0x40e: {  	[tilespmem:s10], [sflag:$0x1] =	stream.indirect.gather [spmem:s1], $0x80, s2, s7, $0xb8;
	[tilespmem:$0x1C840] =	vst v63  }
0x40f: {  	_ = 	snop  }
0x410: {  	[tilespmem:s8], [sflag:$0x1] =	stream.indirect.gather [spmem:s1], $0x80, s7, s7, $0xb8;
	[tilespmem:$0x1C840] =	vst v63  }
0x411: {  	_ =	swait.ge [sflag:s4], $0x4000  }
0x412: {  	[sflag:s4] =	ssyncset.done $0x0  }
0x413: {  	s2 =	rddreg [dreg:$0xa];
	[sflag:s4] =	ssyncadd.s32 $0xFFFFC000  }
0x414: {  	[hbm4b:s2+s5] =	stream.strided.scatter [tilespmem:s10], [sflag:$0x2], $0x4000, s6, s5, $0x38;
	[tilespmem:$0x1C840] =	vst v63  }
0x415: {  	_ = 	snop  }
0x416: {  	[tilespmem:s9], [sflag:$0x1] =	stream.indirect.gather [spmem:s1], $0x80, s26, s7, $0xb8;
	[tilespmem:$0x1C840] =	vst v63  }
0x417: {  	_ =	swait.ge [sflag:s4], $0x4000  }
0x418: {  	[sflag:s4] =	ssyncset.done $0x0  }
0x419: {  	s28 =	rddreg [dreg:$0xb];
	[sflag:s4] =	ssyncadd.s32 $0xFFFFC000  }
0x41a: {  	[hbm4b:s28+s5] =	stream.strided.scatter [tilespmem:s8], [sflag:$0x2], $0x4000, s6, s5, $0x38;
	[tilespmem:$0x1C840] =	vst v63  }
0x41b: {  	_ =	swait.ge [sflag:s3], $0x4000  }
0x41c: {  	[sflag:s3] =	ssyncset.done $0x0  }
0x41d: {  	[sflag:s3] =	ssyncadd.s32 $0xFFFFC000  }
0x41e: {  	[tilespmem:s10], [sflag:$0x1] =	stream.indirect.gather [spmem:s1], $0x80, s23, s7, $0xb8;
	[tilespmem:$0x1C840] =	vst v63  }
0x41f: {  	_ =	swait.ge [sflag:s4], $0x4000  }
0x420: {  	[sflag:s4] =	ssyncset.done $0x0  }
0x421: {  	s2 =	rddreg [dreg:$0xc];
	[sflag:s4] =	ssyncadd.s32 $0xFFFFC000  }
0x422: {  	[hbm4b:s2+s5] =	stream.strided.scatter [tilespmem:s9], [sflag:$0x2], $0x4000, s6, s5, $0x38;
	[tilespmem:$0x1C840] =	vst v63  }
0x423: {  	_ =	swait.ge [sflag:s3], $0x4000  }
0x424: {  	[sflag:s3] =	ssyncset.done $0x0  }
0x425: {  	[sflag:s3] =	ssyncadd.s32 $0xFFFFC000  }
0x426: {  	[tilespmem:s8], [sflag:$0x1] =	stream.indirect.gather [spmem:s1], $0x80, s22, s7, $0xb8;
	[tilespmem:$0x1C840] =	vst v63  }
0x427: {  	_ =	swait.ge [sflag:s4], $0x4000  }
0x428: {  	[sflag:s4] =	ssyncset.done $0x0  }
0x429: {  	s22 =	rddreg [dreg:$0xd];
	[sflag:s4] =	ssyncadd.s32 $0xFFFFC000  }
0x42a: {  	[hbm4b:s22+s5] =	stream.strided.scatter [tilespmem:s10], [sflag:$0x2], $0x4000, s6, s5, $0x38;
	[tilespmem:$0x1C840] =	vst v63  }
0x42b: {  	_ =	swait.ge [sflag:s3], $0x4000  }
0x42c: {  	[sflag:s3] =	ssyncset.done $0x0  }
0x42d: {  	[sflag:s3] =	ssyncadd.s32 $0xFFFFC000  }
0x42e: {  	[tilespmem:s9], [sflag:$0x1] =	stream.indirect.gather [spmem:s1], $0x80, s21, s7, $0xb8;
	[tilespmem:$0x1C840] =	vst v63  }
0x42f: {  	_ =	swait.ge [sflag:s4], $0x4000  }
0x430: {  	[sflag:s4] =	ssyncset.done $0x0  }
0x431: {  	s23 =	rddreg [dreg:$0xe];
	[sflag:s4] =	ssyncadd.s32 $0xFFFFC000  }
0x432: {  	[hbm4b:s23+s5] =	stream.strided.scatter [tilespmem:s8], [sflag:$0x2], $0x4000, s6, s5, $0x38;
	[tilespmem:$0x1C840] =	vst v63  }
0x433: {  	_ =	swait.ge [sflag:s3], $0x4000  }
0x434: {  	[sflag:s3] =	ssyncset.done $0x0  }
0x435: {  	[sflag:s3] =	ssyncadd.s32 $0xFFFFC000  }
0x436: {  	[tilespmem:s10], [sflag:$0x1] =	stream.indirect.gather [spmem:s1], $0x80, s18, s7, $0xb8;
	[tilespmem:$0x1C840] =	vst v63  }
0x437: {  	_ =	swait.ge [sflag:s4], $0x4000  }
0x438: {  	[sflag:s4] =	ssyncset.done $0x0  }
0x439: {  	s26 =	rddreg [dreg:$0xf];
	[sflag:s4] =	ssyncadd.s32 $0xFFFFC000  }
0x43a: {  	[hbm4b:s26+s5] =	stream.strided.scatter [tilespmem:s9], [sflag:$0x2], $0x4000, s6, s5, $0x38;
	[tilespmem:$0x1C840] =	vst v63  }
0x43b: {  	_ =	swait.ge [sflag:s3], $0x4000  }
0x43c: {  	[sflag:s3] =	ssyncset.done $0x0  }
0x43d: {  	[sflag:s3] =	ssyncadd.s32 $0xFFFFC000  }
0x43e: {  	[tilespmem:s8], [sflag:$0x1] =	stream.indirect.gather [spmem:s1], $0x80, s20, s7, $0xb8;
	[tilespmem:$0x1C840] =	vst v63  }
0x43f: {  	_ =	swait.ge [sflag:s4], $0x4000  }
0x440: {  	[sflag:s4] =	ssyncset.done $0x0  }
0x441: {  	s28 =	rddreg [dreg:$0x10];
	[sflag:s4] =	ssyncadd.s32 $0xFFFFC000  }
0x442: {  	[hbm4b:s28+s5] =	stream.strided.scatter [tilespmem:s10], [sflag:$0x2], $0x4000, s6, s5, $0x38;
	[tilespmem:$0x1C840] =	vst v63  }
0x443: {  	_ =	swait.ge [sflag:s3], $0x4000  }
0x444: {  	[sflag:s3] =	ssyncset.done $0x0  }
0x445: {  	[sflag:s3] =	ssyncadd.s32 $0xFFFFC000  }
0x446: {  	[tilespmem:s9], [sflag:$0x1] =	stream.indirect.gather [spmem:s1], $0x80, s5, s7, $0xb8;
	[tilespmem:$0x1C840] =	vst v63  }
0x447: {  	_ =	swait.ge [sflag:s4], $0x4000  }
0x448: {  	[sflag:s4] =	ssyncset.done $0x0  }
0x449: {  	s2 =	rddreg [dreg:$0x11];
	[sflag:s4] =	ssyncadd.s32 $0xFFFFC000  }
0x44a: {  	[hbm4b:s2+s5] =	stream.strided.scatter [tilespmem:s8], [sflag:$0x2], $0x4000, s6, s5, $0x38;
	[tilespmem:$0x1C840] =	vst v63  }
0x44b: {  	_ =	swait.ge [sflag:s3], $0x4000  }
0x44c: {  	[sflag:s3] =	ssyncset.done $0x0  }
0x44d: {  	[sflag:s3] =	ssyncadd.s32 $0xFFFFC000  }
0x44e: {  	[tilespmem:s10], [sflag:$0x1] =	stream.indirect.gather [spmem:s1], $0x80, s19, s7, $0xb8;
	[tilespmem:$0x1C840] =	vst v63  }
0x44f: {  	_ =	swait.ge [sflag:s4], $0x4000  }
0x450: {  	[sflag:s4] =	ssyncset.done $0x0  }
0x451: {  	s20 =	rddreg [dreg:$0x12];
	[sflag:s4] =	ssyncadd.s32 $0xFFFFC000  }
0x452: {  	[hbm4b:s20+s5] =	stream.strided.scatter [tilespmem:s9], [sflag:$0x2], $0x4000, s6, s5, $0x38;
	[tilespmem:$0x1C840] =	vst v63  }
0x453: {  	_ =	swait.ge [sflag:s3], $0x4000  }
0x454: {  	[sflag:s3] =	ssyncset.done $0x0  }
0x455: {  	[sflag:s3] =	ssyncadd.s32 $0xFFFFC000  }
0x456: {  	[tilespmem:s8], [sflag:$0x1] =	stream.indirect.gather [spmem:s1], $0x80, s17, s7, $0xb8;
	[tilespmem:$0x1C840] =	vst v63  }
0x457: {  	_ =	swait.ge [sflag:s4], $0x4000  }
0x458: {  	[sflag:s4] =	ssyncset.done $0x0  }
0x459: {  	s21 =	rddreg [dreg:$0x13];
	[sflag:s4] =	ssyncadd.s32 $0xFFFFC000  }
0x45a: {  	[hbm4b:s21+s5] =	stream.strided.scatter [tilespmem:s10], [sflag:$0x2], $0x4000, s6, s5, $0x38;
	[tilespmem:$0x1C840] =	vst v63  }
0x45b: {  	_ =	swait.ge [sflag:s3], $0x4000  }
0x45c: {  	[sflag:s3] =	ssyncset.done $0x0  }
0x45d: {  	[sflag:s3] =	ssyncadd.s32 $0xFFFFC000  }
0x45e: {  	[tilespmem:s9], [sflag:$0x1] =	stream.indirect.gather [spmem:s1], $0x80, s16, s7, $0xb8;
	[tilespmem:$0x1C840] =	vst v63  }
0x45f: {  	_ =	swait.ge [sflag:s4], $0x4000  }
0x460: {  	[sflag:s4] =	ssyncset.done $0x0  }
0x461: {  	s22 =	rddreg [dreg:$0x14];
	[sflag:s4] =	ssyncadd.s32 $0xFFFFC000  }
0x462: {  	[hbm4b:s22+s5] =	stream.strided.scatter [tilespmem:s8], [sflag:$0x2], $0x4000, s6, s5, $0x38;
	[tilespmem:$0x1C840] =	vst v63  }
0x463: {  	_ =	swait.ge [sflag:s3], $0x4000  }
0x464: {  	[sflag:s3] =	ssyncset.done $0x0  }
0x465: {  	[sflag:s3] =	ssyncadd.s32 $0xFFFFC000  }
0x466: {  	[tilespmem:s10], [sflag:$0x1] =	stream.indirect.gather [spmem:s1], $0x80, s15, s7, $0xb8;
	[tilespmem:$0x1C840] =	vst v63  }
0x467: {  	_ =	swait.ge [sflag:s4], $0x4000  }
0x468: {  	[sflag:s4] =	ssyncset.done $0x0  }
0x469: {  	s23 =	rddreg [dreg:$0x15];
	[sflag:s4] =	ssyncadd.s32 $0xFFFFC000  }
0x46a: {  	[hbm4b:s23+s5] =	stream.strided.scatter [tilespmem:s9], [sflag:$0x2], $0x4000, s6, s5, $0x38;
	[tilespmem:$0x1C840] =	vst v63  }
0x46b: {  	_ =	swait.ge [sflag:s3], $0x4000  }
0x46c: {  	[sflag:s3] =	ssyncset.done $0x0  }
0x46d: {  	[sflag:s3] =	ssyncadd.s32 $0xFFFFC000  }
0x46e: {  	[tilespmem:s8], [sflag:$0x1] =	stream.indirect.gather [spmem:s1], $0x80, s14, s7, $0xb8;
	[tilespmem:$0x1C840] =	vst v63  }
0x46f: {  	_ =	swait.ge [sflag:s4], $0x4000  }
0x470: {  	[sflag:s4] =	ssyncset.done $0x0  }
0x471: {  	s26 =	rddreg [dreg:$0x16];
	[sflag:s4] =	ssyncadd.s32 $0xFFFFC000  }
0x472: {  	[hbm4b:s26+s5] =	stream.strided.scatter [tilespmem:s10], [sflag:$0x2], $0x4000, s6, s5, $0x38;
	[tilespmem:$0x1C840] =	vst v63  }
0x473: {  	_ =	swait.ge [sflag:s3], $0x4000  }
0x474: {  	[sflag:s3] =	ssyncset.done $0x0  }
0x475: {  	[sflag:s3] =	ssyncadd.s32 $0xFFFFC000  }
0x476: {  	[tilespmem:s9], [sflag:$0x1] =	stream.indirect.gather [spmem:s1], $0x80, s13, s7, $0xb8;
	[tilespmem:$0x1C840] =	vst v63  }
0x477: {  	_ =	swait.ge [sflag:s4], $0x4000  }
0x478: {  	[sflag:s4] =	ssyncset.done $0x0  }
0x479: {  	s28 =	rddreg [dreg:$0x17];
	[sflag:s4] =	ssyncadd.s32 $0xFFFFC000  }
0x47a: {  	[hbm4b:s28+s5] =	stream.strided.scatter [tilespmem:s8], [sflag:$0x2], $0x4000, s6, s5, $0x38;
	[tilespmem:$0x1C840] =	vst v63  }
0x47b: {  	_ =	swait.ge [sflag:s3], $0x4000  }
0x47c: {  	[sflag:s3] =	ssyncset.done $0x0  }
0x47d: {  	s13 =	simm.s32 $0x780;
	[sflag:s3] =	ssyncadd.s32 $0xFFFFC000  }
0x47e: {  	[tilespmem:s10], [sflag:$0x1] =	stream.indirect.gather [spmem:s1], $0x80, s13, s7, $0xb8;
	[tilespmem:$0x1C840] =	vst v63  }
0x47f: {  	_ =	swait.ge [sflag:s4], $0x4000  }
0x480: {  	[sflag:s4] =	ssyncset.done $0x0  }
0x481: {  	s12 =	rddreg [dreg:$0x18];
	[sflag:s4] =	ssyncadd.s32 $0xFFFFC000  }
0x482: {  	[hbm4b:s12+s5] =	stream.strided.scatter [tilespmem:s9], [sflag:$0x2], $0x4000, s6, s5, $0x38;
	[tilespmem:$0x1C840] =	vst v63  }
0x483: {  	_ =	swait.ge [sflag:s4], $0x4000  }
0x484: {  	[sflag:s4] =	ssyncset.done $0x0  }
0x485: {  	s12 =	rddreg [dreg:$0x19];
	[sflag:s4] =	ssyncadd.s32 $0xFFFFC000  }
0x486: {  	[hbm4b:s12+s5] =	stream.strided.scatter [tilespmem:s10], [sflag:$0x2], $0x4000, s6, s5, $0x38;
	[tilespmem:$0x1C840] =	vst v63  }
0x487: {  	[bflag:$0x0] =	sbarrier.arrive $0xFFFF  }
0x488: {  	s12 =	rddreg [dreg:$0x1a]  }
0x489: {  	[spmem:s0@s7], [sflag:s24] =	dma.strided [hbm:s12@s18], $0x2000, s31, $0x10   }
0x48a: {  	s12 =	rddreg [dreg:$0x1b]  }
0x48b: {  	[spmem:s11], [sflag:s30] =	dma.local @!p0 [hbm:s12], $0x80  }
0x48c: {  	_ =	swait.ge @!p0 [sflag:s29], $0x80  }
0x48d: {  	[sflag:s29] =	ssyncset.done @!p0 $0x0  }
0x48e: {  	[sflag:s29] =	ssyncadd.s32 @!p0 $0xFFFFFF80  }
0x48f: {  	_ =	swait.ge [sflag:s25], $0x2000  }
0x490: {  	[sflag:s25] =	ssyncset.done $0x0  }
0x491: {  	[sflag:s25] =	ssyncadd.s32 $0xFFFFE000  }
0x492: {  	[bflag:$0x0] =	sbarrier.arrive $0xFFFF  }
0x493: {  	_ =	swait.ge [sflag:s3], $0x4000  }
0x494: {  	[sflag:s3] =	ssyncset.done $0x0  }
0x495: {  	s28 =	simm.s32 $0x0;
	[sflag:s3] =	ssyncadd.s32 $0xFFFFC000  }
0x496: {  	[tilespmem:s8], [sflag:$0x1] =	stream.indirect.gather [spmem:s1], $0x80, s28, s7, $0xb8;
	[tilespmem:$0x1C840] =	vst v63  }
0x497: {  	_ =	swait.ge [sflag:s3], $0x4000  }
0x498: {  	[sflag:s3] =	ssyncset.done $0x0  }
0x499: {  	[sflag:s3] =	ssyncadd.s32 $0xFFFFC000  }
0x49a: {  	[tilespmem:s9], [sflag:$0x1] =	stream.indirect.gather [spmem:s1], $0x80, s7, s7, $0xb8;
	[tilespmem:$0x1C840] =	vst v63  }
0x49b: {  	_ =	swait.ge [sflag:s4], $0x4000  }
0x49c: {  	[sflag:s4] =	ssyncset.done $0x0  }
0x49d: {  	s12 =	rddreg [dreg:$0x1c];
	[sflag:s4] =	ssyncadd.s32 $0xFFFFC000  }
0x49e: {  	[hbm4b:s12+s5] =	stream.strided.scatter [tilespmem:s8], [sflag:$0x2], $0x4000, s6, s5, $0x38;
	[tilespmem:$0x1C840] =	vst v63  }
0x49f: {  	_ =	swait.ge [sflag:s3], $0x4000  }
0x4a0: {  	[sflag:s3] =	ssyncset.done $0x0  }
0x4a1: {  	s2 =	simm.s32 $0x100;
	[sflag:s3] =	ssyncadd.s32 $0xFFFFC000  }
0x4a2: {  	[tilespmem:s10], [sflag:$0x1] =	stream.indirect.gather [spmem:s1], $0x80, s2, s7, $0xb8;
	[tilespmem:$0x1C840] =	vst v63  }
0x4a3: {  	_ =	swait.ge [sflag:s4], $0x4000  }
0x4a4: {  	[sflag:s4] =	ssyncset.done $0x0  }
0x4a5: {  	s12 =	rddreg [dreg:$0x1d];
	[sflag:s4] =	ssyncadd.s32 $0xFFFFC000  }
0x4a6: {  	[hbm4b:s12+s5] =	stream.strided.scatter [tilespmem:s9], [sflag:$0x2], $0x4000, s6, s5, $0x38;
	[tilespmem:$0x1C840] =	vst v63  }
0x4a7: {  	_ =	swait.ge [sflag:s3], $0x4000  }
0x4a8: {  	[sflag:s3] =	ssyncset.done $0x0  }
0x4a9: {  	s26 =	simm.s32 $0x180;
	[sflag:s3] =	ssyncadd.s32 $0xFFFFC000  }
0x4aa: {  	[tilespmem:s8], [sflag:$0x1] =	stream.indirect.gather [spmem:s1], $0x80, s26, s7, $0xb8;
	[tilespmem:$0x1C840] =	vst v63  }
0x4ab: {  	_ =	swait.ge [sflag:s4], $0x4000  }
0x4ac: {  	[sflag:s4] =	ssyncset.done $0x0  }
0x4ad: {  	s12 =	rddreg [dreg:$0x1e];
	[sflag:s4] =	ssyncadd.s32 $0xFFFFC000  }
0x4ae: {  	[hbm4b:s12+s5] =	stream.strided.scatter [tilespmem:s10], [sflag:$0x2], $0x4000, s6, s5, $0x38;
	[tilespmem:$0x1C840] =	vst v63  }
0x4af: {  	_ =	swait.ge [sflag:s3], $0x4000  }
0x4b0: {  	[sflag:s3] =	ssyncset.done $0x0  }
0x4b1: {  	s23 =	simm.s32 $0x200;
	[sflag:s3] =	ssyncadd.s32 $0xFFFFC000  }
0x4b2: {  	[tilespmem:s9], [sflag:$0x1] =	stream.indirect.gather [spmem:s1], $0x80, s23, s7, $0xb8;
	[tilespmem:$0x1C840] =	vst v63  }
0x4b3: {  	_ =	swait.ge [sflag:s4], $0x4000  }
0x4b4: {  	[sflag:s4] =	ssyncset.done $0x0  }
0x4b5: {  	s12 =	rddreg [dreg:$0x1f];
	[sflag:s4] =	ssyncadd.s32 $0xFFFFC000  }
0x4b6: {  	[hbm4b:s12+s5] =	stream.strided.scatter [tilespmem:s8], [sflag:$0x2], $0x4000, s6, s5, $0x38;
	[tilespmem:$0x1C840] =	vst v63  }
0x4b7: {  	_ =	swait.ge [sflag:s3], $0x4000  }
0x4b8: {  	[sflag:s3] =	ssyncset.done $0x0  }
0x4b9: {  	s22 =	simm.s32 $0x280;
	[sflag:s3] =	ssyncadd.s32 $0xFFFFC000  }
0x4ba: {  	[tilespmem:s10], [sflag:$0x1] =	stream.indirect.gather [spmem:s1], $0x80, s22, s7, $0xb8;
	[tilespmem:$0x1C840] =	vst v63  }
0x4bb: {  	_ =	swait.ge [sflag:s4], $0x4000  }
0x4bc: {  	s12 =	sld [smem:$0x7E0]  }
0x4bd: {  	[sflag:s4] =	ssyncset.done $0x0  }
0x4be: {  	[sflag:s4] =	ssyncadd.s32 $0xFFFFC000  }
0x4bf: {  	[hbm4b:s12+s5] =	stream.strided.scatter [tilespmem:s9], [sflag:$0x2], $0x4000, s6, s5, $0x38;
	[tilespmem:$0x1C840] =	vst v63  }
0x4c0: {  	_ =	swait.ge [sflag:s3], $0x4000  }
0x4c1: {  	[sflag:s3] =	ssyncset.done $0x0  }
0x4c2: {  	[sflag:s3] =	ssyncadd.s32 $0xFFFFC000  }
0x4c3: {  	[tilespmem:s8], [sflag:$0x1] =	stream.indirect.gather [spmem:s1], $0x80, s18, s7, $0xb8;
	[tilespmem:$0x1C840] =	vst v63  }
0x4c4: {  	_ =	swait.ge [sflag:s4], $0x4000  }
0x4c5: {  	s12 =	sld [smem:$0x7E1]  }
0x4c6: {  	[sflag:s4] =	ssyncset.done $0x0  }
0x4c7: {  	[sflag:s4] =	ssyncadd.s32 $0xFFFFC000  }
0x4c8: {  	[hbm4b:s12+s5] =	stream.strided.scatter [tilespmem:s10], [sflag:$0x2], $0x4000, s6, s5, $0x38;
	[tilespmem:$0x1C840] =	vst v63  }
0x4c9: {  	_ =	swait.ge [sflag:s3], $0x4000  }
0x4ca: {  	[sflag:s3] =	ssyncset.done $0x0  }
0x4cb: {  	s21 =	simm.s32 $0x380;
	[sflag:s3] =	ssyncadd.s32 $0xFFFFC000  }
0x4cc: {  	[tilespmem:s9], [sflag:$0x1] =	stream.indirect.gather [spmem:s1], $0x80, s21, s7, $0xb8;
	[tilespmem:$0x1C840] =	vst v63  }
0x4cd: {  	_ =	swait.ge [sflag:s4], $0x4000  }
0x4ce: {  	s12 =	sld [smem:$0x7E2]  }
0x4cf: {  	[sflag:s4] =	ssyncset.done $0x0  }
0x4d0: {  	[sflag:s4] =	ssyncadd.s32 $0xFFFFC000  }
0x4d1: {  	[hbm4b:s12+s5] =	stream.strided.scatter [tilespmem:s8], [sflag:$0x2], $0x4000, s6, s5, $0x38;
	[tilespmem:$0x1C840] =	vst v63  }
0x4d2: {  	_ =	swait.ge [sflag:s3], $0x4000  }
0x4d3: {  	[sflag:s3] =	ssyncset.done $0x0  }
0x4d4: {  	[sflag:s3] =	ssyncadd.s32 $0xFFFFC000  }
0x4d5: {  	[tilespmem:s10], [sflag:$0x1] =	stream.indirect.gather [spmem:s1], $0x80, s5, s7, $0xb8;
	[tilespmem:$0x1C840] =	vst v63  }
0x4d6: {  	_ =	swait.ge [sflag:s4], $0x4000  }
0x4d7: {  	s12 =	sld [smem:$0x7E3]  }
0x4d8: {  	[sflag:s4] =	ssyncset.done $0x0  }
0x4d9: {  	[sflag:s4] =	ssyncadd.s32 $0xFFFFC000  }
0x4da: {  	[hbm4b:s12+s5] =	stream.strided.scatter [tilespmem:s9], [sflag:$0x2], $0x4000, s6, s5, $0x38;
	[tilespmem:$0x1C840] =	vst v63  }
0x4db: {  	_ =	swait.ge [sflag:s3], $0x4000  }
0x4dc: {  	[sflag:s3] =	ssyncset.done $0x0  }
0x4dd: {  	s20 =	simm.s32 $0x480;
	[sflag:s3] =	ssyncadd.s32 $0xFFFFC000  }
0x4de: {  	[tilespmem:s8], [sflag:$0x1] =	stream.indirect.gather [spmem:s1], $0x80, s20, s7, $0xb8;
	[tilespmem:$0x1C840] =	vst v63  }
0x4df: {  	_ =	swait.ge [sflag:s4], $0x4000  }
0x4e0: {  	s12 =	sld [smem:$0x7E4]  }
0x4e1: {  	[sflag:s4] =	ssyncset.done $0x0  }
0x4e2: {  	[sflag:s4] =	ssyncadd.s32 $0xFFFFC000  }
0x4e3: {  	[hbm4b:s12+s5] =	stream.strided.scatter [tilespmem:s10], [sflag:$0x2], $0x4000, s6, s5, $0x38;
	[tilespmem:$0x1C840] =	vst v63  }
0x4e4: {  	_ =	swait.ge [sflag:s3], $0x4000  }
0x4e5: {  	[sflag:s3] =	ssyncset.done $0x0  }
0x4e6: {  	s19 =	simm.s32 $0x500;
	[sflag:s3] =	ssyncadd.s32 $0xFFFFC000  }
0x4e7: {  	[tilespmem:s9], [sflag:$0x1] =	stream.indirect.gather [spmem:s1], $0x80, s19, s7, $0xb8;
	[tilespmem:$0x1C840] =	vst v63  }
0x4e8: {  	_ =	swait.ge [sflag:s4], $0x4000  }
0x4e9: {  	s12 =	sld [smem:$0x7E5]  }
0x4ea: {  	[sflag:s4] =	ssyncset.done $0x0  }
0x4eb: {  	[sflag:s4] =	ssyncadd.s32 $0xFFFFC000  }
0x4ec: {  	[hbm4b:s12+s5] =	stream.strided.scatter [tilespmem:s8], [sflag:$0x2], $0x4000, s6, s5, $0x38;
	[tilespmem:$0x1C840] =	vst v63  }
0x4ed: {  	_ =	swait.ge [sflag:s3], $0x4000  }
0x4ee: {  	[sflag:s3] =	ssyncset.done $0x0  }
0x4ef: {  	s17 =	simm.s32 $0x580;
	[sflag:s3] =	ssyncadd.s32 $0xFFFFC000  }
0x4f0: {  	[tilespmem:s10], [sflag:$0x1] =	stream.indirect.gather [spmem:s1], $0x80, s17, s7, $0xb8;
	[tilespmem:$0x1C840] =	vst v63  }
0x4f1: {  	_ =	swait.ge [sflag:s4], $0x4000  }
0x4f2: {  	s12 =	sld [smem:$0x7E6]  }
0x4f3: {  	[sflag:s4] =	ssyncset.done $0x0  }
0x4f4: {  	[sflag:s4] =	ssyncadd.s32 $0xFFFFC000  }
0x4f5: {  	[hbm4b:s12+s5] =	stream.strided.scatter [tilespmem:s9], [sflag:$0x2], $0x4000, s6, s5, $0x38;
	[tilespmem:$0x1C840] =	vst v63  }
0x4f6: {  	_ =	swait.ge [sflag:s3], $0x4000  }
0x4f7: {  	[sflag:s3] =	ssyncset.done $0x0  }
0x4f8: {  	s16 =	simm.s32 $0x600;
	[sflag:s3] =	ssyncadd.s32 $0xFFFFC000  }
0x4f9: {  	[tilespmem:s8], [sflag:$0x1] =	stream.indirect.gather [spmem:s1], $0x80, s16, s7, $0xb8;
	[tilespmem:$0x1C840] =	vst v63  }
0x4fa: {  	_ =	swait.ge [sflag:s4], $0x4000  }
0x4fb: {  	s12 =	sld [smem:$0x7E7]  }
0x4fc: {  	[sflag:s4] =	ssyncset.done $0x0  }
0x4fd: {  	[sflag:s4] =	ssyncadd.s32 $0xFFFFC000  }
0x4fe: {  	[hbm4b:s12+s5] =	stream.strided.scatter [tilespmem:s10], [sflag:$0x2], $0x4000, s6, s5, $0x38;
	[tilespmem:$0x1C840] =	vst v63  }
0x4ff: {  	_ =	swait.ge [sflag:s3], $0x4000  }
0x500: {  	[sflag:s3] =	ssyncset.done $0x0  }
0x501: {  	s15 =	simm.s32 $0x680;
	[sflag:s3] =	ssyncadd.s32 $0xFFFFC000  }
0x502: {  	[tilespmem:s9], [sflag:$0x1] =	stream.indirect.gather [spmem:s1], $0x80, s15, s7, $0xb8;
	[tilespmem:$0x1C840] =	vst v63  }
0x503: {  	_ =	swait.ge [sflag:s4], $0x4000  }
0x504: {  	s12 =	sld [smem:$0x7E8]  }
0x505: {  	[sflag:s4] =	ssyncset.done $0x0  }
0x506: {  	[sflag:s4] =	ssyncadd.s32 $0xFFFFC000  }
0x507: {  	[hbm4b:s12+s5] =	stream.strided.scatter [tilespmem:s8], [sflag:$0x2], $0x4000, s6, s5, $0x38;
	[tilespmem:$0x1C840] =	vst v63  }
0x508: {  	_ =	swait.ge [sflag:s3], $0x4000  }
0x509: {  	[sflag:s3] =	ssyncset.done $0x0  }
0x50a: {  	s14 =	simm.s32 $0x700;
	[sflag:s3] =	ssyncadd.s32 $0xFFFFC000  }
0x50b: {  	[tilespmem:s10], [sflag:$0x1] =	stream.indirect.gather [spmem:s1], $0x80, s14, s7, $0xb8;
	[tilespmem:$0x1C840] =	vst v63  }
0x50c: {  	_ =	swait.ge [sflag:s4], $0x4000  }
0x50d: {  	s12 =	sld [smem:$0x7E9]  }
0x50e: {  	[sflag:s4] =	ssyncset.done $0x0  }
0x50f: {  	[sflag:s4] =	ssyncadd.s32 $0xFFFFC000  }
0x510: {  	[hbm4b:s12+s5] =	stream.strided.scatter [tilespmem:s9], [sflag:$0x2], $0x4000, s6, s5, $0x38;
	[tilespmem:$0x1C840] =	vst v63  }
0x511: {  	_ =	swait.ge [sflag:s3], $0x4000  }
0x512: {  	[sflag:s3] =	ssyncset.done $0x0  }
0x513: {  	[sflag:s3] =	ssyncadd.s32 $0xFFFFC000  }
0x514: {  	[tilespmem:s8], [sflag:$0x1] =	stream.indirect.gather [spmem:s1], $0x80, s13, s7, $0xb8;
	[tilespmem:$0x1C840] =	vst v63  }
0x515: {  	_ =	swait.ge [sflag:s4], $0x4000  }
0x516: {  	s12 =	sld [smem:$0x7EA]  }
0x517: {  	[sflag:s4] =	ssyncset.done $0x0  }
0x518: {  	[sflag:s4] =	ssyncadd.s32 $0xFFFFC000  }
0x519: {  	[hbm4b:s12+s5] =	stream.strided.scatter [tilespmem:s10], [sflag:$0x2], $0x4000, s6, s5, $0x38;
	[tilespmem:$0x1C840] =	vst v63  }
0x51a: {  	_ =	swait.ge [sflag:s4], $0x4000  }
0x51b: {  	s12 =	sld [smem:$0x7EB]  }
0x51c: {  	[sflag:s4] =	ssyncset.done $0x0  }
0x51d: {  	[sflag:s4] =	ssyncadd.s32 $0xFFFFC000  }
0x51e: {  	[hbm4b:s12+s5] =	stream.strided.scatter [tilespmem:s8], [sflag:$0x2], $0x4000, s6, s5, $0x38;
	[tilespmem:$0x1C840] =	vst v63  }
0x51f: {  	[bflag:$0x0] =	sbarrier.arrive $0xFFFF  }
0x520: {  	s12 =	sld [smem:$0x7EC];
	_ =	sdelay $0x2  }
0x521: {  	[spmem:s0@s7], [sflag:s24] =	dma.strided [hbm:s12@s18], $0x2000, s31, $0x10   }
0x522: {  	s0 =	sld [smem:$0x7ED];
	_ =	sdelay $0x2  }
0x523: {  	[spmem:s11], [sflag:s30] =	dma.local @!p0 [hbm:s0], $0x80  }
0x524: {  	_ =	swait.ge @!p0 [sflag:s29], $0x80  }
0x525: {  	[sflag:s29] =	ssyncset.done @!p0 $0x0  }
0x526: {  	[sflag:s29] =	ssyncadd.s32 @!p0 $0xFFFFFF80  }
0x527: {  	_ =	swait.ge [sflag:s25], $0x2000  }
0x528: {  	[sflag:s25] =	ssyncset.done $0x0  }
0x529: {  	[sflag:s25] =	ssyncadd.s32 $0xFFFFE000  }
0x52a: {  	[bflag:$0x0] =	sbarrier.arrive $0xFFFF  }
0x52b: {  	_ =	swait.ge [sflag:s3], $0x4000  }
0x52c: {  	[sflag:s3] =	ssyncset.done $0x0  }
0x52d: {  	[sflag:s3] =	ssyncadd.s32 $0xFFFFC000  }
0x52e: {  	[tilespmem:s9], [sflag:$0x1] =	stream.indirect.gather [spmem:s1], $0x80, s28, s7, $0xb8;
	[tilespmem:$0x1C840] =	vst v63  }
0x52f: {  	_ =	swait.ge [sflag:s3], $0x4000  }
0x530: {  	[sflag:s3] =	ssyncset.done $0x0  }
0x531: {  	[sflag:s3] =	ssyncadd.s32 $0xFFFFC000  }
0x532: {  	[tilespmem:s10], [sflag:$0x1] =	stream.indirect.gather [spmem:s1], $0x80, s7, s7, $0xb8;
	[tilespmem:$0x1C840] =	vst v63  }
0x533: {  	_ =	swait.ge [sflag:s4], $0x4000  }
0x534: {  	s30 =	sld [smem:$0x7EE]  }
0x535: {  	[sflag:s4] =	ssyncset.done $0x0  }
0x536: {  	[sflag:s4] =	ssyncadd.s32 $0xFFFFC000  }
0x537: {  	[hbm4b:s30+s5] =	stream.strided.scatter [tilespmem:s9], [sflag:$0x2], $0x4000, s6, s5, $0x38;
	[tilespmem:$0x1C840] =	vst v63  }
0x538: {  	_ =	swait.ge [sflag:s3], $0x4000  }
0x539: {  	[sflag:s3] =	ssyncset.done $0x0  }
0x53a: {  	[sflag:s3] =	ssyncadd.s32 $0xFFFFC000  }
0x53b: {  	[tilespmem:s8], [sflag:$0x1] =	stream.indirect.gather [spmem:s1], $0x80, s2, s7, $0xb8;
	[tilespmem:$0x1C840] =	vst v63  }
0x53c: {  	_ =	swait.ge [sflag:s4], $0x4000  }
0x53d: {  	s31 =	sld [smem:$0x7EF]  }
0x53e: {  	[sflag:s4] =	ssyncset.done $0x0  }
0x53f: {  	[sflag:s4] =	ssyncadd.s32 $0xFFFFC000  }
0x540: {  	[hbm4b:s31+s5] =	stream.strided.scatter [tilespmem:s10], [sflag:$0x2], $0x4000, s6, s5, $0x38;
	[tilespmem:$0x1C840] =	vst v63  }
0x541: {  	_ =	swait.ge [sflag:s3], $0x4000  }
0x542: {  	[sflag:s3] =	ssyncset.done $0x0  }
0x543: {  	[sflag:s3] =	ssyncadd.s32 $0xFFFFC000  }
0x544: {  	[tilespmem:s9], [sflag:$0x1] =	stream.indirect.gather [spmem:s1], $0x80, s26, s7, $0xb8;
	[tilespmem:$0x1C840] =	vst v63  }
0x545: {  	_ =	swait.ge [sflag:s4], $0x4000  }
0x546: {  	s2 =	sld [smem:$0x7F0]  }
0x547: {  	[sflag:s4] =	ssyncset.done $0x0  }
0x548: {  	[sflag:s4] =	ssyncadd.s32 $0xFFFFC000  }
0x549: {  	[hbm4b:s2+s5] =	stream.strided.scatter [tilespmem:s8], [sflag:$0x2], $0x4000, s6, s5, $0x38;
	[tilespmem:$0x1C840] =	vst v63  }
0x54a: {  	_ =	swait.ge [sflag:s3], $0x4000  }
0x54b: {  	[sflag:s3] =	ssyncset.done $0x0  }
0x54c: {  	[sflag:s3] =	ssyncadd.s32 $0xFFFFC000  }
0x54d: {  	[tilespmem:s10], [sflag:$0x1] =	stream.indirect.gather [spmem:s1], $0x80, s23, s7, $0xb8;
	[tilespmem:$0x1C840] =	vst v63  }
0x54e: {  	_ =	swait.ge [sflag:s4], $0x4000  }
0x54f: {  	s11 =	sld [smem:$0x7F1]  }
0x550: {  	[sflag:s4] =	ssyncset.done $0x0  }
0x551: {  	[sflag:s4] =	ssyncadd.s32 $0xFFFFC000  }
0x552: {  	[hbm4b:s11+s5] =	stream.strided.scatter [tilespmem:s9], [sflag:$0x2], $0x4000, s6, s5, $0x38;
	[tilespmem:$0x1C840] =	vst v63  }
0x553: {  	_ =	swait.ge [sflag:s3], $0x4000  }
0x554: {  	[sflag:s3] =	ssyncset.done $0x0  }
0x555: {  	[sflag:s3] =	ssyncadd.s32 $0xFFFFC000  }
0x556: {  	[tilespmem:s8], [sflag:$0x1] =	stream.indirect.gather [spmem:s1], $0x80, s22, s7, $0xb8;
	[tilespmem:$0x1C840] =	vst v63  }
0x557: {  	_ =	swait.ge [sflag:s4], $0x4000  }
0x558: {  	s12 =	sld [smem:$0x7F2]  }
0x559: {  	[sflag:s4] =	ssyncset.done $0x0  }
0x55a: {  	[sflag:s4] =	ssyncadd.s32 $0xFFFFC000  }
0x55b: {  	[hbm4b:s12+s5] =	stream.strided.scatter [tilespmem:s10], [sflag:$0x2], $0x4000, s6, s5, $0x38;
	[tilespmem:$0x1C840] =	vst v63  }
0x55c: {  	_ =	swait.ge [sflag:s3], $0x4000  }
0x55d: {  	[sflag:s3] =	ssyncset.done $0x0  }
0x55e: {  	[sflag:s3] =	ssyncadd.s32 $0xFFFFC000  }
0x55f: {  	[tilespmem:s9], [sflag:$0x1] =	stream.indirect.gather [spmem:s1], $0x80, s18, s7, $0xb8;
	[tilespmem:$0x1C840] =	vst v63  }
0x560: {  	_ =	swait.ge [sflag:s4], $0x4000  }
0x561: {  	s18 =	sld [smem:$0x7F3]  }
0x562: {  	[sflag:s4] =	ssyncset.done $0x0  }
0x563: {  	[sflag:s4] =	ssyncadd.s32 $0xFFFFC000  }
0x564: {  	[hbm4b:s18+s5] =	stream.strided.scatter [tilespmem:s8], [sflag:$0x2], $0x4000, s6, s5, $0x38;
	[tilespmem:$0x1C840] =	vst v63  }
0x565: {  	_ =	swait.ge [sflag:s3], $0x4000  }
0x566: {  	[sflag:s3] =	ssyncset.done $0x0  }
0x567: {  	[sflag:s3] =	ssyncadd.s32 $0xFFFFC000  }
0x568: {  	[tilespmem:s10], [sflag:$0x1] =	stream.indirect.gather [spmem:s1], $0x80, s21, s7, $0xb8;
	[tilespmem:$0x1C840] =	vst v63  }
0x569: {  	_ =	swait.ge [sflag:s4], $0x4000  }
0x56a: {  	s21 =	sld [smem:$0x7F4]  }
0x56b: {  	[sflag:s4] =	ssyncset.done $0x0  }
0x56c: {  	[sflag:s4] =	ssyncadd.s32 $0xFFFFC000  }
0x56d: {  	[hbm4b:s21+s5] =	stream.strided.scatter [tilespmem:s9], [sflag:$0x2], $0x4000, s6, s5, $0x38;
	[tilespmem:$0x1C840] =	vst v63  }
0x56e: {  	_ =	swait.ge [sflag:s3], $0x4000  }
0x56f: {  	[sflag:s3] =	ssyncset.done $0x0  }
0x570: {  	[sflag:s3] =	ssyncadd.s32 $0xFFFFC000  }
0x571: {  	[tilespmem:s8], [sflag:$0x1] =	stream.indirect.gather [spmem:s1], $0x80, s5, s7, $0xb8;
	[tilespmem:$0x1C840] =	vst v63  }
0x572: {  	_ =	swait.ge [sflag:s4], $0x4000  }
0x573: {  	s22 =	sld [smem:$0x7F5]  }
0x574: {  	[sflag:s4] =	ssyncset.done $0x0  }
0x575: {  	[sflag:s4] =	ssyncadd.s32 $0xFFFFC000  }
0x576: {  	[hbm4b:s22+s5] =	stream.strided.scatter [tilespmem:s10], [sflag:$0x2], $0x4000, s6, s5, $0x38;
	[tilespmem:$0x1C840] =	vst v63  }
0x577: {  	_ =	swait.ge [sflag:s3], $0x4000  }
0x578: {  	[sflag:s3] =	ssyncset.done $0x0  }
0x579: {  	[sflag:s3] =	ssyncadd.s32 $0xFFFFC000  }
0x57a: {  	[tilespmem:s9], [sflag:$0x1] =	stream.indirect.gather [spmem:s1], $0x80, s20, s7, $0xb8;
	[tilespmem:$0x1C840] =	vst v63  }
0x57b: {  	_ =	swait.ge [sflag:s4], $0x4000  }
0x57c: {  	s23 =	sld [smem:$0x7F6]  }
0x57d: {  	[sflag:s4] =	ssyncset.done $0x0  }
0x57e: {  	[sflag:s4] =	ssyncadd.s32 $0xFFFFC000  }
0x57f: {  	[hbm4b:s23+s5] =	stream.strided.scatter [tilespmem:s8], [sflag:$0x2], $0x4000, s6, s5, $0x38;
	[tilespmem:$0x1C840] =	vst v63  }
0x580: {  	_ =	swait.ge [sflag:s3], $0x4000  }
0x581: {  	[sflag:s3] =	ssyncset.done $0x0  }
0x582: {  	[sflag:s3] =	ssyncadd.s32 $0xFFFFC000  }
0x583: {  	[tilespmem:s10], [sflag:$0x1] =	stream.indirect.gather [spmem:s1], $0x80, s19, s7, $0xb8;
	[tilespmem:$0x1C840] =	vst v63  }
0x584: {  	_ =	swait.ge [sflag:s4], $0x4000  }
0x585: {  	s24 =	sld [smem:$0x7F7]  }
0x586: {  	[sflag:s4] =	ssyncset.done $0x0  }
0x587: {  	[sflag:s4] =	ssyncadd.s32 $0xFFFFC000  }
0x588: {  	[hbm4b:s24+s5] =	stream.strided.scatter [tilespmem:s9], [sflag:$0x2], $0x4000, s6, s5, $0x38;
	[tilespmem:$0x1C840] =	vst v63  }
0x589: {  	_ =	swait.ge [sflag:s3], $0x4000  }
0x58a: {  	[sflag:s3] =	ssyncset.done $0x0  }
0x58b: {  	[sflag:s3] =	ssyncadd.s32 $0xFFFFC000  }
0x58c: {  	[tilespmem:s8], [sflag:$0x1] =	stream.indirect.gather [spmem:s1], $0x80, s17, s7, $0xb8;
	[tilespmem:$0x1C840] =	vst v63  }
0x58d: {  	_ =	swait.ge [sflag:s4], $0x4000  }
0x58e: {  	s25 =	sld [smem:$0x7F8]  }
0x58f: {  	[sflag:s4] =	ssyncset.done $0x0  }
0x590: {  	[sflag:s4] =	ssyncadd.s32 $0xFFFFC000  }
0x591: {  	[hbm4b:s25+s5] =	stream.strided.scatter [tilespmem:s10], [sflag:$0x2], $0x4000, s6, s5, $0x38;
	[tilespmem:$0x1C840] =	vst v63  }
0x592: {  	_ =	swait.ge [sflag:s3], $0x4000  }
0x593: {  	[sflag:s3] =	ssyncset.done $0x0  }
0x594: {  	[sflag:s3] =	ssyncadd.s32 $0xFFFFC000  }
0x595: {  	[tilespmem:s9], [sflag:$0x1] =	stream.indirect.gather [spmem:s1], $0x80, s16, s7, $0xb8;
	[tilespmem:$0x1C840] =	vst v63  }
0x596: {  	_ =	swait.ge [sflag:s4], $0x4000  }
0x597: {  	s26 =	sld [smem:$0x7F9]  }
0x598: {  	[sflag:s4] =	ssyncset.done $0x0  }
0x599: {  	[sflag:s4] =	ssyncadd.s32 $0xFFFFC000  }
0x59a: {  	[hbm4b:s26+s5] =	stream.strided.scatter [tilespmem:s8], [sflag:$0x2], $0x4000, s6, s5, $0x38;
	[tilespmem:$0x1C840] =	vst v63  }
0x59b: {  	_ =	swait.ge [sflag:s3], $0x4000  }
0x59c: {  	[sflag:s3] =	ssyncset.done $0x0  }
0x59d: {  	[sflag:s3] =	ssyncadd.s32 $0xFFFFC000  }
0x59e: {  	[tilespmem:s10], [sflag:$0x1] =	stream.indirect.gather [spmem:s1], $0x80, s15, s7, $0xb8;
	[tilespmem:$0x1C840] =	vst v63  }
0x59f: {  	_ =	swait.ge [sflag:s4], $0x4000  }
0x5a0: {  	s28 =	sld [smem:$0x7FA]  }
0x5a1: {  	[sflag:s4] =	ssyncset.done $0x0  }
0x5a2: {  	[sflag:s4] =	ssyncadd.s32 $0xFFFFC000  }
0x5a3: {  	[hbm4b:s28+s5] =	stream.strided.scatter [tilespmem:s9], [sflag:$0x2], $0x4000, s6, s5, $0x38;
	[tilespmem:$0x1C840] =	vst v63  }
0x5a4: {  	_ =	swait.ge [sflag:s3], $0x4000  }
0x5a5: {  	[sflag:s3] =	ssyncset.done $0x0  }
0x5a6: {  	[sflag:s3] =	ssyncadd.s32 $0xFFFFC000  }
0x5a7: {  	[tilespmem:s8], [sflag:$0x1] =	stream.indirect.gather [spmem:s1], $0x80, s14, s7, $0xb8;
	[tilespmem:$0x1C840] =	vst v63  }
0x5a8: {  	_ =	swait.ge [sflag:s4], $0x4000  }
0x5a9: {  	s29 =	sld [smem:$0x7FB]  }
0x5aa: {  	[sflag:s4] =	ssyncset.done $0x0  }
0x5ab: {  	[sflag:s4] =	ssyncadd.s32 $0xFFFFC000  }
0x5ac: {  	[hbm4b:s29+s5] =	stream.strided.scatter [tilespmem:s10], [sflag:$0x2], $0x4000, s6, s5, $0x38;
	[tilespmem:$0x1C840] =	vst v63  }
0x5ad: {  	_ =	swait.ge [sflag:s3], $0x4000  }
0x5ae: {  	[sflag:s3] =	ssyncset.done $0x0  }
0x5af: {  	[sflag:s3] =	ssyncadd.s32 $0xFFFFC000  }
0x5b0: {  	[tilespmem:s9], [sflag:$0x1] =	stream.indirect.gather [spmem:s1], $0x80, s13, s7, $0xb8;
	[tilespmem:$0x1C840] =	vst v63  }
0x5b1: {  	_ =	swait.ge [sflag:s4], $0x4000  }
0x5b2: {  	s30 =	sld [smem:$0x7FC]  }
0x5b3: {  	[sflag:s4] =	ssyncset.done $0x0  }
0x5b4: {  	[sflag:s4] =	ssyncadd.s32 $0xFFFFC000  }
0x5b5: {  	[hbm4b:s30+s5] =	stream.strided.scatter [tilespmem:s8], [sflag:$0x2], $0x4000, s6, s5, $0x38;
	[tilespmem:$0x1C840] =	vst v63  }
0x5b6: {  	_ =	swait.ge [sflag:s4], $0x4000  }
0x5b7: {  	s31 =	sld [smem:$0x7FD]  }
0x5b8: {  	[sflag:s4] =	ssyncset.done $0x0  }
0x5b9: {  	[sflag:s4] =	ssyncadd.s32 $0xFFFFC000  }
0x5ba: {  	[hbm4b:s31+s5] =	stream.strided.scatter [tilespmem:s9], [sflag:$0x2], $0x4000, s6, s5, $0x38;
	[tilespmem:$0x1C840] =	vst v63  }
0x5bb: {  	[bflag:$0x0] =	sbarrier.arrive $0xFFFF  }
0x5bc: {  	_ =	swait.ge [sflag:s3], $0x4000  }
0x5bd: {  	[sflag:s3] =	ssyncset.done $0x0  }
0x5be: {  	[sflag:s3] =	ssyncadd.s32 $0xFFFFC000  }
0x5bf: {  	_ =	swait.ge [sflag:s3], $0x4000  }
0x5c0: {  	[sflag:s3] =	ssyncset.done $0x0  }
0x5c1: {  	[sflag:s3] =	ssyncadd.s32 $0xFFFFC000  }
0x5c2: {  	_ =	swait.ge [sflag:s3], $0x4000  }
0x5c3: {  	[sflag:s3] =	ssyncset.done $0x0  }
0x5c4: {  	[sflag:s3] =	ssyncadd.s32 $0xFFFFC000  }
0x5c5: {  	_ =	sfence.sel $0x180000  }
0x5c6: {  	[bflag:$0x0] =	sbarrier.arrive $0xFFFF  }
0x5c7: {  	_ =	strace $0x90000047  }
0x5c8: {  	[bflag:$0x2] =	sbarrier.arrive $0xFFFF  }
0x5c9: {  	s0 =	rddreg [dreg:$0x4]  }
0x5ca: {  	s0 =	sadd.s32 @!p0 $0x100000, s0  }
0x5cb: {  	[sflag:s0] =	ssyncadd.tile.s32 @!p0 $0x1;
	_ =	shalt  }
.LBB2_6:
.Ltmp3:
0x5cc: {  	(pc) =	sbr.rel .LBB2_5-.Ltmp3, $2  }
0x5cd: {  	_ =	sdelay $0x2  }
0x5ce: {  	s28 =	simm.s32 $0x4  }
.Lfunc_end2:
_tile_overlayer_lowered:
.L_overlay_start_2:
0x5cf: {  	(tag) =	ssettag $0x2  }
0x5d0: {  	s0 =	rddreg [dreg:$0x0];
	s2 =	stileid.u32  }
0x5d1: {  	s1 =	rddreg [dreg:$0x1];
	p0 =	sne.s32 s2, $0x0  }
0x5d2: {  	s3 =	rddreg [dreg:$0x2];
	[bflag:$0x3] =	sbarrier.arrive $0xFFFF;
	s2 =	simm.s32 @!p0 $0x1C04  }
0x5d3: {  	[timem:s3], [sflag:s2] =	dma.local @!p0 [hbm:s0], s1  }
0x5d4: {  	s0 =	simm.s32 @!p0 $0x4  }
0x5d5: {  	_ =	swait.ge @!p0 [sflag:s0], s1  }
0x5d6: {  	s1 =	ssub.s32 @!p0 $0x0, s1;
	[sflag:s0] =	ssyncset.done @!p0 $0x0  }
0x5d7: {  	[sflag:s0] =	ssyncadd.s32 @!p0 s1  }
0x5d8: {  	[bflag:$0x3] =	sbarrier.arrive $0xFFFF  }
0x5d9: {  	_ =	shalt  }

</sc_bundles>
